<compile_context>
chip_gen: v7x
topology: tpu7x:2x2x1
jax: 0.10.2.dev20260603
libtpu: 0.0.44.dev20260713+nightly
codegen_flags: <defaults>
</compile_context>

<pallas_src>
import functools

import jax
import jax.numpy as jnp
from jax import lax
from jax.experimental import pallas as pl
from jax.experimental.pallas import tpu as pltpu
from jax.experimental.pallas import tpu_sc as plsc

NC, NS, L = 2, 16, 16
NW = NC * NS
CHUNK = 128


def _sc_spmv(xf, erow, ecol, evals, n_nodes, bt):
    e = erow.shape[0]
    grp = 4
    ncht = ((e + 2 * grp * CHUNK * NW - 1) // (2 * grp * CHUNK * NW)) * 2 * grp * NW
    nch = ncht // NW
    epad = ncht * CHUNK
    if epad != e:
        pad = epad - e
        erow = jnp.concatenate([erow, jnp.zeros((pad,), erow.dtype)])
        ecol = jnp.concatenate([ecol, jnp.zeros((pad,), ecol.dtype)])
        evals = jnp.concatenate([evals, jnp.zeros((pad,), evals.dtype)])
    erow2 = erow.reshape(ncht, CHUNK)
    ecol2 = ecol.reshape(ncht, CHUNK)
    eval2 = evals.reshape(ncht, CHUNK)

    npt = n_nodes // NS
    zr = npt // 5
    nidx = ((nch + L - 1) // L) * L

    mesh = plsc.VectorSubcoreMesh(core_axis_name="c", subcore_axis_name="s")

    @functools.partial(
        pl.kernel,
        out_type=(
            jax.ShapeDtypeStruct((NC, n_nodes, bt), jnp.float32),
            jax.ShapeDtypeStruct((NW, n_nodes), jnp.float32),
        ),
        mesh=mesh,
        compiler_params=pltpu.CompilerParams(use_tc_tiling_on_sc=False,
                                             needs_layout_passes=False),
        scratch_types=[
            pltpu.VMEM((nidx,), jnp.int32),
            pltpu.VMEM((nidx, CHUNK), jnp.int32),
            pltpu.VMEM((nidx, CHUNK), jnp.int32),
            pltpu.VMEM((nidx, CHUNK), jnp.float32),
            pltpu.VMEM((2, grp, CHUNK, bt), jnp.float32),
            pltpu.VMEM((n_nodes,), jnp.float32),
            pltpu.VMEM((zr, bt), jnp.float32),
            pltpu.VMEM_SHARED((n_nodes, bt), jnp.float32),
            pltpu.SemaphoreType.DMA,
            pltpu.SemaphoreType.DMA,
            pltpu.SemaphoreType.DMA,
            pltpu.SemaphoreType.DMA,
        ],
    )
    def spmv(xf_hbm, erow_hbm, ecol_hbm, eval_hbm, s_out, d_out,
             cidx_v, rowc_v, colc_v, valc_v, rows_v, dacc_v, zbuf_v, s_sh,
             gsem0, gsem1, ssem0, ssem1):
        cid = lax.axis_index("c")
        sid = lax.axis_index("s")
        wid = sid * NC + cid
        zero16 = jnp.zeros((L,), jnp.float32)

        for q in range(nidx // L):
            ji = lax.iota(jnp.int32, L) + q * L
            cidx_v[pl.ds(q * L, L)] = jnp.minimum(wid + NW * ji, ncht - 1)

        g1 = pltpu.async_copy(erow_hbm.at[cidx_v], rowc_v, gsem0)
        g2 = pltpu.async_copy(ecol_hbm.at[cidx_v], colc_v, gsem0)
        g3 = pltpu.async_copy(eval_hbm.at[cidx_v], valc_v, gsem0)

        def _z_d(i, c):
            dacc_v[pl.ds(i * L, L)] = zero16
            return c
        lax.fori_loop(0, n_nodes // L, _z_d, 0)

        def _z_z(i, c):
            for jj in range(bt // L):
                zbuf_v[i, pl.ds(jj * L, L)] = zero16
            return c
        lax.fori_loop(0, zr, _z_z, 0)

        for q in range(npt // zr):
            pltpu.sync_copy(zbuf_v, s_sh.at[pl.ds(sid * npt + q * zr, zr)])

        g1.wait()
        g2.wait()
        g3.wait()

        plsc.subcore_barrier()

        unroll = 4
        ng = nch // grp

        def _gather_group(g, p, gsem):
            for u in range(grp):
                pltpu.async_copy(xf_hbm.at[colc_v.at[g * grp + u]],
                                 rows_v.at[p, u], gsem)

        def _drain_gathers(g, p, gsem):
            for u in range(grp):
                pltpu.make_async_copy(xf_hbm.at[colc_v.at[g * grp + u]],
                                      rows_v.at[p, u], gsem).wait()

        def _drain_scatters(g, p, ssem):
            for u in range(grp):
                pltpu.make_async_copy(rows_v.at[p, u],
                                      s_sh.at[rowc_v.at[g * grp + u]],
                                      ssem).wait()

        def _phase(g, p, gsem, ssem):
            _drain_gathers(g, p, gsem)
            for u in range(grp):
                j = g * grp + u

                def mul_body(i, cc):
                    for v in range(unroll):
                        ei = i * unroll + v
                        vv = plsc.load_gather(
                            valc_v, [jnp.full((L,), j, jnp.int32),
                                     jnp.full((L,), ei, jnp.int32)])
                        for jj in range(bt // L):
                            sl = (p, u, ei, pl.ds(jj * L, L))
                            rows_v[sl] = rows_v[sl] * vv
                    return cc
                lax.fori_loop(0, CHUNK // unroll, mul_body, 0)

                for q in range(CHUNK // L):
                    idx16 = rowc_v[j, pl.ds(q * L, L)]
                    v16 = valc_v[j, pl.ds(q * L, L)]
                    plsc.addupdate_scatter(dacc_v, [idx16], v16)

                pltpu.async_copy(rows_v.at[p, u],
                                 s_sh.at[rowc_v.at[j]], ssem, add=True)

            @pl.when(g + 2 < ng)
            def _():
                _drain_scatters(g, p, ssem)
                _gather_group(g + 2, p, gsem)

        _gather_group(0, 0, gsem0)
        _gather_group(1, 1, gsem1)

        def pair_body(k, c):
            _phase(2 * k, 0, gsem0, ssem0)
            _phase(2 * k + 1, 1, gsem1, ssem1)
            return c
        lax.fori_loop(0, ng // 2, pair_body, 0)

        _drain_scatters(ng - 2, 0, ssem0)
        _drain_scatters(ng - 1, 1, ssem1)

        plsc.subcore_barrier()

        pltpu.sync_copy(s_sh.at[pl.ds(sid * npt, npt)],
                        s_out.at[cid, pl.ds(sid * npt, npt)])
        pltpu.sync_copy(dacc_v, d_out.at[wid])

    return spmv(xf, erow2, ecol2, eval2)


def _tc_dense(s4, d_parts, wg_c, bg_c, wi, bi, wh, bh, wo, bo_c,
              batch, tsteps, n_nodes, gru_h, hor):
    bn = batch * n_nodes

    def body(sp_ref, dp_ref, wg_ref, bg_ref,
             wih, bih, whh, bhh, wo_ref, bo_ref, out_ref):
        dn = jnp.sum(dp_ref[...], axis=0, keepdims=True)
        drow = jnp.concatenate([dn] * batch, axis=1)
        wgc = wg_ref[...]
        bgc = bg_ref[...]
        dot = functools.partial(jnp.dot, preferred_element_type=jnp.float32)

        def step(t, h):
            srow = sp_ref[0, pl.ds(t, 1), :] + sp_ref[1, pl.ds(t, 1), :]
            xt = jnp.maximum(wgc * srow + bgc * drow, 0.0)
            gi = dot(wih[...], xt) + bih[...]
            gh = dot(whh[...], h) + bhh[...]
            rz = jax.nn.sigmoid(gi[:2 * gru_h] + gh[:2 * gru_h])
            r = rz[:gru_h]
            z = rz[gru_h:]
            g = jnp.tanh(gi[2 * gru_h:] + r * gh[2 * gru_h:])
            return (1.0 - z) * g + z * h
        h = lax.fori_loop(0, tsteps, step,
                          jnp.zeros((gru_h, bn), jnp.float32))
        out_ref[...] = dot(wo_ref[...], h) + bo_ref[...]

    def full(a):
        return pl.BlockSpec(a.shape, lambda: (0,) * a.ndim)

    args = (s4, d_parts, wg_c, bg_c, wi, bi, wh, bh, wo, bo_c)
    return pl.pallas_call(
        body,
        in_specs=[full(a) for a in args],
        out_specs=pl.BlockSpec((hor, bn), lambda: (0, 0)),
        out_shape=jax.ShapeDtypeStruct((hor, bn), jnp.float32),
        compiler_params=pltpu.CompilerParams(
            vmem_limit_bytes=60 * 1024 * 1024),
    )(*args)


def kernel(x, edge_row, edge_col, edge_val, W_gcn, b_gcn, W_ih, W_hh,
           b_ih, b_hh, W_out, b_out):
    batch, tsteps, n_nodes, _fin = x.shape
    gcn_h = W_gcn.shape[0]
    gru_h = W_hh.shape[1]
    hor = W_out.shape[0]
    bt = batch * tsteps

    xf = x[..., 0].reshape(bt, n_nodes).T.astype(jnp.float32)
    s_parts, d_parts = _sc_spmv(
        xf, edge_row.astype(jnp.int32), edge_col.astype(jnp.int32),
        edge_val.astype(jnp.float32), n_nodes, bt)

    wg_c = W_gcn[:, 0][:, None]
    bg_c = b_gcn[:, None]
    bi = b_ih[:, None]
    bh = b_hh[:, None]
    bo_c = b_out[:, None]

    s4 = jnp.transpose(s_parts.reshape(NC, n_nodes, batch, tsteps),
                       (0, 3, 2, 1)).reshape(NC, tsteps, batch * n_nodes)
    y = _tc_dense(s4, d_parts, wg_c, bg_c, W_ih, bi, W_hh, bh,
                  W_out, bo_c, batch, tsteps, n_nodes, gru_h, hor)
    return jnp.transpose(y.reshape(hor, batch, n_nodes), (1, 0, 2))

# --- scband reference (transcript-rebuilt; emitter-appended) ---
"""Pipeline reference for scband-stgnnmodel-51711406244149 (READ-ONLY COPY).

The authoritative reference and input builder live on the scoring server;
editing this copy changes nothing except your own understanding.
"""

import jax, jax.numpy as jnp
import numpy as np

B, T, N, FIN = 4, 12, 10000, 1
E = 160000
GCN_H, GRU_H, HOR = 16, 32, 6


def setup_inputs(seed: int = 0) -> dict:
    key = jax.random.key(seed)
    ks = jax.random.split(key, 8)
    x = jax.random.normal(ks[0], (B, T, N, FIN), dtype=jnp.float32)
    edge_row = jax.random.randint(ks[1], (E,), 0, N)
    edge_col = jax.random.randint(ks[2], (E,), 0, N)
    edge_val = jax.random.uniform(ks[3], (E,), dtype=jnp.float32) / 16.0
    W_gcn = jax.random.normal(ks[4], (GCN_H, FIN), dtype=jnp.float32) * 0.1
    b_gcn = jnp.zeros((GCN_H,), dtype=jnp.float32)
    W_ih = jax.random.normal(ks[5], (3 * GRU_H, GCN_H), dtype=jnp.float32) * 0.1
    W_hh = jax.random.normal(ks[6], (3 * GRU_H, GRU_H), dtype=jnp.float32) * 0.1
    b_ih = jnp.zeros((3 * GRU_H,), dtype=jnp.float32)
    b_hh = jnp.zeros((3 * GRU_H,), dtype=jnp.float32)
    W_out = jax.random.normal(ks[7], (HOR, GRU_H), dtype=jnp.float32) * 0.1
    b_out = jnp.zeros((HOR,), dtype=jnp.float32)
    return {"x": x, "edge_row": edge_row, "edge_col": edge_col, "edge_val": edge_val,
            "W_gcn": W_gcn, "b_gcn": b_gcn, "W_ih": W_ih, "W_hh": W_hh,
            "b_ih": b_ih, "b_hh": b_hh, "W_out": W_out, "b_out": b_out}


def reference(x, edge_row, edge_col, edge_val, W_gcn, b_gcn, W_ih, W_hh, b_ih, b_hh, W_out, b_out):
    # SpatialGCNLayer: linear -> sparse A @ h -> relu (dropout is identity in eval)
    h = x @ W_gcn.T + b_gcn                      # [B, T, N, GCN_H]
    h_perm = jnp.transpose(h, (2, 0, 1, 3)).reshape(N, -1)   # [N, B*T*GCN_H]
    gathered = jnp.take(h_perm, edge_col, axis=0) * edge_val[:, None]
    Ah = jnp.zeros_like(h_perm).at[edge_row].add(gathered)   # sparse.mm(adj, h_flat)
    out = jax.nn.relu(jnp.transpose(Ah.reshape(N, B, T, GCN_H), (1, 2, 0, 3)))  # [B,T,N,GCN_H]
    # GRU over time per node
    h_seq = jnp.transpose(out, (0, 2, 1, 3)).reshape(B * N, T, GCN_H)
    xs = jnp.transpose(h_seq, (1, 0, 2))          # [T, B*N, GCN_H]
    h0 = jnp.zeros((B * N, GRU_H), dtype=x.dtype)

    def step(hprev, x_t):
        gi = x_t @ W_ih.T + b_ih
        gh = hprev @ W_hh.T + b_hh
        i_r, i_z, i_n = jnp.split(gi, 3, axis=-1)
        h_r, h_z, h_n = jnp.split(gh, 3, axis=-1)
        r = jax.nn.sigmoid(i_r + h_r)
        z = jax.nn.sigmoid(i_z + h_z)
        n = jnp.tanh(i_n + r * h_n)
        hnew = (1.0 - z) * n + z * hprev
        return hnew, None

    h_final, _ = jax.lax.scan(step, h0, xs)       # [B*N, GRU_H]
    y = h_final @ W_out.T + b_out                 # [B*N, HOR]
    y = jnp.transpose(y.reshape(B, N, HOR), (0, 2, 1))  # [B, HOR, N]
    return y

if __name__ == "__main__":
    import jax
    _d = setup_inputs()
    print(jax.jit(kernel)(*tuple(_d.values())))

</pallas_src>

<mosaic_0001>
#map = affine_map<(d0, d1) -> (0, 0)>
#map1 = affine_map<(d0, d1) -> (0, 0, 0)>
module attributes {stable_mosaic.version = 14 : i64} {
  func.func @spmv(%arg0: i32, %arg1: i32, %arg2: memref<10000x48xf32, #tpu.memory_space<hbm>>, %arg3: memref<1280x128xi32, #tpu.memory_space<hbm>>, %arg4: memref<1280x128xi32, #tpu.memory_space<hbm>>, %arg5: memref<1280x128xf32, #tpu.memory_space<hbm>>, %arg6: memref<2x10000x48xf32, #tpu.memory_space<hbm>>, %arg7: memref<32x10000xf32, #tpu.memory_space<hbm>>, %arg8: memref<48xi32, #tpu.memory_space<vmem>>, %arg9: memref<48x128xi32, #tpu.memory_space<vmem>>, %arg10: memref<48x128xi32, #tpu.memory_space<vmem>>, %arg11: memref<48x128xf32, #tpu.memory_space<vmem>>, %arg12: memref<2x4x128x48xf32, #tpu.memory_space<vmem>>, %arg13: memref<10000xf32, #tpu.memory_space<vmem>>, %arg14: memref<125x48xf32, #tpu.memory_space<vmem>>, %arg15: memref<10000x48xf32, #tpu.memory_space<vmem_shared>>, %arg16: memref<!tpu.dma_semaphore, #tpu.memory_space<semaphore_mem>>, %arg17: memref<!tpu.dma_semaphore, #tpu.memory_space<semaphore_mem>>, %arg18: memref<!tpu.dma_semaphore, #tpu.memory_space<semaphore_mem>>, %arg19: memref<!tpu.dma_semaphore, #tpu.memory_space<semaphore_mem>>) attributes {dimension_semantics = [#tpu.dimension_semantics<core_parallel>, #tpu.dimension_semantics<subcore_parallel>], iteration_bounds = array<i64: 2, 16>, scalar_prefetch = 0 : i64, scratch_operands = 12 : i64, tpu.core_type = #tpu.core_type<sc_vector_subcore>, window_params = [{transform_indices = #map}, {transform_indices = #map}, {transform_indices = #map}, {transform_indices = #map}, {transform_indices = #map1}, {transform_indices = #map}]} {
    %mul3A = arith.constant 2 : i32
    %mul3A_0 = arith.muli %arg1, %mul3A : i32
    %add3A = arith.addi %mul3A_0, %arg0 : i32
    %broadcast_in_dim3A = arith.constant 0.000000e+00 : f32
    %broadcast_in_dim3A_1 = vector.broadcast %broadcast_in_dim3A : f32 to vector<16xf32>
    %iota3A = tpu.iota {dimensions = array<i32: 0>} : vector<16xi32>
    %add3A_2 = arith.constant 0 : i32
    %add3A_3 = vector.broadcast %add3A_2 : i32 to vector<16xi32>
    %add3A_4 = arith.addi %iota3A, %add3A_3 : vector<16xi32>
    %mul3A_5 = arith.constant 32 : i32
    %mul3A_6 = vector.broadcast %mul3A_5 : i32 to vector<16xi32>
    %mul3A_7 = arith.muli %mul3A_6, %add3A_4 : vector<16xi32>
    %add3A_8 = vector.broadcast %add3A : i32 to vector<16xi32>
    %add3A_9 = arith.addi %add3A_8, %mul3A_7 : vector<16xi32>
    %min3A = arith.constant 1279 : i32
    %min3A_10 = vector.broadcast %min3A : i32 to vector<16xi32>
    %min3A_11 = arith.minsi %add3A_9, %min3A_10 : vector<16xi32>
    %swap3A = arith.constant 0 : index
    %swap3A_12 = tpu.vector_load %arg8[%swap3A] {strides = array<i32>} : memref<48xi32, #tpu.memory_space<vmem>>, vector<16xi32>,
    tpu.vector_store %arg8[%swap3A], %min3A_11 {strides = array<i32>} : memref<48xi32, #tpu.memory_space<vmem>>, vector<16xi32>,
    %iota3A_13 = tpu.iota {dimensions = array<i32: 0>} : vector<16xi32>
    %add3A_14 = arith.constant 16 : i32
    %add3A_15 = vector.broadcast %add3A_14 : i32 to vector<16xi32>
    %add3A_16 = arith.addi %iota3A_13, %add3A_15 : vector<16xi32>
    %mul3A_17 = arith.constant 32 : i32
    %mul3A_18 = vector.broadcast %mul3A_17 : i32 to vector<16xi32>
    %mul3A_19 = arith.muli %mul3A_18, %add3A_16 : vector<16xi32>
    %add3A_20 = vector.broadcast %add3A : i32 to vector<16xi32>
    %add3A_21 = arith.addi %add3A_20, %mul3A_19 : vector<16xi32>
    %min3A_22 = arith.constant 1279 : i32
    %min3A_23 = vector.broadcast %min3A_22 : i32 to vector<16xi32>
    %min3A_24 = arith.minsi %add3A_21, %min3A_23 : vector<16xi32>
    %swap3A_25 = arith.constant 16 : index
    %swap3A_26 = tpu.vector_load %arg8[%swap3A_25] {strides = array<i32>} : memref<48xi32, #tpu.memory_space<vmem>>, vector<16xi32>,
    tpu.vector_store %arg8[%swap3A_25], %min3A_24 {strides = array<i32>} : memref<48xi32, #tpu.memory_space<vmem>>, vector<16xi32>,
    %iota3A_27 = tpu.iota {dimensions = array<i32: 0>} : vector<16xi32>
    %add3A_28 = arith.constant 32 : i32
    %add3A_29 = vector.broadcast %add3A_28 : i32 to vector<16xi32>
    %add3A_30 = arith.addi %iota3A_27, %add3A_29 : vector<16xi32>
    %mul3A_31 = arith.constant 32 : i32
    %mul3A_32 = vector.broadcast %mul3A_31 : i32 to vector<16xi32>
    %mul3A_33 = arith.muli %mul3A_32, %add3A_30 : vector<16xi32>
    %add3A_34 = vector.broadcast %add3A : i32 to vector<16xi32>
    %add3A_35 = arith.addi %add3A_34, %mul3A_33 : vector<16xi32>
    %min3A_36 = arith.constant 1279 : i32
    %min3A_37 = vector.broadcast %min3A_36 : i32 to vector<16xi32>
    %min3A_38 = arith.minsi %add3A_35, %min3A_37 : vector<16xi32>
    %swap3A_39 = arith.constant 32 : index
    %swap3A_40 = tpu.vector_load %arg8[%swap3A_39] {strides = array<i32>} : memref<48xi32, #tpu.memory_space<vmem>>, vector<16xi32>,
    tpu.vector_store %arg8[%swap3A_39], %min3A_38 {strides = array<i32>} : memref<48xi32, #tpu.memory_space<vmem>>, vector<16xi32>,
    %dma_start3A = arith.constant 0 : i32
    %dma_start3A_41 = arith.constant 0 : i32
    %dma_start3A_42 = tpu.memref_slice %arg3[%dma_start3A, %dma_start3A_41] : memref<1280x128xi32, #tpu.memory_space<hbm>> -> memref<1280x128xi32, #tpu.memory_space<hbm>>
    tpu.enqueue_indirect_dma source(%dma_start3A_42 : memref<1280x128xi32, #tpu.memory_space<hbm>>) target(%arg9 : memref<48x128xi32, #tpu.memory_space<vmem>>) offsets(%arg8 : memref<48xi32, #tpu.memory_space<vmem>>) semaphore(%arg16 : memref<!tpu.dma_semaphore, #tpu.memory_space<semaphore_mem>>)
    %dma_start3A_43 = arith.constant 0 : i32
    %dma_start3A_44 = arith.constant 0 : i32
    %dma_start3A_45 = tpu.memref_slice %arg4[%dma_start3A_43, %dma_start3A_44] : memref<1280x128xi32, #tpu.memory_space<hbm>> -> memref<1280x128xi32, #tpu.memory_space<hbm>>
    tpu.enqueue_indirect_dma source(%dma_start3A_45 : memref<1280x128xi32, #tpu.memory_space<hbm>>) target(%arg10 : memref<48x128xi32, #tpu.memory_space<vmem>>) offsets(%arg8 : memref<48xi32, #tpu.memory_space<vmem>>) semaphore(%arg16 : memref<!tpu.dma_semaphore, #tpu.memory_space<semaphore_mem>>)
    %dma_start3A_46 = arith.constant 0 : i32
    %dma_start3A_47 = arith.constant 0 : i32
    %dma_start3A_48 = tpu.memref_slice %arg5[%dma_start3A_46, %dma_start3A_47] : memref<1280x128xf32, #tpu.memory_space<hbm>> -> memref<1280x128xf32, #tpu.memory_space<hbm>>
    tpu.enqueue_indirect_dma source(%dma_start3A_48 : memref<1280x128xf32, #tpu.memory_space<hbm>>) target(%arg11 : memref<48x128xf32, #tpu.memory_space<vmem>>) offsets(%arg8 : memref<48xi32, #tpu.memory_space<vmem>>) semaphore(%arg16 : memref<!tpu.dma_semaphore, #tpu.memory_space<semaphore_mem>>)
    %scan3A = arith.constant 0 : i32
    %scan3A_49 = arith.constant 0 : i32
    %scan3A_50 = arith.constant 625 : i32
    %scan3A_51 = arith.addi %scan3A_49, %scan3A_50 : i32
    %scan3A_52 = arith.constant 1 : i32
    scf.for %scan3A_307 = %scan3A_49 to %scan3A_51 step %scan3A_52  : i32 {
      %mul3A_308 = arith.constant 16 : i32
      %mul3A_309 = arith.muli %scan3A_307, %mul3A_308 : i32
      %swap3A_310 = arith.index_cast %mul3A_309 : i32 to index
      %swap3A_311 = tpu.vector_load %arg13[%swap3A_310] {strides = array<i32>} : memref<10000xf32, #tpu.memory_space<vmem>>, vector<16xf32>,
      tpu.vector_store %arg13[%swap3A_310], %broadcast_in_dim3A_1 {strides = array<i32>} : memref<10000xf32, #tpu.memory_space<vmem>>, vector<16xf32>,
    }
    %scan3A_53 = arith.constant 625 : i32
    %scan3A_54 = arith.constant 0 : i32
    %scan3A_55 = arith.constant 0 : i32
    %scan3A_56 = arith.constant 125 : i32
    %scan3A_57 = arith.addi %scan3A_55, %scan3A_56 : i32
    %scan3A_58 = arith.constant 1 : i32
    scf.for %scan3A_307 = %scan3A_55 to %scan3A_57 step %scan3A_58  : i32 {
      %swap3A_308 = arith.index_cast %scan3A_307 : i32 to index
      %swap3A_309 = arith.constant 0 : index
      %swap3A_310 = tpu.vector_load %arg14[%swap3A_308, %swap3A_309] {strides = array<i32>} : memref<125x48xf32, #tpu.memory_space<vmem>>, vector<16xf32>,
      tpu.vector_store %arg14[%swap3A_308, %swap3A_309], %broadcast_in_dim3A_1 {strides = array<i32>} : memref<125x48xf32, #tpu.memory_space<vmem>>, vector<16xf32>,
      %swap3A_311 = arith.index_cast %scan3A_307 : i32 to index
      %swap3A_312 = arith.constant 16 : index
      %swap3A_313 = tpu.vector_load %arg14[%swap3A_311, %swap3A_312] {strides = array<i32>} : memref<125x48xf32, #tpu.memory_space<vmem>>, vector<16xf32>,
      tpu.vector_store %arg14[%swap3A_311, %swap3A_312], %broadcast_in_dim3A_1 {strides = array<i32>} : memref<125x48xf32, #tpu.memory_space<vmem>>, vector<16xf32>,
      %swap3A_314 = arith.index_cast %scan3A_307 : i32 to index
      %swap3A_315 = arith.constant 32 : index
      %swap3A_316 = tpu.vector_load %arg14[%swap3A_314, %swap3A_315] {strides = array<i32>} : memref<125x48xf32, #tpu.memory_space<vmem>>, vector<16xf32>,
      tpu.vector_store %arg14[%swap3A_314, %swap3A_315], %broadcast_in_dim3A_1 {strides = array<i32>} : memref<125x48xf32, #tpu.memory_space<vmem>>, vector<16xf32>,
    }
    %scan3A_59 = arith.constant 125 : i32
    %mul3A_60 = arith.constant 625 : i32
    %mul3A_61 = arith.muli %arg1, %mul3A_60 : i32
    %add3A_62 = arith.constant 0 : i32
    %add3A_63 = arith.addi %mul3A_61, %add3A_62 : i32
    "tpu.region"() ({
      %run_scoped3A = tpu.sem_alloc : memref<!tpu.dma_semaphore, #tpu.memory_space<semaphore_mem>>
      %dma_start3A_307 = arith.constant 0 : i32
      %dma_start3A_308 = tpu.memref_slice %arg15[%add3A_63, %dma_start3A_307] : memref<10000x48xf32, #tpu.memory_space<vmem_shared>> -> memref<125x48xf32, #tpu.memory_space<vmem_shared>>
      %dma_start3A_309 = arith.constant 0 : i32
      %dma_start3A_310 = tpu.memref_slice %arg15[%add3A_63, %dma_start3A_309] : memref<10000x48xf32, #tpu.memory_space<vmem_shared>> -> memref<125x48xf32, #tpu.memory_space<vmem_shared>>
      tpu.enqueue_dma source(%arg14 : memref<125x48xf32, #tpu.memory_space<vmem>>) target(%dma_start3A_310 : memref<125x48xf32, #tpu.memory_space<vmem_shared>>) target_semaphore(%run_scoped3A : memref<!tpu.dma_semaphore, #tpu.memory_space<semaphore_mem>>)
      %dma_wait3A_311 = arith.constant 0 : i32
      %dma_wait3A_312 = tpu.memref_slice %arg15[%add3A_63, %dma_wait3A_311] : memref<10000x48xf32, #tpu.memory_space<vmem_shared>> -> memref<125x48xf32, #tpu.memory_space<vmem_shared>>
      %dma_wait3A_313 = arith.constant 0 : i32
      %dma_wait3A_314 = tpu.memref_slice %arg15[%add3A_63, %dma_wait3A_313] : memref<10000x48xf32, #tpu.memory_space<vmem_shared>> -> memref<125x48xf32, #tpu.memory_space<vmem_shared>>
      tpu.wait_dma2 semaphore(%run_scoped3A : memref<!tpu.dma_semaphore, #tpu.memory_space<semaphore_mem>>) src(%arg14 : memref<125x48xf32, #tpu.memory_space<vmem>>) dst(%dma_wait3A_314 : memref<125x48xf32, #tpu.memory_space<vmem_shared>>)
      tpu.yield
    }) : () -> ()
    %mul3A_64 = arith.constant 625 : i32
    %mul3A_65 = arith.muli %arg1, %mul3A_64 : i32
    %add3A_66 = arith.constant 125 : i32
    %add3A_67 = arith.addi %mul3A_65, %add3A_66 : i32
    "tpu.region"() ({
      %run_scoped3A = tpu.sem_alloc : memref<!tpu.dma_semaphore, #tpu.memory_space<semaphore_mem>>
      %dma_start3A_307 = arith.constant 0 : i32
      %dma_start3A_308 = tpu.memref_slice %arg15[%add3A_67, %dma_start3A_307] : memref<10000x48xf32, #tpu.memory_space<vmem_shared>> -> memref<125x48xf32, #tpu.memory_space<vmem_shared>>
      %dma_start3A_309 = arith.constant 0 : i32
      %dma_start3A_310 = tpu.memref_slice %arg15[%add3A_67, %dma_start3A_309] : memref<10000x48xf32, #tpu.memory_space<vmem_shared>> -> memref<125x48xf32, #tpu.memory_space<vmem_shared>>
      tpu.enqueue_dma source(%arg14 : memref<125x48xf32, #tpu.memory_space<vmem>>) target(%dma_start3A_310 : memref<125x48xf32, #tpu.memory_space<vmem_shared>>) target_semaphore(%run_scoped3A : memref<!tpu.dma_semaphore, #tpu.memory_space<semaphore_mem>>)
      %dma_wait3A_311 = arith.constant 0 : i32
      %dma_wait3A_312 = tpu.memref_slice %arg15[%add3A_67, %dma_wait3A_311] : memref<10000x48xf32, #tpu.memory_space<vmem_shared>> -> memref<125x48xf32, #tpu.memory_space<vmem_shared>>
      %dma_wait3A_313 = arith.constant 0 : i32
      %dma_wait3A_314 = tpu.memref_slice %arg15[%add3A_67, %dma_wait3A_313] : memref<10000x48xf32, #tpu.memory_space<vmem_shared>> -> memref<125x48xf32, #tpu.memory_space<vmem_shared>>
      tpu.wait_dma2 semaphore(%run_scoped3A : memref<!tpu.dma_semaphore, #tpu.memory_space<semaphore_mem>>) src(%arg14 : memref<125x48xf32, #tpu.memory_space<vmem>>) dst(%dma_wait3A_314 : memref<125x48xf32, #tpu.memory_space<vmem_shared>>)
      tpu.yield
    }) : () -> ()
    %mul3A_68 = arith.constant 625 : i32
    %mul3A_69 = arith.muli %arg1, %mul3A_68 : i32
    %add3A_70 = arith.constant 250 : i32
    %add3A_71 = arith.addi %mul3A_69, %add3A_70 : i32
    "tpu.region"() ({
      %run_scoped3A = tpu.sem_alloc : memref<!tpu.dma_semaphore, #tpu.memory_space<semaphore_mem>>
      %dma_start3A_307 = arith.constant 0 : i32
      %dma_start3A_308 = tpu.memref_slice %arg15[%add3A_71, %dma_start3A_307] : memref<10000x48xf32, #tpu.memory_space<vmem_shared>> -> memref<125x48xf32, #tpu.memory_space<vmem_shared>>
      %dma_start3A_309 = arith.constant 0 : i32
      %dma_start3A_310 = tpu.memref_slice %arg15[%add3A_71, %dma_start3A_309] : memref<10000x48xf32, #tpu.memory_space<vmem_shared>> -> memref<125x48xf32, #tpu.memory_space<vmem_shared>>
      tpu.enqueue_dma source(%arg14 : memref<125x48xf32, #tpu.memory_space<vmem>>) target(%dma_start3A_310 : memref<125x48xf32, #tpu.memory_space<vmem_shared>>) target_semaphore(%run_scoped3A : memref<!tpu.dma_semaphore, #tpu.memory_space<semaphore_mem>>)
      %dma_wait3A_311 = arith.constant 0 : i32
      %dma_wait3A_312 = tpu.memref_slice %arg15[%add3A_71, %dma_wait3A_311] : memref<10000x48xf32, #tpu.memory_space<vmem_shared>> -> memref<125x48xf32, #tpu.memory_space<vmem_shared>>
      %dma_wait3A_313 = arith.constant 0 : i32
      %dma_wait3A_314 = tpu.memref_slice %arg15[%add3A_71, %dma_wait3A_313] : memref<10000x48xf32, #tpu.memory_space<vmem_shared>> -> memref<125x48xf32, #tpu.memory_space<vmem_shared>>
      tpu.wait_dma2 semaphore(%run_scoped3A : memref<!tpu.dma_semaphore, #tpu.memory_space<semaphore_mem>>) src(%arg14 : memref<125x48xf32, #tpu.memory_space<vmem>>) dst(%dma_wait3A_314 : memref<125x48xf32, #tpu.memory_space<vmem_shared>>)
      tpu.yield
    }) : () -> ()
    %mul3A_72 = arith.constant 625 : i32
    %mul3A_73 = arith.muli %arg1, %mul3A_72 : i32
    %add3A_74 = arith.constant 375 : i32
    %add3A_75 = arith.addi %mul3A_73, %add3A_74 : i32
    "tpu.region"() ({
      %run_scoped3A = tpu.sem_alloc : memref<!tpu.dma_semaphore, #tpu.memory_space<semaphore_mem>>
      %dma_start3A_307 = arith.constant 0 : i32
      %dma_start3A_308 = tpu.memref_slice %arg15[%add3A_75, %dma_start3A_307] : memref<10000x48xf32, #tpu.memory_space<vmem_shared>> -> memref<125x48xf32, #tpu.memory_space<vmem_shared>>
      %dma_start3A_309 = arith.constant 0 : i32
      %dma_start3A_310 = tpu.memref_slice %arg15[%add3A_75, %dma_start3A_309] : memref<10000x48xf32, #tpu.memory_space<vmem_shared>> -> memref<125x48xf32, #tpu.memory_space<vmem_shared>>
      tpu.enqueue_dma source(%arg14 : memref<125x48xf32, #tpu.memory_space<vmem>>) target(%dma_start3A_310 : memref<125x48xf32, #tpu.memory_space<vmem_shared>>) target_semaphore(%run_scoped3A : memref<!tpu.dma_semaphore, #tpu.memory_space<semaphore_mem>>)
      %dma_wait3A_311 = arith.constant 0 : i32
      %dma_wait3A_312 = tpu.memref_slice %arg15[%add3A_75, %dma_wait3A_311] : memref<10000x48xf32, #tpu.memory_space<vmem_shared>> -> memref<125x48xf32, #tpu.memory_space<vmem_shared>>
      %dma_wait3A_313 = arith.constant 0 : i32
      %dma_wait3A_314 = tpu.memref_slice %arg15[%add3A_75, %dma_wait3A_313] : memref<10000x48xf32, #tpu.memory_space<vmem_shared>> -> memref<125x48xf32, #tpu.memory_space<vmem_shared>>
      tpu.wait_dma2 semaphore(%run_scoped3A : memref<!tpu.dma_semaphore, #tpu.memory_space<semaphore_mem>>) src(%arg14 : memref<125x48xf32, #tpu.memory_space<vmem>>) dst(%dma_wait3A_314 : memref<125x48xf32, #tpu.memory_space<vmem_shared>>)
      tpu.yield
    }) : () -> ()
    %mul3A_76 = arith.constant 625 : i32
    %mul3A_77 = arith.muli %arg1, %mul3A_76 : i32
    %add3A_78 = arith.constant 500 : i32
    %add3A_79 = arith.addi %mul3A_77, %add3A_78 : i32
    "tpu.region"() ({
      %run_scoped3A = tpu.sem_alloc : memref<!tpu.dma_semaphore, #tpu.memory_space<semaphore_mem>>
      %dma_start3A_307 = arith.constant 0 : i32
      %dma_start3A_308 = tpu.memref_slice %arg15[%add3A_79, %dma_start3A_307] : memref<10000x48xf32, #tpu.memory_space<vmem_shared>> -> memref<125x48xf32, #tpu.memory_space<vmem_shared>>
      %dma_start3A_309 = arith.constant 0 : i32
      %dma_start3A_310 = tpu.memref_slice %arg15[%add3A_79, %dma_start3A_309] : memref<10000x48xf32, #tpu.memory_space<vmem_shared>> -> memref<125x48xf32, #tpu.memory_space<vmem_shared>>
      tpu.enqueue_dma source(%arg14 : memref<125x48xf32, #tpu.memory_space<vmem>>) target(%dma_start3A_310 : memref<125x48xf32, #tpu.memory_space<vmem_shared>>) target_semaphore(%run_scoped3A : memref<!tpu.dma_semaphore, #tpu.memory_space<semaphore_mem>>)
      %dma_wait3A_311 = arith.constant 0 : i32
      %dma_wait3A_312 = tpu.memref_slice %arg15[%add3A_79, %dma_wait3A_311] : memref<10000x48xf32, #tpu.memory_space<vmem_shared>> -> memref<125x48xf32, #tpu.memory_space<vmem_shared>>
      %dma_wait3A_313 = arith.constant 0 : i32
      %dma_wait3A_314 = tpu.memref_slice %arg15[%add3A_79, %dma_wait3A_313] : memref<10000x48xf32, #tpu.memory_space<vmem_shared>> -> memref<125x48xf32, #tpu.memory_space<vmem_shared>>
      tpu.wait_dma2 semaphore(%run_scoped3A : memref<!tpu.dma_semaphore, #tpu.memory_space<semaphore_mem>>) src(%arg14 : memref<125x48xf32, #tpu.memory_space<vmem>>) dst(%dma_wait3A_314 : memref<125x48xf32, #tpu.memory_space<vmem_shared>>)
      tpu.yield
    }) : () -> ()
    %dma_wait3A = arith.constant 0 : i32
    %dma_wait3A_80 = arith.constant 0 : i32
    %dma_wait3A_81 = tpu.memref_slice %arg3[%dma_wait3A, %dma_wait3A_80] : memref<1280x128xi32, #tpu.memory_space<hbm>> -> memref<1280x128xi32, #tpu.memory_space<hbm>>
    tpu.wait_indirect_dma semaphore(%arg16 : memref<!tpu.dma_semaphore, #tpu.memory_space<semaphore_mem>>) src(%dma_wait3A_81 : memref<1280x128xi32, #tpu.memory_space<hbm>>) dst(%arg9 : memref<48x128xi32, #tpu.memory_space<vmem>>)
    %dma_wait3A_82 = arith.constant 0 : i32
    %dma_wait3A_83 = arith.constant 0 : i32
    %dma_wait3A_84 = tpu.memref_slice %arg4[%dma_wait3A_82, %dma_wait3A_83] : memref<1280x128xi32, #tpu.memory_space<hbm>> -> memref<1280x128xi32, #tpu.memory_space<hbm>>
    tpu.wait_indirect_dma semaphore(%arg16 : memref<!tpu.dma_semaphore, #tpu.memory_space<semaphore_mem>>) src(%dma_wait3A_84 : memref<1280x128xi32, #tpu.memory_space<hbm>>) dst(%arg10 : memref<48x128xi32, #tpu.memory_space<vmem>>)
    %dma_wait3A_85 = arith.constant 0 : i32
    %dma_wait3A_86 = arith.constant 0 : i32
    %dma_wait3A_87 = tpu.memref_slice %arg5[%dma_wait3A_85, %dma_wait3A_86] : memref<1280x128xf32, #tpu.memory_space<hbm>> -> memref<1280x128xf32, #tpu.memory_space<hbm>>
    tpu.wait_indirect_dma semaphore(%arg16 : memref<!tpu.dma_semaphore, #tpu.memory_space<semaphore_mem>>) src(%dma_wait3A_87 : memref<1280x128xf32, #tpu.memory_space<hbm>>) dst(%arg11 : memref<48x128xf32, #tpu.memory_space<vmem>>)
    %barrier3A = arith.constant 0 : index
    tpu.barrier barrier_id(%barrier3A)
    %dma_start3A_88 = arith.constant 0 : i32
    %dma_start3A_89 = arith.constant 0 : i32
    %dma_start3A_90 = arith.constant 0 : i32
    %dma_start3A_91 = arith.constant 0 : i32
    %dma_start3A_92 = arith.constant 0 : i32
    %dma_start3A_93 = tpu.memref_slice %arg12[%dma_start3A_89, %dma_start3A_90, %dma_start3A_91, %dma_start3A_92] : memref<2x4x128x48xf32, #tpu.memory_space<vmem>> -> memref<1x1x128x48xf32, #tpu.memory_space<vmem>>
    %dma_start3A_94 = tpu.memref_squeeze %dma_start3A_93 : memref<1x1x128x48xf32, #tpu.memory_space<vmem>> -> memref<128x48xf32, #tpu.memory_space<vmem>>
    %dma_start3A_95 = arith.constant 0 : i32
    %dma_start3A_96 = tpu.memref_slice %arg10[%dma_start3A_88, %dma_start3A_95] : memref<48x128xi32, #tpu.memory_space<vmem>> -> memref<1x128xi32, #tpu.memory_space<vmem>>
    %dma_start3A_97 = tpu.memref_squeeze %dma_start3A_96 : memref<1x128xi32, #tpu.memory_space<vmem>> -> memref<128xi32, #tpu.memory_space<vmem>>
    %dma_start3A_98 = arith.constant 0 : i32
    %dma_start3A_99 = arith.constant 0 : i32
    %dma_start3A_100 = tpu.memref_slice %arg2[%dma_start3A_98, %dma_start3A_99] : memref<10000x48xf32, #tpu.memory_space<hbm>> -> memref<10000x48xf32, #tpu.memory_space<hbm>>
    tpu.enqueue_indirect_dma source(%dma_start3A_100 : memref<10000x48xf32, #tpu.memory_space<hbm>>) target(%dma_start3A_94 : memref<128x48xf32, #tpu.memory_space<vmem>>) offsets(%dma_start3A_97 : memref<128xi32, #tpu.memory_space<vmem>>) semaphore(%arg16 : memref<!tpu.dma_semaphore, #tpu.memory_space<semaphore_mem>>)
    %dma_start3A_101 = arith.constant 1 : i32
    %dma_start3A_102 = arith.constant 0 : i32
    %dma_start3A_103 = arith.constant 1 : i32
    %dma_start3A_104 = arith.constant 0 : i32
    %dma_start3A_105 = arith.constant 0 : i32
    %dma_start3A_106 = tpu.memref_slice %arg12[%dma_start3A_102, %dma_start3A_103, %dma_start3A_104, %dma_start3A_105] : memref<2x4x128x48xf32, #tpu.memory_space<vmem>> -> memref<1x1x128x48xf32, #tpu.memory_space<vmem>>
    %dma_start3A_107 = tpu.memref_squeeze %dma_start3A_106 : memref<1x1x128x48xf32, #tpu.memory_space<vmem>> -> memref<128x48xf32, #tpu.memory_space<vmem>>
    %dma_start3A_108 = arith.constant 0 : i32
    %dma_start3A_109 = tpu.memref_slice %arg10[%dma_start3A_101, %dma_start3A_108] : memref<48x128xi32, #tpu.memory_space<vmem>> -> memref<1x128xi32, #tpu.memory_space<vmem>>
    %dma_start3A_110 = tpu.memref_squeeze %dma_start3A_109 : memref<1x128xi32, #tpu.memory_space<vmem>> -> memref<128xi32, #tpu.memory_space<vmem>>
    %dma_start3A_111 = arith.constant 0 : i32
    %dma_start3A_112 = arith.constant 0 : i32
    %dma_start3A_113 = tpu.memref_slice %arg2[%dma_start3A_111, %dma_start3A_112] : memref<10000x48xf32, #tpu.memory_space<hbm>> -> memref<10000x48xf32, #tpu.memory_space<hbm>>
    tpu.enqueue_indirect_dma source(%dma_start3A_113 : memref<10000x48xf32, #tpu.memory_space<hbm>>) target(%dma_start3A_107 : memref<128x48xf32, #tpu.memory_space<vmem>>) offsets(%dma_start3A_110 : memref<128xi32, #tpu.memory_space<vmem>>) semaphore(%arg16 : memref<!tpu.dma_semaphore, #tpu.memory_space<semaphore_mem>>)
    %dma_start3A_114 = arith.constant 2 : i32
    %dma_start3A_115 = arith.constant 0 : i32
    %dma_start3A_116 = arith.constant 2 : i32
    %dma_start3A_117 = arith.constant 0 : i32
    %dma_start3A_118 = arith.constant 0 : i32
    %dma_start3A_119 = tpu.memref_slice %arg12[%dma_start3A_115, %dma_start3A_116, %dma_start3A_117, %dma_start3A_118] : memref<2x4x128x48xf32, #tpu.memory_space<vmem>> -> memref<1x1x128x48xf32, #tpu.memory_space<vmem>>
    %dma_start3A_120 = tpu.memref_squeeze %dma_start3A_119 : memref<1x1x128x48xf32, #tpu.memory_space<vmem>> -> memref<128x48xf32, #tpu.memory_space<vmem>>
    %dma_start3A_121 = arith.constant 0 : i32
    %dma_start3A_122 = tpu.memref_slice %arg10[%dma_start3A_114, %dma_start3A_121] : memref<48x128xi32, #tpu.memory_space<vmem>> -> memref<1x128xi32, #tpu.memory_space<vmem>>
    %dma_start3A_123 = tpu.memref_squeeze %dma_start3A_122 : memref<1x128xi32, #tpu.memory_space<vmem>> -> memref<128xi32, #tpu.memory_space<vmem>>
    %dma_start3A_124 = arith.constant 0 : i32
    %dma_start3A_125 = arith.constant 0 : i32
    %dma_start3A_126 = tpu.memref_slice %arg2[%dma_start3A_124, %dma_start3A_125] : memref<10000x48xf32, #tpu.memory_space<hbm>> -> memref<10000x48xf32, #tpu.memory_space<hbm>>
    tpu.enqueue_indirect_dma source(%dma_start3A_126 : memref<10000x48xf32, #tpu.memory_space<hbm>>) target(%dma_start3A_120 : memref<128x48xf32, #tpu.memory_space<vmem>>) offsets(%dma_start3A_123 : memref<128xi32, #tpu.memory_space<vmem>>) semaphore(%arg16 : memref<!tpu.dma_semaphore, #tpu.memory_space<semaphore_mem>>)
    %dma_start3A_127 = arith.constant 3 : i32
    %dma_start3A_128 = arith.constant 0 : i32
    %dma_start3A_129 = arith.constant 3 : i32
    %dma_start3A_130 = arith.constant 0 : i32
    %dma_start3A_131 = arith.constant 0 : i32
    %dma_start3A_132 = tpu.memref_slice %arg12[%dma_start3A_128, %dma_start3A_129, %dma_start3A_130, %dma_start3A_131] : memref<2x4x128x48xf32, #tpu.memory_space<vmem>> -> memref<1x1x128x48xf32, #tpu.memory_space<vmem>>
    %dma_start3A_133 = tpu.memref_squeeze %dma_start3A_132 : memref<1x1x128x48xf32, #tpu.memory_space<vmem>> -> memref<128x48xf32, #tpu.memory_space<vmem>>
    %dma_start3A_134 = arith.constant 0 : i32
    %dma_start3A_135 = tpu.memref_slice %arg10[%dma_start3A_127, %dma_start3A_134] : memref<48x128xi32, #tpu.memory_space<vmem>> -> memref<1x128xi32, #tpu.memory_space<vmem>>
    %dma_start3A_136 = tpu.memref_squeeze %dma_start3A_135 : memref<1x128xi32, #tpu.memory_space<vmem>> -> memref<128xi32, #tpu.memory_space<vmem>>
    %dma_start3A_137 = arith.constant 0 : i32
    %dma_start3A_138 = arith.constant 0 : i32
    %dma_start3A_139 = tpu.memref_slice %arg2[%dma_start3A_137, %dma_start3A_138] : memref<10000x48xf32, #tpu.memory_space<hbm>> -> memref<10000x48xf32, #tpu.memory_space<hbm>>
    tpu.enqueue_indirect_dma source(%dma_start3A_139 : memref<10000x48xf32, #tpu.memory_space<hbm>>) target(%dma_start3A_133 : memref<128x48xf32, #tpu.memory_space<vmem>>) offsets(%dma_start3A_136 : memref<128xi32, #tpu.memory_space<vmem>>) semaphore(%arg16 : memref<!tpu.dma_semaphore, #tpu.memory_space<semaphore_mem>>)
    %dma_start3A_140 = arith.constant 4 : i32
    %dma_start3A_141 = arith.constant 1 : i32
    %dma_start3A_142 = arith.constant 0 : i32
    %dma_start3A_143 = arith.constant 0 : i32
    %dma_start3A_144 = arith.constant 0 : i32
    %dma_start3A_145 = tpu.memref_slice %arg12[%dma_start3A_141, %dma_start3A_142, %dma_start3A_143, %dma_start3A_144] : memref<2x4x128x48xf32, #tpu.memory_space<vmem>> -> memref<1x1x128x48xf32, #tpu.memory_space<vmem>>
    %dma_start3A_146 = tpu.memref_squeeze %dma_start3A_145 : memref<1x1x128x48xf32, #tpu.memory_space<vmem>> -> memref<128x48xf32, #tpu.memory_space<vmem>>
    %dma_start3A_147 = arith.constant 0 : i32
    %dma_start3A_148 = tpu.memref_slice %arg10[%dma_start3A_140, %dma_start3A_147] : memref<48x128xi32, #tpu.memory_space<vmem>> -> memref<1x128xi32, #tpu.memory_space<vmem>>
    %dma_start3A_149 = tpu.memref_squeeze %dma_start3A_148 : memref<1x128xi32, #tpu.memory_space<vmem>> -> memref<128xi32, #tpu.memory_space<vmem>>
    %dma_start3A_150 = arith.constant 0 : i32
    %dma_start3A_151 = arith.constant 0 : i32
    %dma_start3A_152 = tpu.memref_slice %arg2[%dma_start3A_150, %dma_start3A_151] : memref<10000x48xf32, #tpu.memory_space<hbm>> -> memref<10000x48xf32, #tpu.memory_space<hbm>>
    tpu.enqueue_indirect_dma source(%dma_start3A_152 : memref<10000x48xf32, #tpu.memory_space<hbm>>) target(%dma_start3A_146 : memref<128x48xf32, #tpu.memory_space<vmem>>) offsets(%dma_start3A_149 : memref<128xi32, #tpu.memory_space<vmem>>) semaphore(%arg17 : memref<!tpu.dma_semaphore, #tpu.memory_space<semaphore_mem>>)
    %dma_start3A_153 = arith.constant 5 : i32
    %dma_start3A_154 = arith.constant 1 : i32
    %dma_start3A_155 = arith.constant 1 : i32
    %dma_start3A_156 = arith.constant 0 : i32
    %dma_start3A_157 = arith.constant 0 : i32
    %dma_start3A_158 = tpu.memref_slice %arg12[%dma_start3A_154, %dma_start3A_155, %dma_start3A_156, %dma_start3A_157] : memref<2x4x128x48xf32, #tpu.memory_space<vmem>> -> memref<1x1x128x48xf32, #tpu.memory_space<vmem>>
    %dma_start3A_159 = tpu.memref_squeeze %dma_start3A_158 : memref<1x1x128x48xf32, #tpu.memory_space<vmem>> -> memref<128x48xf32, #tpu.memory_space<vmem>>
    %dma_start3A_160 = arith.constant 0 : i32
    %dma_start3A_161 = tpu.memref_slice %arg10[%dma_start3A_153, %dma_start3A_160] : memref<48x128xi32, #tpu.memory_space<vmem>> -> memref<1x128xi32, #tpu.memory_space<vmem>>
    %dma_start3A_162 = tpu.memref_squeeze %dma_start3A_161 : memref<1x128xi32, #tpu.memory_space<vmem>> -> memref<128xi32, #tpu.memory_space<vmem>>
    %dma_start3A_163 = arith.constant 0 : i32
    %dma_start3A_164 = arith.constant 0 : i32
    %dma_start3A_165 = tpu.memref_slice %arg2[%dma_start3A_163, %dma_start3A_164] : memref<10000x48xf32, #tpu.memory_space<hbm>> -> memref<10000x48xf32, #tpu.memory_space<hbm>>
    tpu.enqueue_indirect_dma source(%dma_start3A_165 : memref<10000x48xf32, #tpu.memory_space<hbm>>) target(%dma_start3A_159 : memref<128x48xf32, #tpu.memory_space<vmem>>) offsets(%dma_start3A_162 : memref<128xi32, #tpu.memory_space<vmem>>) semaphore(%arg17 : memref<!tpu.dma_semaphore, #tpu.memory_space<semaphore_mem>>)
    %dma_start3A_166 = arith.constant 6 : i32
    %dma_start3A_167 = arith.constant 1 : i32
    %dma_start3A_168 = arith.constant 2 : i32
    %dma_start3A_169 = arith.constant 0 : i32
    %dma_start3A_170 = arith.constant 0 : i32
    %dma_start3A_171 = tpu.memref_slice %arg12[%dma_start3A_167, %dma_start3A_168, %dma_start3A_169, %dma_start3A_170] : memref<2x4x128x48xf32, #tpu.memory_space<vmem>> -> memref<1x1x128x48xf32, #tpu.memory_space<vmem>>
    %dma_start3A_172 = tpu.memref_squeeze %dma_start3A_171 : memref<1x1x128x48xf32, #tpu.memory_space<vmem>> -> memref<128x48xf32, #tpu.memory_space<vmem>>
    %dma_start3A_173 = arith.constant 0 : i32
    %dma_start3A_174 = tpu.memref_slice %arg10[%dma_start3A_166, %dma_start3A_173] : memref<48x128xi32, #tpu.memory_space<vmem>> -> memref<1x128xi32, #tpu.memory_space<vmem>>
    %dma_start3A_175 = tpu.memref_squeeze %dma_start3A_174 : memref<1x128xi32, #tpu.memory_space<vmem>> -> memref<128xi32, #tpu.memory_space<vmem>>
    %dma_start3A_176 = arith.constant 0 : i32
    %dma_start3A_177 = arith.constant 0 : i32
    %dma_start3A_178 = tpu.memref_slice %arg2[%dma_start3A_176, %dma_start3A_177] : memref<10000x48xf32, #tpu.memory_space<hbm>> -> memref<10000x48xf32, #tpu.memory_space<hbm>>
    tpu.enqueue_indirect_dma source(%dma_start3A_178 : memref<10000x48xf32, #tpu.memory_space<hbm>>) target(%dma_start3A_172 : memref<128x48xf32, #tpu.memory_space<vmem>>) offsets(%dma_start3A_175 : memref<128xi32, #tpu.memory_space<vmem>>) semaphore(%arg17 : memref<!tpu.dma_semaphore, #tpu.memory_space<semaphore_mem>>)
    %dma_start3A_179 = arith.constant 7 : i32
    %dma_start3A_180 = arith.constant 1 : i32
    %dma_start3A_181 = arith.constant 3 : i32
    %dma_start3A_182 = arith.constant 0 : i32
    %dma_start3A_183 = arith.constant 0 : i32
    %dma_start3A_184 = tpu.memref_slice %arg12[%dma_start3A_180, %dma_start3A_181, %dma_start3A_182, %dma_start3A_183] : memref<2x4x128x48xf32, #tpu.memory_space<vmem>> -> memref<1x1x128x48xf32, #tpu.memory_space<vmem>>
    %dma_start3A_185 = tpu.memref_squeeze %dma_start3A_184 : memref<1x1x128x48xf32, #tpu.memory_space<vmem>> -> memref<128x48xf32, #tpu.memory_space<vmem>>
    %dma_start3A_186 = arith.constant 0 : i32
    %dma_start3A_187 = tpu.memref_slice %arg10[%dma_start3A_179, %dma_start3A_186] : memref<48x128xi32, #tpu.memory_space<vmem>> -> memref<1x128xi32, #tpu.memory_space<vmem>>
    %dma_start3A_188 = tpu.memref_squeeze %dma_start3A_187 : memref<1x128xi32, #tpu.memory_space<vmem>> -> memref<128xi32, #tpu.memory_space<vmem>>
    %dma_start3A_189 = arith.constant 0 : i32
    %dma_start3A_190 = arith.constant 0 : i32
    %dma_start3A_191 = tpu.memref_slice %arg2[%dma_start3A_189, %dma_start3A_190] : memref<10000x48xf32, #tpu.memory_space<hbm>> -> memref<10000x48xf32, #tpu.memory_space<hbm>>
    tpu.enqueue_indirect_dma source(%dma_start3A_191 : memref<10000x48xf32, #tpu.memory_space<hbm>>) target(%dma_start3A_185 : memref<128x48xf32, #tpu.memory_space<vmem>>) offsets(%dma_start3A_188 : memref<128xi32, #tpu.memory_space<vmem>>) semaphore(%arg17 : memref<!tpu.dma_semaphore, #tpu.memory_space<semaphore_mem>>)
    %scan3A_192 = arith.constant 0 : i32
    %scan3A_193 = arith.constant 0 : i32
    %scan3A_194 = arith.constant 5 : i32
    %scan3A_195 = arith.addi %scan3A_193, %scan3A_194 : i32
    %scan3A_196 = arith.constant 1 : i32
    scf.for %scan3A_307 = %scan3A_193 to %scan3A_195 step %scan3A_196  : i32 {
      %mul3A_308 = arith.constant 2 : i32
      %mul3A_309 = arith.muli %mul3A_308, %scan3A_307 : i32
      %mul3A_310 = arith.constant 4 : i32
      %mul3A_311 = arith.muli %mul3A_309, %mul3A_310 : i32
      %add3A_312 = arith.constant 0 : i32
      %add3A_313 = arith.addi %mul3A_311, %add3A_312 : i32
      %dma_wait3A_314 = arith.constant 0 : i32
      %dma_wait3A_315 = arith.constant 0 : i32
      %dma_wait3A_316 = arith.constant 0 : i32
      %dma_wait3A_317 = arith.constant 0 : i32
      %dma_wait3A_318 = tpu.memref_slice %arg12[%dma_wait3A_314, %dma_wait3A_315, %dma_wait3A_316, %dma_wait3A_317] : memref<2x4x128x48xf32, #tpu.memory_space<vmem>> -> memref<1x1x128x48xf32, #tpu.memory_space<vmem>>
      %dma_wait3A_319 = tpu.memref_squeeze %dma_wait3A_318 : memref<1x1x128x48xf32, #tpu.memory_space<vmem>> -> memref<128x48xf32, #tpu.memory_space<vmem>>
      %dma_wait3A_320 = arith.constant 0 : i32
      %dma_wait3A_321 = tpu.memref_slice %arg10[%add3A_313, %dma_wait3A_320] : memref<48x128xi32, #tpu.memory_space<vmem>> -> memref<1x128xi32, #tpu.memory_space<vmem>>
      %dma_wait3A_322 = tpu.memref_squeeze %dma_wait3A_321 : memref<1x128xi32, #tpu.memory_space<vmem>> -> memref<128xi32, #tpu.memory_space<vmem>>
      %dma_wait3A_323 = arith.constant 0 : i32
      %dma_wait3A_324 = arith.constant 0 : i32
      %dma_wait3A_325 = tpu.memref_slice %arg2[%dma_wait3A_323, %dma_wait3A_324] : memref<10000x48xf32, #tpu.memory_space<hbm>> -> memref<10000x48xf32, #tpu.memory_space<hbm>>
      tpu.wait_indirect_dma semaphore(%arg16 : memref<!tpu.dma_semaphore, #tpu.memory_space<semaphore_mem>>) src(%dma_wait3A_325 : memref<10000x48xf32, #tpu.memory_space<hbm>>) dst(%dma_wait3A_319 : memref<128x48xf32, #tpu.memory_space<vmem>>)
      %mul3A_326 = arith.constant 4 : i32
      %mul3A_327 = arith.muli %mul3A_309, %mul3A_326 : i32
      %add3A_328 = arith.constant 1 : i32
      %add3A_329 = arith.addi %mul3A_327, %add3A_328 : i32
      %dma_wait3A_330 = arith.constant 0 : i32
      %dma_wait3A_331 = arith.constant 1 : i32
      %dma_wait3A_332 = arith.constant 0 : i32
      %dma_wait3A_333 = arith.constant 0 : i32
      %dma_wait3A_334 = tpu.memref_slice %arg12[%dma_wait3A_330, %dma_wait3A_331, %dma_wait3A_332, %dma_wait3A_333] : memref<2x4x128x48xf32, #tpu.memory_space<vmem>> -> memref<1x1x128x48xf32, #tpu.memory_space<vmem>>
      %dma_wait3A_335 = tpu.memref_squeeze %dma_wait3A_334 : memref<1x1x128x48xf32, #tpu.memory_space<vmem>> -> memref<128x48xf32, #tpu.memory_space<vmem>>
      %dma_wait3A_336 = arith.constant 0 : i32
      %dma_wait3A_337 = tpu.memref_slice %arg10[%add3A_329, %dma_wait3A_336] : memref<48x128xi32, #tpu.memory_space<vmem>> -> memref<1x128xi32, #tpu.memory_space<vmem>>
      %dma_wait3A_338 = tpu.memref_squeeze %dma_wait3A_337 : memref<1x128xi32, #tpu.memory_space<vmem>> -> memref<128xi32, #tpu.memory_space<vmem>>
      %dma_wait3A_339 = arith.constant 0 : i32
      %dma_wait3A_340 = arith.constant 0 : i32
      %dma_wait3A_341 = tpu.memref_slice %arg2[%dma_wait3A_339, %dma_wait3A_340] : memref<10000x48xf32, #tpu.memory_space<hbm>> -> memref<10000x48xf32, #tpu.memory_space<hbm>>
      tpu.wait_indirect_dma semaphore(%arg16 : memref<!tpu.dma_semaphore, #tpu.memory_space<semaphore_mem>>) src(%dma_wait3A_341 : memref<10000x48xf32, #tpu.memory_space<hbm>>) dst(%dma_wait3A_335 : memref<128x48xf32, #tpu.memory_space<vmem>>)
      %mul3A_342 = arith.constant 4 : i32
      %mul3A_343 = arith.muli %mul3A_309, %mul3A_342 : i32
      %add3A_344 = arith.constant 2 : i32
      %add3A_345 = arith.addi %mul3A_343, %add3A_344 : i32
      %dma_wait3A_346 = arith.constant 0 : i32
      %dma_wait3A_347 = arith.constant 2 : i32
      %dma_wait3A_348 = arith.constant 0 : i32
      %dma_wait3A_349 = arith.constant 0 : i32
      %dma_wait3A_350 = tpu.memref_slice %arg12[%dma_wait3A_346, %dma_wait3A_347, %dma_wait3A_348, %dma_wait3A_349] : memref<2x4x128x48xf32, #tpu.memory_space<vmem>> -> memref<1x1x128x48xf32, #tpu.memory_space<vmem>>
      %dma_wait3A_351 = tpu.memref_squeeze %dma_wait3A_350 : memref<1x1x128x48xf32, #tpu.memory_space<vmem>> -> memref<128x48xf32, #tpu.memory_space<vmem>>
      %dma_wait3A_352 = arith.constant 0 : i32
      %dma_wait3A_353 = tpu.memref_slice %arg10[%add3A_345, %dma_wait3A_352] : memref<48x128xi32, #tpu.memory_space<vmem>> -> memref<1x128xi32, #tpu.memory_space<vmem>>
      %dma_wait3A_354 = tpu.memref_squeeze %dma_wait3A_353 : memref<1x128xi32, #tpu.memory_space<vmem>> -> memref<128xi32, #tpu.memory_space<vmem>>
      %dma_wait3A_355 = arith.constant 0 : i32
      %dma_wait3A_356 = arith.constant 0 : i32
      %dma_wait3A_357 = tpu.memref_slice %arg2[%dma_wait3A_355, %dma_wait3A_356] : memref<10000x48xf32, #tpu.memory_space<hbm>> -> memref<10000x48xf32, #tpu.memory_space<hbm>>
      tpu.wait_indirect_dma semaphore(%arg16 : memref<!tpu.dma_semaphore, #tpu.memory_space<semaphore_mem>>) src(%dma_wait3A_357 : memref<10000x48xf32, #tpu.memory_space<hbm>>) dst(%dma_wait3A_351 : memref<128x48xf32, #tpu.memory_space<vmem>>)
      %mul3A_358 = arith.constant 4 : i32
      %mul3A_359 = arith.muli %mul3A_309, %mul3A_358 : i32
      %add3A_360 = arith.constant 3 : i32
      %add3A_361 = arith.addi %mul3A_359, %add3A_360 : i32
      %dma_wait3A_362 = arith.constant 0 : i32
      %dma_wait3A_363 = arith.constant 3 : i32
      %dma_wait3A_364 = arith.constant 0 : i32
      %dma_wait3A_365 = arith.constant 0 : i32
      %dma_wait3A_366 = tpu.memref_slice %arg12[%dma_wait3A_362, %dma_wait3A_363, %dma_wait3A_364, %dma_wait3A_365] : memref<2x4x128x48xf32, #tpu.memory_space<vmem>> -> memref<1x1x128x48xf32, #tpu.memory_space<vmem>>
      %dma_wait3A_367 = tpu.memref_squeeze %dma_wait3A_366 : memref<1x1x128x48xf32, #tpu.memory_space<vmem>> -> memref<128x48xf32, #tpu.memory_space<vmem>>
      %dma_wait3A_368 = arith.constant 0 : i32
      %dma_wait3A_369 = tpu.memref_slice %arg10[%add3A_361, %dma_wait3A_368] : memref<48x128xi32, #tpu.memory_space<vmem>> -> memref<1x128xi32, #tpu.memory_space<vmem>>
      %dma_wait3A_370 = tpu.memref_squeeze %dma_wait3A_369 : memref<1x128xi32, #tpu.memory_space<vmem>> -> memref<128xi32, #tpu.memory_space<vmem>>
      %dma_wait3A_371 = arith.constant 0 : i32
      %dma_wait3A_372 = arith.constant 0 : i32
      %dma_wait3A_373 = tpu.memref_slice %arg2[%dma_wait3A_371, %dma_wait3A_372] : memref<10000x48xf32, #tpu.memory_space<hbm>> -> memref<10000x48xf32, #tpu.memory_space<hbm>>
      tpu.wait_indirect_dma semaphore(%arg16 : memref<!tpu.dma_semaphore, #tpu.memory_space<semaphore_mem>>) src(%dma_wait3A_373 : memref<10000x48xf32, #tpu.memory_space<hbm>>) dst(%dma_wait3A_367 : memref<128x48xf32, #tpu.memory_space<vmem>>)
      %mul3A_374 = arith.constant 4 : i32
      %mul3A_375 = arith.muli %mul3A_309, %mul3A_374 : i32
      %add3A_376 = arith.constant 0 : i32
      %add3A_377 = arith.addi %mul3A_375, %add3A_376 : i32
      %scan3A_378 = arith.constant 0 : i32
      %scan3A_379 = arith.constant 0 : i32
      %scan3A_380 = arith.constant 32 : i32
      %scan3A_381 = arith.addi %scan3A_379, %scan3A_380 : i32
      %scan3A_382 = arith.constant 1 : i32
      scf.for %scan3A_1012 = %scan3A_379 to %scan3A_381 step %scan3A_382  : i32 {
        %mul3A_1013 = arith.constant 4 : i32
        %mul3A_1014 = arith.muli %scan3A_1012, %mul3A_1013 : i32
        %add3A_1015 = arith.constant 0 : i32
        %add3A_1016 = arith.addi %mul3A_1014, %add3A_1015 : i32
        %broadcast_in_dim3A_1017 = vector.broadcast %add3A_377 : i32 to vector<16xi32>
        %broadcast_in_dim3A_1018 = vector.broadcast %add3A_1016 : i32 to vector<16xi32>
        %gather3A = tpu.vector_load_idx %arg11[%broadcast_in_dim3A_1017, %broadcast_in_dim3A_1018] : memref<48x128xf32, #tpu.memory_space<vmem>>[vector<16xi32>, vector<16xi32>], vector<16xf32>,
        %get3A_1019 = arith.constant 0 : i32
        %get3A_1020 = arith.constant 0 : i32
        %get3A_1021 = arith.index_cast %get3A_1019 : i32 to index
        %get3A_1022 = arith.index_cast %get3A_1020 : i32 to index
        %get3A_1023 = arith.index_cast %add3A_1016 : i32 to index
        %get3A_1024 = arith.constant 0 : index
        %get3A_1025 = tpu.vector_load %arg12[%get3A_1021, %get3A_1022, %get3A_1023, %get3A_1024] {strides = array<i32>} : memref<2x4x128x48xf32, #tpu.memory_space<vmem>>, vector<16xf32>,
        %mul3A_1026 = arith.mulf %get3A_1025, %gather3A : vector<16xf32>
        %swap3A_1027 = arith.constant 0 : i32
        %swap3A_1028 = arith.constant 0 : i32
        %swap3A_1029 = arith.index_cast %swap3A_1027 : i32 to index
        %swap3A_1030 = arith.index_cast %swap3A_1028 : i32 to index
        %swap3A_1031 = arith.index_cast %add3A_1016 : i32 to index
        %swap3A_1032 = arith.constant 0 : index
        %swap3A_1033 = tpu.vector_load %arg12[%swap3A_1029, %swap3A_1030, %swap3A_1031, %swap3A_1032] {strides = array<i32>} : memref<2x4x128x48xf32, #tpu.memory_space<vmem>>, vector<16xf32>,
        tpu.vector_store %arg12[%swap3A_1029, %swap3A_1030, %swap3A_1031, %swap3A_1032], %mul3A_1026 {strides = array<i32>} : memref<2x4x128x48xf32, #tpu.memory_space<vmem>>, vector<16xf32>,
        %get3A_1034 = arith.constant 0 : i32
        %get3A_1035 = arith.constant 0 : i32
        %get3A_1036 = arith.index_cast %get3A_1034 : i32 to index
        %get3A_1037 = arith.index_cast %get3A_1035 : i32 to index
        %get3A_1038 = arith.index_cast %add3A_1016 : i32 to index
        %get3A_1039 = arith.constant 16 : index
        %get3A_1040 = tpu.vector_load %arg12[%get3A_1036, %get3A_1037, %get3A_1038, %get3A_1039] {strides = array<i32>} : memref<2x4x128x48xf32, #tpu.memory_space<vmem>>, vector<16xf32>,
        %mul3A_1041 = arith.mulf %get3A_1040, %gather3A : vector<16xf32>
        %swap3A_1042 = arith.constant 0 : i32
        %swap3A_1043 = arith.constant 0 : i32
        %swap3A_1044 = arith.index_cast %swap3A_1042 : i32 to index
        %swap3A_1045 = arith.index_cast %swap3A_1043 : i32 to index
        %swap3A_1046 = arith.index_cast %add3A_1016 : i32 to index
        %swap3A_1047 = arith.constant 16 : index
        %swap3A_1048 = tpu.vector_load %arg12[%swap3A_1044, %swap3A_1045, %swap3A_1046, %swap3A_1047] {strides = array<i32>} : memref<2x4x128x48xf32, #tpu.memory_space<vmem>>, vector<16xf32>,
        tpu.vector_store %arg12[%swap3A_1044, %swap3A_1045, %swap3A_1046, %swap3A_1047], %mul3A_1041 {strides = array<i32>} : memref<2x4x128x48xf32, #tpu.memory_space<vmem>>, vector<16xf32>,
        %get3A_1049 = arith.constant 0 : i32
        %get3A_1050 = arith.constant 0 : i32
        %get3A_1051 = arith.index_cast %get3A_1049 : i32 to index
        %get3A_1052 = arith.index_cast %get3A_1050 : i32 to index
        %get3A_1053 = arith.index_cast %add3A_1016 : i32 to index
        %get3A_1054 = arith.constant 32 : index
        %get3A_1055 = tpu.vector_load %arg12[%get3A_1051, %get3A_1052, %get3A_1053, %get3A_1054] {strides = array<i32>} : memref<2x4x128x48xf32, #tpu.memory_space<vmem>>, vector<16xf32>,
        %mul3A_1056 = arith.mulf %get3A_1055, %gather3A : vector<16xf32>
        %swap3A_1057 = arith.constant 0 : i32
        %swap3A_1058 = arith.constant 0 : i32
        %swap3A_1059 = arith.index_cast %swap3A_1057 : i32 to index
        %swap3A_1060 = arith.index_cast %swap3A_1058 : i32 to index
        %swap3A_1061 = arith.index_cast %add3A_1016 : i32 to index
        %swap3A_1062 = arith.constant 32 : index
        %swap3A_1063 = tpu.vector_load %arg12[%swap3A_1059, %swap3A_1060, %swap3A_1061, %swap3A_1062] {strides = array<i32>} : memref<2x4x128x48xf32, #tpu.memory_space<vmem>>, vector<16xf32>,
        tpu.vector_store %arg12[%swap3A_1059, %swap3A_1060, %swap3A_1061, %swap3A_1062], %mul3A_1056 {strides = array<i32>} : memref<2x4x128x48xf32, #tpu.memory_space<vmem>>, vector<16xf32>,
        %mul3A_1064 = arith.constant 4 : i32
        %mul3A_1065 = arith.muli %scan3A_1012, %mul3A_1064 : i32
        %add3A_1066 = arith.constant 1 : i32
        %add3A_1067 = arith.addi %mul3A_1065, %add3A_1066 : i32
        %broadcast_in_dim3A_1068 = vector.broadcast %add3A_377 : i32 to vector<16xi32>
        %broadcast_in_dim3A_1069 = vector.broadcast %add3A_1067 : i32 to vector<16xi32>
        %gather3A_1070 = tpu.vector_load_idx %arg11[%broadcast_in_dim3A_1068, %broadcast_in_dim3A_1069] : memref<48x128xf32, #tpu.memory_space<vmem>>[vector<16xi32>, vector<16xi32>], vector<16xf32>,
        %get3A_1071 = arith.constant 0 : i32
        %get3A_1072 = arith.constant 0 : i32
        %get3A_1073 = arith.index_cast %get3A_1071 : i32 to index
        %get3A_1074 = arith.index_cast %get3A_1072 : i32 to index
        %get3A_1075 = arith.index_cast %add3A_1067 : i32 to index
        %get3A_1076 = arith.constant 0 : index
        %get3A_1077 = tpu.vector_load %arg12[%get3A_1073, %get3A_1074, %get3A_1075, %get3A_1076] {strides = array<i32>} : memref<2x4x128x48xf32, #tpu.memory_space<vmem>>, vector<16xf32>,
        %mul3A_1078 = arith.mulf %get3A_1077, %gather3A_1070 : vector<16xf32>
        %swap3A_1079 = arith.constant 0 : i32
        %swap3A_1080 = arith.constant 0 : i32
        %swap3A_1081 = arith.index_cast %swap3A_1079 : i32 to index
        %swap3A_1082 = arith.index_cast %swap3A_1080 : i32 to index
        %swap3A_1083 = arith.index_cast %add3A_1067 : i32 to index
        %swap3A_1084 = arith.constant 0 : index
        %swap3A_1085 = tpu.vector_load %arg12[%swap3A_1081, %swap3A_1082, %swap3A_1083, %swap3A_1084] {strides = array<i32>} : memref<2x4x128x48xf32, #tpu.memory_space<vmem>>, vector<16xf32>,
        tpu.vector_store %arg12[%swap3A_1081, %swap3A_1082, %swap3A_1083, %swap3A_1084], %mul3A_1078 {strides = array<i32>} : memref<2x4x128x48xf32, #tpu.memory_space<vmem>>, vector<16xf32>,
        %get3A_1086 = arith.constant 0 : i32
        %get3A_1087 = arith.constant 0 : i32
        %get3A_1088 = arith.index_cast %get3A_1086 : i32 to index
        %get3A_1089 = arith.index_cast %get3A_1087 : i32 to index
        %get3A_1090 = arith.index_cast %add3A_1067 : i32 to index
        %get3A_1091 = arith.constant 16 : index
        %get3A_1092 = tpu.vector_load %arg12[%get3A_1088, %get3A_1089, %get3A_1090, %get3A_1091] {strides = array<i32>} : memref<2x4x128x48xf32, #tpu.memory_space<vmem>>, vector<16xf32>,
        %mul3A_1093 = arith.mulf %get3A_1092, %gather3A_1070 : vector<16xf32>
        %swap3A_1094 = arith.constant 0 : i32
        %swap3A_1095 = arith.constant 0 : i32
        %swap3A_1096 = arith.index_cast %swap3A_1094 : i32 to index
        %swap3A_1097 = arith.index_cast %swap3A_1095 : i32 to index
        %swap3A_1098 = arith.index_cast %add3A_1067 : i32 to index
        %swap3A_1099 = arith.constant 16 : index
        %swap3A_1100 = tpu.vector_load %arg12[%swap3A_1096, %swap3A_1097, %swap3A_1098, %swap3A_1099] {strides = array<i32>} : memref<2x4x128x48xf32, #tpu.memory_space<vmem>>, vector<16xf32>,
        tpu.vector_store %arg12[%swap3A_1096, %swap3A_1097, %swap3A_1098, %swap3A_1099], %mul3A_1093 {strides = array<i32>} : memref<2x4x128x48xf32, #tpu.memory_space<vmem>>, vector<16xf32>,
        %get3A_1101 = arith.constant 0 : i32
        %get3A_1102 = arith.constant 0 : i32
        %get3A_1103 = arith.index_cast %get3A_1101 : i32 to index
        %get3A_1104 = arith.index_cast %get3A_1102 : i32 to index
        %get3A_1105 = arith.index_cast %add3A_1067 : i32 to index
        %get3A_1106 = arith.constant 32 : index
        %get3A_1107 = tpu.vector_load %arg12[%get3A_1103, %get3A_1104, %get3A_1105, %get3A_1106] {strides = array<i32>} : memref<2x4x128x48xf32, #tpu.memory_space<vmem>>, vector<16xf32>,
        %mul3A_1108 = arith.mulf %get3A_1107, %gather3A_1070 : vector<16xf32>
        %swap3A_1109 = arith.constant 0 : i32
        %swap3A_1110 = arith.constant 0 : i32
        %swap3A_1111 = arith.index_cast %swap3A_1109 : i32 to index
        %swap3A_1112 = arith.index_cast %swap3A_1110 : i32 to index
        %swap3A_1113 = arith.index_cast %add3A_1067 : i32 to index
        %swap3A_1114 = arith.constant 32 : index
        %swap3A_1115 = tpu.vector_load %arg12[%swap3A_1111, %swap3A_1112, %swap3A_1113, %swap3A_1114] {strides = array<i32>} : memref<2x4x128x48xf32, #tpu.memory_space<vmem>>, vector<16xf32>,
        tpu.vector_store %arg12[%swap3A_1111, %swap3A_1112, %swap3A_1113, %swap3A_1114], %mul3A_1108 {strides = array<i32>} : memref<2x4x128x48xf32, #tpu.memory_space<vmem>>, vector<16xf32>,
        %mul3A_1116 = arith.constant 4 : i32
        %mul3A_1117 = arith.muli %scan3A_1012, %mul3A_1116 : i32
        %add3A_1118 = arith.constant 2 : i32
        %add3A_1119 = arith.addi %mul3A_1117, %add3A_1118 : i32
        %broadcast_in_dim3A_1120 = vector.broadcast %add3A_377 : i32 to vector<16xi32>
        %broadcast_in_dim3A_1121 = vector.broadcast %add3A_1119 : i32 to vector<16xi32>
        %gather3A_1122 = tpu.vector_load_idx %arg11[%broadcast_in_dim3A_1120, %broadcast_in_dim3A_1121] : memref<48x128xf32, #tpu.memory_space<vmem>>[vector<16xi32>, vector<16xi32>], vector<16xf32>,
        %get3A_1123 = arith.constant 0 : i32
        %get3A_1124 = arith.constant 0 : i32
        %get3A_1125 = arith.index_cast %get3A_1123 : i32 to index
        %get3A_1126 = arith.index_cast %get3A_1124 : i32 to index
        %get3A_1127 = arith.index_cast %add3A_1119 : i32 to index
        %get3A_1128 = arith.constant 0 : index
        %get3A_1129 = tpu.vector_load %arg12[%get3A_1125, %get3A_1126, %get3A_1127, %get3A_1128] {strides = array<i32>} : memref<2x4x128x48xf32, #tpu.memory_space<vmem>>, vector<16xf32>,
        %mul3A_1130 = arith.mulf %get3A_1129, %gather3A_1122 : vector<16xf32>
        %swap3A_1131 = arith.constant 0 : i32
        %swap3A_1132 = arith.constant 0 : i32
        %swap3A_1133 = arith.index_cast %swap3A_1131 : i32 to index
        %swap3A_1134 = arith.index_cast %swap3A_1132 : i32 to index
        %swap3A_1135 = arith.index_cast %add3A_1119 : i32 to index
        %swap3A_1136 = arith.constant 0 : index
        %swap3A_1137 = tpu.vector_load %arg12[%swap3A_1133, %swap3A_1134, %swap3A_1135, %swap3A_1136] {strides = array<i32>} : memref<2x4x128x48xf32, #tpu.memory_space<vmem>>, vector<16xf32>,
        tpu.vector_store %arg12[%swap3A_1133, %swap3A_1134, %swap3A_1135, %swap3A_1136], %mul3A_1130 {strides = array<i32>} : memref<2x4x128x48xf32, #tpu.memory_space<vmem>>, vector<16xf32>,
        %get3A_1138 = arith.constant 0 : i32
        %get3A_1139 = arith.constant 0 : i32
        %get3A_1140 = arith.index_cast %get3A_1138 : i32 to index
        %get3A_1141 = arith.index_cast %get3A_1139 : i32 to index
        %get3A_1142 = arith.index_cast %add3A_1119 : i32 to index
        %get3A_1143 = arith.constant 16 : index
        %get3A_1144 = tpu.vector_load %arg12[%get3A_1140, %get3A_1141, %get3A_1142, %get3A_1143] {strides = array<i32>} : memref<2x4x128x48xf32, #tpu.memory_space<vmem>>, vector<16xf32>,
        %mul3A_1145 = arith.mulf %get3A_1144, %gather3A_1122 : vector<16xf32>
        %swap3A_1146 = arith.constant 0 : i32
        %swap3A_1147 = arith.constant 0 : i32
        %swap3A_1148 = arith.index_cast %swap3A_1146 : i32 to index
        %swap3A_1149 = arith.index_cast %swap3A_1147 : i32 to index
        %swap3A_1150 = arith.index_cast %add3A_1119 : i32 to index
        %swap3A_1151 = arith.constant 16 : index
        %swap3A_1152 = tpu.vector_load %arg12[%swap3A_1148, %swap3A_1149, %swap3A_1150, %swap3A_1151] {strides = array<i32>} : memref<2x4x128x48xf32, #tpu.memory_space<vmem>>, vector<16xf32>,
        tpu.vector_store %arg12[%swap3A_1148, %swap3A_1149, %swap3A_1150, %swap3A_1151], %mul3A_1145 {strides = array<i32>} : memref<2x4x128x48xf32, #tpu.memory_space<vmem>>, vector<16xf32>,
        %get3A_1153 = arith.constant 0 : i32
        %get3A_1154 = arith.constant 0 : i32
        %get3A_1155 = arith.index_cast %get3A_1153 : i32 to index
        %get3A_1156 = arith.index_cast %get3A_1154 : i32 to index
        %get3A_1157 = arith.index_cast %add3A_1119 : i32 to index
        %get3A_1158 = arith.constant 32 : index
        %get3A_1159 = tpu.vector_load %arg12[%get3A_1155, %get3A_1156, %get3A_1157, %get3A_1158] {strides = array<i32>} : memref<2x4x128x48xf32, #tpu.memory_space<vmem>>, vector<16xf32>,
        %mul3A_1160 = arith.mulf %get3A_1159, %gather3A_1122 : vector<16xf32>
        %swap3A_1161 = arith.constant 0 : i32
        %swap3A_1162 = arith.constant 0 : i32
        %swap3A_1163 = arith.index_cast %swap3A_1161 : i32 to index
        %swap3A_1164 = arith.index_cast %swap3A_1162 : i32 to index
        %swap3A_1165 = arith.index_cast %add3A_1119 : i32 to index
        %swap3A_1166 = arith.constant 32 : index
        %swap3A_1167 = tpu.vector_load %arg12[%swap3A_1163, %swap3A_1164, %swap3A_1165, %swap3A_1166] {strides = array<i32>} : memref<2x4x128x48xf32, #tpu.memory_space<vmem>>, vector<16xf32>,
        tpu.vector_store %arg12[%swap3A_1163, %swap3A_1164, %swap3A_1165, %swap3A_1166], %mul3A_1160 {strides = array<i32>} : memref<2x4x128x48xf32, #tpu.memory_space<vmem>>, vector<16xf32>,
        %mul3A_1168 = arith.constant 4 : i32
        %mul3A_1169 = arith.muli %scan3A_1012, %mul3A_1168 : i32
        %add3A_1170 = arith.constant 3 : i32
        %add3A_1171 = arith.addi %mul3A_1169, %add3A_1170 : i32
        %broadcast_in_dim3A_1172 = vector.broadcast %add3A_377 : i32 to vector<16xi32>
        %broadcast_in_dim3A_1173 = vector.broadcast %add3A_1171 : i32 to vector<16xi32>
        %gather3A_1174 = tpu.vector_load_idx %arg11[%broadcast_in_dim3A_1172, %broadcast_in_dim3A_1173] : memref<48x128xf32, #tpu.memory_space<vmem>>[vector<16xi32>, vector<16xi32>], vector<16xf32>,
        %get3A_1175 = arith.constant 0 : i32
        %get3A_1176 = arith.constant 0 : i32
        %get3A_1177 = arith.index_cast %get3A_1175 : i32 to index
        %get3A_1178 = arith.index_cast %get3A_1176 : i32 to index
        %get3A_1179 = arith.index_cast %add3A_1171 : i32 to index
        %get3A_1180 = arith.constant 0 : index
        %get3A_1181 = tpu.vector_load %arg12[%get3A_1177, %get3A_1178, %get3A_1179, %get3A_1180] {strides = array<i32>} : memref<2x4x128x48xf32, #tpu.memory_space<vmem>>, vector<16xf32>,
        %mul3A_1182 = arith.mulf %get3A_1181, %gather3A_1174 : vector<16xf32>
        %swap3A_1183 = arith.constant 0 : i32
        %swap3A_1184 = arith.constant 0 : i32
        %swap3A_1185 = arith.index_cast %swap3A_1183 : i32 to index
        %swap3A_1186 = arith.index_cast %swap3A_1184 : i32 to index
        %swap3A_1187 = arith.index_cast %add3A_1171 : i32 to index
        %swap3A_1188 = arith.constant 0 : index
        %swap3A_1189 = tpu.vector_load %arg12[%swap3A_1185, %swap3A_1186, %swap3A_1187, %swap3A_1188] {strides = array<i32>} : memref<2x4x128x48xf32, #tpu.memory_space<vmem>>, vector<16xf32>,
        tpu.vector_store %arg12[%swap3A_1185, %swap3A_1186, %swap3A_1187, %swap3A_1188], %mul3A_1182 {strides = array<i32>} : memref<2x4x128x48xf32, #tpu.memory_space<vmem>>, vector<16xf32>,
        %get3A_1190 = arith.constant 0 : i32
        %get3A_1191 = arith.constant 0 : i32
        %get3A_1192 = arith.index_cast %get3A_1190 : i32 to index
        %get3A_1193 = arith.index_cast %get3A_1191 : i32 to index
        %get3A_1194 = arith.index_cast %add3A_1171 : i32 to index
        %get3A_1195 = arith.constant 16 : index
        %get3A_1196 = tpu.vector_load %arg12[%get3A_1192, %get3A_1193, %get3A_1194, %get3A_1195] {strides = array<i32>} : memref<2x4x128x48xf32, #tpu.memory_space<vmem>>, vector<16xf32>,
        %mul3A_1197 = arith.mulf %get3A_1196, %gather3A_1174 : vector<16xf32>
        %swap3A_1198 = arith.constant 0 : i32
        %swap3A_1199 = arith.constant 0 : i32
        %swap3A_1200 = arith.index_cast %swap3A_1198 : i32 to index
        %swap3A_1201 = arith.index_cast %swap3A_1199 : i32 to index
        %swap3A_1202 = arith.index_cast %add3A_1171 : i32 to index
        %swap3A_1203 = arith.constant 16 : index
        %swap3A_1204 = tpu.vector_load %arg12[%swap3A_1200, %swap3A_1201, %swap3A_1202, %swap3A_1203] {strides = array<i32>} : memref<2x4x128x48xf32, #tpu.memory_space<vmem>>, vector<16xf32>,
        tpu.vector_store %arg12[%swap3A_1200, %swap3A_1201, %swap3A_1202, %swap3A_1203], %mul3A_1197 {strides = array<i32>} : memref<2x4x128x48xf32, #tpu.memory_space<vmem>>, vector<16xf32>,
        %get3A_1205 = arith.constant 0 : i32
        %get3A_1206 = arith.constant 0 : i32
        %get3A_1207 = arith.index_cast %get3A_1205 : i32 to index
        %get3A_1208 = arith.index_cast %get3A_1206 : i32 to index
        %get3A_1209 = arith.index_cast %add3A_1171 : i32 to index
        %get3A_1210 = arith.constant 32 : index
        %get3A_1211 = tpu.vector_load %arg12[%get3A_1207, %get3A_1208, %get3A_1209, %get3A_1210] {strides = array<i32>} : memref<2x4x128x48xf32, #tpu.memory_space<vmem>>, vector<16xf32>,
        %mul3A_1212 = arith.mulf %get3A_1211, %gather3A_1174 : vector<16xf32>
        %swap3A_1213 = arith.constant 0 : i32
        %swap3A_1214 = arith.constant 0 : i32
        %swap3A_1215 = arith.index_cast %swap3A_1213 : i32 to index
        %swap3A_1216 = arith.index_cast %swap3A_1214 : i32 to index
        %swap3A_1217 = arith.index_cast %add3A_1171 : i32 to index
        %swap3A_1218 = arith.constant 32 : index
        %swap3A_1219 = tpu.vector_load %arg12[%swap3A_1215, %swap3A_1216, %swap3A_1217, %swap3A_1218] {strides = array<i32>} : memref<2x4x128x48xf32, #tpu.memory_space<vmem>>, vector<16xf32>,
        tpu.vector_store %arg12[%swap3A_1215, %swap3A_1216, %swap3A_1217, %swap3A_1218], %mul3A_1212 {strides = array<i32>} : memref<2x4x128x48xf32, #tpu.memory_space<vmem>>, vector<16xf32>,
      }
      %scan3A_383 = arith.constant 32 : i32
      %get3A = arith.index_cast %add3A_377 : i32 to index
      %get3A_384 = arith.constant 0 : index
      %get3A_385 = tpu.vector_load %arg9[%get3A, %get3A_384] {strides = array<i32>} : memref<48x128xi32, #tpu.memory_space<vmem>>, vector<16xi32>,
      %get3A_386 = arith.index_cast %add3A_377 : i32 to index
      %get3A_387 = arith.constant 0 : index
      %get3A_388 = tpu.vector_load %arg11[%get3A_386, %get3A_387] {strides = array<i32>} : memref<48x128xf32, #tpu.memory_space<vmem>>, vector<16xf32>,
      tpu.vector_store_idx %arg13[%get3A_385], %get3A_388 {add = true} : memref<10000xf32, #tpu.memory_space<vmem>>[vector<16xi32>], vector<16xf32>,
      %get3A_389 = arith.index_cast %add3A_377 : i32 to index
      %get3A_390 = arith.constant 16 : index
      %get3A_391 = tpu.vector_load %arg9[%get3A_389, %get3A_390] {strides = array<i32>} : memref<48x128xi32, #tpu.memory_space<vmem>>, vector<16xi32>,
      %get3A_392 = arith.index_cast %add3A_377 : i32 to index
      %get3A_393 = arith.constant 16 : index
      %get3A_394 = tpu.vector_load %arg11[%get3A_392, %get3A_393] {strides = array<i32>} : memref<48x128xf32, #tpu.memory_space<vmem>>, vector<16xf32>,
      tpu.vector_store_idx %arg13[%get3A_391], %get3A_394 {add = true} : memref<10000xf32, #tpu.memory_space<vmem>>[vector<16xi32>], vector<16xf32>,
      %get3A_395 = arith.index_cast %add3A_377 : i32 to index
      %get3A_396 = arith.constant 32 : index
      %get3A_397 = tpu.vector_load %arg9[%get3A_395, %get3A_396] {strides = array<i32>} : memref<48x128xi32, #tpu.memory_space<vmem>>, vector<16xi32>,
      %get3A_398 = arith.index_cast %add3A_377 : i32 to index
      %get3A_399 = arith.constant 32 : index
      %get3A_400 = tpu.vector_load %arg11[%get3A_398, %get3A_399] {strides = array<i32>} : memref<48x128xf32, #tpu.memory_space<vmem>>, vector<16xf32>,
      tpu.vector_store_idx %arg13[%get3A_397], %get3A_400 {add = true} : memref<10000xf32, #tpu.memory_space<vmem>>[vector<16xi32>], vector<16xf32>,
      %get3A_401 = arith.index_cast %add3A_377 : i32 to index
      %get3A_402 = arith.constant 48 : index
      %get3A_403 = tpu.vector_load %arg9[%get3A_401, %get3A_402] {strides = array<i32>} : memref<48x128xi32, #tpu.memory_space<vmem>>, vector<16xi32>,
      %get3A_404 = arith.index_cast %add3A_377 : i32 to index
      %get3A_405 = arith.constant 48 : index
      %get3A_406 = tpu.vector_load %arg11[%get3A_404, %get3A_405] {strides = array<i32>} : memref<48x128xf32, #tpu.memory_space<vmem>>, vector<16xf32>,
      tpu.vector_store_idx %arg13[%get3A_403], %get3A_406 {add = true} : memref<10000xf32, #tpu.memory_space<vmem>>[vector<16xi32>], vector<16xf32>,
      %get3A_407 = arith.index_cast %add3A_377 : i32 to index
      %get3A_408 = arith.constant 64 : index
      %get3A_409 = tpu.vector_load %arg9[%get3A_407, %get3A_408] {strides = array<i32>} : memref<48x128xi32, #tpu.memory_space<vmem>>, vector<16xi32>,
      %get3A_410 = arith.index_cast %add3A_377 : i32 to index
      %get3A_411 = arith.constant 64 : index
      %get3A_412 = tpu.vector_load %arg11[%get3A_410, %get3A_411] {strides = array<i32>} : memref<48x128xf32, #tpu.memory_space<vmem>>, vector<16xf32>,
      tpu.vector_store_idx %arg13[%get3A_409], %get3A_412 {add = true} : memref<10000xf32, #tpu.memory_space<vmem>>[vector<16xi32>], vector<16xf32>,
      %get3A_413 = arith.index_cast %add3A_377 : i32 to index
      %get3A_414 = arith.constant 80 : index
      %get3A_415 = tpu.vector_load %arg9[%get3A_413, %get3A_414] {strides = array<i32>} : memref<48x128xi32, #tpu.memory_space<vmem>>, vector<16xi32>,
      %get3A_416 = arith.index_cast %add3A_377 : i32 to index
      %get3A_417 = arith.constant 80 : index
      %get3A_418 = tpu.vector_load %arg11[%get3A_416, %get3A_417] {strides = array<i32>} : memref<48x128xf32, #tpu.memory_space<vmem>>, vector<16xf32>,
      tpu.vector_store_idx %arg13[%get3A_415], %get3A_418 {add = true} : memref<10000xf32, #tpu.memory_space<vmem>>[vector<16xi32>], vector<16xf32>,
      %get3A_419 = arith.index_cast %add3A_377 : i32 to index
      %get3A_420 = arith.constant 96 : index
      %get3A_421 = tpu.vector_load %arg9[%get3A_419, %get3A_420] {strides = array<i32>} : memref<48x128xi32, #tpu.memory_space<vmem>>, vector<16xi32>,
      %get3A_422 = arith.index_cast %add3A_377 : i32 to index
      %get3A_423 = arith.constant 96 : index
      %get3A_424 = tpu.vector_load %arg11[%get3A_422, %get3A_423] {strides = array<i32>} : memref<48x128xf32, #tpu.memory_space<vmem>>, vector<16xf32>,
      tpu.vector_store_idx %arg13[%get3A_421], %get3A_424 {add = true} : memref<10000xf32, #tpu.memory_space<vmem>>[vector<16xi32>], vector<16xf32>,
      %get3A_425 = arith.index_cast %add3A_377 : i32 to index
      %get3A_426 = arith.constant 112 : index
      %get3A_427 = tpu.vector_load %arg9[%get3A_425, %get3A_426] {strides = array<i32>} : memref<48x128xi32, #tpu.memory_space<vmem>>, vector<16xi32>,
      %get3A_428 = arith.index_cast %add3A_377 : i32 to index
      %get3A_429 = arith.constant 112 : index
      %get3A_430 = tpu.vector_load %arg11[%get3A_428, %get3A_429] {strides = array<i32>} : memref<48x128xf32, #tpu.memory_space<vmem>>, vector<16xf32>,
      tpu.vector_store_idx %arg13[%get3A_427], %get3A_430 {add = true} : memref<10000xf32, #tpu.memory_space<vmem>>[vector<16xi32>], vector<16xf32>,
      %dma_start3A_431 = arith.constant 0 : i32
      %dma_start3A_432 = arith.constant 0 : i32
      %dma_start3A_433 = arith.constant 0 : i32
      %dma_start3A_434 = arith.constant 0 : i32
      %dma_start3A_435 = tpu.memref_slice %arg12[%dma_start3A_431, %dma_start3A_432, %dma_start3A_433, %dma_start3A_434] : memref<2x4x128x48xf32, #tpu.memory_space<vmem>> -> memref<1x1x128x48xf32, #tpu.memory_space<vmem>>
      %dma_start3A_436 = tpu.memref_squeeze %dma_start3A_435 : memref<1x1x128x48xf32, #tpu.memory_space<vmem>> -> memref<128x48xf32, #tpu.memory_space<vmem>>
      %dma_start3A_437 = arith.constant 0 : i32
      %dma_start3A_438 = tpu.memref_slice %arg9[%add3A_377, %dma_start3A_437] : memref<48x128xi32, #tpu.memory_space<vmem>> -> memref<1x128xi32, #tpu.memory_space<vmem>>
      %dma_start3A_439 = tpu.memref_squeeze %dma_start3A_438 : memref<1x128xi32, #tpu.memory_space<vmem>> -> memref<128xi32, #tpu.memory_space<vmem>>
      %dma_start3A_440 = arith.constant 0 : i32
      %dma_start3A_441 = arith.constant 0 : i32
      %dma_start3A_442 = tpu.memref_slice %arg15[%dma_start3A_440, %dma_start3A_441] : memref<10000x48xf32, #tpu.memory_space<vmem_shared>> -> memref<10000x48xf32, #tpu.memory_space<vmem_shared>>
      tpu.enqueue_indirect_dma source(%dma_start3A_436 : memref<128x48xf32, #tpu.memory_space<vmem>>) target(%dma_start3A_442 : memref<10000x48xf32, #tpu.memory_space<vmem_shared>>) offsets(%dma_start3A_439 : memref<128xi32, #tpu.memory_space<vmem>>) semaphore(%arg18 : memref<!tpu.dma_semaphore, #tpu.memory_space<semaphore_mem>>) {add = true}
      %mul3A_443 = arith.constant 4 : i32
      %mul3A_444 = arith.muli %mul3A_309, %mul3A_443 : i32
      %add3A_445 = arith.constant 1 : i32
      %add3A_446 = arith.addi %mul3A_444, %add3A_445 : i32
      %scan3A_447 = arith.constant 0 : i32
      %scan3A_448 = arith.constant 0 : i32
      %scan3A_449 = arith.constant 32 : i32
      %scan3A_450 = arith.addi %scan3A_448, %scan3A_449 : i32
      %scan3A_451 = arith.constant 1 : i32
      scf.for %scan3A_1012 = %scan3A_448 to %scan3A_450 step %scan3A_451  : i32 {
        %mul3A_1013 = arith.constant 4 : i32
        %mul3A_1014 = arith.muli %scan3A_1012, %mul3A_1013 : i32
        %add3A_1015 = arith.constant 0 : i32
        %add3A_1016 = arith.addi %mul3A_1014, %add3A_1015 : i32
        %broadcast_in_dim3A_1017 = vector.broadcast %add3A_446 : i32 to vector<16xi32>
        %broadcast_in_dim3A_1018 = vector.broadcast %add3A_1016 : i32 to vector<16xi32>
        %gather3A = tpu.vector_load_idx %arg11[%broadcast_in_dim3A_1017, %broadcast_in_dim3A_1018] : memref<48x128xf32, #tpu.memory_space<vmem>>[vector<16xi32>, vector<16xi32>], vector<16xf32>,
        %get3A_1019 = arith.constant 0 : i32
        %get3A_1020 = arith.constant 1 : i32
        %get3A_1021 = arith.index_cast %get3A_1019 : i32 to index
        %get3A_1022 = arith.index_cast %get3A_1020 : i32 to index
        %get3A_1023 = arith.index_cast %add3A_1016 : i32 to index
        %get3A_1024 = arith.constant 0 : index
        %get3A_1025 = tpu.vector_load %arg12[%get3A_1021, %get3A_1022, %get3A_1023, %get3A_1024] {strides = array<i32>} : memref<2x4x128x48xf32, #tpu.memory_space<vmem>>, vector<16xf32>,
        %mul3A_1026 = arith.mulf %get3A_1025, %gather3A : vector<16xf32>
        %swap3A_1027 = arith.constant 0 : i32
        %swap3A_1028 = arith.constant 1 : i32
        %swap3A_1029 = arith.index_cast %swap3A_1027 : i32 to index
        %swap3A_1030 = arith.index_cast %swap3A_1028 : i32 to index
        %swap3A_1031 = arith.index_cast %add3A_1016 : i32 to index
        %swap3A_1032 = arith.constant 0 : index
        %swap3A_1033 = tpu.vector_load %arg12[%swap3A_1029, %swap3A_1030, %swap3A_1031, %swap3A_1032] {strides = array<i32>} : memref<2x4x128x48xf32, #tpu.memory_space<vmem>>, vector<16xf32>,
        tpu.vector_store %arg12[%swap3A_1029, %swap3A_1030, %swap3A_1031, %swap3A_1032], %mul3A_1026 {strides = array<i32>} : memref<2x4x128x48xf32, #tpu.memory_space<vmem>>, vector<16xf32>,
        %get3A_1034 = arith.constant 0 : i32
        %get3A_1035 = arith.constant 1 : i32
        %get3A_1036 = arith.index_cast %get3A_1034 : i32 to index
        %get3A_1037 = arith.index_cast %get3A_1035 : i32 to index
        %get3A_1038 = arith.index_cast %add3A_1016 : i32 to index
        %get3A_1039 = arith.constant 16 : index
        %get3A_1040 = tpu.vector_load %arg12[%get3A_1036, %get3A_1037, %get3A_1038, %get3A_1039] {strides = array<i32>} : memref<2x4x128x48xf32, #tpu.memory_space<vmem>>, vector<16xf32>,
        %mul3A_1041 = arith.mulf %get3A_1040, %gather3A : vector<16xf32>
        %swap3A_1042 = arith.constant 0 : i32
        %swap3A_1043 = arith.constant 1 : i32
        %swap3A_1044 = arith.index_cast %swap3A_1042 : i32 to index
        %swap3A_1045 = arith.index_cast %swap3A_1043 : i32 to index
        %swap3A_1046 = arith.index_cast %add3A_1016 : i32 to index
        %swap3A_1047 = arith.constant 16 : index
        %swap3A_1048 = tpu.vector_load %arg12[%swap3A_1044, %swap3A_1045, %swap3A_1046, %swap3A_1047] {strides = array<i32>} : memref<2x4x128x48xf32, #tpu.memory_space<vmem>>, vector<16xf32>,
        tpu.vector_store %arg12[%swap3A_1044, %swap3A_1045, %swap3A_1046, %swap3A_1047], %mul3A_1041 {strides = array<i32>} : memref<2x4x128x48xf32, #tpu.memory_space<vmem>>, vector<16xf32>,
        %get3A_1049 = arith.constant 0 : i32
        %get3A_1050 = arith.constant 1 : i32
        %get3A_1051 = arith.index_cast %get3A_1049 : i32 to index
        %get3A_1052 = arith.index_cast %get3A_1050 : i32 to index
        %get3A_1053 = arith.index_cast %add3A_1016 : i32 to index
        %get3A_1054 = arith.constant 32 : index
        %get3A_1055 = tpu.vector_load %arg12[%get3A_1051, %get3A_1052, %get3A_1053, %get3A_1054] {strides = array<i32>} : memref<2x4x128x48xf32, #tpu.memory_space<vmem>>, vector<16xf32>,
        %mul3A_1056 = arith.mulf %get3A_1055, %gather3A : vector<16xf32>
        %swap3A_1057 = arith.constant 0 : i32
        %swap3A_1058 = arith.constant 1 : i32
        %swap3A_1059 = arith.index_cast %swap3A_1057 : i32 to index
        %swap3A_1060 = arith.index_cast %swap3A_1058 : i32 to index
        %swap3A_1061 = arith.index_cast %add3A_1016 : i32 to index
        %swap3A_1062 = arith.constant 32 : index
        %swap3A_1063 = tpu.vector_load %arg12[%swap3A_1059, %swap3A_1060, %swap3A_1061, %swap3A_1062] {strides = array<i32>} : memref<2x4x128x48xf32, #tpu.memory_space<vmem>>, vector<16xf32>,
        tpu.vector_store %arg12[%swap3A_1059, %swap3A_1060, %swap3A_1061, %swap3A_1062], %mul3A_1056 {strides = array<i32>} : memref<2x4x128x48xf32, #tpu.memory_space<vmem>>, vector<16xf32>,
        %mul3A_1064 = arith.constant 4 : i32
        %mul3A_1065 = arith.muli %scan3A_1012, %mul3A_1064 : i32
        %add3A_1066 = arith.constant 1 : i32
        %add3A_1067 = arith.addi %mul3A_1065, %add3A_1066 : i32
        %broadcast_in_dim3A_1068 = vector.broadcast %add3A_446 : i32 to vector<16xi32>
        %broadcast_in_dim3A_1069 = vector.broadcast %add3A_1067 : i32 to vector<16xi32>
        %gather3A_1070 = tpu.vector_load_idx %arg11[%broadcast_in_dim3A_1068, %broadcast_in_dim3A_1069] : memref<48x128xf32, #tpu.memory_space<vmem>>[vector<16xi32>, vector<16xi32>], vector<16xf32>,
        %get3A_1071 = arith.constant 0 : i32
        %get3A_1072 = arith.constant 1 : i32
        %get3A_1073 = arith.index_cast %get3A_1071 : i32 to index
        %get3A_1074 = arith.index_cast %get3A_1072 : i32 to index
        %get3A_1075 = arith.index_cast %add3A_1067 : i32 to index
        %get3A_1076 = arith.constant 0 : index
        %get3A_1077 = tpu.vector_load %arg12[%get3A_1073, %get3A_1074, %get3A_1075, %get3A_1076] {strides = array<i32>} : memref<2x4x128x48xf32, #tpu.memory_space<vmem>>, vector<16xf32>,
        %mul3A_1078 = arith.mulf %get3A_1077, %gather3A_1070 : vector<16xf32>
        %swap3A_1079 = arith.constant 0 : i32
        %swap3A_1080 = arith.constant 1 : i32
        %swap3A_1081 = arith.index_cast %swap3A_1079 : i32 to index
        %swap3A_1082 = arith.index_cast %swap3A_1080 : i32 to index
        %swap3A_1083 = arith.index_cast %add3A_1067 : i32 to index
        %swap3A_1084 = arith.constant 0 : index
        %swap3A_1085 = tpu.vector_load %arg12[%swap3A_1081, %swap3A_1082, %swap3A_1083, %swap3A_1084] {strides = array<i32>} : memref<2x4x128x48xf32, #tpu.memory_space<vmem>>, vector<16xf32>,
        tpu.vector_store %arg12[%swap3A_1081, %swap3A_1082, %swap3A_1083, %swap3A_1084], %mul3A_1078 {strides = array<i32>} : memref<2x4x128x48xf32, #tpu.memory_space<vmem>>, vector<16xf32>,
        %get3A_1086 = arith.constant 0 : i32
        %get3A_1087 = arith.constant 1 : i32
        %get3A_1088 = arith.index_cast %get3A_1086 : i32 to index
        %get3A_1089 = arith.index_cast %get3A_1087 : i32 to index
        %get3A_1090 = arith.index_cast %add3A_1067 : i32 to index
        %get3A_1091 = arith.constant 16 : index
        %get3A_1092 = tpu.vector_load %arg12[%get3A_1088, %get3A_1089, %get3A_1090, %get3A_1091] {strides = array<i32>} : memref<2x4x128x48xf32, #tpu.memory_space<vmem>>, vector<16xf32>,
        %mul3A_1093 = arith.mulf %get3A_1092, %gather3A_1070 : vector<16xf32>
        %swap3A_1094 = arith.constant 0 : i32
        %swap3A_1095 = arith.constant 1 : i32
        %swap3A_1096 = arith.index_cast %swap3A_1094 : i32 to index
        %swap3A_1097 = arith.index_cast %swap3A_1095 : i32 to index
        %swap3A_1098 = arith.index_cast %add3A_1067 : i32 to index
        %swap3A_1099 = arith.constant 16 : index
        %swap3A_1100 = tpu.vector_load %arg12[%swap3A_1096, %swap3A_1097, %swap3A_1098, %swap3A_1099] {strides = array<i32>} : memref<2x4x128x48xf32, #tpu.memory_space<vmem>>, vector<16xf32>,
        tpu.vector_store %arg12[%swap3A_1096, %swap3A_1097, %swap3A_1098, %swap3A_1099], %mul3A_1093 {strides = array<i32>} : memref<2x4x128x48xf32, #tpu.memory_space<vmem>>, vector<16xf32>,
        %get3A_1101 = arith.constant 0 : i32
        %get3A_1102 = arith.constant 1 : i32
        %get3A_1103 = arith.index_cast %get3A_1101 : i32 to index
        %get3A_1104 = arith.index_cast %get3A_1102 : i32 to index
        %get3A_1105 = arith.index_cast %add3A_1067 : i32 to index
        %get3A_1106 = arith.constant 32 : index
        %get3A_1107 = tpu.vector_load %arg12[%get3A_1103, %get3A_1104, %get3A_1105, %get3A_1106] {strides = array<i32>} : memref<2x4x128x48xf32, #tpu.memory_space<vmem>>, vector<16xf32>,
        %mul3A_1108 = arith.mulf %get3A_1107, %gather3A_1070 : vector<16xf32>
        %swap3A_1109 = arith.constant 0 : i32
        %swap3A_1110 = arith.constant 1 : i32
        %swap3A_1111 = arith.index_cast %swap3A_1109 : i32 to index
        %swap3A_1112 = arith.index_cast %swap3A_1110 : i32 to index
        %swap3A_1113 = arith.index_cast %add3A_1067 : i32 to index
        %swap3A_1114 = arith.constant 32 : index
        %swap3A_1115 = tpu.vector_load %arg12[%swap3A_1111, %swap3A_1112, %swap3A_1113, %swap3A_1114] {strides = array<i32>} : memref<2x4x128x48xf32, #tpu.memory_space<vmem>>, vector<16xf32>,
        tpu.vector_store %arg12[%swap3A_1111, %swap3A_1112, %swap3A_1113, %swap3A_1114], %mul3A_1108 {strides = array<i32>} : memref<2x4x128x48xf32, #tpu.memory_space<vmem>>, vector<16xf32>,
        %mul3A_1116 = arith.constant 4 : i32
        %mul3A_1117 = arith.muli %scan3A_1012, %mul3A_1116 : i32
        %add3A_1118 = arith.constant 2 : i32
        %add3A_1119 = arith.addi %mul3A_1117, %add3A_1118 : i32
        %broadcast_in_dim3A_1120 = vector.broadcast %add3A_446 : i32 to vector<16xi32>
        %broadcast_in_dim3A_1121 = vector.broadcast %add3A_1119 : i32 to vector<16xi32>
        %gather3A_1122 = tpu.vector_load_idx %arg11[%broadcast_in_dim3A_1120, %broadcast_in_dim3A_1121] : memref<48x128xf32, #tpu.memory_space<vmem>>[vector<16xi32>, vector<16xi32>], vector<16xf32>,
        %get3A_1123 = arith.constant 0 : i32
        %get3A_1124 = arith.constant 1 : i32
        %get3A_1125 = arith.index_cast %get3A_1123 : i32 to index
        %get3A_1126 = arith.index_cast %get3A_1124 : i32 to index
        %get3A_1127 = arith.index_cast %add3A_1119 : i32 to index
        %get3A_1128 = arith.constant 0 : index
        %get3A_1129 = tpu.vector_load %arg12[%get3A_1125, %get3A_1126, %get3A_1127, %get3A_1128] {strides = array<i32>} : memref<2x4x128x48xf32, #tpu.memory_space<vmem>>, vector<16xf32>,
        %mul3A_1130 = arith.mulf %get3A_1129, %gather3A_1122 : vector<16xf32>
        %swap3A_1131 = arith.constant 0 : i32
        %swap3A_1132 = arith.constant 1 : i32
        %swap3A_1133 = arith.index_cast %swap3A_1131 : i32 to index
        %swap3A_1134 = arith.index_cast %swap3A_1132 : i32 to index
        %swap3A_1135 = arith.index_cast %add3A_1119 : i32 to index
        %swap3A_1136 = arith.constant 0 : index
        %swap3A_1137 = tpu.vector_load %arg12[%swap3A_1133, %swap3A_1134, %swap3A_1135, %swap3A_1136] {strides = array<i32>} : memref<2x4x128x48xf32, #tpu.memory_space<vmem>>, vector<16xf32>,
        tpu.vector_store %arg12[%swap3A_1133, %swap3A_1134, %swap3A_1135, %swap3A_1136], %mul3A_1130 {strides = array<i32>} : memref<2x4x128x48xf32, #tpu.memory_space<vmem>>, vector<16xf32>,
        %get3A_1138 = arith.constant 0 : i32
        %get3A_1139 = arith.constant 1 : i32
        %get3A_1140 = arith.index_cast %get3A_1138 : i32 to index
        %get3A_1141 = arith.index_cast %get3A_1139 : i32 to index
        %get3A_1142 = arith.index_cast %add3A_1119 : i32 to index
        %get3A_1143 = arith.constant 16 : index
        %get3A_1144 = tpu.vector_load %arg12[%get3A_1140, %get3A_1141, %get3A_1142, %get3A_1143] {strides = array<i32>} : memref<2x4x128x48xf32, #tpu.memory_space<vmem>>, vector<16xf32>,
        %mul3A_1145 = arith.mulf %get3A_1144, %gather3A_1122 : vector<16xf32>
        %swap3A_1146 = arith.constant 0 : i32
        %swap3A_1147 = arith.constant 1 : i32
        %swap3A_1148 = arith.index_cast %swap3A_1146 : i32 to index
        %swap3A_1149 = arith.index_cast %swap3A_1147 : i32 to index
        %swap3A_1150 = arith.index_cast %add3A_1119 : i32 to index
        %swap3A_1151 = arith.constant 16 : index
        %swap3A_1152 = tpu.vector_load %arg12[%swap3A_1148, %swap3A_1149, %swap3A_1150, %swap3A_1151] {strides = array<i32>} : memref<2x4x128x48xf32, #tpu.memory_space<vmem>>, vector<16xf32>,
        tpu.vector_store %arg12[%swap3A_1148, %swap3A_1149, %swap3A_1150, %swap3A_1151], %mul3A_1145 {strides = array<i32>} : memref<2x4x128x48xf32, #tpu.memory_space<vmem>>, vector<16xf32>,
        %get3A_1153 = arith.constant 0 : i32
        %get3A_1154 = arith.constant 1 : i32
        %get3A_1155 = arith.index_cast %get3A_1153 : i32 to index
        %get3A_1156 = arith.index_cast %get3A_1154 : i32 to index
        %get3A_1157 = arith.index_cast %add3A_1119 : i32 to index
        %get3A_1158 = arith.constant 32 : index
        %get3A_1159 = tpu.vector_load %arg12[%get3A_1155, %get3A_1156, %get3A_1157, %get3A_1158] {strides = array<i32>} : memref<2x4x128x48xf32, #tpu.memory_space<vmem>>, vector<16xf32>,
        %mul3A_1160 = arith.mulf %get3A_1159, %gather3A_1122 : vector<16xf32>
        %swap3A_1161 = arith.constant 0 : i32
        %swap3A_1162 = arith.constant 1 : i32
        %swap3A_1163 = arith.index_cast %swap3A_1161 : i32 to index
        %swap3A_1164 = arith.index_cast %swap3A_1162 : i32 to index
        %swap3A_1165 = arith.index_cast %add3A_1119 : i32 to index
        %swap3A_1166 = arith.constant 32 : index
        %swap3A_1167 = tpu.vector_load %arg12[%swap3A_1163, %swap3A_1164, %swap3A_1165, %swap3A_1166] {strides = array<i32>} : memref<2x4x128x48xf32, #tpu.memory_space<vmem>>, vector<16xf32>,
        tpu.vector_store %arg12[%swap3A_1163, %swap3A_1164, %swap3A_1165, %swap3A_1166], %mul3A_1160 {strides = array<i32>} : memref<2x4x128x48xf32, #tpu.memory_space<vmem>>, vector<16xf32>,
        %mul3A_1168 = arith.constant 4 : i32
        %mul3A_1169 = arith.muli %scan3A_1012, %mul3A_1168 : i32
        %add3A_1170 = arith.constant 3 : i32
        %add3A_1171 = arith.addi %mul3A_1169, %add3A_1170 : i32
        %broadcast_in_dim3A_1172 = vector.broadcast %add3A_446 : i32 to vector<16xi32>
        %broadcast_in_dim3A_1173 = vector.broadcast %add3A_1171 : i32 to vector<16xi32>
        %gather3A_1174 = tpu.vector_load_idx %arg11[%broadcast_in_dim3A_1172, %broadcast_in_dim3A_1173] : memref<48x128xf32, #tpu.memory_space<vmem>>[vector<16xi32>, vector<16xi32>], vector<16xf32>,
        %get3A_1175 = arith.constant 0 : i32
        %get3A_1176 = arith.constant 1 : i32
        %get3A_1177 = arith.index_cast %get3A_1175 : i32 to index
        %get3A_1178 = arith.index_cast %get3A_1176 : i32 to index
        %get3A_1179 = arith.index_cast %add3A_1171 : i32 to index
        %get3A_1180 = arith.constant 0 : index
        %get3A_1181 = tpu.vector_load %arg12[%get3A_1177, %get3A_1178, %get3A_1179, %get3A_1180] {strides = array<i32>} : memref<2x4x128x48xf32, #tpu.memory_space<vmem>>, vector<16xf32>,
        %mul3A_1182 = arith.mulf %get3A_1181, %gather3A_1174 : vector<16xf32>
        %swap3A_1183 = arith.constant 0 : i32
        %swap3A_1184 = arith.constant 1 : i32
        %swap3A_1185 = arith.index_cast %swap3A_1183 : i32 to index
        %swap3A_1186 = arith.index_cast %swap3A_1184 : i32 to index
        %swap3A_1187 = arith.index_cast %add3A_1171 : i32 to index
        %swap3A_1188 = arith.constant 0 : index
        %swap3A_1189 = tpu.vector_load %arg12[%swap3A_1185, %swap3A_1186, %swap3A_1187, %swap3A_1188] {strides = array<i32>} : memref<2x4x128x48xf32, #tpu.memory_space<vmem>>, vector<16xf32>,
        tpu.vector_store %arg12[%swap3A_1185, %swap3A_1186, %swap3A_1187, %swap3A_1188], %mul3A_1182 {strides = array<i32>} : memref<2x4x128x48xf32, #tpu.memory_space<vmem>>, vector<16xf32>,
        %get3A_1190 = arith.constant 0 : i32
        %get3A_1191 = arith.constant 1 : i32
        %get3A_1192 = arith.index_cast %get3A_1190 : i32 to index
        %get3A_1193 = arith.index_cast %get3A_1191 : i32 to index
        %get3A_1194 = arith.index_cast %add3A_1171 : i32 to index
        %get3A_1195 = arith.constant 16 : index
        %get3A_1196 = tpu.vector_load %arg12[%get3A_1192, %get3A_1193, %get3A_1194, %get3A_1195] {strides = array<i32>} : memref<2x4x128x48xf32, #tpu.memory_space<vmem>>, vector<16xf32>,
        %mul3A_1197 = arith.mulf %get3A_1196, %gather3A_1174 : vector<16xf32>
        %swap3A_1198 = arith.constant 0 : i32
        %swap3A_1199 = arith.constant 1 : i32
        %swap3A_1200 = arith.index_cast %swap3A_1198 : i32 to index
        %swap3A_1201 = arith.index_cast %swap3A_1199 : i32 to index
        %swap3A_1202 = arith.index_cast %add3A_1171 : i32 to index
        %swap3A_1203 = arith.constant 16 : index
        %swap3A_1204 = tpu.vector_load %arg12[%swap3A_1200, %swap3A_1201, %swap3A_1202, %swap3A_1203] {strides = array<i32>} : memref<2x4x128x48xf32, #tpu.memory_space<vmem>>, vector<16xf32>,
        tpu.vector_store %arg12[%swap3A_1200, %swap3A_1201, %swap3A_1202, %swap3A_1203], %mul3A_1197 {strides = array<i32>} : memref<2x4x128x48xf32, #tpu.memory_space<vmem>>, vector<16xf32>,
        %get3A_1205 = arith.constant 0 : i32
        %get3A_1206 = arith.constant 1 : i32
        %get3A_1207 = arith.index_cast %get3A_1205 : i32 to index
        %get3A_1208 = arith.index_cast %get3A_1206 : i32 to index
        %get3A_1209 = arith.index_cast %add3A_1171 : i32 to index
        %get3A_1210 = arith.constant 32 : index
        %get3A_1211 = tpu.vector_load %arg12[%get3A_1207, %get3A_1208, %get3A_1209, %get3A_1210] {strides = array<i32>} : memref<2x4x128x48xf32, #tpu.memory_space<vmem>>, vector<16xf32>,
        %mul3A_1212 = arith.mulf %get3A_1211, %gather3A_1174 : vector<16xf32>
        %swap3A_1213 = arith.constant 0 : i32
        %swap3A_1214 = arith.constant 1 : i32
        %swap3A_1215 = arith.index_cast %swap3A_1213 : i32 to index
        %swap3A_1216 = arith.index_cast %swap3A_1214 : i32 to index
        %swap3A_1217 = arith.index_cast %add3A_1171 : i32 to index
        %swap3A_1218 = arith.constant 32 : index
        %swap3A_1219 = tpu.vector_load %arg12[%swap3A_1215, %swap3A_1216, %swap3A_1217, %swap3A_1218] {strides = array<i32>} : memref<2x4x128x48xf32, #tpu.memory_space<vmem>>, vector<16xf32>,
        tpu.vector_store %arg12[%swap3A_1215, %swap3A_1216, %swap3A_1217, %swap3A_1218], %mul3A_1212 {strides = array<i32>} : memref<2x4x128x48xf32, #tpu.memory_space<vmem>>, vector<16xf32>,
      }
      %scan3A_452 = arith.constant 32 : i32
      %get3A_453 = arith.index_cast %add3A_446 : i32 to index
      %get3A_454 = arith.constant 0 : index
      %get3A_455 = tpu.vector_load %arg9[%get3A_453, %get3A_454] {strides = array<i32>} : memref<48x128xi32, #tpu.memory_space<vmem>>, vector<16xi32>,
      %get3A_456 = arith.index_cast %add3A_446 : i32 to index
      %get3A_457 = arith.constant 0 : index
      %get3A_458 = tpu.vector_load %arg11[%get3A_456, %get3A_457] {strides = array<i32>} : memref<48x128xf32, #tpu.memory_space<vmem>>, vector<16xf32>,
      tpu.vector_store_idx %arg13[%get3A_455], %get3A_458 {add = true} : memref<10000xf32, #tpu.memory_space<vmem>>[vector<16xi32>], vector<16xf32>,
      %get3A_459 = arith.index_cast %add3A_446 : i32 to index
      %get3A_460 = arith.constant 16 : index
      %get3A_461 = tpu.vector_load %arg9[%get3A_459, %get3A_460] {strides = array<i32>} : memref<48x128xi32, #tpu.memory_space<vmem>>, vector<16xi32>,
      %get3A_462 = arith.index_cast %add3A_446 : i32 to index
      %get3A_463 = arith.constant 16 : index
      %get3A_464 = tpu.vector_load %arg11[%get3A_462, %get3A_463] {strides = array<i32>} : memref<48x128xf32, #tpu.memory_space<vmem>>, vector<16xf32>,
      tpu.vector_store_idx %arg13[%get3A_461], %get3A_464 {add = true} : memref<10000xf32, #tpu.memory_space<vmem>>[vector<16xi32>], vector<16xf32>,
      %get3A_465 = arith.index_cast %add3A_446 : i32 to index
      %get3A_466 = arith.constant 32 : index
      %get3A_467 = tpu.vector_load %arg9[%get3A_465, %get3A_466] {strides = array<i32>} : memref<48x128xi32, #tpu.memory_space<vmem>>, vector<16xi32>,
      %get3A_468 = arith.index_cast %add3A_446 : i32 to index
      %get3A_469 = arith.constant 32 : index
      %get3A_470 = tpu.vector_load %arg11[%get3A_468, %get3A_469] {strides = array<i32>} : memref<48x128xf32, #tpu.memory_space<vmem>>, vector<16xf32>,
      tpu.vector_store_idx %arg13[%get3A_467], %get3A_470 {add = true} : memref<10000xf32, #tpu.memory_space<vmem>>[vector<16xi32>], vector<16xf32>,
      %get3A_471 = arith.index_cast %add3A_446 : i32 to index
      %get3A_472 = arith.constant 48 : index
      %get3A_473 = tpu.vector_load %arg9[%get3A_471, %get3A_472] {strides = array<i32>} : memref<48x128xi32, #tpu.memory_space<vmem>>, vector<16xi32>,
      %get3A_474 = arith.index_cast %add3A_446 : i32 to index
      %get3A_475 = arith.constant 48 : index
      %get3A_476 = tpu.vector_load %arg11[%get3A_474, %get3A_475] {strides = array<i32>} : memref<48x128xf32, #tpu.memory_space<vmem>>, vector<16xf32>,
      tpu.vector_store_idx %arg13[%get3A_473], %get3A_476 {add = true} : memref<10000xf32, #tpu.memory_space<vmem>>[vector<16xi32>], vector<16xf32>,
      %get3A_477 = arith.index_cast %add3A_446 : i32 to index
      %get3A_478 = arith.constant 64 : index
      %get3A_479 = tpu.vector_load %arg9[%get3A_477, %get3A_478] {strides = array<i32>} : memref<48x128xi32, #tpu.memory_space<vmem>>, vector<16xi32>,
      %get3A_480 = arith.index_cast %add3A_446 : i32 to index
      %get3A_481 = arith.constant 64 : index
      %get3A_482 = tpu.vector_load %arg11[%get3A_480, %get3A_481] {strides = array<i32>} : memref<48x128xf32, #tpu.memory_space<vmem>>, vector<16xf32>,
      tpu.vector_store_idx %arg13[%get3A_479], %get3A_482 {add = true} : memref<10000xf32, #tpu.memory_space<vmem>>[vector<16xi32>], vector<16xf32>,
      %get3A_483 = arith.index_cast %add3A_446 : i32 to index
      %get3A_484 = arith.constant 80 : index
      %get3A_485 = tpu.vector_load %arg9[%get3A_483, %get3A_484] {strides = array<i32>} : memref<48x128xi32, #tpu.memory_space<vmem>>, vector<16xi32>,
      %get3A_486 = arith.index_cast %add3A_446 : i32 to index
      %get3A_487 = arith.constant 80 : index
      %get3A_488 = tpu.vector_load %arg11[%get3A_486, %get3A_487] {strides = array<i32>} : memref<48x128xf32, #tpu.memory_space<vmem>>, vector<16xf32>,
      tpu.vector_store_idx %arg13[%get3A_485], %get3A_488 {add = true} : memref<10000xf32, #tpu.memory_space<vmem>>[vector<16xi32>], vector<16xf32>,
      %get3A_489 = arith.index_cast %add3A_446 : i32 to index
      %get3A_490 = arith.constant 96 : index
      %get3A_491 = tpu.vector_load %arg9[%get3A_489, %get3A_490] {strides = array<i32>} : memref<48x128xi32, #tpu.memory_space<vmem>>, vector<16xi32>,
      %get3A_492 = arith.index_cast %add3A_446 : i32 to index
      %get3A_493 = arith.constant 96 : index
      %get3A_494 = tpu.vector_load %arg11[%get3A_492, %get3A_493] {strides = array<i32>} : memref<48x128xf32, #tpu.memory_space<vmem>>, vector<16xf32>,
      tpu.vector_store_idx %arg13[%get3A_491], %get3A_494 {add = true} : memref<10000xf32, #tpu.memory_space<vmem>>[vector<16xi32>], vector<16xf32>,
      %get3A_495 = arith.index_cast %add3A_446 : i32 to index
      %get3A_496 = arith.constant 112 : index
      %get3A_497 = tpu.vector_load %arg9[%get3A_495, %get3A_496] {strides = array<i32>} : memref<48x128xi32, #tpu.memory_space<vmem>>, vector<16xi32>,
      %get3A_498 = arith.index_cast %add3A_446 : i32 to index
      %get3A_499 = arith.constant 112 : index
      %get3A_500 = tpu.vector_load %arg11[%get3A_498, %get3A_499] {strides = array<i32>} : memref<48x128xf32, #tpu.memory_space<vmem>>, vector<16xf32>,
      tpu.vector_store_idx %arg13[%get3A_497], %get3A_500 {add = true} : memref<10000xf32, #tpu.memory_space<vmem>>[vector<16xi32>], vector<16xf32>,
      %dma_start3A_501 = arith.constant 0 : i32
      %dma_start3A_502 = arith.constant 1 : i32
      %dma_start3A_503 = arith.constant 0 : i32
      %dma_start3A_504 = arith.constant 0 : i32
      %dma_start3A_505 = tpu.memref_slice %arg12[%dma_start3A_501, %dma_start3A_502, %dma_start3A_503, %dma_start3A_504] : memref<2x4x128x48xf32, #tpu.memory_space<vmem>> -> memref<1x1x128x48xf32, #tpu.memory_space<vmem>>
      %dma_start3A_506 = tpu.memref_squeeze %dma_start3A_505 : memref<1x1x128x48xf32, #tpu.memory_space<vmem>> -> memref<128x48xf32, #tpu.memory_space<vmem>>
      %dma_start3A_507 = arith.constant 0 : i32
      %dma_start3A_508 = tpu.memref_slice %arg9[%add3A_446, %dma_start3A_507] : memref<48x128xi32, #tpu.memory_space<vmem>> -> memref<1x128xi32, #tpu.memory_space<vmem>>
      %dma_start3A_509 = tpu.memref_squeeze %dma_start3A_508 : memref<1x128xi32, #tpu.memory_space<vmem>> -> memref<128xi32, #tpu.memory_space<vmem>>
      %dma_start3A_510 = arith.constant 0 : i32
      %dma_start3A_511 = arith.constant 0 : i32
      %dma_start3A_512 = tpu.memref_slice %arg15[%dma_start3A_510, %dma_start3A_511] : memref<10000x48xf32, #tpu.memory_space<vmem_shared>> -> memref<10000x48xf32, #tpu.memory_space<vmem_shared>>
      tpu.enqueue_indirect_dma source(%dma_start3A_506 : memref<128x48xf32, #tpu.memory_space<vmem>>) target(%dma_start3A_512 : memref<10000x48xf32, #tpu.memory_space<vmem_shared>>) offsets(%dma_start3A_509 : memref<128xi32, #tpu.memory_space<vmem>>) semaphore(%arg18 : memref<!tpu.dma_semaphore, #tpu.memory_space<semaphore_mem>>) {add = true}
      %mul3A_513 = arith.constant 4 : i32
      %mul3A_514 = arith.muli %mul3A_309, %mul3A_513 : i32
      %add3A_515 = arith.constant 2 : i32
      %add3A_516 = arith.addi %mul3A_514, %add3A_515 : i32
      %scan3A_517 = arith.constant 0 : i32
      %scan3A_518 = arith.constant 0 : i32
      %scan3A_519 = arith.constant 32 : i32
      %scan3A_520 = arith.addi %scan3A_518, %scan3A_519 : i32
      %scan3A_521 = arith.constant 1 : i32
      scf.for %scan3A_1012 = %scan3A_518 to %scan3A_520 step %scan3A_521  : i32 {
        %mul3A_1013 = arith.constant 4 : i32
        %mul3A_1014 = arith.muli %scan3A_1012, %mul3A_1013 : i32
        %add3A_1015 = arith.constant 0 : i32
        %add3A_1016 = arith.addi %mul3A_1014, %add3A_1015 : i32
        %broadcast_in_dim3A_1017 = vector.broadcast %add3A_516 : i32 to vector<16xi32>
        %broadcast_in_dim3A_1018 = vector.broadcast %add3A_1016 : i32 to vector<16xi32>
        %gather3A = tpu.vector_load_idx %arg11[%broadcast_in_dim3A_1017, %broadcast_in_dim3A_1018] : memref<48x128xf32, #tpu.memory_space<vmem>>[vector<16xi32>, vector<16xi32>], vector<16xf32>,
        %get3A_1019 = arith.constant 0 : i32
        %get3A_1020 = arith.constant 2 : i32
        %get3A_1021 = arith.index_cast %get3A_1019 : i32 to index
        %get3A_1022 = arith.index_cast %get3A_1020 : i32 to index
        %get3A_1023 = arith.index_cast %add3A_1016 : i32 to index
        %get3A_1024 = arith.constant 0 : index
        %get3A_1025 = tpu.vector_load %arg12[%get3A_1021, %get3A_1022, %get3A_1023, %get3A_1024] {strides = array<i32>} : memref<2x4x128x48xf32, #tpu.memory_space<vmem>>, vector<16xf32>,
        %mul3A_1026 = arith.mulf %get3A_1025, %gather3A : vector<16xf32>
        %swap3A_1027 = arith.constant 0 : i32
        %swap3A_1028 = arith.constant 2 : i32
        %swap3A_1029 = arith.index_cast %swap3A_1027 : i32 to index
        %swap3A_1030 = arith.index_cast %swap3A_1028 : i32 to index
        %swap3A_1031 = arith.index_cast %add3A_1016 : i32 to index
        %swap3A_1032 = arith.constant 0 : index
        %swap3A_1033 = tpu.vector_load %arg12[%swap3A_1029, %swap3A_1030, %swap3A_1031, %swap3A_1032] {strides = array<i32>} : memref<2x4x128x48xf32, #tpu.memory_space<vmem>>, vector<16xf32>,
        tpu.vector_store %arg12[%swap3A_1029, %swap3A_1030, %swap3A_1031, %swap3A_1032], %mul3A_1026 {strides = array<i32>} : memref<2x4x128x48xf32, #tpu.memory_space<vmem>>, vector<16xf32>,
        %get3A_1034 = arith.constant 0 : i32
        %get3A_1035 = arith.constant 2 : i32
        %get3A_1036 = arith.index_cast %get3A_1034 : i32 to index
        %get3A_1037 = arith.index_cast %get3A_1035 : i32 to index
        %get3A_1038 = arith.index_cast %add3A_1016 : i32 to index
        %get3A_1039 = arith.constant 16 : index
        %get3A_1040 = tpu.vector_load %arg12[%get3A_1036, %get3A_1037, %get3A_1038, %get3A_1039] {strides = array<i32>} : memref<2x4x128x48xf32, #tpu.memory_space<vmem>>, vector<16xf32>,
        %mul3A_1041 = arith.mulf %get3A_1040, %gather3A : vector<16xf32>
        %swap3A_1042 = arith.constant 0 : i32
        %swap3A_1043 = arith.constant 2 : i32
        %swap3A_1044 = arith.index_cast %swap3A_1042 : i32 to index
        %swap3A_1045 = arith.index_cast %swap3A_1043 : i32 to index
        %swap3A_1046 = arith.index_cast %add3A_1016 : i32 to index
        %swap3A_1047 = arith.constant 16 : index
        %swap3A_1048 = tpu.vector_load %arg12[%swap3A_1044, %swap3A_1045, %swap3A_1046, %swap3A_1047] {strides = array<i32>} : memref<2x4x128x48xf32, #tpu.memory_space<vmem>>, vector<16xf32>,
        tpu.vector_store %arg12[%swap3A_1044, %swap3A_1045, %swap3A_1046, %swap3A_1047], %mul3A_1041 {strides = array<i32>} : memref<2x4x128x48xf32, #tpu.memory_space<vmem>>, vector<16xf32>,
        %get3A_1049 = arith.constant 0 : i32
        %get3A_1050 = arith.constant 2 : i32
        %get3A_1051 = arith.index_cast %get3A_1049 : i32 to index
        %get3A_1052 = arith.index_cast %get3A_1050 : i32 to index
        %get3A_1053 = arith.index_cast %add3A_1016 : i32 to index
        %get3A_1054 = arith.constant 32 : index
        %get3A_1055 = tpu.vector_load %arg12[%get3A_1051, %get3A_1052, %get3A_1053, %get3A_1054] {strides = array<i32>} : memref<2x4x128x48xf32, #tpu.memory_space<vmem>>, vector<16xf32>,
        %mul3A_1056 = arith.mulf %get3A_1055, %gather3A : vector<16xf32>
        %swap3A_1057 = arith.constant 0 : i32
        %swap3A_1058 = arith.constant 2 : i32
        %swap3A_1059 = arith.index_cast %swap3A_1057 : i32 to index
        %swap3A_1060 = arith.index_cast %swap3A_1058 : i32 to index
        %swap3A_1061 = arith.index_cast %add3A_1016 : i32 to index
        %swap3A_1062 = arith.constant 32 : index
        %swap3A_1063 = tpu.vector_load %arg12[%swap3A_1059, %swap3A_1060, %swap3A_1061, %swap3A_1062] {strides = array<i32>} : memref<2x4x128x48xf32, #tpu.memory_space<vmem>>, vector<16xf32>,
        tpu.vector_store %arg12[%swap3A_1059, %swap3A_1060, %swap3A_1061, %swap3A_1062], %mul3A_1056 {strides = array<i32>} : memref<2x4x128x48xf32, #tpu.memory_space<vmem>>, vector<16xf32>,
        %mul3A_1064 = arith.constant 4 : i32
        %mul3A_1065 = arith.muli %scan3A_1012, %mul3A_1064 : i32
        %add3A_1066 = arith.constant 1 : i32
        %add3A_1067 = arith.addi %mul3A_1065, %add3A_1066 : i32
        %broadcast_in_dim3A_1068 = vector.broadcast %add3A_516 : i32 to vector<16xi32>
        %broadcast_in_dim3A_1069 = vector.broadcast %add3A_1067 : i32 to vector<16xi32>
        %gather3A_1070 = tpu.vector_load_idx %arg11[%broadcast_in_dim3A_1068, %broadcast_in_dim3A_1069] : memref<48x128xf32, #tpu.memory_space<vmem>>[vector<16xi32>, vector<16xi32>], vector<16xf32>,
        %get3A_1071 = arith.constant 0 : i32
        %get3A_1072 = arith.constant 2 : i32
        %get3A_1073 = arith.index_cast %get3A_1071 : i32 to index
        %get3A_1074 = arith.index_cast %get3A_1072 : i32 to index
        %get3A_1075 = arith.index_cast %add3A_1067 : i32 to index
        %get3A_1076 = arith.constant 0 : index
        %get3A_1077 = tpu.vector_load %arg12[%get3A_1073, %get3A_1074, %get3A_1075, %get3A_1076] {strides = array<i32>} : memref<2x4x128x48xf32, #tpu.memory_space<vmem>>, vector<16xf32>,
        %mul3A_1078 = arith.mulf %get3A_1077, %gather3A_1070 : vector<16xf32>
        %swap3A_1079 = arith.constant 0 : i32
        %swap3A_1080 = arith.constant 2 : i32
        %swap3A_1081 = arith.index_cast %swap3A_1079 : i32 to index
        %swap3A_1082 = arith.index_cast %swap3A_1080 : i32 to index
        %swap3A_1083 = arith.index_cast %add3A_1067 : i32 to index
        %swap3A_1084 = arith.constant 0 : index
        %swap3A_1085 = tpu.vector_load %arg12[%swap3A_1081, %swap3A_1082, %swap3A_1083, %swap3A_1084] {strides = array<i32>} : memref<2x4x128x48xf32, #tpu.memory_space<vmem>>, vector<16xf32>,
        tpu.vector_store %arg12[%swap3A_1081, %swap3A_1082, %swap3A_1083, %swap3A_1084], %mul3A_1078 {strides = array<i32>} : memref<2x4x128x48xf32, #tpu.memory_space<vmem>>, vector<16xf32>,
        %get3A_1086 = arith.constant 0 : i32
        %get3A_1087 = arith.constant 2 : i32
        %get3A_1088 = arith.index_cast %get3A_1086 : i32 to index
        %get3A_1089 = arith.index_cast %get3A_1087 : i32 to index
        %get3A_1090 = arith.index_cast %add3A_1067 : i32 to index
        %get3A_1091 = arith.constant 16 : index
        %get3A_1092 = tpu.vector_load %arg12[%get3A_1088, %get3A_1089, %get3A_1090, %get3A_1091] {strides = array<i32>} : memref<2x4x128x48xf32, #tpu.memory_space<vmem>>, vector<16xf32>,
        %mul3A_1093 = arith.mulf %get3A_1092, %gather3A_1070 : vector<16xf32>
        %swap3A_1094 = arith.constant 0 : i32
        %swap3A_1095 = arith.constant 2 : i32
        %swap3A_1096 = arith.index_cast %swap3A_1094 : i32 to index
        %swap3A_1097 = arith.index_cast %swap3A_1095 : i32 to index
        %swap3A_1098 = arith.index_cast %add3A_1067 : i32 to index
        %swap3A_1099 = arith.constant 16 : index
        %swap3A_1100 = tpu.vector_load %arg12[%swap3A_1096, %swap3A_1097, %swap3A_1098, %swap3A_1099] {strides = array<i32>} : memref<2x4x128x48xf32, #tpu.memory_space<vmem>>, vector<16xf32>,
        tpu.vector_store %arg12[%swap3A_1096, %swap3A_1097, %swap3A_1098, %swap3A_1099], %mul3A_1093 {strides = array<i32>} : memref<2x4x128x48xf32, #tpu.memory_space<vmem>>, vector<16xf32>,
        %get3A_1101 = arith.constant 0 : i32
        %get3A_1102 = arith.constant 2 : i32
        %get3A_1103 = arith.index_cast %get3A_1101 : i32 to index
        %get3A_1104 = arith.index_cast %get3A_1102 : i32 to index
        %get3A_1105 = arith.index_cast %add3A_1067 : i32 to index
        %get3A_1106 = arith.constant 32 : index
        %get3A_1107 = tpu.vector_load %arg12[%get3A_1103, %get3A_1104, %get3A_1105, %get3A_1106] {strides = array<i32>} : memref<2x4x128x48xf32, #tpu.memory_space<vmem>>, vector<16xf32>,
        %mul3A_1108 = arith.mulf %get3A_1107, %gather3A_1070 : vector<16xf32>
        %swap3A_1109 = arith.constant 0 : i32
        %swap3A_1110 = arith.constant 2 : i32
        %swap3A_1111 = arith.index_cast %swap3A_1109 : i32 to index
        %swap3A_1112 = arith.index_cast %swap3A_1110 : i32 to index
        %swap3A_1113 = arith.index_cast %add3A_1067 : i32 to index
        %swap3A_1114 = arith.constant 32 : index
        %swap3A_1115 = tpu.vector_load %arg12[%swap3A_1111, %swap3A_1112, %swap3A_1113, %swap3A_1114] {strides = array<i32>} : memref<2x4x128x48xf32, #tpu.memory_space<vmem>>, vector<16xf32>,
        tpu.vector_store %arg12[%swap3A_1111, %swap3A_1112, %swap3A_1113, %swap3A_1114], %mul3A_1108 {strides = array<i32>} : memref<2x4x128x48xf32, #tpu.memory_space<vmem>>, vector<16xf32>,
        %mul3A_1116 = arith.constant 4 : i32
        %mul3A_1117 = arith.muli %scan3A_1012, %mul3A_1116 : i32
        %add3A_1118 = arith.constant 2 : i32
        %add3A_1119 = arith.addi %mul3A_1117, %add3A_1118 : i32
        %broadcast_in_dim3A_1120 = vector.broadcast %add3A_516 : i32 to vector<16xi32>
        %broadcast_in_dim3A_1121 = vector.broadcast %add3A_1119 : i32 to vector<16xi32>
        %gather3A_1122 = tpu.vector_load_idx %arg11[%broadcast_in_dim3A_1120, %broadcast_in_dim3A_1121] : memref<48x128xf32, #tpu.memory_space<vmem>>[vector<16xi32>, vector<16xi32>], vector<16xf32>,
        %get3A_1123 = arith.constant 0 : i32
        %get3A_1124 = arith.constant 2 : i32
        %get3A_1125 = arith.index_cast %get3A_1123 : i32 to index
        %get3A_1126 = arith.index_cast %get3A_1124 : i32 to index
        %get3A_1127 = arith.index_cast %add3A_1119 : i32 to index
        %get3A_1128 = arith.constant 0 : index
        %get3A_1129 = tpu.vector_load %arg12[%get3A_1125, %get3A_1126, %get3A_1127, %get3A_1128] {strides = array<i32>} : memref<2x4x128x48xf32, #tpu.memory_space<vmem>>, vector<16xf32>,
        %mul3A_1130 = arith.mulf %get3A_1129, %gather3A_1122 : vector<16xf32>
        %swap3A_1131 = arith.constant 0 : i32
        %swap3A_1132 = arith.constant 2 : i32
        %swap3A_1133 = arith.index_cast %swap3A_1131 : i32 to index
        %swap3A_1134 = arith.index_cast %swap3A_1132 : i32 to index
        %swap3A_1135 = arith.index_cast %add3A_1119 : i32 to index
        %swap3A_1136 = arith.constant 0 : index
        %swap3A_1137 = tpu.vector_load %arg12[%swap3A_1133, %swap3A_1134, %swap3A_1135, %swap3A_1136] {strides = array<i32>} : memref<2x4x128x48xf32, #tpu.memory_space<vmem>>, vector<16xf32>,
        tpu.vector_store %arg12[%swap3A_1133, %swap3A_1134, %swap3A_1135, %swap3A_1136], %mul3A_1130 {strides = array<i32>} : memref<2x4x128x48xf32, #tpu.memory_space<vmem>>, vector<16xf32>,
        %get3A_1138 = arith.constant 0 : i32
        %get3A_1139 = arith.constant 2 : i32
        %get3A_1140 = arith.index_cast %get3A_1138 : i32 to index
        %get3A_1141 = arith.index_cast %get3A_1139 : i32 to index
        %get3A_1142 = arith.index_cast %add3A_1119 : i32 to index
        %get3A_1143 = arith.constant 16 : index
        %get3A_1144 = tpu.vector_load %arg12[%get3A_1140, %get3A_1141, %get3A_1142, %get3A_1143] {strides = array<i32>} : memref<2x4x128x48xf32, #tpu.memory_space<vmem>>, vector<16xf32>,
        %mul3A_1145 = arith.mulf %get3A_1144, %gather3A_1122 : vector<16xf32>
        %swap3A_1146 = arith.constant 0 : i32
        %swap3A_1147 = arith.constant 2 : i32
        %swap3A_1148 = arith.index_cast %swap3A_1146 : i32 to index
        %swap3A_1149 = arith.index_cast %swap3A_1147 : i32 to index
        %swap3A_1150 = arith.index_cast %add3A_1119 : i32 to index
        %swap3A_1151 = arith.constant 16 : index
        %swap3A_1152 = tpu.vector_load %arg12[%swap3A_1148, %swap3A_1149, %swap3A_1150, %swap3A_1151] {strides = array<i32>} : memref<2x4x128x48xf32, #tpu.memory_space<vmem>>, vector<16xf32>,
        tpu.vector_store %arg12[%swap3A_1148, %swap3A_1149, %swap3A_1150, %swap3A_1151], %mul3A_1145 {strides = array<i32>} : memref<2x4x128x48xf32, #tpu.memory_space<vmem>>, vector<16xf32>,
        %get3A_1153 = arith.constant 0 : i32
        %get3A_1154 = arith.constant 2 : i32
        %get3A_1155 = arith.index_cast %get3A_1153 : i32 to index
        %get3A_1156 = arith.index_cast %get3A_1154 : i32 to index
        %get3A_1157 = arith.index_cast %add3A_1119 : i32 to index
        %get3A_1158 = arith.constant 32 : index
        %get3A_1159 = tpu.vector_load %arg12[%get3A_1155, %get3A_1156, %get3A_1157, %get3A_1158] {strides = array<i32>} : memref<2x4x128x48xf32, #tpu.memory_space<vmem>>, vector<16xf32>,
        %mul3A_1160 = arith.mulf %get3A_1159, %gather3A_1122 : vector<16xf32>
        %swap3A_1161 = arith.constant 0 : i32
        %swap3A_1162 = arith.constant 2 : i32
        %swap3A_1163 = arith.index_cast %swap3A_1161 : i32 to index
        %swap3A_1164 = arith.index_cast %swap3A_1162 : i32 to index
        %swap3A_1165 = arith.index_cast %add3A_1119 : i32 to index
        %swap3A_1166 = arith.constant 32 : index
        %swap3A_1167 = tpu.vector_load %arg12[%swap3A_1163, %swap3A_1164, %swap3A_1165, %swap3A_1166] {strides = array<i32>} : memref<2x4x128x48xf32, #tpu.memory_space<vmem>>, vector<16xf32>,
        tpu.vector_store %arg12[%swap3A_1163, %swap3A_1164, %swap3A_1165, %swap3A_1166], %mul3A_1160 {strides = array<i32>} : memref<2x4x128x48xf32, #tpu.memory_space<vmem>>, vector<16xf32>,
        %mul3A_1168 = arith.constant 4 : i32
        %mul3A_1169 = arith.muli %scan3A_1012, %mul3A_1168 : i32
        %add3A_1170 = arith.constant 3 : i32
        %add3A_1171 = arith.addi %mul3A_1169, %add3A_1170 : i32
        %broadcast_in_dim3A_1172 = vector.broadcast %add3A_516 : i32 to vector<16xi32>
        %broadcast_in_dim3A_1173 = vector.broadcast %add3A_1171 : i32 to vector<16xi32>
        %gather3A_1174 = tpu.vector_load_idx %arg11[%broadcast_in_dim3A_1172, %broadcast_in_dim3A_1173] : memref<48x128xf32, #tpu.memory_space<vmem>>[vector<16xi32>, vector<16xi32>], vector<16xf32>,
        %get3A_1175 = arith.constant 0 : i32
        %get3A_1176 = arith.constant 2 : i32
        %get3A_1177 = arith.index_cast %get3A_1175 : i32 to index
        %get3A_1178 = arith.index_cast %get3A_1176 : i32 to index
        %get3A_1179 = arith.index_cast %add3A_1171 : i32 to index
        %get3A_1180 = arith.constant 0 : index
        %get3A_1181 = tpu.vector_load %arg12[%get3A_1177, %get3A_1178, %get3A_1179, %get3A_1180] {strides = array<i32>} : memref<2x4x128x48xf32, #tpu.memory_space<vmem>>, vector<16xf32>,
        %mul3A_1182 = arith.mulf %get3A_1181, %gather3A_1174 : vector<16xf32>
        %swap3A_1183 = arith.constant 0 : i32
        %swap3A_1184 = arith.constant 2 : i32
        %swap3A_1185 = arith.index_cast %swap3A_1183 : i32 to index
        %swap3A_1186 = arith.index_cast %swap3A_1184 : i32 to index
        %swap3A_1187 = arith.index_cast %add3A_1171 : i32 to index
        %swap3A_1188 = arith.constant 0 : index
        %swap3A_1189 = tpu.vector_load %arg12[%swap3A_1185, %swap3A_1186, %swap3A_1187, %swap3A_1188] {strides = array<i32>} : memref<2x4x128x48xf32, #tpu.memory_space<vmem>>, vector<16xf32>,
        tpu.vector_store %arg12[%swap3A_1185, %swap3A_1186, %swap3A_1187, %swap3A_1188], %mul3A_1182 {strides = array<i32>} : memref<2x4x128x48xf32, #tpu.memory_space<vmem>>, vector<16xf32>,
        %get3A_1190 = arith.constant 0 : i32
        %get3A_1191 = arith.constant 2 : i32
        %get3A_1192 = arith.index_cast %get3A_1190 : i32 to index
        %get3A_1193 = arith.index_cast %get3A_1191 : i32 to index
        %get3A_1194 = arith.index_cast %add3A_1171 : i32 to index
        %get3A_1195 = arith.constant 16 : index
        %get3A_1196 = tpu.vector_load %arg12[%get3A_1192, %get3A_1193, %get3A_1194, %get3A_1195] {strides = array<i32>} : memref<2x4x128x48xf32, #tpu.memory_space<vmem>>, vector<16xf32>,
        %mul3A_1197 = arith.mulf %get3A_1196, %gather3A_1174 : vector<16xf32>
        %swap3A_1198 = arith.constant 0 : i32
        %swap3A_1199 = arith.constant 2 : i32
        %swap3A_1200 = arith.index_cast %swap3A_1198 : i32 to index
        %swap3A_1201 = arith.index_cast %swap3A_1199 : i32 to index
        %swap3A_1202 = arith.index_cast %add3A_1171 : i32 to index
        %swap3A_1203 = arith.constant 16 : index
        %swap3A_1204 = tpu.vector_load %arg12[%swap3A_1200, %swap3A_1201, %swap3A_1202, %swap3A_1203] {strides = array<i32>} : memref<2x4x128x48xf32, #tpu.memory_space<vmem>>, vector<16xf32>,
        tpu.vector_store %arg12[%swap3A_1200, %swap3A_1201, %swap3A_1202, %swap3A_1203], %mul3A_1197 {strides = array<i32>} : memref<2x4x128x48xf32, #tpu.memory_space<vmem>>, vector<16xf32>,
        %get3A_1205 = arith.constant 0 : i32
        %get3A_1206 = arith.constant 2 : i32
        %get3A_1207 = arith.index_cast %get3A_1205 : i32 to index
        %get3A_1208 = arith.index_cast %get3A_1206 : i32 to index
        %get3A_1209 = arith.index_cast %add3A_1171 : i32 to index
        %get3A_1210 = arith.constant 32 : index
        %get3A_1211 = tpu.vector_load %arg12[%get3A_1207, %get3A_1208, %get3A_1209, %get3A_1210] {strides = array<i32>} : memref<2x4x128x48xf32, #tpu.memory_space<vmem>>, vector<16xf32>,
        %mul3A_1212 = arith.mulf %get3A_1211, %gather3A_1174 : vector<16xf32>
        %swap3A_1213 = arith.constant 0 : i32
        %swap3A_1214 = arith.constant 2 : i32
        %swap3A_1215 = arith.index_cast %swap3A_1213 : i32 to index
        %swap3A_1216 = arith.index_cast %swap3A_1214 : i32 to index
        %swap3A_1217 = arith.index_cast %add3A_1171 : i32 to index
        %swap3A_1218 = arith.constant 32 : index
        %swap3A_1219 = tpu.vector_load %arg12[%swap3A_1215, %swap3A_1216, %swap3A_1217, %swap3A_1218] {strides = array<i32>} : memref<2x4x128x48xf32, #tpu.memory_space<vmem>>, vector<16xf32>,
        tpu.vector_store %arg12[%swap3A_1215, %swap3A_1216, %swap3A_1217, %swap3A_1218], %mul3A_1212 {strides = array<i32>} : memref<2x4x128x48xf32, #tpu.memory_space<vmem>>, vector<16xf32>,
      }
      %scan3A_522 = arith.constant 32 : i32
      %get3A_523 = arith.index_cast %add3A_516 : i32 to index
      %get3A_524 = arith.constant 0 : index
      %get3A_525 = tpu.vector_load %arg9[%get3A_523, %get3A_524] {strides = array<i32>} : memref<48x128xi32, #tpu.memory_space<vmem>>, vector<16xi32>,
      %get3A_526 = arith.index_cast %add3A_516 : i32 to index
      %get3A_527 = arith.constant 0 : index
      %get3A_528 = tpu.vector_load %arg11[%get3A_526, %get3A_527] {strides = array<i32>} : memref<48x128xf32, #tpu.memory_space<vmem>>, vector<16xf32>,
      tpu.vector_store_idx %arg13[%get3A_525], %get3A_528 {add = true} : memref<10000xf32, #tpu.memory_space<vmem>>[vector<16xi32>], vector<16xf32>,
      %get3A_529 = arith.index_cast %add3A_516 : i32 to index
      %get3A_530 = arith.constant 16 : index
      %get3A_531 = tpu.vector_load %arg9[%get3A_529, %get3A_530] {strides = array<i32>} : memref<48x128xi32, #tpu.memory_space<vmem>>, vector<16xi32>,
      %get3A_532 = arith.index_cast %add3A_516 : i32 to index
      %get3A_533 = arith.constant 16 : index
      %get3A_534 = tpu.vector_load %arg11[%get3A_532, %get3A_533] {strides = array<i32>} : memref<48x128xf32, #tpu.memory_space<vmem>>, vector<16xf32>,
      tpu.vector_store_idx %arg13[%get3A_531], %get3A_534 {add = true} : memref<10000xf32, #tpu.memory_space<vmem>>[vector<16xi32>], vector<16xf32>,
      %get3A_535 = arith.index_cast %add3A_516 : i32 to index
      %get3A_536 = arith.constant 32 : index
      %get3A_537 = tpu.vector_load %arg9[%get3A_535, %get3A_536] {strides = array<i32>} : memref<48x128xi32, #tpu.memory_space<vmem>>, vector<16xi32>,
      %get3A_538 = arith.index_cast %add3A_516 : i32 to index
      %get3A_539 = arith.constant 32 : index
      %get3A_540 = tpu.vector_load %arg11[%get3A_538, %get3A_539] {strides = array<i32>} : memref<48x128xf32, #tpu.memory_space<vmem>>, vector<16xf32>,
      tpu.vector_store_idx %arg13[%get3A_537], %get3A_540 {add = true} : memref<10000xf32, #tpu.memory_space<vmem>>[vector<16xi32>], vector<16xf32>,
      %get3A_541 = arith.index_cast %add3A_516 : i32 to index
      %get3A_542 = arith.constant 48 : index
      %get3A_543 = tpu.vector_load %arg9[%get3A_541, %get3A_542] {strides = array<i32>} : memref<48x128xi32, #tpu.memory_space<vmem>>, vector<16xi32>,
      %get3A_544 = arith.index_cast %add3A_516 : i32 to index
      %get3A_545 = arith.constant 48 : index
      %get3A_546 = tpu.vector_load %arg11[%get3A_544, %get3A_545] {strides = array<i32>} : memref<48x128xf32, #tpu.memory_space<vmem>>, vector<16xf32>,
      tpu.vector_store_idx %arg13[%get3A_543], %get3A_546 {add = true} : memref<10000xf32, #tpu.memory_space<vmem>>[vector<16xi32>], vector<16xf32>,
      %get3A_547 = arith.index_cast %add3A_516 : i32 to index
      %get3A_548 = arith.constant 64 : index
      %get3A_549 = tpu.vector_load %arg9[%get3A_547, %get3A_548] {strides = array<i32>} : memref<48x128xi32, #tpu.memory_space<vmem>>, vector<16xi32>,
      %get3A_550 = arith.index_cast %add3A_516 : i32 to index
      %get3A_551 = arith.constant 64 : index
      %get3A_552 = tpu.vector_load %arg11[%get3A_550, %get3A_551] {strides = array<i32>} : memref<48x128xf32, #tpu.memory_space<vmem>>, vector<16xf32>,
      tpu.vector_store_idx %arg13[%get3A_549], %get3A_552 {add = true} : memref<10000xf32, #tpu.memory_space<vmem>>[vector<16xi32>], vector<16xf32>,
      %get3A_553 = arith.index_cast %add3A_516 : i32 to index
      %get3A_554 = arith.constant 80 : index
      %get3A_555 = tpu.vector_load %arg9[%get3A_553, %get3A_554] {strides = array<i32>} : memref<48x128xi32, #tpu.memory_space<vmem>>, vector<16xi32>,
      %get3A_556 = arith.index_cast %add3A_516 : i32 to index
      %get3A_557 = arith.constant 80 : index
      %get3A_558 = tpu.vector_load %arg11[%get3A_556, %get3A_557] {strides = array<i32>} : memref<48x128xf32, #tpu.memory_space<vmem>>, vector<16xf32>,
      tpu.vector_store_idx %arg13[%get3A_555], %get3A_558 {add = true} : memref<10000xf32, #tpu.memory_space<vmem>>[vector<16xi32>], vector<16xf32>,
      %get3A_559 = arith.index_cast %add3A_516 : i32 to index
      %get3A_560 = arith.constant 96 : index
      %get3A_561 = tpu.vector_load %arg9[%get3A_559, %get3A_560] {strides = array<i32>} : memref<48x128xi32, #tpu.memory_space<vmem>>, vector<16xi32>,
      %get3A_562 = arith.index_cast %add3A_516 : i32 to index
      %get3A_563 = arith.constant 96 : index
      %get3A_564 = tpu.vector_load %arg11[%get3A_562, %get3A_563] {strides = array<i32>} : memref<48x128xf32, #tpu.memory_space<vmem>>, vector<16xf32>,
      tpu.vector_store_idx %arg13[%get3A_561], %get3A_564 {add = true} : memref<10000xf32, #tpu.memory_space<vmem>>[vector<16xi32>], vector<16xf32>,
      %get3A_565 = arith.index_cast %add3A_516 : i32 to index
      %get3A_566 = arith.constant 112 : index
      %get3A_567 = tpu.vector_load %arg9[%get3A_565, %get3A_566] {strides = array<i32>} : memref<48x128xi32, #tpu.memory_space<vmem>>, vector<16xi32>,
      %get3A_568 = arith.index_cast %add3A_516 : i32 to index
      %get3A_569 = arith.constant 112 : index
      %get3A_570 = tpu.vector_load %arg11[%get3A_568, %get3A_569] {strides = array<i32>} : memref<48x128xf32, #tpu.memory_space<vmem>>, vector<16xf32>,
      tpu.vector_store_idx %arg13[%get3A_567], %get3A_570 {add = true} : memref<10000xf32, #tpu.memory_space<vmem>>[vector<16xi32>], vector<16xf32>,
      %dma_start3A_571 = arith.constant 0 : i32
      %dma_start3A_572 = arith.constant 2 : i32
      %dma_start3A_573 = arith.constant 0 : i32
      %dma_start3A_574 = arith.constant 0 : i32
      %dma_start3A_575 = tpu.memref_slice %arg12[%dma_start3A_571, %dma_start3A_572, %dma_start3A_573, %dma_start3A_574] : memref<2x4x128x48xf32, #tpu.memory_space<vmem>> -> memref<1x1x128x48xf32, #tpu.memory_space<vmem>>
      %dma_start3A_576 = tpu.memref_squeeze %dma_start3A_575 : memref<1x1x128x48xf32, #tpu.memory_space<vmem>> -> memref<128x48xf32, #tpu.memory_space<vmem>>
      %dma_start3A_577 = arith.constant 0 : i32
      %dma_start3A_578 = tpu.memref_slice %arg9[%add3A_516, %dma_start3A_577] : memref<48x128xi32, #tpu.memory_space<vmem>> -> memref<1x128xi32, #tpu.memory_space<vmem>>
      %dma_start3A_579 = tpu.memref_squeeze %dma_start3A_578 : memref<1x128xi32, #tpu.memory_space<vmem>> -> memref<128xi32, #tpu.memory_space<vmem>>
      %dma_start3A_580 = arith.constant 0 : i32
      %dma_start3A_581 = arith.constant 0 : i32
      %dma_start3A_582 = tpu.memref_slice %arg15[%dma_start3A_580, %dma_start3A_581] : memref<10000x48xf32, #tpu.memory_space<vmem_shared>> -> memref<10000x48xf32, #tpu.memory_space<vmem_shared>>
      tpu.enqueue_indirect_dma source(%dma_start3A_576 : memref<128x48xf32, #tpu.memory_space<vmem>>) target(%dma_start3A_582 : memref<10000x48xf32, #tpu.memory_space<vmem_shared>>) offsets(%dma_start3A_579 : memref<128xi32, #tpu.memory_space<vmem>>) semaphore(%arg18 : memref<!tpu.dma_semaphore, #tpu.memory_space<semaphore_mem>>) {add = true}
      %mul3A_583 = arith.constant 4 : i32
      %mul3A_584 = arith.muli %mul3A_309, %mul3A_583 : i32
      %add3A_585 = arith.constant 3 : i32
      %add3A_586 = arith.addi %mul3A_584, %add3A_585 : i32
      %scan3A_587 = arith.constant 0 : i32
      %scan3A_588 = arith.constant 0 : i32
      %scan3A_589 = arith.constant 32 : i32
      %scan3A_590 = arith.addi %scan3A_588, %scan3A_589 : i32
      %scan3A_591 = arith.constant 1 : i32
      scf.for %scan3A_1012 = %scan3A_588 to %scan3A_590 step %scan3A_591  : i32 {
        %mul3A_1013 = arith.constant 4 : i32
        %mul3A_1014 = arith.muli %scan3A_1012, %mul3A_1013 : i32
        %add3A_1015 = arith.constant 0 : i32
        %add3A_1016 = arith.addi %mul3A_1014, %add3A_1015 : i32
        %broadcast_in_dim3A_1017 = vector.broadcast %add3A_586 : i32 to vector<16xi32>
        %broadcast_in_dim3A_1018 = vector.broadcast %add3A_1016 : i32 to vector<16xi32>
        %gather3A = tpu.vector_load_idx %arg11[%broadcast_in_dim3A_1017, %broadcast_in_dim3A_1018] : memref<48x128xf32, #tpu.memory_space<vmem>>[vector<16xi32>, vector<16xi32>], vector<16xf32>,
        %get3A_1019 = arith.constant 0 : i32
        %get3A_1020 = arith.constant 3 : i32
        %get3A_1021 = arith.index_cast %get3A_1019 : i32 to index
        %get3A_1022 = arith.index_cast %get3A_1020 : i32 to index
        %get3A_1023 = arith.index_cast %add3A_1016 : i32 to index
        %get3A_1024 = arith.constant 0 : index
        %get3A_1025 = tpu.vector_load %arg12[%get3A_1021, %get3A_1022, %get3A_1023, %get3A_1024] {strides = array<i32>} : memref<2x4x128x48xf32, #tpu.memory_space<vmem>>, vector<16xf32>,
        %mul3A_1026 = arith.mulf %get3A_1025, %gather3A : vector<16xf32>
        %swap3A_1027 = arith.constant 0 : i32
        %swap3A_1028 = arith.constant 3 : i32
        %swap3A_1029 = arith.index_cast %swap3A_1027 : i32 to index
        %swap3A_1030 = arith.index_cast %swap3A_1028 : i32 to index
        %swap3A_1031 = arith.index_cast %add3A_1016 : i32 to index
        %swap3A_1032 = arith.constant 0 : index
        %swap3A_1033 = tpu.vector_load %arg12[%swap3A_1029, %swap3A_1030, %swap3A_1031, %swap3A_1032] {strides = array<i32>} : memref<2x4x128x48xf32, #tpu.memory_space<vmem>>, vector<16xf32>,
        tpu.vector_store %arg12[%swap3A_1029, %swap3A_1030, %swap3A_1031, %swap3A_1032], %mul3A_1026 {strides = array<i32>} : memref<2x4x128x48xf32, #tpu.memory_space<vmem>>, vector<16xf32>,
        %get3A_1034 = arith.constant 0 : i32
        %get3A_1035 = arith.constant 3 : i32
        %get3A_1036 = arith.index_cast %get3A_1034 : i32 to index
        %get3A_1037 = arith.index_cast %get3A_1035 : i32 to index
        %get3A_1038 = arith.index_cast %add3A_1016 : i32 to index
        %get3A_1039 = arith.constant 16 : index
        %get3A_1040 = tpu.vector_load %arg12[%get3A_1036, %get3A_1037, %get3A_1038, %get3A_1039] {strides = array<i32>} : memref<2x4x128x48xf32, #tpu.memory_space<vmem>>, vector<16xf32>,
        %mul3A_1041 = arith.mulf %get3A_1040, %gather3A : vector<16xf32>
        %swap3A_1042 = arith.constant 0 : i32
        %swap3A_1043 = arith.constant 3 : i32
        %swap3A_1044 = arith.index_cast %swap3A_1042 : i32 to index
        %swap3A_1045 = arith.index_cast %swap3A_1043 : i32 to index
        %swap3A_1046 = arith.index_cast %add3A_1016 : i32 to index
        %swap3A_1047 = arith.constant 16 : index
        %swap3A_1048 = tpu.vector_load %arg12[%swap3A_1044, %swap3A_1045, %swap3A_1046, %swap3A_1047] {strides = array<i32>} : memref<2x4x128x48xf32, #tpu.memory_space<vmem>>, vector<16xf32>,
        tpu.vector_store %arg12[%swap3A_1044, %swap3A_1045, %swap3A_1046, %swap3A_1047], %mul3A_1041 {strides = array<i32>} : memref<2x4x128x48xf32, #tpu.memory_space<vmem>>, vector<16xf32>,
        %get3A_1049 = arith.constant 0 : i32
        %get3A_1050 = arith.constant 3 : i32
        %get3A_1051 = arith.index_cast %get3A_1049 : i32 to index
        %get3A_1052 = arith.index_cast %get3A_1050 : i32 to index
        %get3A_1053 = arith.index_cast %add3A_1016 : i32 to index
        %get3A_1054 = arith.constant 32 : index
        %get3A_1055 = tpu.vector_load %arg12[%get3A_1051, %get3A_1052, %get3A_1053, %get3A_1054] {strides = array<i32>} : memref<2x4x128x48xf32, #tpu.memory_space<vmem>>, vector<16xf32>,
        %mul3A_1056 = arith.mulf %get3A_1055, %gather3A : vector<16xf32>
        %swap3A_1057 = arith.constant 0 : i32
        %swap3A_1058 = arith.constant 3 : i32
        %swap3A_1059 = arith.index_cast %swap3A_1057 : i32 to index
        %swap3A_1060 = arith.index_cast %swap3A_1058 : i32 to index
        %swap3A_1061 = arith.index_cast %add3A_1016 : i32 to index
        %swap3A_1062 = arith.constant 32 : index
        %swap3A_1063 = tpu.vector_load %arg12[%swap3A_1059, %swap3A_1060, %swap3A_1061, %swap3A_1062] {strides = array<i32>} : memref<2x4x128x48xf32, #tpu.memory_space<vmem>>, vector<16xf32>,
        tpu.vector_store %arg12[%swap3A_1059, %swap3A_1060, %swap3A_1061, %swap3A_1062], %mul3A_1056 {strides = array<i32>} : memref<2x4x128x48xf32, #tpu.memory_space<vmem>>, vector<16xf32>,
        %mul3A_1064 = arith.constant 4 : i32
        %mul3A_1065 = arith.muli %scan3A_1012, %mul3A_1064 : i32
        %add3A_1066 = arith.constant 1 : i32
        %add3A_1067 = arith.addi %mul3A_1065, %add3A_1066 : i32
        %broadcast_in_dim3A_1068 = vector.broadcast %add3A_586 : i32 to vector<16xi32>
        %broadcast_in_dim3A_1069 = vector.broadcast %add3A_1067 : i32 to vector<16xi32>
        %gather3A_1070 = tpu.vector_load_idx %arg11[%broadcast_in_dim3A_1068, %broadcast_in_dim3A_1069] : memref<48x128xf32, #tpu.memory_space<vmem>>[vector<16xi32>, vector<16xi32>], vector<16xf32>,
        %get3A_1071 = arith.constant 0 : i32
        %get3A_1072 = arith.constant 3 : i32
        %get3A_1073 = arith.index_cast %get3A_1071 : i32 to index
        %get3A_1074 = arith.index_cast %get3A_1072 : i32 to index
        %get3A_1075 = arith.index_cast %add3A_1067 : i32 to index
        %get3A_1076 = arith.constant 0 : index
        %get3A_1077 = tpu.vector_load %arg12[%get3A_1073, %get3A_1074, %get3A_1075, %get3A_1076] {strides = array<i32>} : memref<2x4x128x48xf32, #tpu.memory_space<vmem>>, vector<16xf32>,
        %mul3A_1078 = arith.mulf %get3A_1077, %gather3A_1070 : vector<16xf32>
        %swap3A_1079 = arith.constant 0 : i32
        %swap3A_1080 = arith.constant 3 : i32
        %swap3A_1081 = arith.index_cast %swap3A_1079 : i32 to index
        %swap3A_1082 = arith.index_cast %swap3A_1080 : i32 to index
        %swap3A_1083 = arith.index_cast %add3A_1067 : i32 to index
        %swap3A_1084 = arith.constant 0 : index
        %swap3A_1085 = tpu.vector_load %arg12[%swap3A_1081, %swap3A_1082, %swap3A_1083, %swap3A_1084] {strides = array<i32>} : memref<2x4x128x48xf32, #tpu.memory_space<vmem>>, vector<16xf32>,
        tpu.vector_store %arg12[%swap3A_1081, %swap3A_1082, %swap3A_1083, %swap3A_1084], %mul3A_1078 {strides = array<i32>} : memref<2x4x128x48xf32, #tpu.memory_space<vmem>>, vector<16xf32>,
        %get3A_1086 = arith.constant 0 : i32
        %get3A_1087 = arith.constant 3 : i32
        %get3A_1088 = arith.index_cast %get3A_1086 : i32 to index
        %get3A_1089 = arith.index_cast %get3A_1087 : i32 to index
        %get3A_1090 = arith.index_cast %add3A_1067 : i32 to index
        %get3A_1091 = arith.constant 16 : index
        %get3A_1092 = tpu.vector_load %arg12[%get3A_1088, %get3A_1089, %get3A_1090, %get3A_1091] {strides = array<i32>} : memref<2x4x128x48xf32, #tpu.memory_space<vmem>>, vector<16xf32>,
        %mul3A_1093 = arith.mulf %get3A_1092, %gather3A_1070 : vector<16xf32>
        %swap3A_1094 = arith.constant 0 : i32
        %swap3A_1095 = arith.constant 3 : i32
        %swap3A_1096 = arith.index_cast %swap3A_1094 : i32 to index
        %swap3A_1097 = arith.index_cast %swap3A_1095 : i32 to index
        %swap3A_1098 = arith.index_cast %add3A_1067 : i32 to index
        %swap3A_1099 = arith.constant 16 : index
        %swap3A_1100 = tpu.vector_load %arg12[%swap3A_1096, %swap3A_1097, %swap3A_1098, %swap3A_1099] {strides = array<i32>} : memref<2x4x128x48xf32, #tpu.memory_space<vmem>>, vector<16xf32>,
        tpu.vector_store %arg12[%swap3A_1096, %swap3A_1097, %swap3A_1098, %swap3A_1099], %mul3A_1093 {strides = array<i32>} : memref<2x4x128x48xf32, #tpu.memory_space<vmem>>, vector<16xf32>,
        %get3A_1101 = arith.constant 0 : i32
        %get3A_1102 = arith.constant 3 : i32
        %get3A_1103 = arith.index_cast %get3A_1101 : i32 to index
        %get3A_1104 = arith.index_cast %get3A_1102 : i32 to index
        %get3A_1105 = arith.index_cast %add3A_1067 : i32 to index
        %get3A_1106 = arith.constant 32 : index
        %get3A_1107 = tpu.vector_load %arg12[%get3A_1103, %get3A_1104, %get3A_1105, %get3A_1106] {strides = array<i32>} : memref<2x4x128x48xf32, #tpu.memory_space<vmem>>, vector<16xf32>,
        %mul3A_1108 = arith.mulf %get3A_1107, %gather3A_1070 : vector<16xf32>
        %swap3A_1109 = arith.constant 0 : i32
        %swap3A_1110 = arith.constant 3 : i32
        %swap3A_1111 = arith.index_cast %swap3A_1109 : i32 to index
        %swap3A_1112 = arith.index_cast %swap3A_1110 : i32 to index
        %swap3A_1113 = arith.index_cast %add3A_1067 : i32 to index
        %swap3A_1114 = arith.constant 32 : index
        %swap3A_1115 = tpu.vector_load %arg12[%swap3A_1111, %swap3A_1112, %swap3A_1113, %swap3A_1114] {strides = array<i32>} : memref<2x4x128x48xf32, #tpu.memory_space<vmem>>, vector<16xf32>,
        tpu.vector_store %arg12[%swap3A_1111, %swap3A_1112, %swap3A_1113, %swap3A_1114], %mul3A_1108 {strides = array<i32>} : memref<2x4x128x48xf32, #tpu.memory_space<vmem>>, vector<16xf32>,
        %mul3A_1116 = arith.constant 4 : i32
        %mul3A_1117 = arith.muli %scan3A_1012, %mul3A_1116 : i32
        %add3A_1118 = arith.constant 2 : i32
        %add3A_1119 = arith.addi %mul3A_1117, %add3A_1118 : i32
        %broadcast_in_dim3A_1120 = vector.broadcast %add3A_586 : i32 to vector<16xi32>
        %broadcast_in_dim3A_1121 = vector.broadcast %add3A_1119 : i32 to vector<16xi32>
        %gather3A_1122 = tpu.vector_load_idx %arg11[%broadcast_in_dim3A_1120, %broadcast_in_dim3A_1121] : memref<48x128xf32, #tpu.memory_space<vmem>>[vector<16xi32>, vector<16xi32>], vector<16xf32>,
        %get3A_1123 = arith.constant 0 : i32
        %get3A_1124 = arith.constant 3 : i32
        %get3A_1125 = arith.index_cast %get3A_1123 : i32 to index
        %get3A_1126 = arith.index_cast %get3A_1124 : i32 to index
        %get3A_1127 = arith.index_cast %add3A_1119 : i32 to index
        %get3A_1128 = arith.constant 0 : index
        %get3A_1129 = tpu.vector_load %arg12[%get3A_1125, %get3A_1126, %get3A_1127, %get3A_1128] {strides = array<i32>} : memref<2x4x128x48xf32, #tpu.memory_space<vmem>>, vector<16xf32>,
        %mul3A_1130 = arith.mulf %get3A_1129, %gather3A_1122 : vector<16xf32>
        %swap3A_1131 = arith.constant 0 : i32
        %swap3A_1132 = arith.constant 3 : i32
        %swap3A_1133 = arith.index_cast %swap3A_1131 : i32 to index
        %swap3A_1134 = arith.index_cast %swap3A_1132 : i32 to index
        %swap3A_1135 = arith.index_cast %add3A_1119 : i32 to index
        %swap3A_1136 = arith.constant 0 : index
        %swap3A_1137 = tpu.vector_load %arg12[%swap3A_1133, %swap3A_1134, %swap3A_1135, %swap3A_1136] {strides = array<i32>} : memref<2x4x128x48xf32, #tpu.memory_space<vmem>>, vector<16xf32>,
        tpu.vector_store %arg12[%swap3A_1133, %swap3A_1134, %swap3A_1135, %swap3A_1136], %mul3A_1130 {strides = array<i32>} : memref<2x4x128x48xf32, #tpu.memory_space<vmem>>, vector<16xf32>,
        %get3A_1138 = arith.constant 0 : i32
        %get3A_1139 = arith.constant 3 : i32
        %get3A_1140 = arith.index_cast %get3A_1138 : i32 to index
        %get3A_1141 = arith.index_cast %get3A_1139 : i32 to index
        %get3A_1142 = arith.index_cast %add3A_1119 : i32 to index
        %get3A_1143 = arith.constant 16 : index
        %get3A_1144 = tpu.vector_load %arg12[%get3A_1140, %get3A_1141, %get3A_1142, %get3A_1143] {strides = array<i32>} : memref<2x4x128x48xf32, #tpu.memory_space<vmem>>, vector<16xf32>,
        %mul3A_1145 = arith.mulf %get3A_1144, %gather3A_1122 : vector<16xf32>
        %swap3A_1146 = arith.constant 0 : i32
        %swap3A_1147 = arith.constant 3 : i32
        %swap3A_1148 = arith.index_cast %swap3A_1146 : i32 to index
        %swap3A_1149 = arith.index_cast %swap3A_1147 : i32 to index
        %swap3A_1150 = arith.index_cast %add3A_1119 : i32 to index
        %swap3A_1151 = arith.constant 16 : index
        %swap3A_1152 = tpu.vector_load %arg12[%swap3A_1148, %swap3A_1149, %swap3A_1150, %swap3A_1151] {strides = array<i32>} : memref<2x4x128x48xf32, #tpu.memory_space<vmem>>, vector<16xf32>,
        tpu.vector_store %arg12[%swap3A_1148, %swap3A_1149, %swap3A_1150, %swap3A_1151], %mul3A_1145 {strides = array<i32>} : memref<2x4x128x48xf32, #tpu.memory_space<vmem>>, vector<16xf32>,
        %get3A_1153 = arith.constant 0 : i32
        %get3A_1154 = arith.constant 3 : i32
        %get3A_1155 = arith.index_cast %get3A_1153 : i32 to index
        %get3A_1156 = arith.index_cast %get3A_1154 : i32 to index
        %get3A_1157 = arith.index_cast %add3A_1119 : i32 to index
        %get3A_1158 = arith.constant 32 : index
        %get3A_1159 = tpu.vector_load %arg12[%get3A_1155, %get3A_1156, %get3A_1157, %get3A_1158] {strides = array<i32>} : memref<2x4x128x48xf32, #tpu.memory_space<vmem>>, vector<16xf32>,
        %mul3A_1160 = arith.mulf %get3A_1159, %gather3A_1122 : vector<16xf32>
        %swap3A_1161 = arith.constant 0 : i32
        %swap3A_1162 = arith.constant 3 : i32
        %swap3A_1163 = arith.index_cast %swap3A_1161 : i32 to index
        %swap3A_1164 = arith.index_cast %swap3A_1162 : i32 to index
        %swap3A_1165 = arith.index_cast %add3A_1119 : i32 to index
        %swap3A_1166 = arith.constant 32 : index
        %swap3A_1167 = tpu.vector_load %arg12[%swap3A_1163, %swap3A_1164, %swap3A_1165, %swap3A_1166] {strides = array<i32>} : memref<2x4x128x48xf32, #tpu.memory_space<vmem>>, vector<16xf32>,
        tpu.vector_store %arg12[%swap3A_1163, %swap3A_1164, %swap3A_1165, %swap3A_1166], %mul3A_1160 {strides = array<i32>} : memref<2x4x128x48xf32, #tpu.memory_space<vmem>>, vector<16xf32>,
        %mul3A_1168 = arith.constant 4 : i32
        %mul3A_1169 = arith.muli %scan3A_1012, %mul3A_1168 : i32
        %add3A_1170 = arith.constant 3 : i32
        %add3A_1171 = arith.addi %mul3A_1169, %add3A_1170 : i32
        %broadcast_in_dim3A_1172 = vector.broadcast %add3A_586 : i32 to vector<16xi32>
        %broadcast_in_dim3A_1173 = vector.broadcast %add3A_1171 : i32 to vector<16xi32>
        %gather3A_1174 = tpu.vector_load_idx %arg11[%broadcast_in_dim3A_1172, %broadcast_in_dim3A_1173] : memref<48x128xf32, #tpu.memory_space<vmem>>[vector<16xi32>, vector<16xi32>], vector<16xf32>,
        %get3A_1175 = arith.constant 0 : i32
        %get3A_1176 = arith.constant 3 : i32
        %get3A_1177 = arith.index_cast %get3A_1175 : i32 to index
        %get3A_1178 = arith.index_cast %get3A_1176 : i32 to index
        %get3A_1179 = arith.index_cast %add3A_1171 : i32 to index
        %get3A_1180 = arith.constant 0 : index
        %get3A_1181 = tpu.vector_load %arg12[%get3A_1177, %get3A_1178, %get3A_1179, %get3A_1180] {strides = array<i32>} : memref<2x4x128x48xf32, #tpu.memory_space<vmem>>, vector<16xf32>,
        %mul3A_1182 = arith.mulf %get3A_1181, %gather3A_1174 : vector<16xf32>
        %swap3A_1183 = arith.constant 0 : i32
        %swap3A_1184 = arith.constant 3 : i32
        %swap3A_1185 = arith.index_cast %swap3A_1183 : i32 to index
        %swap3A_1186 = arith.index_cast %swap3A_1184 : i32 to index
        %swap3A_1187 = arith.index_cast %add3A_1171 : i32 to index
        %swap3A_1188 = arith.constant 0 : index
        %swap3A_1189 = tpu.vector_load %arg12[%swap3A_1185, %swap3A_1186, %swap3A_1187, %swap3A_1188] {strides = array<i32>} : memref<2x4x128x48xf32, #tpu.memory_space<vmem>>, vector<16xf32>,
        tpu.vector_store %arg12[%swap3A_1185, %swap3A_1186, %swap3A_1187, %swap3A_1188], %mul3A_1182 {strides = array<i32>} : memref<2x4x128x48xf32, #tpu.memory_space<vmem>>, vector<16xf32>,
        %get3A_1190 = arith.constant 0 : i32
        %get3A_1191 = arith.constant 3 : i32
        %get3A_1192 = arith.index_cast %get3A_1190 : i32 to index
        %get3A_1193 = arith.index_cast %get3A_1191 : i32 to index
        %get3A_1194 = arith.index_cast %add3A_1171 : i32 to index
        %get3A_1195 = arith.constant 16 : index
        %get3A_1196 = tpu.vector_load %arg12[%get3A_1192, %get3A_1193, %get3A_1194, %get3A_1195] {strides = array<i32>} : memref<2x4x128x48xf32, #tpu.memory_space<vmem>>, vector<16xf32>,
        %mul3A_1197 = arith.mulf %get3A_1196, %gather3A_1174 : vector<16xf32>
        %swap3A_1198 = arith.constant 0 : i32
        %swap3A_1199 = arith.constant 3 : i32
        %swap3A_1200 = arith.index_cast %swap3A_1198 : i32 to index
        %swap3A_1201 = arith.index_cast %swap3A_1199 : i32 to index
        %swap3A_1202 = arith.index_cast %add3A_1171 : i32 to index
        %swap3A_1203 = arith.constant 16 : index
        %swap3A_1204 = tpu.vector_load %arg12[%swap3A_1200, %swap3A_1201, %swap3A_1202, %swap3A_1203] {strides = array<i32>} : memref<2x4x128x48xf32, #tpu.memory_space<vmem>>, vector<16xf32>,
        tpu.vector_store %arg12[%swap3A_1200, %swap3A_1201, %swap3A_1202, %swap3A_1203], %mul3A_1197 {strides = array<i32>} : memref<2x4x128x48xf32, #tpu.memory_space<vmem>>, vector<16xf32>,
        %get3A_1205 = arith.constant 0 : i32
        %get3A_1206 = arith.constant 3 : i32
        %get3A_1207 = arith.index_cast %get3A_1205 : i32 to index
        %get3A_1208 = arith.index_cast %get3A_1206 : i32 to index
        %get3A_1209 = arith.index_cast %add3A_1171 : i32 to index
        %get3A_1210 = arith.constant 32 : index
        %get3A_1211 = tpu.vector_load %arg12[%get3A_1207, %get3A_1208, %get3A_1209, %get3A_1210] {strides = array<i32>} : memref<2x4x128x48xf32, #tpu.memory_space<vmem>>, vector<16xf32>,
        %mul3A_1212 = arith.mulf %get3A_1211, %gather3A_1174 : vector<16xf32>
        %swap3A_1213 = arith.constant 0 : i32
        %swap3A_1214 = arith.constant 3 : i32
        %swap3A_1215 = arith.index_cast %swap3A_1213 : i32 to index
        %swap3A_1216 = arith.index_cast %swap3A_1214 : i32 to index
        %swap3A_1217 = arith.index_cast %add3A_1171 : i32 to index
        %swap3A_1218 = arith.constant 32 : index
        %swap3A_1219 = tpu.vector_load %arg12[%swap3A_1215, %swap3A_1216, %swap3A_1217, %swap3A_1218] {strides = array<i32>} : memref<2x4x128x48xf32, #tpu.memory_space<vmem>>, vector<16xf32>,
        tpu.vector_store %arg12[%swap3A_1215, %swap3A_1216, %swap3A_1217, %swap3A_1218], %mul3A_1212 {strides = array<i32>} : memref<2x4x128x48xf32, #tpu.memory_space<vmem>>, vector<16xf32>,
      }
      %scan3A_592 = arith.constant 32 : i32
      %get3A_593 = arith.index_cast %add3A_586 : i32 to index
      %get3A_594 = arith.constant 0 : index
      %get3A_595 = tpu.vector_load %arg9[%get3A_593, %get3A_594] {strides = array<i32>} : memref<48x128xi32, #tpu.memory_space<vmem>>, vector<16xi32>,
      %get3A_596 = arith.index_cast %add3A_586 : i32 to index
      %get3A_597 = arith.constant 0 : index
      %get3A_598 = tpu.vector_load %arg11[%get3A_596, %get3A_597] {strides = array<i32>} : memref<48x128xf32, #tpu.memory_space<vmem>>, vector<16xf32>,
      tpu.vector_store_idx %arg13[%get3A_595], %get3A_598 {add = true} : memref<10000xf32, #tpu.memory_space<vmem>>[vector<16xi32>], vector<16xf32>,
      %get3A_599 = arith.index_cast %add3A_586 : i32 to index
      %get3A_600 = arith.constant 16 : index
      %get3A_601 = tpu.vector_load %arg9[%get3A_599, %get3A_600] {strides = array<i32>} : memref<48x128xi32, #tpu.memory_space<vmem>>, vector<16xi32>,
      %get3A_602 = arith.index_cast %add3A_586 : i32 to index
      %get3A_603 = arith.constant 16 : index
      %get3A_604 = tpu.vector_load %arg11[%get3A_602, %get3A_603] {strides = array<i32>} : memref<48x128xf32, #tpu.memory_space<vmem>>, vector<16xf32>,
      tpu.vector_store_idx %arg13[%get3A_601], %get3A_604 {add = true} : memref<10000xf32, #tpu.memory_space<vmem>>[vector<16xi32>], vector<16xf32>,
      %get3A_605 = arith.index_cast %add3A_586 : i32 to index
      %get3A_606 = arith.constant 32 : index
      %get3A_607 = tpu.vector_load %arg9[%get3A_605, %get3A_606] {strides = array<i32>} : memref<48x128xi32, #tpu.memory_space<vmem>>, vector<16xi32>,
      %get3A_608 = arith.index_cast %add3A_586 : i32 to index
      %get3A_609 = arith.constant 32 : index
      %get3A_610 = tpu.vector_load %arg11[%get3A_608, %get3A_609] {strides = array<i32>} : memref<48x128xf32, #tpu.memory_space<vmem>>, vector<16xf32>,
      tpu.vector_store_idx %arg13[%get3A_607], %get3A_610 {add = true} : memref<10000xf32, #tpu.memory_space<vmem>>[vector<16xi32>], vector<16xf32>,
      %get3A_611 = arith.index_cast %add3A_586 : i32 to index
      %get3A_612 = arith.constant 48 : index
      %get3A_613 = tpu.vector_load %arg9[%get3A_611, %get3A_612] {strides = array<i32>} : memref<48x128xi32, #tpu.memory_space<vmem>>, vector<16xi32>,
      %get3A_614 = arith.index_cast %add3A_586 : i32 to index
      %get3A_615 = arith.constant 48 : index
      %get3A_616 = tpu.vector_load %arg11[%get3A_614, %get3A_615] {strides = array<i32>} : memref<48x128xf32, #tpu.memory_space<vmem>>, vector<16xf32>,
      tpu.vector_store_idx %arg13[%get3A_613], %get3A_616 {add = true} : memref<10000xf32, #tpu.memory_space<vmem>>[vector<16xi32>], vector<16xf32>,
      %get3A_617 = arith.index_cast %add3A_586 : i32 to index
      %get3A_618 = arith.constant 64 : index
      %get3A_619 = tpu.vector_load %arg9[%get3A_617, %get3A_618] {strides = array<i32>} : memref<48x128xi32, #tpu.memory_space<vmem>>, vector<16xi32>,
      %get3A_620 = arith.index_cast %add3A_586 : i32 to index
      %get3A_621 = arith.constant 64 : index
      %get3A_622 = tpu.vector_load %arg11[%get3A_620, %get3A_621] {strides = array<i32>} : memref<48x128xf32, #tpu.memory_space<vmem>>, vector<16xf32>,
      tpu.vector_store_idx %arg13[%get3A_619], %get3A_622 {add = true} : memref<10000xf32, #tpu.memory_space<vmem>>[vector<16xi32>], vector<16xf32>,
      %get3A_623 = arith.index_cast %add3A_586 : i32 to index
      %get3A_624 = arith.constant 80 : index
      %get3A_625 = tpu.vector_load %arg9[%get3A_623, %get3A_624] {strides = array<i32>} : memref<48x128xi32, #tpu.memory_space<vmem>>, vector<16xi32>,
      %get3A_626 = arith.index_cast %add3A_586 : i32 to index
      %get3A_627 = arith.constant 80 : index
      %get3A_628 = tpu.vector_load %arg11[%get3A_626, %get3A_627] {strides = array<i32>} : memref<48x128xf32, #tpu.memory_space<vmem>>, vector<16xf32>,
      tpu.vector_store_idx %arg13[%get3A_625], %get3A_628 {add = true} : memref<10000xf32, #tpu.memory_space<vmem>>[vector<16xi32>], vector<16xf32>,
      %get3A_629 = arith.index_cast %add3A_586 : i32 to index
      %get3A_630 = arith.constant 96 : index
      %get3A_631 = tpu.vector_load %arg9[%get3A_629, %get3A_630] {strides = array<i32>} : memref<48x128xi32, #tpu.memory_space<vmem>>, vector<16xi32>,
      %get3A_632 = arith.index_cast %add3A_586 : i32 to index
      %get3A_633 = arith.constant 96 : index
      %get3A_634 = tpu.vector_load %arg11[%get3A_632, %get3A_633] {strides = array<i32>} : memref<48x128xf32, #tpu.memory_space<vmem>>, vector<16xf32>,
      tpu.vector_store_idx %arg13[%get3A_631], %get3A_634 {add = true} : memref<10000xf32, #tpu.memory_space<vmem>>[vector<16xi32>], vector<16xf32>,
      %get3A_635 = arith.index_cast %add3A_586 : i32 to index
      %get3A_636 = arith.constant 112 : index
      %get3A_637 = tpu.vector_load %arg9[%get3A_635, %get3A_636] {strides = array<i32>} : memref<48x128xi32, #tpu.memory_space<vmem>>, vector<16xi32>,
      %get3A_638 = arith.index_cast %add3A_586 : i32 to index
      %get3A_639 = arith.constant 112 : index
      %get3A_640 = tpu.vector_load %arg11[%get3A_638, %get3A_639] {strides = array<i32>} : memref<48x128xf32, #tpu.memory_space<vmem>>, vector<16xf32>,
      tpu.vector_store_idx %arg13[%get3A_637], %get3A_640 {add = true} : memref<10000xf32, #tpu.memory_space<vmem>>[vector<16xi32>], vector<16xf32>,
      %dma_start3A_641 = arith.constant 0 : i32
      %dma_start3A_642 = arith.constant 3 : i32
      %dma_start3A_643 = arith.constant 0 : i32
      %dma_start3A_644 = arith.constant 0 : i32
      %dma_start3A_645 = tpu.memref_slice %arg12[%dma_start3A_641, %dma_start3A_642, %dma_start3A_643, %dma_start3A_644] : memref<2x4x128x48xf32, #tpu.memory_space<vmem>> -> memref<1x1x128x48xf32, #tpu.memory_space<vmem>>
      %dma_start3A_646 = tpu.memref_squeeze %dma_start3A_645 : memref<1x1x128x48xf32, #tpu.memory_space<vmem>> -> memref<128x48xf32, #tpu.memory_space<vmem>>
      %dma_start3A_647 = arith.constant 0 : i32
      %dma_start3A_648 = tpu.memref_slice %arg9[%add3A_586, %dma_start3A_647] : memref<48x128xi32, #tpu.memory_space<vmem>> -> memref<1x128xi32, #tpu.memory_space<vmem>>
      %dma_start3A_649 = tpu.memref_squeeze %dma_start3A_648 : memref<1x128xi32, #tpu.memory_space<vmem>> -> memref<128xi32, #tpu.memory_space<vmem>>
      %dma_start3A_650 = arith.constant 0 : i32
      %dma_start3A_651 = arith.constant 0 : i32
      %dma_start3A_652 = tpu.memref_slice %arg15[%dma_start3A_650, %dma_start3A_651] : memref<10000x48xf32, #tpu.memory_space<vmem_shared>> -> memref<10000x48xf32, #tpu.memory_space<vmem_shared>>
      tpu.enqueue_indirect_dma source(%dma_start3A_646 : memref<128x48xf32, #tpu.memory_space<vmem>>) target(%dma_start3A_652 : memref<10000x48xf32, #tpu.memory_space<vmem_shared>>) offsets(%dma_start3A_649 : memref<128xi32, #tpu.memory_space<vmem>>) semaphore(%arg18 : memref<!tpu.dma_semaphore, #tpu.memory_space<semaphore_mem>>) {add = true}
      %add3A_653 = arith.constant 2 : i32
      %add3A_654 = arith.addi %mul3A_309, %add3A_653 : i32
      %lt3A = arith.constant 10 : i32
      %lt3A_655 = arith.cmpi slt, %add3A_654, %lt3A : i32
      %convert_element_type3A = arith.extui %lt3A_655 : i1 to i32
      %cond3A = arith.constant 0 : i32
      %cond3A_656 = arith.cmpi ne, %convert_element_type3A, %cond3A : i32
      scf.if %cond3A_656 {
        %mul3A_1012 = arith.constant 4 : i32
        %mul3A_1013 = arith.muli %mul3A_309, %mul3A_1012 : i32
        %add3A_1014 = arith.constant 0 : i32
        %add3A_1015 = arith.addi %mul3A_1013, %add3A_1014 : i32
        %dma_wait3A_1016 = arith.constant 0 : i32
        %dma_wait3A_1017 = arith.constant 0 : i32
        %dma_wait3A_1018 = arith.constant 0 : i32
        %dma_wait3A_1019 = arith.constant 0 : i32
        %dma_wait3A_1020 = tpu.memref_slice %arg12[%dma_wait3A_1016, %dma_wait3A_1017, %dma_wait3A_1018, %dma_wait3A_1019] : memref<2x4x128x48xf32, #tpu.memory_space<vmem>> -> memref<1x1x128x48xf32, #tpu.memory_space<vmem>>
        %dma_wait3A_1021 = tpu.memref_squeeze %dma_wait3A_1020 : memref<1x1x128x48xf32, #tpu.memory_space<vmem>> -> memref<128x48xf32, #tpu.memory_space<vmem>>
        %dma_wait3A_1022 = arith.constant 0 : i32
        %dma_wait3A_1023 = tpu.memref_slice %arg9[%add3A_1015, %dma_wait3A_1022] : memref<48x128xi32, #tpu.memory_space<vmem>> -> memref<1x128xi32, #tpu.memory_space<vmem>>
        %dma_wait3A_1024 = tpu.memref_squeeze %dma_wait3A_1023 : memref<1x128xi32, #tpu.memory_space<vmem>> -> memref<128xi32, #tpu.memory_space<vmem>>
        %dma_wait3A_1025 = arith.constant 0 : i32
        %dma_wait3A_1026 = arith.constant 0 : i32
        %dma_wait3A_1027 = tpu.memref_slice %arg15[%dma_wait3A_1025, %dma_wait3A_1026] : memref<10000x48xf32, #tpu.memory_space<vmem_shared>> -> memref<10000x48xf32, #tpu.memory_space<vmem_shared>>
        tpu.wait_indirect_dma semaphore(%arg18 : memref<!tpu.dma_semaphore, #tpu.memory_space<semaphore_mem>>) src(%dma_wait3A_1021 : memref<128x48xf32, #tpu.memory_space<vmem>>) dst(%dma_wait3A_1027 : memref<10000x48xf32, #tpu.memory_space<vmem_shared>>)
        %mul3A_1028 = arith.constant 4 : i32
        %mul3A_1029 = arith.muli %mul3A_309, %mul3A_1028 : i32
        %add3A_1030 = arith.constant 1 : i32
        %add3A_1031 = arith.addi %mul3A_1029, %add3A_1030 : i32
        %dma_wait3A_1032 = arith.constant 0 : i32
        %dma_wait3A_1033 = arith.constant 1 : i32
        %dma_wait3A_1034 = arith.constant 0 : i32
        %dma_wait3A_1035 = arith.constant 0 : i32
        %dma_wait3A_1036 = tpu.memref_slice %arg12[%dma_wait3A_1032, %dma_wait3A_1033, %dma_wait3A_1034, %dma_wait3A_1035] : memref<2x4x128x48xf32, #tpu.memory_space<vmem>> -> memref<1x1x128x48xf32, #tpu.memory_space<vmem>>
        %dma_wait3A_1037 = tpu.memref_squeeze %dma_wait3A_1036 : memref<1x1x128x48xf32, #tpu.memory_space<vmem>> -> memref<128x48xf32, #tpu.memory_space<vmem>>
        %dma_wait3A_1038 = arith.constant 0 : i32
        %dma_wait3A_1039 = tpu.memref_slice %arg9[%add3A_1031, %dma_wait3A_1038] : memref<48x128xi32, #tpu.memory_space<vmem>> -> memref<1x128xi32, #tpu.memory_space<vmem>>
        %dma_wait3A_1040 = tpu.memref_squeeze %dma_wait3A_1039 : memref<1x128xi32, #tpu.memory_space<vmem>> -> memref<128xi32, #tpu.memory_space<vmem>>
        %dma_wait3A_1041 = arith.constant 0 : i32
        %dma_wait3A_1042 = arith.constant 0 : i32
        %dma_wait3A_1043 = tpu.memref_slice %arg15[%dma_wait3A_1041, %dma_wait3A_1042] : memref<10000x48xf32, #tpu.memory_space<vmem_shared>> -> memref<10000x48xf32, #tpu.memory_space<vmem_shared>>
        tpu.wait_indirect_dma semaphore(%arg18 : memref<!tpu.dma_semaphore, #tpu.memory_space<semaphore_mem>>) src(%dma_wait3A_1037 : memref<128x48xf32, #tpu.memory_space<vmem>>) dst(%dma_wait3A_1043 : memref<10000x48xf32, #tpu.memory_space<vmem_shared>>)
        %mul3A_1044 = arith.constant 4 : i32
        %mul3A_1045 = arith.muli %mul3A_309, %mul3A_1044 : i32
        %add3A_1046 = arith.constant 2 : i32
        %add3A_1047 = arith.addi %mul3A_1045, %add3A_1046 : i32
        %dma_wait3A_1048 = arith.constant 0 : i32
        %dma_wait3A_1049 = arith.constant 2 : i32
        %dma_wait3A_1050 = arith.constant 0 : i32
        %dma_wait3A_1051 = arith.constant 0 : i32
        %dma_wait3A_1052 = tpu.memref_slice %arg12[%dma_wait3A_1048, %dma_wait3A_1049, %dma_wait3A_1050, %dma_wait3A_1051] : memref<2x4x128x48xf32, #tpu.memory_space<vmem>> -> memref<1x1x128x48xf32, #tpu.memory_space<vmem>>
        %dma_wait3A_1053 = tpu.memref_squeeze %dma_wait3A_1052 : memref<1x1x128x48xf32, #tpu.memory_space<vmem>> -> memref<128x48xf32, #tpu.memory_space<vmem>>
        %dma_wait3A_1054 = arith.constant 0 : i32
        %dma_wait3A_1055 = tpu.memref_slice %arg9[%add3A_1047, %dma_wait3A_1054] : memref<48x128xi32, #tpu.memory_space<vmem>> -> memref<1x128xi32, #tpu.memory_space<vmem>>
        %dma_wait3A_1056 = tpu.memref_squeeze %dma_wait3A_1055 : memref<1x128xi32, #tpu.memory_space<vmem>> -> memref<128xi32, #tpu.memory_space<vmem>>
        %dma_wait3A_1057 = arith.constant 0 : i32
        %dma_wait3A_1058 = arith.constant 0 : i32
        %dma_wait3A_1059 = tpu.memref_slice %arg15[%dma_wait3A_1057, %dma_wait3A_1058] : memref<10000x48xf32, #tpu.memory_space<vmem_shared>> -> memref<10000x48xf32, #tpu.memory_space<vmem_shared>>
        tpu.wait_indirect_dma semaphore(%arg18 : memref<!tpu.dma_semaphore, #tpu.memory_space<semaphore_mem>>) src(%dma_wait3A_1053 : memref<128x48xf32, #tpu.memory_space<vmem>>) dst(%dma_wait3A_1059 : memref<10000x48xf32, #tpu.memory_space<vmem_shared>>)
        %mul3A_1060 = arith.constant 4 : i32
        %mul3A_1061 = arith.muli %mul3A_309, %mul3A_1060 : i32
        %add3A_1062 = arith.constant 3 : i32
        %add3A_1063 = arith.addi %mul3A_1061, %add3A_1062 : i32
        %dma_wait3A_1064 = arith.constant 0 : i32
        %dma_wait3A_1065 = arith.constant 3 : i32
        %dma_wait3A_1066 = arith.constant 0 : i32
        %dma_wait3A_1067 = arith.constant 0 : i32
        %dma_wait3A_1068 = tpu.memref_slice %arg12[%dma_wait3A_1064, %dma_wait3A_1065, %dma_wait3A_1066, %dma_wait3A_1067] : memref<2x4x128x48xf32, #tpu.memory_space<vmem>> -> memref<1x1x128x48xf32, #tpu.memory_space<vmem>>
        %dma_wait3A_1069 = tpu.memref_squeeze %dma_wait3A_1068 : memref<1x1x128x48xf32, #tpu.memory_space<vmem>> -> memref<128x48xf32, #tpu.memory_space<vmem>>
        %dma_wait3A_1070 = arith.constant 0 : i32
        %dma_wait3A_1071 = tpu.memref_slice %arg9[%add3A_1063, %dma_wait3A_1070] : memref<48x128xi32, #tpu.memory_space<vmem>> -> memref<1x128xi32, #tpu.memory_space<vmem>>
        %dma_wait3A_1072 = tpu.memref_squeeze %dma_wait3A_1071 : memref<1x128xi32, #tpu.memory_space<vmem>> -> memref<128xi32, #tpu.memory_space<vmem>>
        %dma_wait3A_1073 = arith.constant 0 : i32
        %dma_wait3A_1074 = arith.constant 0 : i32
        %dma_wait3A_1075 = tpu.memref_slice %arg15[%dma_wait3A_1073, %dma_wait3A_1074] : memref<10000x48xf32, #tpu.memory_space<vmem_shared>> -> memref<10000x48xf32, #tpu.memory_space<vmem_shared>>
        tpu.wait_indirect_dma semaphore(%arg18 : memref<!tpu.dma_semaphore, #tpu.memory_space<semaphore_mem>>) src(%dma_wait3A_1069 : memref<128x48xf32, #tpu.memory_space<vmem>>) dst(%dma_wait3A_1075 : memref<10000x48xf32, #tpu.memory_space<vmem_shared>>)
        %add3A_1076 = arith.constant 2 : i32
        %add3A_1077 = arith.addi %mul3A_309, %add3A_1076 : i32
        %mul3A_1078 = arith.constant 4 : i32
        %mul3A_1079 = arith.muli %add3A_1077, %mul3A_1078 : i32
        %add3A_1080 = arith.constant 0 : i32
        %add3A_1081 = arith.addi %mul3A_1079, %add3A_1080 : i32
        %dma_start3A_1082 = arith.constant 0 : i32
        %dma_start3A_1083 = arith.constant 0 : i32
        %dma_start3A_1084 = arith.constant 0 : i32
        %dma_start3A_1085 = arith.constant 0 : i32
        %dma_start3A_1086 = tpu.memref_slice %arg12[%dma_start3A_1082, %dma_start3A_1083, %dma_start3A_1084, %dma_start3A_1085] : memref<2x4x128x48xf32, #tpu.memory_space<vmem>> -> memref<1x1x128x48xf32, #tpu.memory_space<vmem>>
        %dma_start3A_1087 = tpu.memref_squeeze %dma_start3A_1086 : memref<1x1x128x48xf32, #tpu.memory_space<vmem>> -> memref<128x48xf32, #tpu.memory_space<vmem>>
        %dma_start3A_1088 = arith.constant 0 : i32
        %dma_start3A_1089 = tpu.memref_slice %arg10[%add3A_1081, %dma_start3A_1088] : memref<48x128xi32, #tpu.memory_space<vmem>> -> memref<1x128xi32, #tpu.memory_space<vmem>>
        %dma_start3A_1090 = tpu.memref_squeeze %dma_start3A_1089 : memref<1x128xi32, #tpu.memory_space<vmem>> -> memref<128xi32, #tpu.memory_space<vmem>>
        %dma_start3A_1091 = arith.constant 0 : i32
        %dma_start3A_1092 = arith.constant 0 : i32
        %dma_start3A_1093 = tpu.memref_slice %arg2[%dma_start3A_1091, %dma_start3A_1092] : memref<10000x48xf32, #tpu.memory_space<hbm>> -> memref<10000x48xf32, #tpu.memory_space<hbm>>
        tpu.enqueue_indirect_dma source(%dma_start3A_1093 : memref<10000x48xf32, #tpu.memory_space<hbm>>) target(%dma_start3A_1087 : memref<128x48xf32, #tpu.memory_space<vmem>>) offsets(%dma_start3A_1090 : memref<128xi32, #tpu.memory_space<vmem>>) semaphore(%arg16 : memref<!tpu.dma_semaphore, #tpu.memory_space<semaphore_mem>>)
        %mul3A_1094 = arith.constant 4 : i32
        %mul3A_1095 = arith.muli %add3A_1077, %mul3A_1094 : i32
        %add3A_1096 = arith.constant 1 : i32
        %add3A_1097 = arith.addi %mul3A_1095, %add3A_1096 : i32
        %dma_start3A_1098 = arith.constant 0 : i32
        %dma_start3A_1099 = arith.constant 1 : i32
        %dma_start3A_1100 = arith.constant 0 : i32
        %dma_start3A_1101 = arith.constant 0 : i32
        %dma_start3A_1102 = tpu.memref_slice %arg12[%dma_start3A_1098, %dma_start3A_1099, %dma_start3A_1100, %dma_start3A_1101] : memref<2x4x128x48xf32, #tpu.memory_space<vmem>> -> memref<1x1x128x48xf32, #tpu.memory_space<vmem>>
        %dma_start3A_1103 = tpu.memref_squeeze %dma_start3A_1102 : memref<1x1x128x48xf32, #tpu.memory_space<vmem>> -> memref<128x48xf32, #tpu.memory_space<vmem>>
        %dma_start3A_1104 = arith.constant 0 : i32
        %dma_start3A_1105 = tpu.memref_slice %arg10[%add3A_1097, %dma_start3A_1104] : memref<48x128xi32, #tpu.memory_space<vmem>> -> memref<1x128xi32, #tpu.memory_space<vmem>>
        %dma_start3A_1106 = tpu.memref_squeeze %dma_start3A_1105 : memref<1x128xi32, #tpu.memory_space<vmem>> -> memref<128xi32, #tpu.memory_space<vmem>>
        %dma_start3A_1107 = arith.constant 0 : i32
        %dma_start3A_1108 = arith.constant 0 : i32
        %dma_start3A_1109 = tpu.memref_slice %arg2[%dma_start3A_1107, %dma_start3A_1108] : memref<10000x48xf32, #tpu.memory_space<hbm>> -> memref<10000x48xf32, #tpu.memory_space<hbm>>
        tpu.enqueue_indirect_dma source(%dma_start3A_1109 : memref<10000x48xf32, #tpu.memory_space<hbm>>) target(%dma_start3A_1103 : memref<128x48xf32, #tpu.memory_space<vmem>>) offsets(%dma_start3A_1106 : memref<128xi32, #tpu.memory_space<vmem>>) semaphore(%arg16 : memref<!tpu.dma_semaphore, #tpu.memory_space<semaphore_mem>>)
        %mul3A_1110 = arith.constant 4 : i32
        %mul3A_1111 = arith.muli %add3A_1077, %mul3A_1110 : i32
        %add3A_1112 = arith.constant 2 : i32
        %add3A_1113 = arith.addi %mul3A_1111, %add3A_1112 : i32
        %dma_start3A_1114 = arith.constant 0 : i32
        %dma_start3A_1115 = arith.constant 2 : i32
        %dma_start3A_1116 = arith.constant 0 : i32
        %dma_start3A_1117 = arith.constant 0 : i32
        %dma_start3A_1118 = tpu.memref_slice %arg12[%dma_start3A_1114, %dma_start3A_1115, %dma_start3A_1116, %dma_start3A_1117] : memref<2x4x128x48xf32, #tpu.memory_space<vmem>> -> memref<1x1x128x48xf32, #tpu.memory_space<vmem>>
        %dma_start3A_1119 = tpu.memref_squeeze %dma_start3A_1118 : memref<1x1x128x48xf32, #tpu.memory_space<vmem>> -> memref<128x48xf32, #tpu.memory_space<vmem>>
        %dma_start3A_1120 = arith.constant 0 : i32
        %dma_start3A_1121 = tpu.memref_slice %arg10[%add3A_1113, %dma_start3A_1120] : memref<48x128xi32, #tpu.memory_space<vmem>> -> memref<1x128xi32, #tpu.memory_space<vmem>>
        %dma_start3A_1122 = tpu.memref_squeeze %dma_start3A_1121 : memref<1x128xi32, #tpu.memory_space<vmem>> -> memref<128xi32, #tpu.memory_space<vmem>>
        %dma_start3A_1123 = arith.constant 0 : i32
        %dma_start3A_1124 = arith.constant 0 : i32
        %dma_start3A_1125 = tpu.memref_slice %arg2[%dma_start3A_1123, %dma_start3A_1124] : memref<10000x48xf32, #tpu.memory_space<hbm>> -> memref<10000x48xf32, #tpu.memory_space<hbm>>
        tpu.enqueue_indirect_dma source(%dma_start3A_1125 : memref<10000x48xf32, #tpu.memory_space<hbm>>) target(%dma_start3A_1119 : memref<128x48xf32, #tpu.memory_space<vmem>>) offsets(%dma_start3A_1122 : memref<128xi32, #tpu.memory_space<vmem>>) semaphore(%arg16 : memref<!tpu.dma_semaphore, #tpu.memory_space<semaphore_mem>>)
        %mul3A_1126 = arith.constant 4 : i32
        %mul3A_1127 = arith.muli %add3A_1077, %mul3A_1126 : i32
        %add3A_1128 = arith.constant 3 : i32
        %add3A_1129 = arith.addi %mul3A_1127, %add3A_1128 : i32
        %dma_start3A_1130 = arith.constant 0 : i32
        %dma_start3A_1131 = arith.constant 3 : i32
        %dma_start3A_1132 = arith.constant 0 : i32
        %dma_start3A_1133 = arith.constant 0 : i32
        %dma_start3A_1134 = tpu.memref_slice %arg12[%dma_start3A_1130, %dma_start3A_1131, %dma_start3A_1132, %dma_start3A_1133] : memref<2x4x128x48xf32, #tpu.memory_space<vmem>> -> memref<1x1x128x48xf32, #tpu.memory_space<vmem>>
        %dma_start3A_1135 = tpu.memref_squeeze %dma_start3A_1134 : memref<1x1x128x48xf32, #tpu.memory_space<vmem>> -> memref<128x48xf32, #tpu.memory_space<vmem>>
        %dma_start3A_1136 = arith.constant 0 : i32
        %dma_start3A_1137 = tpu.memref_slice %arg10[%add3A_1129, %dma_start3A_1136] : memref<48x128xi32, #tpu.memory_space<vmem>> -> memref<1x128xi32, #tpu.memory_space<vmem>>
        %dma_start3A_1138 = tpu.memref_squeeze %dma_start3A_1137 : memref<1x128xi32, #tpu.memory_space<vmem>> -> memref<128xi32, #tpu.memory_space<vmem>>
        %dma_start3A_1139 = arith.constant 0 : i32
        %dma_start3A_1140 = arith.constant 0 : i32
        %dma_start3A_1141 = tpu.memref_slice %arg2[%dma_start3A_1139, %dma_start3A_1140] : memref<10000x48xf32, #tpu.memory_space<hbm>> -> memref<10000x48xf32, #tpu.memory_space<hbm>>
        tpu.enqueue_indirect_dma source(%dma_start3A_1141 : memref<10000x48xf32, #tpu.memory_space<hbm>>) target(%dma_start3A_1135 : memref<128x48xf32, #tpu.memory_space<vmem>>) offsets(%dma_start3A_1138 : memref<128xi32, #tpu.memory_space<vmem>>) semaphore(%arg16 : memref<!tpu.dma_semaphore, #tpu.memory_space<semaphore_mem>>)
      } else {
      }
      %mul3A_657 = arith.constant 2 : i32
      %mul3A_658 = arith.muli %mul3A_657, %scan3A_307 : i32
      %add3A_659 = arith.constant 1 : i32
      %add3A_660 = arith.addi %mul3A_658, %add3A_659 : i32
      %mul3A_661 = arith.constant 4 : i32
      %mul3A_662 = arith.muli %add3A_660, %mul3A_661 : i32
      %add3A_663 = arith.constant 0 : i32
      %add3A_664 = arith.addi %mul3A_662, %add3A_663 : i32
      %dma_wait3A_665 = arith.constant 1 : i32
      %dma_wait3A_666 = arith.constant 0 : i32
      %dma_wait3A_667 = arith.constant 0 : i32
      %dma_wait3A_668 = arith.constant 0 : i32
      %dma_wait3A_669 = tpu.memref_slice %arg12[%dma_wait3A_665, %dma_wait3A_666, %dma_wait3A_667, %dma_wait3A_668] : memref<2x4x128x48xf32, #tpu.memory_space<vmem>> -> memref<1x1x128x48xf32, #tpu.memory_space<vmem>>
      %dma_wait3A_670 = tpu.memref_squeeze %dma_wait3A_669 : memref<1x1x128x48xf32, #tpu.memory_space<vmem>> -> memref<128x48xf32, #tpu.memory_space<vmem>>
      %dma_wait3A_671 = arith.constant 0 : i32
      %dma_wait3A_672 = tpu.memref_slice %arg10[%add3A_664, %dma_wait3A_671] : memref<48x128xi32, #tpu.memory_space<vmem>> -> memref<1x128xi32, #tpu.memory_space<vmem>>
      %dma_wait3A_673 = tpu.memref_squeeze %dma_wait3A_672 : memref<1x128xi32, #tpu.memory_space<vmem>> -> memref<128xi32, #tpu.memory_space<vmem>>
      %dma_wait3A_674 = arith.constant 0 : i32
      %dma_wait3A_675 = arith.constant 0 : i32
      %dma_wait3A_676 = tpu.memref_slice %arg2[%dma_wait3A_674, %dma_wait3A_675] : memref<10000x48xf32, #tpu.memory_space<hbm>> -> memref<10000x48xf32, #tpu.memory_space<hbm>>
      tpu.wait_indirect_dma semaphore(%arg17 : memref<!tpu.dma_semaphore, #tpu.memory_space<semaphore_mem>>) src(%dma_wait3A_676 : memref<10000x48xf32, #tpu.memory_space<hbm>>) dst(%dma_wait3A_670 : memref<128x48xf32, #tpu.memory_space<vmem>>)
      %mul3A_677 = arith.constant 4 : i32
      %mul3A_678 = arith.muli %add3A_660, %mul3A_677 : i32
      %add3A_679 = arith.constant 1 : i32
      %add3A_680 = arith.addi %mul3A_678, %add3A_679 : i32
      %dma_wait3A_681 = arith.constant 1 : i32
      %dma_wait3A_682 = arith.constant 1 : i32
      %dma_wait3A_683 = arith.constant 0 : i32
      %dma_wait3A_684 = arith.constant 0 : i32
      %dma_wait3A_685 = tpu.memref_slice %arg12[%dma_wait3A_681, %dma_wait3A_682, %dma_wait3A_683, %dma_wait3A_684] : memref<2x4x128x48xf32, #tpu.memory_space<vmem>> -> memref<1x1x128x48xf32, #tpu.memory_space<vmem>>
      %dma_wait3A_686 = tpu.memref_squeeze %dma_wait3A_685 : memref<1x1x128x48xf32, #tpu.memory_space<vmem>> -> memref<128x48xf32, #tpu.memory_space<vmem>>
      %dma_wait3A_687 = arith.constant 0 : i32
      %dma_wait3A_688 = tpu.memref_slice %arg10[%add3A_680, %dma_wait3A_687] : memref<48x128xi32, #tpu.memory_space<vmem>> -> memref<1x128xi32, #tpu.memory_space<vmem>>
      %dma_wait3A_689 = tpu.memref_squeeze %dma_wait3A_688 : memref<1x128xi32, #tpu.memory_space<vmem>> -> memref<128xi32, #tpu.memory_space<vmem>>
      %dma_wait3A_690 = arith.constant 0 : i32
      %dma_wait3A_691 = arith.constant 0 : i32
      %dma_wait3A_692 = tpu.memref_slice %arg2[%dma_wait3A_690, %dma_wait3A_691] : memref<10000x48xf32, #tpu.memory_space<hbm>> -> memref<10000x48xf32, #tpu.memory_space<hbm>>
      tpu.wait_indirect_dma semaphore(%arg17 : memref<!tpu.dma_semaphore, #tpu.memory_space<semaphore_mem>>) src(%dma_wait3A_692 : memref<10000x48xf32, #tpu.memory_space<hbm>>) dst(%dma_wait3A_686 : memref<128x48xf32, #tpu.memory_space<vmem>>)
      %mul3A_693 = arith.constant 4 : i32
      %mul3A_694 = arith.muli %add3A_660, %mul3A_693 : i32
      %add3A_695 = arith.constant 2 : i32
      %add3A_696 = arith.addi %mul3A_694, %add3A_695 : i32
      %dma_wait3A_697 = arith.constant 1 : i32
      %dma_wait3A_698 = arith.constant 2 : i32
      %dma_wait3A_699 = arith.constant 0 : i32
      %dma_wait3A_700 = arith.constant 0 : i32
      %dma_wait3A_701 = tpu.memref_slice %arg12[%dma_wait3A_697, %dma_wait3A_698, %dma_wait3A_699, %dma_wait3A_700] : memref<2x4x128x48xf32, #tpu.memory_space<vmem>> -> memref<1x1x128x48xf32, #tpu.memory_space<vmem>>
      %dma_wait3A_702 = tpu.memref_squeeze %dma_wait3A_701 : memref<1x1x128x48xf32, #tpu.memory_space<vmem>> -> memref<128x48xf32, #tpu.memory_space<vmem>>
      %dma_wait3A_703 = arith.constant 0 : i32
      %dma_wait3A_704 = tpu.memref_slice %arg10[%add3A_696, %dma_wait3A_703] : memref<48x128xi32, #tpu.memory_space<vmem>> -> memref<1x128xi32, #tpu.memory_space<vmem>>
      %dma_wait3A_705 = tpu.memref_squeeze %dma_wait3A_704 : memref<1x128xi32, #tpu.memory_space<vmem>> -> memref<128xi32, #tpu.memory_space<vmem>>
      %dma_wait3A_706 = arith.constant 0 : i32
      %dma_wait3A_707 = arith.constant 0 : i32
      %dma_wait3A_708 = tpu.memref_slice %arg2[%dma_wait3A_706, %dma_wait3A_707] : memref<10000x48xf32, #tpu.memory_space<hbm>> -> memref<10000x48xf32, #tpu.memory_space<hbm>>
      tpu.wait_indirect_dma semaphore(%arg17 : memref<!tpu.dma_semaphore, #tpu.memory_space<semaphore_mem>>) src(%dma_wait3A_708 : memref<10000x48xf32, #tpu.memory_space<hbm>>) dst(%dma_wait3A_702 : memref<128x48xf32, #tpu.memory_space<vmem>>)
      %mul3A_709 = arith.constant 4 : i32
      %mul3A_710 = arith.muli %add3A_660, %mul3A_709 : i32
      %add3A_711 = arith.constant 3 : i32
      %add3A_712 = arith.addi %mul3A_710, %add3A_711 : i32
      %dma_wait3A_713 = arith.constant 1 : i32
      %dma_wait3A_714 = arith.constant 3 : i32
      %dma_wait3A_715 = arith.constant 0 : i32
      %dma_wait3A_716 = arith.constant 0 : i32
      %dma_wait3A_717 = tpu.memref_slice %arg12[%dma_wait3A_713, %dma_wait3A_714, %dma_wait3A_715, %dma_wait3A_716] : memref<2x4x128x48xf32, #tpu.memory_space<vmem>> -> memref<1x1x128x48xf32, #tpu.memory_space<vmem>>
      %dma_wait3A_718 = tpu.memref_squeeze %dma_wait3A_717 : memref<1x1x128x48xf32, #tpu.memory_space<vmem>> -> memref<128x48xf32, #tpu.memory_space<vmem>>
      %dma_wait3A_719 = arith.constant 0 : i32
      %dma_wait3A_720 = tpu.memref_slice %arg10[%add3A_712, %dma_wait3A_719] : memref<48x128xi32, #tpu.memory_space<vmem>> -> memref<1x128xi32, #tpu.memory_space<vmem>>
      %dma_wait3A_721 = tpu.memref_squeeze %dma_wait3A_720 : memref<1x128xi32, #tpu.memory_space<vmem>> -> memref<128xi32, #tpu.memory_space<vmem>>
      %dma_wait3A_722 = arith.constant 0 : i32
      %dma_wait3A_723 = arith.constant 0 : i32
      %dma_wait3A_724 = tpu.memref_slice %arg2[%dma_wait3A_722, %dma_wait3A_723] : memref<10000x48xf32, #tpu.memory_space<hbm>> -> memref<10000x48xf32, #tpu.memory_space<hbm>>
      tpu.wait_indirect_dma semaphore(%arg17 : memref<!tpu.dma_semaphore, #tpu.memory_space<semaphore_mem>>) src(%dma_wait3A_724 : memref<10000x48xf32, #tpu.memory_space<hbm>>) dst(%dma_wait3A_718 : memref<128x48xf32, #tpu.memory_space<vmem>>)
      %mul3A_725 = arith.constant 4 : i32
      %mul3A_726 = arith.muli %add3A_660, %mul3A_725 : i32
      %add3A_727 = arith.constant 0 : i32
      %add3A_728 = arith.addi %mul3A_726, %add3A_727 : i32
      %scan3A_729 = arith.constant 0 : i32
      %scan3A_730 = arith.constant 0 : i32
      %scan3A_731 = arith.constant 32 : i32
      %scan3A_732 = arith.addi %scan3A_730, %scan3A_731 : i32
      %scan3A_733 = arith.constant 1 : i32
      scf.for %scan3A_1012 = %scan3A_730 to %scan3A_732 step %scan3A_733  : i32 {
        %mul3A_1013 = arith.constant 4 : i32
        %mul3A_1014 = arith.muli %scan3A_1012, %mul3A_1013 : i32
        %add3A_1015 = arith.constant 0 : i32
        %add3A_1016 = arith.addi %mul3A_1014, %add3A_1015 : i32
        %broadcast_in_dim3A_1017 = vector.broadcast %add3A_728 : i32 to vector<16xi32>
        %broadcast_in_dim3A_1018 = vector.broadcast %add3A_1016 : i32 to vector<16xi32>
        %gather3A = tpu.vector_load_idx %arg11[%broadcast_in_dim3A_1017, %broadcast_in_dim3A_1018] : memref<48x128xf32, #tpu.memory_space<vmem>>[vector<16xi32>, vector<16xi32>], vector<16xf32>,
        %get3A_1019 = arith.constant 1 : i32
        %get3A_1020 = arith.constant 0 : i32
        %get3A_1021 = arith.index_cast %get3A_1019 : i32 to index
        %get3A_1022 = arith.index_cast %get3A_1020 : i32 to index
        %get3A_1023 = arith.index_cast %add3A_1016 : i32 to index
        %get3A_1024 = arith.constant 0 : index
        %get3A_1025 = tpu.vector_load %arg12[%get3A_1021, %get3A_1022, %get3A_1023, %get3A_1024] {strides = array<i32>} : memref<2x4x128x48xf32, #tpu.memory_space<vmem>>, vector<16xf32>,
        %mul3A_1026 = arith.mulf %get3A_1025, %gather3A : vector<16xf32>
        %swap3A_1027 = arith.constant 1 : i32
        %swap3A_1028 = arith.constant 0 : i32
        %swap3A_1029 = arith.index_cast %swap3A_1027 : i32 to index
        %swap3A_1030 = arith.index_cast %swap3A_1028 : i32 to index
        %swap3A_1031 = arith.index_cast %add3A_1016 : i32 to index
        %swap3A_1032 = arith.constant 0 : index
        %swap3A_1033 = tpu.vector_load %arg12[%swap3A_1029, %swap3A_1030, %swap3A_1031, %swap3A_1032] {strides = array<i32>} : memref<2x4x128x48xf32, #tpu.memory_space<vmem>>, vector<16xf32>,
        tpu.vector_store %arg12[%swap3A_1029, %swap3A_1030, %swap3A_1031, %swap3A_1032], %mul3A_1026 {strides = array<i32>} : memref<2x4x128x48xf32, #tpu.memory_space<vmem>>, vector<16xf32>,
        %get3A_1034 = arith.constant 1 : i32
        %get3A_1035 = arith.constant 0 : i32
        %get3A_1036 = arith.index_cast %get3A_1034 : i32 to index
        %get3A_1037 = arith.index_cast %get3A_1035 : i32 to index
        %get3A_1038 = arith.index_cast %add3A_1016 : i32 to index
        %get3A_1039 = arith.constant 16 : index
        %get3A_1040 = tpu.vector_load %arg12[%get3A_1036, %get3A_1037, %get3A_1038, %get3A_1039] {strides = array<i32>} : memref<2x4x128x48xf32, #tpu.memory_space<vmem>>, vector<16xf32>,
        %mul3A_1041 = arith.mulf %get3A_1040, %gather3A : vector<16xf32>
        %swap3A_1042 = arith.constant 1 : i32
        %swap3A_1043 = arith.constant 0 : i32
        %swap3A_1044 = arith.index_cast %swap3A_1042 : i32 to index
        %swap3A_1045 = arith.index_cast %swap3A_1043 : i32 to index
        %swap3A_1046 = arith.index_cast %add3A_1016 : i32 to index
        %swap3A_1047 = arith.constant 16 : index
        %swap3A_1048 = tpu.vector_load %arg12[%swap3A_1044, %swap3A_1045, %swap3A_1046, %swap3A_1047] {strides = array<i32>} : memref<2x4x128x48xf32, #tpu.memory_space<vmem>>, vector<16xf32>,
        tpu.vector_store %arg12[%swap3A_1044, %swap3A_1045, %swap3A_1046, %swap3A_1047], %mul3A_1041 {strides = array<i32>} : memref<2x4x128x48xf32, #tpu.memory_space<vmem>>, vector<16xf32>,
        %get3A_1049 = arith.constant 1 : i32
        %get3A_1050 = arith.constant 0 : i32
        %get3A_1051 = arith.index_cast %get3A_1049 : i32 to index
        %get3A_1052 = arith.index_cast %get3A_1050 : i32 to index
        %get3A_1053 = arith.index_cast %add3A_1016 : i32 to index
        %get3A_1054 = arith.constant 32 : index
        %get3A_1055 = tpu.vector_load %arg12[%get3A_1051, %get3A_1052, %get3A_1053, %get3A_1054] {strides = array<i32>} : memref<2x4x128x48xf32, #tpu.memory_space<vmem>>, vector<16xf32>,
        %mul3A_1056 = arith.mulf %get3A_1055, %gather3A : vector<16xf32>
        %swap3A_1057 = arith.constant 1 : i32
        %swap3A_1058 = arith.constant 0 : i32
        %swap3A_1059 = arith.index_cast %swap3A_1057 : i32 to index
        %swap3A_1060 = arith.index_cast %swap3A_1058 : i32 to index
        %swap3A_1061 = arith.index_cast %add3A_1016 : i32 to index
        %swap3A_1062 = arith.constant 32 : index
        %swap3A_1063 = tpu.vector_load %arg12[%swap3A_1059, %swap3A_1060, %swap3A_1061, %swap3A_1062] {strides = array<i32>} : memref<2x4x128x48xf32, #tpu.memory_space<vmem>>, vector<16xf32>,
        tpu.vector_store %arg12[%swap3A_1059, %swap3A_1060, %swap3A_1061, %swap3A_1062], %mul3A_1056 {strides = array<i32>} : memref<2x4x128x48xf32, #tpu.memory_space<vmem>>, vector<16xf32>,
        %mul3A_1064 = arith.constant 4 : i32
        %mul3A_1065 = arith.muli %scan3A_1012, %mul3A_1064 : i32
        %add3A_1066 = arith.constant 1 : i32
        %add3A_1067 = arith.addi %mul3A_1065, %add3A_1066 : i32
        %broadcast_in_dim3A_1068 = vector.broadcast %add3A_728 : i32 to vector<16xi32>
        %broadcast_in_dim3A_1069 = vector.broadcast %add3A_1067 : i32 to vector<16xi32>
        %gather3A_1070 = tpu.vector_load_idx %arg11[%broadcast_in_dim3A_1068, %broadcast_in_dim3A_1069] : memref<48x128xf32, #tpu.memory_space<vmem>>[vector<16xi32>, vector<16xi32>], vector<16xf32>,
        %get3A_1071 = arith.constant 1 : i32
        %get3A_1072 = arith.constant 0 : i32
        %get3A_1073 = arith.index_cast %get3A_1071 : i32 to index
        %get3A_1074 = arith.index_cast %get3A_1072 : i32 to index
        %get3A_1075 = arith.index_cast %add3A_1067 : i32 to index
        %get3A_1076 = arith.constant 0 : index
        %get3A_1077 = tpu.vector_load %arg12[%get3A_1073, %get3A_1074, %get3A_1075, %get3A_1076] {strides = array<i32>} : memref<2x4x128x48xf32, #tpu.memory_space<vmem>>, vector<16xf32>,
        %mul3A_1078 = arith.mulf %get3A_1077, %gather3A_1070 : vector<16xf32>
        %swap3A_1079 = arith.constant 1 : i32
        %swap3A_1080 = arith.constant 0 : i32
        %swap3A_1081 = arith.index_cast %swap3A_1079 : i32 to index
        %swap3A_1082 = arith.index_cast %swap3A_1080 : i32 to index
        %swap3A_1083 = arith.index_cast %add3A_1067 : i32 to index
        %swap3A_1084 = arith.constant 0 : index
        %swap3A_1085 = tpu.vector_load %arg12[%swap3A_1081, %swap3A_1082, %swap3A_1083, %swap3A_1084] {strides = array<i32>} : memref<2x4x128x48xf32, #tpu.memory_space<vmem>>, vector<16xf32>,
        tpu.vector_store %arg12[%swap3A_1081, %swap3A_1082, %swap3A_1083, %swap3A_1084], %mul3A_1078 {strides = array<i32>} : memref<2x4x128x48xf32, #tpu.memory_space<vmem>>, vector<16xf32>,
        %get3A_1086 = arith.constant 1 : i32
        %get3A_1087 = arith.constant 0 : i32
        %get3A_1088 = arith.index_cast %get3A_1086 : i32 to index
        %get3A_1089 = arith.index_cast %get3A_1087 : i32 to index
        %get3A_1090 = arith.index_cast %add3A_1067 : i32 to index
        %get3A_1091 = arith.constant 16 : index
        %get3A_1092 = tpu.vector_load %arg12[%get3A_1088, %get3A_1089, %get3A_1090, %get3A_1091] {strides = array<i32>} : memref<2x4x128x48xf32, #tpu.memory_space<vmem>>, vector<16xf32>,
        %mul3A_1093 = arith.mulf %get3A_1092, %gather3A_1070 : vector<16xf32>
        %swap3A_1094 = arith.constant 1 : i32
        %swap3A_1095 = arith.constant 0 : i32
        %swap3A_1096 = arith.index_cast %swap3A_1094 : i32 to index
        %swap3A_1097 = arith.index_cast %swap3A_1095 : i32 to index
        %swap3A_1098 = arith.index_cast %add3A_1067 : i32 to index
        %swap3A_1099 = arith.constant 16 : index
        %swap3A_1100 = tpu.vector_load %arg12[%swap3A_1096, %swap3A_1097, %swap3A_1098, %swap3A_1099] {strides = array<i32>} : memref<2x4x128x48xf32, #tpu.memory_space<vmem>>, vector<16xf32>,
        tpu.vector_store %arg12[%swap3A_1096, %swap3A_1097, %swap3A_1098, %swap3A_1099], %mul3A_1093 {strides = array<i32>} : memref<2x4x128x48xf32, #tpu.memory_space<vmem>>, vector<16xf32>,
        %get3A_1101 = arith.constant 1 : i32
        %get3A_1102 = arith.constant 0 : i32
        %get3A_1103 = arith.index_cast %get3A_1101 : i32 to index
        %get3A_1104 = arith.index_cast %get3A_1102 : i32 to index
        %get3A_1105 = arith.index_cast %add3A_1067 : i32 to index
        %get3A_1106 = arith.constant 32 : index
        %get3A_1107 = tpu.vector_load %arg12[%get3A_1103, %get3A_1104, %get3A_1105, %get3A_1106] {strides = array<i32>} : memref<2x4x128x48xf32, #tpu.memory_space<vmem>>, vector<16xf32>,
        %mul3A_1108 = arith.mulf %get3A_1107, %gather3A_1070 : vector<16xf32>
        %swap3A_1109 = arith.constant 1 : i32
        %swap3A_1110 = arith.constant 0 : i32
        %swap3A_1111 = arith.index_cast %swap3A_1109 : i32 to index
        %swap3A_1112 = arith.index_cast %swap3A_1110 : i32 to index
        %swap3A_1113 = arith.index_cast %add3A_1067 : i32 to index
        %swap3A_1114 = arith.constant 32 : index
        %swap3A_1115 = tpu.vector_load %arg12[%swap3A_1111, %swap3A_1112, %swap3A_1113, %swap3A_1114] {strides = array<i32>} : memref<2x4x128x48xf32, #tpu.memory_space<vmem>>, vector<16xf32>,
        tpu.vector_store %arg12[%swap3A_1111, %swap3A_1112, %swap3A_1113, %swap3A_1114], %mul3A_1108 {strides = array<i32>} : memref<2x4x128x48xf32, #tpu.memory_space<vmem>>, vector<16xf32>,
        %mul3A_1116 = arith.constant 4 : i32
        %mul3A_1117 = arith.muli %scan3A_1012, %mul3A_1116 : i32
        %add3A_1118 = arith.constant 2 : i32
        %add3A_1119 = arith.addi %mul3A_1117, %add3A_1118 : i32
        %broadcast_in_dim3A_1120 = vector.broadcast %add3A_728 : i32 to vector<16xi32>
        %broadcast_in_dim3A_1121 = vector.broadcast %add3A_1119 : i32 to vector<16xi32>
        %gather3A_1122 = tpu.vector_load_idx %arg11[%broadcast_in_dim3A_1120, %broadcast_in_dim3A_1121] : memref<48x128xf32, #tpu.memory_space<vmem>>[vector<16xi32>, vector<16xi32>], vector<16xf32>,
        %get3A_1123 = arith.constant 1 : i32
        %get3A_1124 = arith.constant 0 : i32
        %get3A_1125 = arith.index_cast %get3A_1123 : i32 to index
        %get3A_1126 = arith.index_cast %get3A_1124 : i32 to index
        %get3A_1127 = arith.index_cast %add3A_1119 : i32 to index
        %get3A_1128 = arith.constant 0 : index
        %get3A_1129 = tpu.vector_load %arg12[%get3A_1125, %get3A_1126, %get3A_1127, %get3A_1128] {strides = array<i32>} : memref<2x4x128x48xf32, #tpu.memory_space<vmem>>, vector<16xf32>,
        %mul3A_1130 = arith.mulf %get3A_1129, %gather3A_1122 : vector<16xf32>
        %swap3A_1131 = arith.constant 1 : i32
        %swap3A_1132 = arith.constant 0 : i32
        %swap3A_1133 = arith.index_cast %swap3A_1131 : i32 to index
        %swap3A_1134 = arith.index_cast %swap3A_1132 : i32 to index
        %swap3A_1135 = arith.index_cast %add3A_1119 : i32 to index
        %swap3A_1136 = arith.constant 0 : index
        %swap3A_1137 = tpu.vector_load %arg12[%swap3A_1133, %swap3A_1134, %swap3A_1135, %swap3A_1136] {strides = array<i32>} : memref<2x4x128x48xf32, #tpu.memory_space<vmem>>, vector<16xf32>,
        tpu.vector_store %arg12[%swap3A_1133, %swap3A_1134, %swap3A_1135, %swap3A_1136], %mul3A_1130 {strides = array<i32>} : memref<2x4x128x48xf32, #tpu.memory_space<vmem>>, vector<16xf32>,
        %get3A_1138 = arith.constant 1 : i32
        %get3A_1139 = arith.constant 0 : i32
        %get3A_1140 = arith.index_cast %get3A_1138 : i32 to index
        %get3A_1141 = arith.index_cast %get3A_1139 : i32 to index
        %get3A_1142 = arith.index_cast %add3A_1119 : i32 to index
        %get3A_1143 = arith.constant 16 : index
        %get3A_1144 = tpu.vector_load %arg12[%get3A_1140, %get3A_1141, %get3A_1142, %get3A_1143] {strides = array<i32>} : memref<2x4x128x48xf32, #tpu.memory_space<vmem>>, vector<16xf32>,
        %mul3A_1145 = arith.mulf %get3A_1144, %gather3A_1122 : vector<16xf32>
        %swap3A_1146 = arith.constant 1 : i32
        %swap3A_1147 = arith.constant 0 : i32
        %swap3A_1148 = arith.index_cast %swap3A_1146 : i32 to index
        %swap3A_1149 = arith.index_cast %swap3A_1147 : i32 to index
        %swap3A_1150 = arith.index_cast %add3A_1119 : i32 to index
        %swap3A_1151 = arith.constant 16 : index
        %swap3A_1152 = tpu.vector_load %arg12[%swap3A_1148, %swap3A_1149, %swap3A_1150, %swap3A_1151] {strides = array<i32>} : memref<2x4x128x48xf32, #tpu.memory_space<vmem>>, vector<16xf32>,
        tpu.vector_store %arg12[%swap3A_1148, %swap3A_1149, %swap3A_1150, %swap3A_1151], %mul3A_1145 {strides = array<i32>} : memref<2x4x128x48xf32, #tpu.memory_space<vmem>>, vector<16xf32>,
        %get3A_1153 = arith.constant 1 : i32
        %get3A_1154 = arith.constant 0 : i32
        %get3A_1155 = arith.index_cast %get3A_1153 : i32 to index
        %get3A_1156 = arith.index_cast %get3A_1154 : i32 to index
        %get3A_1157 = arith.index_cast %add3A_1119 : i32 to index
        %get3A_1158 = arith.constant 32 : index
        %get3A_1159 = tpu.vector_load %arg12[%get3A_1155, %get3A_1156, %get3A_1157, %get3A_1158] {strides = array<i32>} : memref<2x4x128x48xf32, #tpu.memory_space<vmem>>, vector<16xf32>,
        %mul3A_1160 = arith.mulf %get3A_1159, %gather3A_1122 : vector<16xf32>
        %swap3A_1161 = arith.constant 1 : i32
        %swap3A_1162 = arith.constant 0 : i32
        %swap3A_1163 = arith.index_cast %swap3A_1161 : i32 to index
        %swap3A_1164 = arith.index_cast %swap3A_1162 : i32 to index
        %swap3A_1165 = arith.index_cast %add3A_1119 : i32 to index
        %swap3A_1166 = arith.constant 32 : index
        %swap3A_1167 = tpu.vector_load %arg12[%swap3A_1163, %swap3A_1164, %swap3A_1165, %swap3A_1166] {strides = array<i32>} : memref<2x4x128x48xf32, #tpu.memory_space<vmem>>, vector<16xf32>,
        tpu.vector_store %arg12[%swap3A_1163, %swap3A_1164, %swap3A_1165, %swap3A_1166], %mul3A_1160 {strides = array<i32>} : memref<2x4x128x48xf32, #tpu.memory_space<vmem>>, vector<16xf32>,
        %mul3A_1168 = arith.constant 4 : i32
        %mul3A_1169 = arith.muli %scan3A_1012, %mul3A_1168 : i32
        %add3A_1170 = arith.constant 3 : i32
        %add3A_1171 = arith.addi %mul3A_1169, %add3A_1170 : i32
        %broadcast_in_dim3A_1172 = vector.broadcast %add3A_728 : i32 to vector<16xi32>
        %broadcast_in_dim3A_1173 = vector.broadcast %add3A_1171 : i32 to vector<16xi32>
        %gather3A_1174 = tpu.vector_load_idx %arg11[%broadcast_in_dim3A_1172, %broadcast_in_dim3A_1173] : memref<48x128xf32, #tpu.memory_space<vmem>>[vector<16xi32>, vector<16xi32>], vector<16xf32>,
        %get3A_1175 = arith.constant 1 : i32
        %get3A_1176 = arith.constant 0 : i32
        %get3A_1177 = arith.index_cast %get3A_1175 : i32 to index
        %get3A_1178 = arith.index_cast %get3A_1176 : i32 to index
        %get3A_1179 = arith.index_cast %add3A_1171 : i32 to index
        %get3A_1180 = arith.constant 0 : index
        %get3A_1181 = tpu.vector_load %arg12[%get3A_1177, %get3A_1178, %get3A_1179, %get3A_1180] {strides = array<i32>} : memref<2x4x128x48xf32, #tpu.memory_space<vmem>>, vector<16xf32>,
        %mul3A_1182 = arith.mulf %get3A_1181, %gather3A_1174 : vector<16xf32>
        %swap3A_1183 = arith.constant 1 : i32
        %swap3A_1184 = arith.constant 0 : i32
        %swap3A_1185 = arith.index_cast %swap3A_1183 : i32 to index
        %swap3A_1186 = arith.index_cast %swap3A_1184 : i32 to index
        %swap3A_1187 = arith.index_cast %add3A_1171 : i32 to index
        %swap3A_1188 = arith.constant 0 : index
        %swap3A_1189 = tpu.vector_load %arg12[%swap3A_1185, %swap3A_1186, %swap3A_1187, %swap3A_1188] {strides = array<i32>} : memref<2x4x128x48xf32, #tpu.memory_space<vmem>>, vector<16xf32>,
        tpu.vector_store %arg12[%swap3A_1185, %swap3A_1186, %swap3A_1187, %swap3A_1188], %mul3A_1182 {strides = array<i32>} : memref<2x4x128x48xf32, #tpu.memory_space<vmem>>, vector<16xf32>,
        %get3A_1190 = arith.constant 1 : i32
        %get3A_1191 = arith.constant 0 : i32
        %get3A_1192 = arith.index_cast %get3A_1190 : i32 to index
        %get3A_1193 = arith.index_cast %get3A_1191 : i32 to index
        %get3A_1194 = arith.index_cast %add3A_1171 : i32 to index
        %get3A_1195 = arith.constant 16 : index
        %get3A_1196 = tpu.vector_load %arg12[%get3A_1192, %get3A_1193, %get3A_1194, %get3A_1195] {strides = array<i32>} : memref<2x4x128x48xf32, #tpu.memory_space<vmem>>, vector<16xf32>,
        %mul3A_1197 = arith.mulf %get3A_1196, %gather3A_1174 : vector<16xf32>
        %swap3A_1198 = arith.constant 1 : i32
        %swap3A_1199 = arith.constant 0 : i32
        %swap3A_1200 = arith.index_cast %swap3A_1198 : i32 to index
        %swap3A_1201 = arith.index_cast %swap3A_1199 : i32 to index
        %swap3A_1202 = arith.index_cast %add3A_1171 : i32 to index
        %swap3A_1203 = arith.constant 16 : index
        %swap3A_1204 = tpu.vector_load %arg12[%swap3A_1200, %swap3A_1201, %swap3A_1202, %swap3A_1203] {strides = array<i32>} : memref<2x4x128x48xf32, #tpu.memory_space<vmem>>, vector<16xf32>,
        tpu.vector_store %arg12[%swap3A_1200, %swap3A_1201, %swap3A_1202, %swap3A_1203], %mul3A_1197 {strides = array<i32>} : memref<2x4x128x48xf32, #tpu.memory_space<vmem>>, vector<16xf32>,
        %get3A_1205 = arith.constant 1 : i32
        %get3A_1206 = arith.constant 0 : i32
        %get3A_1207 = arith.index_cast %get3A_1205 : i32 to index
        %get3A_1208 = arith.index_cast %get3A_1206 : i32 to index
        %get3A_1209 = arith.index_cast %add3A_1171 : i32 to index
        %get3A_1210 = arith.constant 32 : index
        %get3A_1211 = tpu.vector_load %arg12[%get3A_1207, %get3A_1208, %get3A_1209, %get3A_1210] {strides = array<i32>} : memref<2x4x128x48xf32, #tpu.memory_space<vmem>>, vector<16xf32>,
        %mul3A_1212 = arith.mulf %get3A_1211, %gather3A_1174 : vector<16xf32>
        %swap3A_1213 = arith.constant 1 : i32
        %swap3A_1214 = arith.constant 0 : i32
        %swap3A_1215 = arith.index_cast %swap3A_1213 : i32 to index
        %swap3A_1216 = arith.index_cast %swap3A_1214 : i32 to index
        %swap3A_1217 = arith.index_cast %add3A_1171 : i32 to index
        %swap3A_1218 = arith.constant 32 : index
        %swap3A_1219 = tpu.vector_load %arg12[%swap3A_1215, %swap3A_1216, %swap3A_1217, %swap3A_1218] {strides = array<i32>} : memref<2x4x128x48xf32, #tpu.memory_space<vmem>>, vector<16xf32>,
        tpu.vector_store %arg12[%swap3A_1215, %swap3A_1216, %swap3A_1217, %swap3A_1218], %mul3A_1212 {strides = array<i32>} : memref<2x4x128x48xf32, #tpu.memory_space<vmem>>, vector<16xf32>,
      }
      %scan3A_734 = arith.constant 32 : i32
      %get3A_735 = arith.index_cast %add3A_728 : i32 to index
      %get3A_736 = arith.constant 0 : index
      %get3A_737 = tpu.vector_load %arg9[%get3A_735, %get3A_736] {strides = array<i32>} : memref<48x128xi32, #tpu.memory_space<vmem>>, vector<16xi32>,
      %get3A_738 = arith.index_cast %add3A_728 : i32 to index
      %get3A_739 = arith.constant 0 : index
      %get3A_740 = tpu.vector_load %arg11[%get3A_738, %get3A_739] {strides = array<i32>} : memref<48x128xf32, #tpu.memory_space<vmem>>, vector<16xf32>,
      tpu.vector_store_idx %arg13[%get3A_737], %get3A_740 {add = true} : memref<10000xf32, #tpu.memory_space<vmem>>[vector<16xi32>], vector<16xf32>,
      %get3A_741 = arith.index_cast %add3A_728 : i32 to index
      %get3A_742 = arith.constant 16 : index
      %get3A_743 = tpu.vector_load %arg9[%get3A_741, %get3A_742] {strides = array<i32>} : memref<48x128xi32, #tpu.memory_space<vmem>>, vector<16xi32>,
      %get3A_744 = arith.index_cast %add3A_728 : i32 to index
      %get3A_745 = arith.constant 16 : index
      %get3A_746 = tpu.vector_load %arg11[%get3A_744, %get3A_745] {strides = array<i32>} : memref<48x128xf32, #tpu.memory_space<vmem>>, vector<16xf32>,
      tpu.vector_store_idx %arg13[%get3A_743], %get3A_746 {add = true} : memref<10000xf32, #tpu.memory_space<vmem>>[vector<16xi32>], vector<16xf32>,
      %get3A_747 = arith.index_cast %add3A_728 : i32 to index
      %get3A_748 = arith.constant 32 : index
      %get3A_749 = tpu.vector_load %arg9[%get3A_747, %get3A_748] {strides = array<i32>} : memref<48x128xi32, #tpu.memory_space<vmem>>, vector<16xi32>,
      %get3A_750 = arith.index_cast %add3A_728 : i32 to index
      %get3A_751 = arith.constant 32 : index
      %get3A_752 = tpu.vector_load %arg11[%get3A_750, %get3A_751] {strides = array<i32>} : memref<48x128xf32, #tpu.memory_space<vmem>>, vector<16xf32>,
      tpu.vector_store_idx %arg13[%get3A_749], %get3A_752 {add = true} : memref<10000xf32, #tpu.memory_space<vmem>>[vector<16xi32>], vector<16xf32>,
      %get3A_753 = arith.index_cast %add3A_728 : i32 to index
      %get3A_754 = arith.constant 48 : index
      %get3A_755 = tpu.vector_load %arg9[%get3A_753, %get3A_754] {strides = array<i32>} : memref<48x128xi32, #tpu.memory_space<vmem>>, vector<16xi32>,
      %get3A_756 = arith.index_cast %add3A_728 : i32 to index
      %get3A_757 = arith.constant 48 : index
      %get3A_758 = tpu.vector_load %arg11[%get3A_756, %get3A_757] {strides = array<i32>} : memref<48x128xf32, #tpu.memory_space<vmem>>, vector<16xf32>,
      tpu.vector_store_idx %arg13[%get3A_755], %get3A_758 {add = true} : memref<10000xf32, #tpu.memory_space<vmem>>[vector<16xi32>], vector<16xf32>,
      %get3A_759 = arith.index_cast %add3A_728 : i32 to index
      %get3A_760 = arith.constant 64 : index
      %get3A_761 = tpu.vector_load %arg9[%get3A_759, %get3A_760] {strides = array<i32>} : memref<48x128xi32, #tpu.memory_space<vmem>>, vector<16xi32>,
      %get3A_762 = arith.index_cast %add3A_728 : i32 to index
      %get3A_763 = arith.constant 64 : index
      %get3A_764 = tpu.vector_load %arg11[%get3A_762, %get3A_763] {strides = array<i32>} : memref<48x128xf32, #tpu.memory_space<vmem>>, vector<16xf32>,
      tpu.vector_store_idx %arg13[%get3A_761], %get3A_764 {add = true} : memref<10000xf32, #tpu.memory_space<vmem>>[vector<16xi32>], vector<16xf32>,
      %get3A_765 = arith.index_cast %add3A_728 : i32 to index
      %get3A_766 = arith.constant 80 : index
      %get3A_767 = tpu.vector_load %arg9[%get3A_765, %get3A_766] {strides = array<i32>} : memref<48x128xi32, #tpu.memory_space<vmem>>, vector<16xi32>,
      %get3A_768 = arith.index_cast %add3A_728 : i32 to index
      %get3A_769 = arith.constant 80 : index
      %get3A_770 = tpu.vector_load %arg11[%get3A_768, %get3A_769] {strides = array<i32>} : memref<48x128xf32, #tpu.memory_space<vmem>>, vector<16xf32>,
      tpu.vector_store_idx %arg13[%get3A_767], %get3A_770 {add = true} : memref<10000xf32, #tpu.memory_space<vmem>>[vector<16xi32>], vector<16xf32>,
      %get3A_771 = arith.index_cast %add3A_728 : i32 to index
      %get3A_772 = arith.constant 96 : index
      %get3A_773 = tpu.vector_load %arg9[%get3A_771, %get3A_772] {strides = array<i32>} : memref<48x128xi32, #tpu.memory_space<vmem>>, vector<16xi32>,
      %get3A_774 = arith.index_cast %add3A_728 : i32 to index
      %get3A_775 = arith.constant 96 : index
      %get3A_776 = tpu.vector_load %arg11[%get3A_774, %get3A_775] {strides = array<i32>} : memref<48x128xf32, #tpu.memory_space<vmem>>, vector<16xf32>,
      tpu.vector_store_idx %arg13[%get3A_773], %get3A_776 {add = true} : memref<10000xf32, #tpu.memory_space<vmem>>[vector<16xi32>], vector<16xf32>,
      %get3A_777 = arith.index_cast %add3A_728 : i32 to index
      %get3A_778 = arith.constant 112 : index
      %get3A_779 = tpu.vector_load %arg9[%get3A_777, %get3A_778] {strides = array<i32>} : memref<48x128xi32, #tpu.memory_space<vmem>>, vector<16xi32>,
      %get3A_780 = arith.index_cast %add3A_728 : i32 to index
      %get3A_781 = arith.constant 112 : index
      %get3A_782 = tpu.vector_load %arg11[%get3A_780, %get3A_781] {strides = array<i32>} : memref<48x128xf32, #tpu.memory_space<vmem>>, vector<16xf32>,
      tpu.vector_store_idx %arg13[%get3A_779], %get3A_782 {add = true} : memref<10000xf32, #tpu.memory_space<vmem>>[vector<16xi32>], vector<16xf32>,
      %dma_start3A_783 = arith.constant 1 : i32
      %dma_start3A_784 = arith.constant 0 : i32
      %dma_start3A_785 = arith.constant 0 : i32
      %dma_start3A_786 = arith.constant 0 : i32
      %dma_start3A_787 = tpu.memref_slice %arg12[%dma_start3A_783, %dma_start3A_784, %dma_start3A_785, %dma_start3A_786] : memref<2x4x128x48xf32, #tpu.memory_space<vmem>> -> memref<1x1x128x48xf32, #tpu.memory_space<vmem>>
      %dma_start3A_788 = tpu.memref_squeeze %dma_start3A_787 : memref<1x1x128x48xf32, #tpu.memory_space<vmem>> -> memref<128x48xf32, #tpu.memory_space<vmem>>
      %dma_start3A_789 = arith.constant 0 : i32
      %dma_start3A_790 = tpu.memref_slice %arg9[%add3A_728, %dma_start3A_789] : memref<48x128xi32, #tpu.memory_space<vmem>> -> memref<1x128xi32, #tpu.memory_space<vmem>>
      %dma_start3A_791 = tpu.memref_squeeze %dma_start3A_790 : memref<1x128xi32, #tpu.memory_space<vmem>> -> memref<128xi32, #tpu.memory_space<vmem>>
      %dma_start3A_792 = arith.constant 0 : i32
      %dma_start3A_793 = arith.constant 0 : i32
      %dma_start3A_794 = tpu.memref_slice %arg15[%dma_start3A_792, %dma_start3A_793] : memref<10000x48xf32, #tpu.memory_space<vmem_shared>> -> memref<10000x48xf32, #tpu.memory_space<vmem_shared>>
      tpu.enqueue_indirect_dma source(%dma_start3A_788 : memref<128x48xf32, #tpu.memory_space<vmem>>) target(%dma_start3A_794 : memref<10000x48xf32, #tpu.memory_space<vmem_shared>>) offsets(%dma_start3A_791 : memref<128xi32, #tpu.memory_space<vmem>>) semaphore(%arg19 : memref<!tpu.dma_semaphore, #tpu.memory_space<semaphore_mem>>) {add = true}
      %mul3A_795 = arith.constant 4 : i32
      %mul3A_796 = arith.muli %add3A_660, %mul3A_795 : i32
      %add3A_797 = arith.constant 1 : i32
      %add3A_798 = arith.addi %mul3A_796, %add3A_797 : i32
      %scan3A_799 = arith.constant 0 : i32
      %scan3A_800 = arith.constant 0 : i32
      %scan3A_801 = arith.constant 32 : i32
      %scan3A_802 = arith.addi %scan3A_800, %scan3A_801 : i32
      %scan3A_803 = arith.constant 1 : i32
      scf.for %scan3A_1012 = %scan3A_800 to %scan3A_802 step %scan3A_803  : i32 {
        %mul3A_1013 = arith.constant 4 : i32
        %mul3A_1014 = arith.muli %scan3A_1012, %mul3A_1013 : i32
        %add3A_1015 = arith.constant 0 : i32
        %add3A_1016 = arith.addi %mul3A_1014, %add3A_1015 : i32
        %broadcast_in_dim3A_1017 = vector.broadcast %add3A_798 : i32 to vector<16xi32>
        %broadcast_in_dim3A_1018 = vector.broadcast %add3A_1016 : i32 to vector<16xi32>
        %gather3A = tpu.vector_load_idx %arg11[%broadcast_in_dim3A_1017, %broadcast_in_dim3A_1018] : memref<48x128xf32, #tpu.memory_space<vmem>>[vector<16xi32>, vector<16xi32>], vector<16xf32>,
        %get3A_1019 = arith.constant 1 : i32
        %get3A_1020 = arith.constant 1 : i32
        %get3A_1021 = arith.index_cast %get3A_1019 : i32 to index
        %get3A_1022 = arith.index_cast %get3A_1020 : i32 to index
        %get3A_1023 = arith.index_cast %add3A_1016 : i32 to index
        %get3A_1024 = arith.constant 0 : index
        %get3A_1025 = tpu.vector_load %arg12[%get3A_1021, %get3A_1022, %get3A_1023, %get3A_1024] {strides = array<i32>} : memref<2x4x128x48xf32, #tpu.memory_space<vmem>>, vector<16xf32>,
        %mul3A_1026 = arith.mulf %get3A_1025, %gather3A : vector<16xf32>
        %swap3A_1027 = arith.constant 1 : i32
        %swap3A_1028 = arith.constant 1 : i32
        %swap3A_1029 = arith.index_cast %swap3A_1027 : i32 to index
        %swap3A_1030 = arith.index_cast %swap3A_1028 : i32 to index
        %swap3A_1031 = arith.index_cast %add3A_1016 : i32 to index
        %swap3A_1032 = arith.constant 0 : index
        %swap3A_1033 = tpu.vector_load %arg12[%swap3A_1029, %swap3A_1030, %swap3A_1031, %swap3A_1032] {strides = array<i32>} : memref<2x4x128x48xf32, #tpu.memory_space<vmem>>, vector<16xf32>,
        tpu.vector_store %arg12[%swap3A_1029, %swap3A_1030, %swap3A_1031, %swap3A_1032], %mul3A_1026 {strides = array<i32>} : memref<2x4x128x48xf32, #tpu.memory_space<vmem>>, vector<16xf32>,
        %get3A_1034 = arith.constant 1 : i32
        %get3A_1035 = arith.constant 1 : i32
        %get3A_1036 = arith.index_cast %get3A_1034 : i32 to index
        %get3A_1037 = arith.index_cast %get3A_1035 : i32 to index
        %get3A_1038 = arith.index_cast %add3A_1016 : i32 to index
        %get3A_1039 = arith.constant 16 : index
        %get3A_1040 = tpu.vector_load %arg12[%get3A_1036, %get3A_1037, %get3A_1038, %get3A_1039] {strides = array<i32>} : memref<2x4x128x48xf32, #tpu.memory_space<vmem>>, vector<16xf32>,
        %mul3A_1041 = arith.mulf %get3A_1040, %gather3A : vector<16xf32>
        %swap3A_1042 = arith.constant 1 : i32
        %swap3A_1043 = arith.constant 1 : i32
        %swap3A_1044 = arith.index_cast %swap3A_1042 : i32 to index
        %swap3A_1045 = arith.index_cast %swap3A_1043 : i32 to index
        %swap3A_1046 = arith.index_cast %add3A_1016 : i32 to index
        %swap3A_1047 = arith.constant 16 : index
        %swap3A_1048 = tpu.vector_load %arg12[%swap3A_1044, %swap3A_1045, %swap3A_1046, %swap3A_1047] {strides = array<i32>} : memref<2x4x128x48xf32, #tpu.memory_space<vmem>>, vector<16xf32>,
        tpu.vector_store %arg12[%swap3A_1044, %swap3A_1045, %swap3A_1046, %swap3A_1047], %mul3A_1041 {strides = array<i32>} : memref<2x4x128x48xf32, #tpu.memory_space<vmem>>, vector<16xf32>,
        %get3A_1049 = arith.constant 1 : i32
        %get3A_1050 = arith.constant 1 : i32
        %get3A_1051 = arith.index_cast %get3A_1049 : i32 to index
        %get3A_1052 = arith.index_cast %get3A_1050 : i32 to index
        %get3A_1053 = arith.index_cast %add3A_1016 : i32 to index
        %get3A_1054 = arith.constant 32 : index
        %get3A_1055 = tpu.vector_load %arg12[%get3A_1051, %get3A_1052, %get3A_1053, %get3A_1054] {strides = array<i32>} : memref<2x4x128x48xf32, #tpu.memory_space<vmem>>, vector<16xf32>,
        %mul3A_1056 = arith.mulf %get3A_1055, %gather3A : vector<16xf32>
        %swap3A_1057 = arith.constant 1 : i32
        %swap3A_1058 = arith.constant 1 : i32
        %swap3A_1059 = arith.index_cast %swap3A_1057 : i32 to index
        %swap3A_1060 = arith.index_cast %swap3A_1058 : i32 to index
        %swap3A_1061 = arith.index_cast %add3A_1016 : i32 to index
        %swap3A_1062 = arith.constant 32 : index
        %swap3A_1063 = tpu.vector_load %arg12[%swap3A_1059, %swap3A_1060, %swap3A_1061, %swap3A_1062] {strides = array<i32>} : memref<2x4x128x48xf32, #tpu.memory_space<vmem>>, vector<16xf32>,
        tpu.vector_store %arg12[%swap3A_1059, %swap3A_1060, %swap3A_1061, %swap3A_1062], %mul3A_1056 {strides = array<i32>} : memref<2x4x128x48xf32, #tpu.memory_space<vmem>>, vector<16xf32>,
        %mul3A_1064 = arith.constant 4 : i32
        %mul3A_1065 = arith.muli %scan3A_1012, %mul3A_1064 : i32
        %add3A_1066 = arith.constant 1 : i32
        %add3A_1067 = arith.addi %mul3A_1065, %add3A_1066 : i32
        %broadcast_in_dim3A_1068 = vector.broadcast %add3A_798 : i32 to vector<16xi32>
        %broadcast_in_dim3A_1069 = vector.broadcast %add3A_1067 : i32 to vector<16xi32>
        %gather3A_1070 = tpu.vector_load_idx %arg11[%broadcast_in_dim3A_1068, %broadcast_in_dim3A_1069] : memref<48x128xf32, #tpu.memory_space<vmem>>[vector<16xi32>, vector<16xi32>], vector<16xf32>,
        %get3A_1071 = arith.constant 1 : i32
        %get3A_1072 = arith.constant 1 : i32
        %get3A_1073 = arith.index_cast %get3A_1071 : i32 to index
        %get3A_1074 = arith.index_cast %get3A_1072 : i32 to index
        %get3A_1075 = arith.index_cast %add3A_1067 : i32 to index
        %get3A_1076 = arith.constant 0 : index
        %get3A_1077 = tpu.vector_load %arg12[%get3A_1073, %get3A_1074, %get3A_1075, %get3A_1076] {strides = array<i32>} : memref<2x4x128x48xf32, #tpu.memory_space<vmem>>, vector<16xf32>,
        %mul3A_1078 = arith.mulf %get3A_1077, %gather3A_1070 : vector<16xf32>
        %swap3A_1079 = arith.constant 1 : i32
        %swap3A_1080 = arith.constant 1 : i32
        %swap3A_1081 = arith.index_cast %swap3A_1079 : i32 to index
        %swap3A_1082 = arith.index_cast %swap3A_1080 : i32 to index
        %swap3A_1083 = arith.index_cast %add3A_1067 : i32 to index
        %swap3A_1084 = arith.constant 0 : index
        %swap3A_1085 = tpu.vector_load %arg12[%swap3A_1081, %swap3A_1082, %swap3A_1083, %swap3A_1084] {strides = array<i32>} : memref<2x4x128x48xf32, #tpu.memory_space<vmem>>, vector<16xf32>,
        tpu.vector_store %arg12[%swap3A_1081, %swap3A_1082, %swap3A_1083, %swap3A_1084], %mul3A_1078 {strides = array<i32>} : memref<2x4x128x48xf32, #tpu.memory_space<vmem>>, vector<16xf32>,
        %get3A_1086 = arith.constant 1 : i32
        %get3A_1087 = arith.constant 1 : i32
        %get3A_1088 = arith.index_cast %get3A_1086 : i32 to index
        %get3A_1089 = arith.index_cast %get3A_1087 : i32 to index
        %get3A_1090 = arith.index_cast %add3A_1067 : i32 to index
        %get3A_1091 = arith.constant 16 : index
        %get3A_1092 = tpu.vector_load %arg12[%get3A_1088, %get3A_1089, %get3A_1090, %get3A_1091] {strides = array<i32>} : memref<2x4x128x48xf32, #tpu.memory_space<vmem>>, vector<16xf32>,
        %mul3A_1093 = arith.mulf %get3A_1092, %gather3A_1070 : vector<16xf32>
        %swap3A_1094 = arith.constant 1 : i32
        %swap3A_1095 = arith.constant 1 : i32
        %swap3A_1096 = arith.index_cast %swap3A_1094 : i32 to index
        %swap3A_1097 = arith.index_cast %swap3A_1095 : i32 to index
        %swap3A_1098 = arith.index_cast %add3A_1067 : i32 to index
        %swap3A_1099 = arith.constant 16 : index
        %swap3A_1100 = tpu.vector_load %arg12[%swap3A_1096, %swap3A_1097, %swap3A_1098, %swap3A_1099] {strides = array<i32>} : memref<2x4x128x48xf32, #tpu.memory_space<vmem>>, vector<16xf32>,
        tpu.vector_store %arg12[%swap3A_1096, %swap3A_1097, %swap3A_1098, %swap3A_1099], %mul3A_1093 {strides = array<i32>} : memref<2x4x128x48xf32, #tpu.memory_space<vmem>>, vector<16xf32>,
        %get3A_1101 = arith.constant 1 : i32
        %get3A_1102 = arith.constant 1 : i32
        %get3A_1103 = arith.index_cast %get3A_1101 : i32 to index
        %get3A_1104 = arith.index_cast %get3A_1102 : i32 to index
        %get3A_1105 = arith.index_cast %add3A_1067 : i32 to index
        %get3A_1106 = arith.constant 32 : index
        %get3A_1107 = tpu.vector_load %arg12[%get3A_1103, %get3A_1104, %get3A_1105, %get3A_1106] {strides = array<i32>} : memref<2x4x128x48xf32, #tpu.memory_space<vmem>>, vector<16xf32>,
        %mul3A_1108 = arith.mulf %get3A_1107, %gather3A_1070 : vector<16xf32>
        %swap3A_1109 = arith.constant 1 : i32
        %swap3A_1110 = arith.constant 1 : i32
        %swap3A_1111 = arith.index_cast %swap3A_1109 : i32 to index
        %swap3A_1112 = arith.index_cast %swap3A_1110 : i32 to index
        %swap3A_1113 = arith.index_cast %add3A_1067 : i32 to index
        %swap3A_1114 = arith.constant 32 : index
        %swap3A_1115 = tpu.vector_load %arg12[%swap3A_1111, %swap3A_1112, %swap3A_1113, %swap3A_1114] {strides = array<i32>} : memref<2x4x128x48xf32, #tpu.memory_space<vmem>>, vector<16xf32>,
        tpu.vector_store %arg12[%swap3A_1111, %swap3A_1112, %swap3A_1113, %swap3A_1114], %mul3A_1108 {strides = array<i32>} : memref<2x4x128x48xf32, #tpu.memory_space<vmem>>, vector<16xf32>,
        %mul3A_1116 = arith.constant 4 : i32
        %mul3A_1117 = arith.muli %scan3A_1012, %mul3A_1116 : i32
        %add3A_1118 = arith.constant 2 : i32
        %add3A_1119 = arith.addi %mul3A_1117, %add3A_1118 : i32
        %broadcast_in_dim3A_1120 = vector.broadcast %add3A_798 : i32 to vector<16xi32>
        %broadcast_in_dim3A_1121 = vector.broadcast %add3A_1119 : i32 to vector<16xi32>
        %gather3A_1122 = tpu.vector_load_idx %arg11[%broadcast_in_dim3A_1120, %broadcast_in_dim3A_1121] : memref<48x128xf32, #tpu.memory_space<vmem>>[vector<16xi32>, vector<16xi32>], vector<16xf32>,
        %get3A_1123 = arith.constant 1 : i32
        %get3A_1124 = arith.constant 1 : i32
        %get3A_1125 = arith.index_cast %get3A_1123 : i32 to index
        %get3A_1126 = arith.index_cast %get3A_1124 : i32 to index
        %get3A_1127 = arith.index_cast %add3A_1119 : i32 to index
        %get3A_1128 = arith.constant 0 : index
        %get3A_1129 = tpu.vector_load %arg12[%get3A_1125, %get3A_1126, %get3A_1127, %get3A_1128] {strides = array<i32>} : memref<2x4x128x48xf32, #tpu.memory_space<vmem>>, vector<16xf32>,
        %mul3A_1130 = arith.mulf %get3A_1129, %gather3A_1122 : vector<16xf32>
        %swap3A_1131 = arith.constant 1 : i32
        %swap3A_1132 = arith.constant 1 : i32
        %swap3A_1133 = arith.index_cast %swap3A_1131 : i32 to index
        %swap3A_1134 = arith.index_cast %swap3A_1132 : i32 to index
        %swap3A_1135 = arith.index_cast %add3A_1119 : i32 to index
        %swap3A_1136 = arith.constant 0 : index
        %swap3A_1137 = tpu.vector_load %arg12[%swap3A_1133, %swap3A_1134, %swap3A_1135, %swap3A_1136] {strides = array<i32>} : memref<2x4x128x48xf32, #tpu.memory_space<vmem>>, vector<16xf32>,
        tpu.vector_store %arg12[%swap3A_1133, %swap3A_1134, %swap3A_1135, %swap3A_1136], %mul3A_1130 {strides = array<i32>} : memref<2x4x128x48xf32, #tpu.memory_space<vmem>>, vector<16xf32>,
        %get3A_1138 = arith.constant 1 : i32
        %get3A_1139 = arith.constant 1 : i32
        %get3A_1140 = arith.index_cast %get3A_1138 : i32 to index
        %get3A_1141 = arith.index_cast %get3A_1139 : i32 to index
        %get3A_1142 = arith.index_cast %add3A_1119 : i32 to index
        %get3A_1143 = arith.constant 16 : index
        %get3A_1144 = tpu.vector_load %arg12[%get3A_1140, %get3A_1141, %get3A_1142, %get3A_1143] {strides = array<i32>} : memref<2x4x128x48xf32, #tpu.memory_space<vmem>>, vector<16xf32>,
        %mul3A_1145 = arith.mulf %get3A_1144, %gather3A_1122 : vector<16xf32>
        %swap3A_1146 = arith.constant 1 : i32
        %swap3A_1147 = arith.constant 1 : i32
        %swap3A_1148 = arith.index_cast %swap3A_1146 : i32 to index
        %swap3A_1149 = arith.index_cast %swap3A_1147 : i32 to index
        %swap3A_1150 = arith.index_cast %add3A_1119 : i32 to index
        %swap3A_1151 = arith.constant 16 : index
        %swap3A_1152 = tpu.vector_load %arg12[%swap3A_1148, %swap3A_1149, %swap3A_1150, %swap3A_1151] {strides = array<i32>} : memref<2x4x128x48xf32, #tpu.memory_space<vmem>>, vector<16xf32>,
        tpu.vector_store %arg12[%swap3A_1148, %swap3A_1149, %swap3A_1150, %swap3A_1151], %mul3A_1145 {strides = array<i32>} : memref<2x4x128x48xf32, #tpu.memory_space<vmem>>, vector<16xf32>,
        %get3A_1153 = arith.constant 1 : i32
        %get3A_1154 = arith.constant 1 : i32
        %get3A_1155 = arith.index_cast %get3A_1153 : i32 to index
        %get3A_1156 = arith.index_cast %get3A_1154 : i32 to index
        %get3A_1157 = arith.index_cast %add3A_1119 : i32 to index
        %get3A_1158 = arith.constant 32 : index
        %get3A_1159 = tpu.vector_load %arg12[%get3A_1155, %get3A_1156, %get3A_1157, %get3A_1158] {strides = array<i32>} : memref<2x4x128x48xf32, #tpu.memory_space<vmem>>, vector<16xf32>,
        %mul3A_1160 = arith.mulf %get3A_1159, %gather3A_1122 : vector<16xf32>
        %swap3A_1161 = arith.constant 1 : i32
        %swap3A_1162 = arith.constant 1 : i32
        %swap3A_1163 = arith.index_cast %swap3A_1161 : i32 to index
        %swap3A_1164 = arith.index_cast %swap3A_1162 : i32 to index
        %swap3A_1165 = arith.index_cast %add3A_1119 : i32 to index
        %swap3A_1166 = arith.constant 32 : index
        %swap3A_1167 = tpu.vector_load %arg12[%swap3A_1163, %swap3A_1164, %swap3A_1165, %swap3A_1166] {strides = array<i32>} : memref<2x4x128x48xf32, #tpu.memory_space<vmem>>, vector<16xf32>,
        tpu.vector_store %arg12[%swap3A_1163, %swap3A_1164, %swap3A_1165, %swap3A_1166], %mul3A_1160 {strides = array<i32>} : memref<2x4x128x48xf32, #tpu.memory_space<vmem>>, vector<16xf32>,
        %mul3A_1168 = arith.constant 4 : i32
        %mul3A_1169 = arith.muli %scan3A_1012, %mul3A_1168 : i32
        %add3A_1170 = arith.constant 3 : i32
        %add3A_1171 = arith.addi %mul3A_1169, %add3A_1170 : i32
        %broadcast_in_dim3A_1172 = vector.broadcast %add3A_798 : i32 to vector<16xi32>
        %broadcast_in_dim3A_1173 = vector.broadcast %add3A_1171 : i32 to vector<16xi32>
        %gather3A_1174 = tpu.vector_load_idx %arg11[%broadcast_in_dim3A_1172, %broadcast_in_dim3A_1173] : memref<48x128xf32, #tpu.memory_space<vmem>>[vector<16xi32>, vector<16xi32>], vector<16xf32>,
        %get3A_1175 = arith.constant 1 : i32
        %get3A_1176 = arith.constant 1 : i32
        %get3A_1177 = arith.index_cast %get3A_1175 : i32 to index
        %get3A_1178 = arith.index_cast %get3A_1176 : i32 to index
        %get3A_1179 = arith.index_cast %add3A_1171 : i32 to index
        %get3A_1180 = arith.constant 0 : index
        %get3A_1181 = tpu.vector_load %arg12[%get3A_1177, %get3A_1178, %get3A_1179, %get3A_1180] {strides = array<i32>} : memref<2x4x128x48xf32, #tpu.memory_space<vmem>>, vector<16xf32>,
        %mul3A_1182 = arith.mulf %get3A_1181, %gather3A_1174 : vector<16xf32>
        %swap3A_1183 = arith.constant 1 : i32
        %swap3A_1184 = arith.constant 1 : i32
        %swap3A_1185 = arith.index_cast %swap3A_1183 : i32 to index
        %swap3A_1186 = arith.index_cast %swap3A_1184 : i32 to index
        %swap3A_1187 = arith.index_cast %add3A_1171 : i32 to index
        %swap3A_1188 = arith.constant 0 : index
        %swap3A_1189 = tpu.vector_load %arg12[%swap3A_1185, %swap3A_1186, %swap3A_1187, %swap3A_1188] {strides = array<i32>} : memref<2x4x128x48xf32, #tpu.memory_space<vmem>>, vector<16xf32>,
        tpu.vector_store %arg12[%swap3A_1185, %swap3A_1186, %swap3A_1187, %swap3A_1188], %mul3A_1182 {strides = array<i32>} : memref<2x4x128x48xf32, #tpu.memory_space<vmem>>, vector<16xf32>,
        %get3A_1190 = arith.constant 1 : i32
        %get3A_1191 = arith.constant 1 : i32
        %get3A_1192 = arith.index_cast %get3A_1190 : i32 to index
        %get3A_1193 = arith.index_cast %get3A_1191 : i32 to index
        %get3A_1194 = arith.index_cast %add3A_1171 : i32 to index
        %get3A_1195 = arith.constant 16 : index
        %get3A_1196 = tpu.vector_load %arg12[%get3A_1192, %get3A_1193, %get3A_1194, %get3A_1195] {strides = array<i32>} : memref<2x4x128x48xf32, #tpu.memory_space<vmem>>, vector<16xf32>,
        %mul3A_1197 = arith.mulf %get3A_1196, %gather3A_1174 : vector<16xf32>
        %swap3A_1198 = arith.constant 1 : i32
        %swap3A_1199 = arith.constant 1 : i32
        %swap3A_1200 = arith.index_cast %swap3A_1198 : i32 to index
        %swap3A_1201 = arith.index_cast %swap3A_1199 : i32 to index
        %swap3A_1202 = arith.index_cast %add3A_1171 : i32 to index
        %swap3A_1203 = arith.constant 16 : index
        %swap3A_1204 = tpu.vector_load %arg12[%swap3A_1200, %swap3A_1201, %swap3A_1202, %swap3A_1203] {strides = array<i32>} : memref<2x4x128x48xf32, #tpu.memory_space<vmem>>, vector<16xf32>,
        tpu.vector_store %arg12[%swap3A_1200, %swap3A_1201, %swap3A_1202, %swap3A_1203], %mul3A_1197 {strides = array<i32>} : memref<2x4x128x48xf32, #tpu.memory_space<vmem>>, vector<16xf32>,
        %get3A_1205 = arith.constant 1 : i32
        %get3A_1206 = arith.constant 1 : i32
        %get3A_1207 = arith.index_cast %get3A_1205 : i32 to index
        %get3A_1208 = arith.index_cast %get3A_1206 : i32 to index
        %get3A_1209 = arith.index_cast %add3A_1171 : i32 to index
        %get3A_1210 = arith.constant 32 : index
        %get3A_1211 = tpu.vector_load %arg12[%get3A_1207, %get3A_1208, %get3A_1209, %get3A_1210] {strides = array<i32>} : memref<2x4x128x48xf32, #tpu.memory_space<vmem>>, vector<16xf32>,
        %mul3A_1212 = arith.mulf %get3A_1211, %gather3A_1174 : vector<16xf32>
        %swap3A_1213 = arith.constant 1 : i32
        %swap3A_1214 = arith.constant 1 : i32
        %swap3A_1215 = arith.index_cast %swap3A_1213 : i32 to index
        %swap3A_1216 = arith.index_cast %swap3A_1214 : i32 to index
        %swap3A_1217 = arith.index_cast %add3A_1171 : i32 to index
        %swap3A_1218 = arith.constant 32 : index
        %swap3A_1219 = tpu.vector_load %arg12[%swap3A_1215, %swap3A_1216, %swap3A_1217, %swap3A_1218] {strides = array<i32>} : memref<2x4x128x48xf32, #tpu.memory_space<vmem>>, vector<16xf32>,
        tpu.vector_store %arg12[%swap3A_1215, %swap3A_1216, %swap3A_1217, %swap3A_1218], %mul3A_1212 {strides = array<i32>} : memref<2x4x128x48xf32, #tpu.memory_space<vmem>>, vector<16xf32>,
      }
      %scan3A_804 = arith.constant 32 : i32
      %get3A_805 = arith.index_cast %add3A_798 : i32 to index
      %get3A_806 = arith.constant 0 : index
      %get3A_807 = tpu.vector_load %arg9[%get3A_805, %get3A_806] {strides = array<i32>} : memref<48x128xi32, #tpu.memory_space<vmem>>, vector<16xi32>,
      %get3A_808 = arith.index_cast %add3A_798 : i32 to index
      %get3A_809 = arith.constant 0 : index
      %get3A_810 = tpu.vector_load %arg11[%get3A_808, %get3A_809] {strides = array<i32>} : memref<48x128xf32, #tpu.memory_space<vmem>>, vector<16xf32>,
      tpu.vector_store_idx %arg13[%get3A_807], %get3A_810 {add = true} : memref<10000xf32, #tpu.memory_space<vmem>>[vector<16xi32>], vector<16xf32>,
      %get3A_811 = arith.index_cast %add3A_798 : i32 to index
      %get3A_812 = arith.constant 16 : index
      %get3A_813 = tpu.vector_load %arg9[%get3A_811, %get3A_812] {strides = array<i32>} : memref<48x128xi32, #tpu.memory_space<vmem>>, vector<16xi32>,
      %get3A_814 = arith.index_cast %add3A_798 : i32 to index
      %get3A_815 = arith.constant 16 : index
      %get3A_816 = tpu.vector_load %arg11[%get3A_814, %get3A_815] {strides = array<i32>} : memref<48x128xf32, #tpu.memory_space<vmem>>, vector<16xf32>,
      tpu.vector_store_idx %arg13[%get3A_813], %get3A_816 {add = true} : memref<10000xf32, #tpu.memory_space<vmem>>[vector<16xi32>], vector<16xf32>,
      %get3A_817 = arith.index_cast %add3A_798 : i32 to index
      %get3A_818 = arith.constant 32 : index
      %get3A_819 = tpu.vector_load %arg9[%get3A_817, %get3A_818] {strides = array<i32>} : memref<48x128xi32, #tpu.memory_space<vmem>>, vector<16xi32>,
      %get3A_820 = arith.index_cast %add3A_798 : i32 to index
      %get3A_821 = arith.constant 32 : index
      %get3A_822 = tpu.vector_load %arg11[%get3A_820, %get3A_821] {strides = array<i32>} : memref<48x128xf32, #tpu.memory_space<vmem>>, vector<16xf32>,
      tpu.vector_store_idx %arg13[%get3A_819], %get3A_822 {add = true} : memref<10000xf32, #tpu.memory_space<vmem>>[vector<16xi32>], vector<16xf32>,
      %get3A_823 = arith.index_cast %add3A_798 : i32 to index
      %get3A_824 = arith.constant 48 : index
      %get3A_825 = tpu.vector_load %arg9[%get3A_823, %get3A_824] {strides = array<i32>} : memref<48x128xi32, #tpu.memory_space<vmem>>, vector<16xi32>,
      %get3A_826 = arith.index_cast %add3A_798 : i32 to index
      %get3A_827 = arith.constant 48 : index
      %get3A_828 = tpu.vector_load %arg11[%get3A_826, %get3A_827] {strides = array<i32>} : memref<48x128xf32, #tpu.memory_space<vmem>>, vector<16xf32>,
      tpu.vector_store_idx %arg13[%get3A_825], %get3A_828 {add = true} : memref<10000xf32, #tpu.memory_space<vmem>>[vector<16xi32>], vector<16xf32>,
      %get3A_829 = arith.index_cast %add3A_798 : i32 to index
      %get3A_830 = arith.constant 64 : index
      %get3A_831 = tpu.vector_load %arg9[%get3A_829, %get3A_830] {strides = array<i32>} : memref<48x128xi32, #tpu.memory_space<vmem>>, vector<16xi32>,
      %get3A_832 = arith.index_cast %add3A_798 : i32 to index
      %get3A_833 = arith.constant 64 : index
      %get3A_834 = tpu.vector_load %arg11[%get3A_832, %get3A_833] {strides = array<i32>} : memref<48x128xf32, #tpu.memory_space<vmem>>, vector<16xf32>,
      tpu.vector_store_idx %arg13[%get3A_831], %get3A_834 {add = true} : memref<10000xf32, #tpu.memory_space<vmem>>[vector<16xi32>], vector<16xf32>,
      %get3A_835 = arith.index_cast %add3A_798 : i32 to index
      %get3A_836 = arith.constant 80 : index
      %get3A_837 = tpu.vector_load %arg9[%get3A_835, %get3A_836] {strides = array<i32>} : memref<48x128xi32, #tpu.memory_space<vmem>>, vector<16xi32>,
      %get3A_838 = arith.index_cast %add3A_798 : i32 to index
      %get3A_839 = arith.constant 80 : index
      %get3A_840 = tpu.vector_load %arg11[%get3A_838, %get3A_839] {strides = array<i32>} : memref<48x128xf32, #tpu.memory_space<vmem>>, vector<16xf32>,
      tpu.vector_store_idx %arg13[%get3A_837], %get3A_840 {add = true} : memref<10000xf32, #tpu.memory_space<vmem>>[vector<16xi32>], vector<16xf32>,
      %get3A_841 = arith.index_cast %add3A_798 : i32 to index
      %get3A_842 = arith.constant 96 : index
      %get3A_843 = tpu.vector_load %arg9[%get3A_841, %get3A_842] {strides = array<i32>} : memref<48x128xi32, #tpu.memory_space<vmem>>, vector<16xi32>,
      %get3A_844 = arith.index_cast %add3A_798 : i32 to index
      %get3A_845 = arith.constant 96 : index
      %get3A_846 = tpu.vector_load %arg11[%get3A_844, %get3A_845] {strides = array<i32>} : memref<48x128xf32, #tpu.memory_space<vmem>>, vector<16xf32>,
      tpu.vector_store_idx %arg13[%get3A_843], %get3A_846 {add = true} : memref<10000xf32, #tpu.memory_space<vmem>>[vector<16xi32>], vector<16xf32>,
      %get3A_847 = arith.index_cast %add3A_798 : i32 to index
      %get3A_848 = arith.constant 112 : index
      %get3A_849 = tpu.vector_load %arg9[%get3A_847, %get3A_848] {strides = array<i32>} : memref<48x128xi32, #tpu.memory_space<vmem>>, vector<16xi32>,
      %get3A_850 = arith.index_cast %add3A_798 : i32 to index
      %get3A_851 = arith.constant 112 : index
      %get3A_852 = tpu.vector_load %arg11[%get3A_850, %get3A_851] {strides = array<i32>} : memref<48x128xf32, #tpu.memory_space<vmem>>, vector<16xf32>,
      tpu.vector_store_idx %arg13[%get3A_849], %get3A_852 {add = true} : memref<10000xf32, #tpu.memory_space<vmem>>[vector<16xi32>], vector<16xf32>,
      %dma_start3A_853 = arith.constant 1 : i32
      %dma_start3A_854 = arith.constant 1 : i32
      %dma_start3A_855 = arith.constant 0 : i32
      %dma_start3A_856 = arith.constant 0 : i32
      %dma_start3A_857 = tpu.memref_slice %arg12[%dma_start3A_853, %dma_start3A_854, %dma_start3A_855, %dma_start3A_856] : memref<2x4x128x48xf32, #tpu.memory_space<vmem>> -> memref<1x1x128x48xf32, #tpu.memory_space<vmem>>
      %dma_start3A_858 = tpu.memref_squeeze %dma_start3A_857 : memref<1x1x128x48xf32, #tpu.memory_space<vmem>> -> memref<128x48xf32, #tpu.memory_space<vmem>>
      %dma_start3A_859 = arith.constant 0 : i32
      %dma_start3A_860 = tpu.memref_slice %arg9[%add3A_798, %dma_start3A_859] : memref<48x128xi32, #tpu.memory_space<vmem>> -> memref<1x128xi32, #tpu.memory_space<vmem>>
      %dma_start3A_861 = tpu.memref_squeeze %dma_start3A_860 : memref<1x128xi32, #tpu.memory_space<vmem>> -> memref<128xi32, #tpu.memory_space<vmem>>
      %dma_start3A_862 = arith.constant 0 : i32
      %dma_start3A_863 = arith.constant 0 : i32
      %dma_start3A_864 = tpu.memref_slice %arg15[%dma_start3A_862, %dma_start3A_863] : memref<10000x48xf32, #tpu.memory_space<vmem_shared>> -> memref<10000x48xf32, #tpu.memory_space<vmem_shared>>
      tpu.enqueue_indirect_dma source(%dma_start3A_858 : memref<128x48xf32, #tpu.memory_space<vmem>>) target(%dma_start3A_864 : memref<10000x48xf32, #tpu.memory_space<vmem_shared>>) offsets(%dma_start3A_861 : memref<128xi32, #tpu.memory_space<vmem>>) semaphore(%arg19 : memref<!tpu.dma_semaphore, #tpu.memory_space<semaphore_mem>>) {add = true}
      %mul3A_865 = arith.constant 4 : i32
      %mul3A_866 = arith.muli %add3A_660, %mul3A_865 : i32
      %add3A_867 = arith.constant 2 : i32
      %add3A_868 = arith.addi %mul3A_866, %add3A_867 : i32
      %scan3A_869 = arith.constant 0 : i32
      %scan3A_870 = arith.constant 0 : i32
      %scan3A_871 = arith.constant 32 : i32
      %scan3A_872 = arith.addi %scan3A_870, %scan3A_871 : i32
      %scan3A_873 = arith.constant 1 : i32
      scf.for %scan3A_1012 = %scan3A_870 to %scan3A_872 step %scan3A_873  : i32 {
        %mul3A_1013 = arith.constant 4 : i32
        %mul3A_1014 = arith.muli %scan3A_1012, %mul3A_1013 : i32
        %add3A_1015 = arith.constant 0 : i32
        %add3A_1016 = arith.addi %mul3A_1014, %add3A_1015 : i32
        %broadcast_in_dim3A_1017 = vector.broadcast %add3A_868 : i32 to vector<16xi32>
        %broadcast_in_dim3A_1018 = vector.broadcast %add3A_1016 : i32 to vector<16xi32>
        %gather3A = tpu.vector_load_idx %arg11[%broadcast_in_dim3A_1017, %broadcast_in_dim3A_1018] : memref<48x128xf32, #tpu.memory_space<vmem>>[vector<16xi32>, vector<16xi32>], vector<16xf32>,
        %get3A_1019 = arith.constant 1 : i32
        %get3A_1020 = arith.constant 2 : i32
        %get3A_1021 = arith.index_cast %get3A_1019 : i32 to index
        %get3A_1022 = arith.index_cast %get3A_1020 : i32 to index
        %get3A_1023 = arith.index_cast %add3A_1016 : i32 to index
        %get3A_1024 = arith.constant 0 : index
        %get3A_1025 = tpu.vector_load %arg12[%get3A_1021, %get3A_1022, %get3A_1023, %get3A_1024] {strides = array<i32>} : memref<2x4x128x48xf32, #tpu.memory_space<vmem>>, vector<16xf32>,
        %mul3A_1026 = arith.mulf %get3A_1025, %gather3A : vector<16xf32>
        %swap3A_1027 = arith.constant 1 : i32
        %swap3A_1028 = arith.constant 2 : i32
        %swap3A_1029 = arith.index_cast %swap3A_1027 : i32 to index
        %swap3A_1030 = arith.index_cast %swap3A_1028 : i32 to index
        %swap3A_1031 = arith.index_cast %add3A_1016 : i32 to index
        %swap3A_1032 = arith.constant 0 : index
        %swap3A_1033 = tpu.vector_load %arg12[%swap3A_1029, %swap3A_1030, %swap3A_1031, %swap3A_1032] {strides = array<i32>} : memref<2x4x128x48xf32, #tpu.memory_space<vmem>>, vector<16xf32>,
        tpu.vector_store %arg12[%swap3A_1029, %swap3A_1030, %swap3A_1031, %swap3A_1032], %mul3A_1026 {strides = array<i32>} : memref<2x4x128x48xf32, #tpu.memory_space<vmem>>, vector<16xf32>,
        %get3A_1034 = arith.constant 1 : i32
        %get3A_1035 = arith.constant 2 : i32
        %get3A_1036 = arith.index_cast %get3A_1034 : i32 to index
        %get3A_1037 = arith.index_cast %get3A_1035 : i32 to index
        %get3A_1038 = arith.index_cast %add3A_1016 : i32 to index
        %get3A_1039 = arith.constant 16 : index
        %get3A_1040 = tpu.vector_load %arg12[%get3A_1036, %get3A_1037, %get3A_1038, %get3A_1039] {strides = array<i32>} : memref<2x4x128x48xf32, #tpu.memory_space<vmem>>, vector<16xf32>,
        %mul3A_1041 = arith.mulf %get3A_1040, %gather3A : vector<16xf32>
        %swap3A_1042 = arith.constant 1 : i32
        %swap3A_1043 = arith.constant 2 : i32
        %swap3A_1044 = arith.index_cast %swap3A_1042 : i32 to index
        %swap3A_1045 = arith.index_cast %swap3A_1043 : i32 to index
        %swap3A_1046 = arith.index_cast %add3A_1016 : i32 to index
        %swap3A_1047 = arith.constant 16 : index
        %swap3A_1048 = tpu.vector_load %arg12[%swap3A_1044, %swap3A_1045, %swap3A_1046, %swap3A_1047] {strides = array<i32>} : memref<2x4x128x48xf32, #tpu.memory_space<vmem>>, vector<16xf32>,
        tpu.vector_store %arg12[%swap3A_1044, %swap3A_1045, %swap3A_1046, %swap3A_1047], %mul3A_1041 {strides = array<i32>} : memref<2x4x128x48xf32, #tpu.memory_space<vmem>>, vector<16xf32>,
        %get3A_1049 = arith.constant 1 : i32
        %get3A_1050 = arith.constant 2 : i32
        %get3A_1051 = arith.index_cast %get3A_1049 : i32 to index
        %get3A_1052 = arith.index_cast %get3A_1050 : i32 to index
        %get3A_1053 = arith.index_cast %add3A_1016 : i32 to index
        %get3A_1054 = arith.constant 32 : index
        %get3A_1055 = tpu.vector_load %arg12[%get3A_1051, %get3A_1052, %get3A_1053, %get3A_1054] {strides = array<i32>} : memref<2x4x128x48xf32, #tpu.memory_space<vmem>>, vector<16xf32>,
        %mul3A_1056 = arith.mulf %get3A_1055, %gather3A : vector<16xf32>
        %swap3A_1057 = arith.constant 1 : i32
        %swap3A_1058 = arith.constant 2 : i32
        %swap3A_1059 = arith.index_cast %swap3A_1057 : i32 to index
        %swap3A_1060 = arith.index_cast %swap3A_1058 : i32 to index
        %swap3A_1061 = arith.index_cast %add3A_1016 : i32 to index
        %swap3A_1062 = arith.constant 32 : index
        %swap3A_1063 = tpu.vector_load %arg12[%swap3A_1059, %swap3A_1060, %swap3A_1061, %swap3A_1062] {strides = array<i32>} : memref<2x4x128x48xf32, #tpu.memory_space<vmem>>, vector<16xf32>,
        tpu.vector_store %arg12[%swap3A_1059, %swap3A_1060, %swap3A_1061, %swap3A_1062], %mul3A_1056 {strides = array<i32>} : memref<2x4x128x48xf32, #tpu.memory_space<vmem>>, vector<16xf32>,
        %mul3A_1064 = arith.constant 4 : i32
        %mul3A_1065 = arith.muli %scan3A_1012, %mul3A_1064 : i32
        %add3A_1066 = arith.constant 1 : i32
        %add3A_1067 = arith.addi %mul3A_1065, %add3A_1066 : i32
        %broadcast_in_dim3A_1068 = vector.broadcast %add3A_868 : i32 to vector<16xi32>
        %broadcast_in_dim3A_1069 = vector.broadcast %add3A_1067 : i32 to vector<16xi32>
        %gather3A_1070 = tpu.vector_load_idx %arg11[%broadcast_in_dim3A_1068, %broadcast_in_dim3A_1069] : memref<48x128xf32, #tpu.memory_space<vmem>>[vector<16xi32>, vector<16xi32>], vector<16xf32>,
        %get3A_1071 = arith.constant 1 : i32
        %get3A_1072 = arith.constant 2 : i32
        %get3A_1073 = arith.index_cast %get3A_1071 : i32 to index
        %get3A_1074 = arith.index_cast %get3A_1072 : i32 to index
        %get3A_1075 = arith.index_cast %add3A_1067 : i32 to index
        %get3A_1076 = arith.constant 0 : index
        %get3A_1077 = tpu.vector_load %arg12[%get3A_1073, %get3A_1074, %get3A_1075, %get3A_1076] {strides = array<i32>} : memref<2x4x128x48xf32, #tpu.memory_space<vmem>>, vector<16xf32>,
        %mul3A_1078 = arith.mulf %get3A_1077, %gather3A_1070 : vector<16xf32>
        %swap3A_1079 = arith.constant 1 : i32
        %swap3A_1080 = arith.constant 2 : i32
        %swap3A_1081 = arith.index_cast %swap3A_1079 : i32 to index
        %swap3A_1082 = arith.index_cast %swap3A_1080 : i32 to index
        %swap3A_1083 = arith.index_cast %add3A_1067 : i32 to index
        %swap3A_1084 = arith.constant 0 : index
        %swap3A_1085 = tpu.vector_load %arg12[%swap3A_1081, %swap3A_1082, %swap3A_1083, %swap3A_1084] {strides = array<i32>} : memref<2x4x128x48xf32, #tpu.memory_space<vmem>>, vector<16xf32>,
        tpu.vector_store %arg12[%swap3A_1081, %swap3A_1082, %swap3A_1083, %swap3A_1084], %mul3A_1078 {strides = array<i32>} : memref<2x4x128x48xf32, #tpu.memory_space<vmem>>, vector<16xf32>,
        %get3A_1086 = arith.constant 1 : i32
        %get3A_1087 = arith.constant 2 : i32
        %get3A_1088 = arith.index_cast %get3A_1086 : i32 to index
        %get3A_1089 = arith.index_cast %get3A_1087 : i32 to index
        %get3A_1090 = arith.index_cast %add3A_1067 : i32 to index
        %get3A_1091 = arith.constant 16 : index
        %get3A_1092 = tpu.vector_load %arg12[%get3A_1088, %get3A_1089, %get3A_1090, %get3A_1091] {strides = array<i32>} : memref<2x4x128x48xf32, #tpu.memory_space<vmem>>, vector<16xf32>,
        %mul3A_1093 = arith.mulf %get3A_1092, %gather3A_1070 : vector<16xf32>
        %swap3A_1094 = arith.constant 1 : i32
        %swap3A_1095 = arith.constant 2 : i32
        %swap3A_1096 = arith.index_cast %swap3A_1094 : i32 to index
        %swap3A_1097 = arith.index_cast %swap3A_1095 : i32 to index
        %swap3A_1098 = arith.index_cast %add3A_1067 : i32 to index
        %swap3A_1099 = arith.constant 16 : index
        %swap3A_1100 = tpu.vector_load %arg12[%swap3A_1096, %swap3A_1097, %swap3A_1098, %swap3A_1099] {strides = array<i32>} : memref<2x4x128x48xf32, #tpu.memory_space<vmem>>, vector<16xf32>,
        tpu.vector_store %arg12[%swap3A_1096, %swap3A_1097, %swap3A_1098, %swap3A_1099], %mul3A_1093 {strides = array<i32>} : memref<2x4x128x48xf32, #tpu.memory_space<vmem>>, vector<16xf32>,
        %get3A_1101 = arith.constant 1 : i32
        %get3A_1102 = arith.constant 2 : i32
        %get3A_1103 = arith.index_cast %get3A_1101 : i32 to index
        %get3A_1104 = arith.index_cast %get3A_1102 : i32 to index
        %get3A_1105 = arith.index_cast %add3A_1067 : i32 to index
        %get3A_1106 = arith.constant 32 : index
        %get3A_1107 = tpu.vector_load %arg12[%get3A_1103, %get3A_1104, %get3A_1105, %get3A_1106] {strides = array<i32>} : memref<2x4x128x48xf32, #tpu.memory_space<vmem>>, vector<16xf32>,
        %mul3A_1108 = arith.mulf %get3A_1107, %gather3A_1070 : vector<16xf32>
        %swap3A_1109 = arith.constant 1 : i32
        %swap3A_1110 = arith.constant 2 : i32
        %swap3A_1111 = arith.index_cast %swap3A_1109 : i32 to index
        %swap3A_1112 = arith.index_cast %swap3A_1110 : i32 to index
        %swap3A_1113 = arith.index_cast %add3A_1067 : i32 to index
        %swap3A_1114 = arith.constant 32 : index
        %swap3A_1115 = tpu.vector_load %arg12[%swap3A_1111, %swap3A_1112, %swap3A_1113, %swap3A_1114] {strides = array<i32>} : memref<2x4x128x48xf32, #tpu.memory_space<vmem>>, vector<16xf32>,
        tpu.vector_store %arg12[%swap3A_1111, %swap3A_1112, %swap3A_1113, %swap3A_1114], %mul3A_1108 {strides = array<i32>} : memref<2x4x128x48xf32, #tpu.memory_space<vmem>>, vector<16xf32>,
        %mul3A_1116 = arith.constant 4 : i32
        %mul3A_1117 = arith.muli %scan3A_1012, %mul3A_1116 : i32
        %add3A_1118 = arith.constant 2 : i32
        %add3A_1119 = arith.addi %mul3A_1117, %add3A_1118 : i32
        %broadcast_in_dim3A_1120 = vector.broadcast %add3A_868 : i32 to vector<16xi32>
        %broadcast_in_dim3A_1121 = vector.broadcast %add3A_1119 : i32 to vector<16xi32>
        %gather3A_1122 = tpu.vector_load_idx %arg11[%broadcast_in_dim3A_1120, %broadcast_in_dim3A_1121] : memref<48x128xf32, #tpu.memory_space<vmem>>[vector<16xi32>, vector<16xi32>], vector<16xf32>,
        %get3A_1123 = arith.constant 1 : i32
        %get3A_1124 = arith.constant 2 : i32
        %get3A_1125 = arith.index_cast %get3A_1123 : i32 to index
        %get3A_1126 = arith.index_cast %get3A_1124 : i32 to index
        %get3A_1127 = arith.index_cast %add3A_1119 : i32 to index
        %get3A_1128 = arith.constant 0 : index
        %get3A_1129 = tpu.vector_load %arg12[%get3A_1125, %get3A_1126, %get3A_1127, %get3A_1128] {strides = array<i32>} : memref<2x4x128x48xf32, #tpu.memory_space<vmem>>, vector<16xf32>,
        %mul3A_1130 = arith.mulf %get3A_1129, %gather3A_1122 : vector<16xf32>
        %swap3A_1131 = arith.constant 1 : i32
        %swap3A_1132 = arith.constant 2 : i32
        %swap3A_1133 = arith.index_cast %swap3A_1131 : i32 to index
        %swap3A_1134 = arith.index_cast %swap3A_1132 : i32 to index
        %swap3A_1135 = arith.index_cast %add3A_1119 : i32 to index
        %swap3A_1136 = arith.constant 0 : index
        %swap3A_1137 = tpu.vector_load %arg12[%swap3A_1133, %swap3A_1134, %swap3A_1135, %swap3A_1136] {strides = array<i32>} : memref<2x4x128x48xf32, #tpu.memory_space<vmem>>, vector<16xf32>,
        tpu.vector_store %arg12[%swap3A_1133, %swap3A_1134, %swap3A_1135, %swap3A_1136], %mul3A_1130 {strides = array<i32>} : memref<2x4x128x48xf32, #tpu.memory_space<vmem>>, vector<16xf32>,
        %get3A_1138 = arith.constant 1 : i32
        %get3A_1139 = arith.constant 2 : i32
        %get3A_1140 = arith.index_cast %get3A_1138 : i32 to index
        %get3A_1141 = arith.index_cast %get3A_1139 : i32 to index
        %get3A_1142 = arith.index_cast %add3A_1119 : i32 to index
        %get3A_1143 = arith.constant 16 : index
        %get3A_1144 = tpu.vector_load %arg12[%get3A_1140, %get3A_1141, %get3A_1142, %get3A_1143] {strides = array<i32>} : memref<2x4x128x48xf32, #tpu.memory_space<vmem>>, vector<16xf32>,
        %mul3A_1145 = arith.mulf %get3A_1144, %gather3A_1122 : vector<16xf32>
        %swap3A_1146 = arith.constant 1 : i32
        %swap3A_1147 = arith.constant 2 : i32
        %swap3A_1148 = arith.index_cast %swap3A_1146 : i32 to index
        %swap3A_1149 = arith.index_cast %swap3A_1147 : i32 to index
        %swap3A_1150 = arith.index_cast %add3A_1119 : i32 to index
        %swap3A_1151 = arith.constant 16 : index
        %swap3A_1152 = tpu.vector_load %arg12[%swap3A_1148, %swap3A_1149, %swap3A_1150, %swap3A_1151] {strides = array<i32>} : memref<2x4x128x48xf32, #tpu.memory_space<vmem>>, vector<16xf32>,
        tpu.vector_store %arg12[%swap3A_1148, %swap3A_1149, %swap3A_1150, %swap3A_1151], %mul3A_1145 {strides = array<i32>} : memref<2x4x128x48xf32, #tpu.memory_space<vmem>>, vector<16xf32>,
        %get3A_1153 = arith.constant 1 : i32
        %get3A_1154 = arith.constant 2 : i32
        %get3A_1155 = arith.index_cast %get3A_1153 : i32 to index
        %get3A_1156 = arith.index_cast %get3A_1154 : i32 to index
        %get3A_1157 = arith.index_cast %add3A_1119 : i32 to index
        %get3A_1158 = arith.constant 32 : index
        %get3A_1159 = tpu.vector_load %arg12[%get3A_1155, %get3A_1156, %get3A_1157, %get3A_1158] {strides = array<i32>} : memref<2x4x128x48xf32, #tpu.memory_space<vmem>>, vector<16xf32>,
        %mul3A_1160 = arith.mulf %get3A_1159, %gather3A_1122 : vector<16xf32>
        %swap3A_1161 = arith.constant 1 : i32
        %swap3A_1162 = arith.constant 2 : i32
        %swap3A_1163 = arith.index_cast %swap3A_1161 : i32 to index
        %swap3A_1164 = arith.index_cast %swap3A_1162 : i32 to index
        %swap3A_1165 = arith.index_cast %add3A_1119 : i32 to index
        %swap3A_1166 = arith.constant 32 : index
        %swap3A_1167 = tpu.vector_load %arg12[%swap3A_1163, %swap3A_1164, %swap3A_1165, %swap3A_1166] {strides = array<i32>} : memref<2x4x128x48xf32, #tpu.memory_space<vmem>>, vector<16xf32>,
        tpu.vector_store %arg12[%swap3A_1163, %swap3A_1164, %swap3A_1165, %swap3A_1166], %mul3A_1160 {strides = array<i32>} : memref<2x4x128x48xf32, #tpu.memory_space<vmem>>, vector<16xf32>,
        %mul3A_1168 = arith.constant 4 : i32
        %mul3A_1169 = arith.muli %scan3A_1012, %mul3A_1168 : i32
        %add3A_1170 = arith.constant 3 : i32
        %add3A_1171 = arith.addi %mul3A_1169, %add3A_1170 : i32
        %broadcast_in_dim3A_1172 = vector.broadcast %add3A_868 : i32 to vector<16xi32>
        %broadcast_in_dim3A_1173 = vector.broadcast %add3A_1171 : i32 to vector<16xi32>
        %gather3A_1174 = tpu.vector_load_idx %arg11[%broadcast_in_dim3A_1172, %broadcast_in_dim3A_1173] : memref<48x128xf32, #tpu.memory_space<vmem>>[vector<16xi32>, vector<16xi32>], vector<16xf32>,
        %get3A_1175 = arith.constant 1 : i32
        %get3A_1176 = arith.constant 2 : i32
        %get3A_1177 = arith.index_cast %get3A_1175 : i32 to index
        %get3A_1178 = arith.index_cast %get3A_1176 : i32 to index
        %get3A_1179 = arith.index_cast %add3A_1171 : i32 to index
        %get3A_1180 = arith.constant 0 : index
        %get3A_1181 = tpu.vector_load %arg12[%get3A_1177, %get3A_1178, %get3A_1179, %get3A_1180] {strides = array<i32>} : memref<2x4x128x48xf32, #tpu.memory_space<vmem>>, vector<16xf32>,
        %mul3A_1182 = arith.mulf %get3A_1181, %gather3A_1174 : vector<16xf32>
        %swap3A_1183 = arith.constant 1 : i32
        %swap3A_1184 = arith.constant 2 : i32
        %swap3A_1185 = arith.index_cast %swap3A_1183 : i32 to index
        %swap3A_1186 = arith.index_cast %swap3A_1184 : i32 to index
        %swap3A_1187 = arith.index_cast %add3A_1171 : i32 to index
        %swap3A_1188 = arith.constant 0 : index
        %swap3A_1189 = tpu.vector_load %arg12[%swap3A_1185, %swap3A_1186, %swap3A_1187, %swap3A_1188] {strides = array<i32>} : memref<2x4x128x48xf32, #tpu.memory_space<vmem>>, vector<16xf32>,
        tpu.vector_store %arg12[%swap3A_1185, %swap3A_1186, %swap3A_1187, %swap3A_1188], %mul3A_1182 {strides = array<i32>} : memref<2x4x128x48xf32, #tpu.memory_space<vmem>>, vector<16xf32>,
        %get3A_1190 = arith.constant 1 : i32
        %get3A_1191 = arith.constant 2 : i32
        %get3A_1192 = arith.index_cast %get3A_1190 : i32 to index
        %get3A_1193 = arith.index_cast %get3A_1191 : i32 to index
        %get3A_1194 = arith.index_cast %add3A_1171 : i32 to index
        %get3A_1195 = arith.constant 16 : index
        %get3A_1196 = tpu.vector_load %arg12[%get3A_1192, %get3A_1193, %get3A_1194, %get3A_1195] {strides = array<i32>} : memref<2x4x128x48xf32, #tpu.memory_space<vmem>>, vector<16xf32>,
        %mul3A_1197 = arith.mulf %get3A_1196, %gather3A_1174 : vector<16xf32>
        %swap3A_1198 = arith.constant 1 : i32
        %swap3A_1199 = arith.constant 2 : i32
        %swap3A_1200 = arith.index_cast %swap3A_1198 : i32 to index
        %swap3A_1201 = arith.index_cast %swap3A_1199 : i32 to index
        %swap3A_1202 = arith.index_cast %add3A_1171 : i32 to index
        %swap3A_1203 = arith.constant 16 : index
        %swap3A_1204 = tpu.vector_load %arg12[%swap3A_1200, %swap3A_1201, %swap3A_1202, %swap3A_1203] {strides = array<i32>} : memref<2x4x128x48xf32, #tpu.memory_space<vmem>>, vector<16xf32>,
        tpu.vector_store %arg12[%swap3A_1200, %swap3A_1201, %swap3A_1202, %swap3A_1203], %mul3A_1197 {strides = array<i32>} : memref<2x4x128x48xf32, #tpu.memory_space<vmem>>, vector<16xf32>,
        %get3A_1205 = arith.constant 1 : i32
        %get3A_1206 = arith.constant 2 : i32
        %get3A_1207 = arith.index_cast %get3A_1205 : i32 to index
        %get3A_1208 = arith.index_cast %get3A_1206 : i32 to index
        %get3A_1209 = arith.index_cast %add3A_1171 : i32 to index
        %get3A_1210 = arith.constant 32 : index
        %get3A_1211 = tpu.vector_load %arg12[%get3A_1207, %get3A_1208, %get3A_1209, %get3A_1210] {strides = array<i32>} : memref<2x4x128x48xf32, #tpu.memory_space<vmem>>, vector<16xf32>,
        %mul3A_1212 = arith.mulf %get3A_1211, %gather3A_1174 : vector<16xf32>
        %swap3A_1213 = arith.constant 1 : i32
        %swap3A_1214 = arith.constant 2 : i32
        %swap3A_1215 = arith.index_cast %swap3A_1213 : i32 to index
        %swap3A_1216 = arith.index_cast %swap3A_1214 : i32 to index
        %swap3A_1217 = arith.index_cast %add3A_1171 : i32 to index
        %swap3A_1218 = arith.constant 32 : index
        %swap3A_1219 = tpu.vector_load %arg12[%swap3A_1215, %swap3A_1216, %swap3A_1217, %swap3A_1218] {strides = array<i32>} : memref<2x4x128x48xf32, #tpu.memory_space<vmem>>, vector<16xf32>,
        tpu.vector_store %arg12[%swap3A_1215, %swap3A_1216, %swap3A_1217, %swap3A_1218], %mul3A_1212 {strides = array<i32>} : memref<2x4x128x48xf32, #tpu.memory_space<vmem>>, vector<16xf32>,
      }
      %scan3A_874 = arith.constant 32 : i32
      %get3A_875 = arith.index_cast %add3A_868 : i32 to index
      %get3A_876 = arith.constant 0 : index
      %get3A_877 = tpu.vector_load %arg9[%get3A_875, %get3A_876] {strides = array<i32>} : memref<48x128xi32, #tpu.memory_space<vmem>>, vector<16xi32>,
      %get3A_878 = arith.index_cast %add3A_868 : i32 to index
      %get3A_879 = arith.constant 0 : index
      %get3A_880 = tpu.vector_load %arg11[%get3A_878, %get3A_879] {strides = array<i32>} : memref<48x128xf32, #tpu.memory_space<vmem>>, vector<16xf32>,
      tpu.vector_store_idx %arg13[%get3A_877], %get3A_880 {add = true} : memref<10000xf32, #tpu.memory_space<vmem>>[vector<16xi32>], vector<16xf32>,
      %get3A_881 = arith.index_cast %add3A_868 : i32 to index
      %get3A_882 = arith.constant 16 : index
      %get3A_883 = tpu.vector_load %arg9[%get3A_881, %get3A_882] {strides = array<i32>} : memref<48x128xi32, #tpu.memory_space<vmem>>, vector<16xi32>,
      %get3A_884 = arith.index_cast %add3A_868 : i32 to index
      %get3A_885 = arith.constant 16 : index
      %get3A_886 = tpu.vector_load %arg11[%get3A_884, %get3A_885] {strides = array<i32>} : memref<48x128xf32, #tpu.memory_space<vmem>>, vector<16xf32>,
      tpu.vector_store_idx %arg13[%get3A_883], %get3A_886 {add = true} : memref<10000xf32, #tpu.memory_space<vmem>>[vector<16xi32>], vector<16xf32>,
      %get3A_887 = arith.index_cast %add3A_868 : i32 to index
      %get3A_888 = arith.constant 32 : index
      %get3A_889 = tpu.vector_load %arg9[%get3A_887, %get3A_888] {strides = array<i32>} : memref<48x128xi32, #tpu.memory_space<vmem>>, vector<16xi32>,
      %get3A_890 = arith.index_cast %add3A_868 : i32 to index
      %get3A_891 = arith.constant 32 : index
      %get3A_892 = tpu.vector_load %arg11[%get3A_890, %get3A_891] {strides = array<i32>} : memref<48x128xf32, #tpu.memory_space<vmem>>, vector<16xf32>,
      tpu.vector_store_idx %arg13[%get3A_889], %get3A_892 {add = true} : memref<10000xf32, #tpu.memory_space<vmem>>[vector<16xi32>], vector<16xf32>,
      %get3A_893 = arith.index_cast %add3A_868 : i32 to index
      %get3A_894 = arith.constant 48 : index
      %get3A_895 = tpu.vector_load %arg9[%get3A_893, %get3A_894] {strides = array<i32>} : memref<48x128xi32, #tpu.memory_space<vmem>>, vector<16xi32>,
      %get3A_896 = arith.index_cast %add3A_868 : i32 to index
      %get3A_897 = arith.constant 48 : index
      %get3A_898 = tpu.vector_load %arg11[%get3A_896, %get3A_897] {strides = array<i32>} : memref<48x128xf32, #tpu.memory_space<vmem>>, vector<16xf32>,
      tpu.vector_store_idx %arg13[%get3A_895], %get3A_898 {add = true} : memref<10000xf32, #tpu.memory_space<vmem>>[vector<16xi32>], vector<16xf32>,
      %get3A_899 = arith.index_cast %add3A_868 : i32 to index
      %get3A_900 = arith.constant 64 : index
      %get3A_901 = tpu.vector_load %arg9[%get3A_899, %get3A_900] {strides = array<i32>} : memref<48x128xi32, #tpu.memory_space<vmem>>, vector<16xi32>,
      %get3A_902 = arith.index_cast %add3A_868 : i32 to index
      %get3A_903 = arith.constant 64 : index
      %get3A_904 = tpu.vector_load %arg11[%get3A_902, %get3A_903] {strides = array<i32>} : memref<48x128xf32, #tpu.memory_space<vmem>>, vector<16xf32>,
      tpu.vector_store_idx %arg13[%get3A_901], %get3A_904 {add = true} : memref<10000xf32, #tpu.memory_space<vmem>>[vector<16xi32>], vector<16xf32>,
      %get3A_905 = arith.index_cast %add3A_868 : i32 to index
      %get3A_906 = arith.constant 80 : index
      %get3A_907 = tpu.vector_load %arg9[%get3A_905, %get3A_906] {strides = array<i32>} : memref<48x128xi32, #tpu.memory_space<vmem>>, vector<16xi32>,
      %get3A_908 = arith.index_cast %add3A_868 : i32 to index
      %get3A_909 = arith.constant 80 : index
      %get3A_910 = tpu.vector_load %arg11[%get3A_908, %get3A_909] {strides = array<i32>} : memref<48x128xf32, #tpu.memory_space<vmem>>, vector<16xf32>,
      tpu.vector_store_idx %arg13[%get3A_907], %get3A_910 {add = true} : memref<10000xf32, #tpu.memory_space<vmem>>[vector<16xi32>], vector<16xf32>,
      %get3A_911 = arith.index_cast %add3A_868 : i32 to index
      %get3A_912 = arith.constant 96 : index
      %get3A_913 = tpu.vector_load %arg9[%get3A_911, %get3A_912] {strides = array<i32>} : memref<48x128xi32, #tpu.memory_space<vmem>>, vector<16xi32>,
      %get3A_914 = arith.index_cast %add3A_868 : i32 to index
      %get3A_915 = arith.constant 96 : index
      %get3A_916 = tpu.vector_load %arg11[%get3A_914, %get3A_915] {strides = array<i32>} : memref<48x128xf32, #tpu.memory_space<vmem>>, vector<16xf32>,
      tpu.vector_store_idx %arg13[%get3A_913], %get3A_916 {add = true} : memref<10000xf32, #tpu.memory_space<vmem>>[vector<16xi32>], vector<16xf32>,
      %get3A_917 = arith.index_cast %add3A_868 : i32 to index
      %get3A_918 = arith.constant 112 : index
      %get3A_919 = tpu.vector_load %arg9[%get3A_917, %get3A_918] {strides = array<i32>} : memref<48x128xi32, #tpu.memory_space<vmem>>, vector<16xi32>,
      %get3A_920 = arith.index_cast %add3A_868 : i32 to index
      %get3A_921 = arith.constant 112 : index
      %get3A_922 = tpu.vector_load %arg11[%get3A_920, %get3A_921] {strides = array<i32>} : memref<48x128xf32, #tpu.memory_space<vmem>>, vector<16xf32>,
      tpu.vector_store_idx %arg13[%get3A_919], %get3A_922 {add = true} : memref<10000xf32, #tpu.memory_space<vmem>>[vector<16xi32>], vector<16xf32>,
      %dma_start3A_923 = arith.constant 1 : i32
      %dma_start3A_924 = arith.constant 2 : i32
      %dma_start3A_925 = arith.constant 0 : i32
      %dma_start3A_926 = arith.constant 0 : i32
      %dma_start3A_927 = tpu.memref_slice %arg12[%dma_start3A_923, %dma_start3A_924, %dma_start3A_925, %dma_start3A_926] : memref<2x4x128x48xf32, #tpu.memory_space<vmem>> -> memref<1x1x128x48xf32, #tpu.memory_space<vmem>>
      %dma_start3A_928 = tpu.memref_squeeze %dma_start3A_927 : memref<1x1x128x48xf32, #tpu.memory_space<vmem>> -> memref<128x48xf32, #tpu.memory_space<vmem>>
      %dma_start3A_929 = arith.constant 0 : i32
      %dma_start3A_930 = tpu.memref_slice %arg9[%add3A_868, %dma_start3A_929] : memref<48x128xi32, #tpu.memory_space<vmem>> -> memref<1x128xi32, #tpu.memory_space<vmem>>
      %dma_start3A_931 = tpu.memref_squeeze %dma_start3A_930 : memref<1x128xi32, #tpu.memory_space<vmem>> -> memref<128xi32, #tpu.memory_space<vmem>>
      %dma_start3A_932 = arith.constant 0 : i32
      %dma_start3A_933 = arith.constant 0 : i32
      %dma_start3A_934 = tpu.memref_slice %arg15[%dma_start3A_932, %dma_start3A_933] : memref<10000x48xf32, #tpu.memory_space<vmem_shared>> -> memref<10000x48xf32, #tpu.memory_space<vmem_shared>>
      tpu.enqueue_indirect_dma source(%dma_start3A_928 : memref<128x48xf32, #tpu.memory_space<vmem>>) target(%dma_start3A_934 : memref<10000x48xf32, #tpu.memory_space<vmem_shared>>) offsets(%dma_start3A_931 : memref<128xi32, #tpu.memory_space<vmem>>) semaphore(%arg19 : memref<!tpu.dma_semaphore, #tpu.memory_space<semaphore_mem>>) {add = true}
      %mul3A_935 = arith.constant 4 : i32
      %mul3A_936 = arith.muli %add3A_660, %mul3A_935 : i32
      %add3A_937 = arith.constant 3 : i32
      %add3A_938 = arith.addi %mul3A_936, %add3A_937 : i32
      %scan3A_939 = arith.constant 0 : i32
      %scan3A_940 = arith.constant 0 : i32
      %scan3A_941 = arith.constant 32 : i32
      %scan3A_942 = arith.addi %scan3A_940, %scan3A_941 : i32
      %scan3A_943 = arith.constant 1 : i32
      scf.for %scan3A_1012 = %scan3A_940 to %scan3A_942 step %scan3A_943  : i32 {
        %mul3A_1013 = arith.constant 4 : i32
        %mul3A_1014 = arith.muli %scan3A_1012, %mul3A_1013 : i32
        %add3A_1015 = arith.constant 0 : i32
        %add3A_1016 = arith.addi %mul3A_1014, %add3A_1015 : i32
        %broadcast_in_dim3A_1017 = vector.broadcast %add3A_938 : i32 to vector<16xi32>
        %broadcast_in_dim3A_1018 = vector.broadcast %add3A_1016 : i32 to vector<16xi32>
        %gather3A = tpu.vector_load_idx %arg11[%broadcast_in_dim3A_1017, %broadcast_in_dim3A_1018] : memref<48x128xf32, #tpu.memory_space<vmem>>[vector<16xi32>, vector<16xi32>], vector<16xf32>,
        %get3A_1019 = arith.constant 1 : i32
        %get3A_1020 = arith.constant 3 : i32
        %get3A_1021 = arith.index_cast %get3A_1019 : i32 to index
        %get3A_1022 = arith.index_cast %get3A_1020 : i32 to index
        %get3A_1023 = arith.index_cast %add3A_1016 : i32 to index
        %get3A_1024 = arith.constant 0 : index
        %get3A_1025 = tpu.vector_load %arg12[%get3A_1021, %get3A_1022, %get3A_1023, %get3A_1024] {strides = array<i32>} : memref<2x4x128x48xf32, #tpu.memory_space<vmem>>, vector<16xf32>,
        %mul3A_1026 = arith.mulf %get3A_1025, %gather3A : vector<16xf32>
        %swap3A_1027 = arith.constant 1 : i32
        %swap3A_1028 = arith.constant 3 : i32
        %swap3A_1029 = arith.index_cast %swap3A_1027 : i32 to index
        %swap3A_1030 = arith.index_cast %swap3A_1028 : i32 to index
        %swap3A_1031 = arith.index_cast %add3A_1016 : i32 to index
        %swap3A_1032 = arith.constant 0 : index
        %swap3A_1033 = tpu.vector_load %arg12[%swap3A_1029, %swap3A_1030, %swap3A_1031, %swap3A_1032] {strides = array<i32>} : memref<2x4x128x48xf32, #tpu.memory_space<vmem>>, vector<16xf32>,
        tpu.vector_store %arg12[%swap3A_1029, %swap3A_1030, %swap3A_1031, %swap3A_1032], %mul3A_1026 {strides = array<i32>} : memref<2x4x128x48xf32, #tpu.memory_space<vmem>>, vector<16xf32>,
        %get3A_1034 = arith.constant 1 : i32
        %get3A_1035 = arith.constant 3 : i32
        %get3A_1036 = arith.index_cast %get3A_1034 : i32 to index
        %get3A_1037 = arith.index_cast %get3A_1035 : i32 to index
        %get3A_1038 = arith.index_cast %add3A_1016 : i32 to index
        %get3A_1039 = arith.constant 16 : index
        %get3A_1040 = tpu.vector_load %arg12[%get3A_1036, %get3A_1037, %get3A_1038, %get3A_1039] {strides = array<i32>} : memref<2x4x128x48xf32, #tpu.memory_space<vmem>>, vector<16xf32>,
        %mul3A_1041 = arith.mulf %get3A_1040, %gather3A : vector<16xf32>
        %swap3A_1042 = arith.constant 1 : i32
        %swap3A_1043 = arith.constant 3 : i32
        %swap3A_1044 = arith.index_cast %swap3A_1042 : i32 to index
        %swap3A_1045 = arith.index_cast %swap3A_1043 : i32 to index
        %swap3A_1046 = arith.index_cast %add3A_1016 : i32 to index
        %swap3A_1047 = arith.constant 16 : index
        %swap3A_1048 = tpu.vector_load %arg12[%swap3A_1044, %swap3A_1045, %swap3A_1046, %swap3A_1047] {strides = array<i32>} : memref<2x4x128x48xf32, #tpu.memory_space<vmem>>, vector<16xf32>,
        tpu.vector_store %arg12[%swap3A_1044, %swap3A_1045, %swap3A_1046, %swap3A_1047], %mul3A_1041 {strides = array<i32>} : memref<2x4x128x48xf32, #tpu.memory_space<vmem>>, vector<16xf32>,
        %get3A_1049 = arith.constant 1 : i32
        %get3A_1050 = arith.constant 3 : i32
        %get3A_1051 = arith.index_cast %get3A_1049 : i32 to index
        %get3A_1052 = arith.index_cast %get3A_1050 : i32 to index
        %get3A_1053 = arith.index_cast %add3A_1016 : i32 to index
        %get3A_1054 = arith.constant 32 : index
        %get3A_1055 = tpu.vector_load %arg12[%get3A_1051, %get3A_1052, %get3A_1053, %get3A_1054] {strides = array<i32>} : memref<2x4x128x48xf32, #tpu.memory_space<vmem>>, vector<16xf32>,
        %mul3A_1056 = arith.mulf %get3A_1055, %gather3A : vector<16xf32>
        %swap3A_1057 = arith.constant 1 : i32
        %swap3A_1058 = arith.constant 3 : i32
        %swap3A_1059 = arith.index_cast %swap3A_1057 : i32 to index
        %swap3A_1060 = arith.index_cast %swap3A_1058 : i32 to index
        %swap3A_1061 = arith.index_cast %add3A_1016 : i32 to index
        %swap3A_1062 = arith.constant 32 : index
        %swap3A_1063 = tpu.vector_load %arg12[%swap3A_1059, %swap3A_1060, %swap3A_1061, %swap3A_1062] {strides = array<i32>} : memref<2x4x128x48xf32, #tpu.memory_space<vmem>>, vector<16xf32>,
        tpu.vector_store %arg12[%swap3A_1059, %swap3A_1060, %swap3A_1061, %swap3A_1062], %mul3A_1056 {strides = array<i32>} : memref<2x4x128x48xf32, #tpu.memory_space<vmem>>, vector<16xf32>,
        %mul3A_1064 = arith.constant 4 : i32
        %mul3A_1065 = arith.muli %scan3A_1012, %mul3A_1064 : i32
        %add3A_1066 = arith.constant 1 : i32
        %add3A_1067 = arith.addi %mul3A_1065, %add3A_1066 : i32
        %broadcast_in_dim3A_1068 = vector.broadcast %add3A_938 : i32 to vector<16xi32>
        %broadcast_in_dim3A_1069 = vector.broadcast %add3A_1067 : i32 to vector<16xi32>
        %gather3A_1070 = tpu.vector_load_idx %arg11[%broadcast_in_dim3A_1068, %broadcast_in_dim3A_1069] : memref<48x128xf32, #tpu.memory_space<vmem>>[vector<16xi32>, vector<16xi32>], vector<16xf32>,
        %get3A_1071 = arith.constant 1 : i32
        %get3A_1072 = arith.constant 3 : i32
        %get3A_1073 = arith.index_cast %get3A_1071 : i32 to index
        %get3A_1074 = arith.index_cast %get3A_1072 : i32 to index
        %get3A_1075 = arith.index_cast %add3A_1067 : i32 to index
        %get3A_1076 = arith.constant 0 : index
        %get3A_1077 = tpu.vector_load %arg12[%get3A_1073, %get3A_1074, %get3A_1075, %get3A_1076] {strides = array<i32>} : memref<2x4x128x48xf32, #tpu.memory_space<vmem>>, vector<16xf32>,
        %mul3A_1078 = arith.mulf %get3A_1077, %gather3A_1070 : vector<16xf32>
        %swap3A_1079 = arith.constant 1 : i32
        %swap3A_1080 = arith.constant 3 : i32
        %swap3A_1081 = arith.index_cast %swap3A_1079 : i32 to index
        %swap3A_1082 = arith.index_cast %swap3A_1080 : i32 to index
        %swap3A_1083 = arith.index_cast %add3A_1067 : i32 to index
        %swap3A_1084 = arith.constant 0 : index
        %swap3A_1085 = tpu.vector_load %arg12[%swap3A_1081, %swap3A_1082, %swap3A_1083, %swap3A_1084] {strides = array<i32>} : memref<2x4x128x48xf32, #tpu.memory_space<vmem>>, vector<16xf32>,
        tpu.vector_store %arg12[%swap3A_1081, %swap3A_1082, %swap3A_1083, %swap3A_1084], %mul3A_1078 {strides = array<i32>} : memref<2x4x128x48xf32, #tpu.memory_space<vmem>>, vector<16xf32>,
        %get3A_1086 = arith.constant 1 : i32
        %get3A_1087 = arith.constant 3 : i32
        %get3A_1088 = arith.index_cast %get3A_1086 : i32 to index
        %get3A_1089 = arith.index_cast %get3A_1087 : i32 to index
        %get3A_1090 = arith.index_cast %add3A_1067 : i32 to index
        %get3A_1091 = arith.constant 16 : index
        %get3A_1092 = tpu.vector_load %arg12[%get3A_1088, %get3A_1089, %get3A_1090, %get3A_1091] {strides = array<i32>} : memref<2x4x128x48xf32, #tpu.memory_space<vmem>>, vector<16xf32>,
        %mul3A_1093 = arith.mulf %get3A_1092, %gather3A_1070 : vector<16xf32>
        %swap3A_1094 = arith.constant 1 : i32
        %swap3A_1095 = arith.constant 3 : i32
        %swap3A_1096 = arith.index_cast %swap3A_1094 : i32 to index
        %swap3A_1097 = arith.index_cast %swap3A_1095 : i32 to index
        %swap3A_1098 = arith.index_cast %add3A_1067 : i32 to index
        %swap3A_1099 = arith.constant 16 : index
        %swap3A_1100 = tpu.vector_load %arg12[%swap3A_1096, %swap3A_1097, %swap3A_1098, %swap3A_1099] {strides = array<i32>} : memref<2x4x128x48xf32, #tpu.memory_space<vmem>>, vector<16xf32>,
        tpu.vector_store %arg12[%swap3A_1096, %swap3A_1097, %swap3A_1098, %swap3A_1099], %mul3A_1093 {strides = array<i32>} : memref<2x4x128x48xf32, #tpu.memory_space<vmem>>, vector<16xf32>,
        %get3A_1101 = arith.constant 1 : i32
        %get3A_1102 = arith.constant 3 : i32
        %get3A_1103 = arith.index_cast %get3A_1101 : i32 to index
        %get3A_1104 = arith.index_cast %get3A_1102 : i32 to index
        %get3A_1105 = arith.index_cast %add3A_1067 : i32 to index
        %get3A_1106 = arith.constant 32 : index
        %get3A_1107 = tpu.vector_load %arg12[%get3A_1103, %get3A_1104, %get3A_1105, %get3A_1106] {strides = array<i32>} : memref<2x4x128x48xf32, #tpu.memory_space<vmem>>, vector<16xf32>,
        %mul3A_1108 = arith.mulf %get3A_1107, %gather3A_1070 : vector<16xf32>
        %swap3A_1109 = arith.constant 1 : i32
        %swap3A_1110 = arith.constant 3 : i32
        %swap3A_1111 = arith.index_cast %swap3A_1109 : i32 to index
        %swap3A_1112 = arith.index_cast %swap3A_1110 : i32 to index
        %swap3A_1113 = arith.index_cast %add3A_1067 : i32 to index
        %swap3A_1114 = arith.constant 32 : index
        %swap3A_1115 = tpu.vector_load %arg12[%swap3A_1111, %swap3A_1112, %swap3A_1113, %swap3A_1114] {strides = array<i32>} : memref<2x4x128x48xf32, #tpu.memory_space<vmem>>, vector<16xf32>,
        tpu.vector_store %arg12[%swap3A_1111, %swap3A_1112, %swap3A_1113, %swap3A_1114], %mul3A_1108 {strides = array<i32>} : memref<2x4x128x48xf32, #tpu.memory_space<vmem>>, vector<16xf32>,
        %mul3A_1116 = arith.constant 4 : i32
        %mul3A_1117 = arith.muli %scan3A_1012, %mul3A_1116 : i32
        %add3A_1118 = arith.constant 2 : i32
        %add3A_1119 = arith.addi %mul3A_1117, %add3A_1118 : i32
        %broadcast_in_dim3A_1120 = vector.broadcast %add3A_938 : i32 to vector<16xi32>
        %broadcast_in_dim3A_1121 = vector.broadcast %add3A_1119 : i32 to vector<16xi32>
        %gather3A_1122 = tpu.vector_load_idx %arg11[%broadcast_in_dim3A_1120, %broadcast_in_dim3A_1121] : memref<48x128xf32, #tpu.memory_space<vmem>>[vector<16xi32>, vector<16xi32>], vector<16xf32>,
        %get3A_1123 = arith.constant 1 : i32
        %get3A_1124 = arith.constant 3 : i32
        %get3A_1125 = arith.index_cast %get3A_1123 : i32 to index
        %get3A_1126 = arith.index_cast %get3A_1124 : i32 to index
        %get3A_1127 = arith.index_cast %add3A_1119 : i32 to index
        %get3A_1128 = arith.constant 0 : index
        %get3A_1129 = tpu.vector_load %arg12[%get3A_1125, %get3A_1126, %get3A_1127, %get3A_1128] {strides = array<i32>} : memref<2x4x128x48xf32, #tpu.memory_space<vmem>>, vector<16xf32>,
        %mul3A_1130 = arith.mulf %get3A_1129, %gather3A_1122 : vector<16xf32>
        %swap3A_1131 = arith.constant 1 : i32
        %swap3A_1132 = arith.constant 3 : i32
        %swap3A_1133 = arith.index_cast %swap3A_1131 : i32 to index
        %swap3A_1134 = arith.index_cast %swap3A_1132 : i32 to index
        %swap3A_1135 = arith.index_cast %add3A_1119 : i32 to index
        %swap3A_1136 = arith.constant 0 : index
        %swap3A_1137 = tpu.vector_load %arg12[%swap3A_1133, %swap3A_1134, %swap3A_1135, %swap3A_1136] {strides = array<i32>} : memref<2x4x128x48xf32, #tpu.memory_space<vmem>>, vector<16xf32>,
        tpu.vector_store %arg12[%swap3A_1133, %swap3A_1134, %swap3A_1135, %swap3A_1136], %mul3A_1130 {strides = array<i32>} : memref<2x4x128x48xf32, #tpu.memory_space<vmem>>, vector<16xf32>,
        %get3A_1138 = arith.constant 1 : i32
        %get3A_1139 = arith.constant 3 : i32
        %get3A_1140 = arith.index_cast %get3A_1138 : i32 to index
        %get3A_1141 = arith.index_cast %get3A_1139 : i32 to index
        %get3A_1142 = arith.index_cast %add3A_1119 : i32 to index
        %get3A_1143 = arith.constant 16 : index
        %get3A_1144 = tpu.vector_load %arg12[%get3A_1140, %get3A_1141, %get3A_1142, %get3A_1143] {strides = array<i32>} : memref<2x4x128x48xf32, #tpu.memory_space<vmem>>, vector<16xf32>,
        %mul3A_1145 = arith.mulf %get3A_1144, %gather3A_1122 : vector<16xf32>
        %swap3A_1146 = arith.constant 1 : i32
        %swap3A_1147 = arith.constant 3 : i32
        %swap3A_1148 = arith.index_cast %swap3A_1146 : i32 to index
        %swap3A_1149 = arith.index_cast %swap3A_1147 : i32 to index
        %swap3A_1150 = arith.index_cast %add3A_1119 : i32 to index
        %swap3A_1151 = arith.constant 16 : index
        %swap3A_1152 = tpu.vector_load %arg12[%swap3A_1148, %swap3A_1149, %swap3A_1150, %swap3A_1151] {strides = array<i32>} : memref<2x4x128x48xf32, #tpu.memory_space<vmem>>, vector<16xf32>,
        tpu.vector_store %arg12[%swap3A_1148, %swap3A_1149, %swap3A_1150, %swap3A_1151], %mul3A_1145 {strides = array<i32>} : memref<2x4x128x48xf32, #tpu.memory_space<vmem>>, vector<16xf32>,
        %get3A_1153 = arith.constant 1 : i32
        %get3A_1154 = arith.constant 3 : i32
        %get3A_1155 = arith.index_cast %get3A_1153 : i32 to index
        %get3A_1156 = arith.index_cast %get3A_1154 : i32 to index
        %get3A_1157 = arith.index_cast %add3A_1119 : i32 to index
        %get3A_1158 = arith.constant 32 : index
        %get3A_1159 = tpu.vector_load %arg12[%get3A_1155, %get3A_1156, %get3A_1157, %get3A_1158] {strides = array<i32>} : memref<2x4x128x48xf32, #tpu.memory_space<vmem>>, vector<16xf32>,
        %mul3A_1160 = arith.mulf %get3A_1159, %gather3A_1122 : vector<16xf32>
        %swap3A_1161 = arith.constant 1 : i32
        %swap3A_1162 = arith.constant 3 : i32
        %swap3A_1163 = arith.index_cast %swap3A_1161 : i32 to index
        %swap3A_1164 = arith.index_cast %swap3A_1162 : i32 to index
        %swap3A_1165 = arith.index_cast %add3A_1119 : i32 to index
        %swap3A_1166 = arith.constant 32 : index
        %swap3A_1167 = tpu.vector_load %arg12[%swap3A_1163, %swap3A_1164, %swap3A_1165, %swap3A_1166] {strides = array<i32>} : memref<2x4x128x48xf32, #tpu.memory_space<vmem>>, vector<16xf32>,
        tpu.vector_store %arg12[%swap3A_1163, %swap3A_1164, %swap3A_1165, %swap3A_1166], %mul3A_1160 {strides = array<i32>} : memref<2x4x128x48xf32, #tpu.memory_space<vmem>>, vector<16xf32>,
        %mul3A_1168 = arith.constant 4 : i32
        %mul3A_1169 = arith.muli %scan3A_1012, %mul3A_1168 : i32
        %add3A_1170 = arith.constant 3 : i32
        %add3A_1171 = arith.addi %mul3A_1169, %add3A_1170 : i32
        %broadcast_in_dim3A_1172 = vector.broadcast %add3A_938 : i32 to vector<16xi32>
        %broadcast_in_dim3A_1173 = vector.broadcast %add3A_1171 : i32 to vector<16xi32>
        %gather3A_1174 = tpu.vector_load_idx %arg11[%broadcast_in_dim3A_1172, %broadcast_in_dim3A_1173] : memref<48x128xf32, #tpu.memory_space<vmem>>[vector<16xi32>, vector<16xi32>], vector<16xf32>,
        %get3A_1175 = arith.constant 1 : i32
        %get3A_1176 = arith.constant 3 : i32
        %get3A_1177 = arith.index_cast %get3A_1175 : i32 to index
        %get3A_1178 = arith.index_cast %get3A_1176 : i32 to index
        %get3A_1179 = arith.index_cast %add3A_1171 : i32 to index
        %get3A_1180 = arith.constant 0 : index
        %get3A_1181 = tpu.vector_load %arg12[%get3A_1177, %get3A_1178, %get3A_1179, %get3A_1180] {strides = array<i32>} : memref<2x4x128x48xf32, #tpu.memory_space<vmem>>, vector<16xf32>,
        %mul3A_1182 = arith.mulf %get3A_1181, %gather3A_1174 : vector<16xf32>
        %swap3A_1183 = arith.constant 1 : i32
        %swap3A_1184 = arith.constant 3 : i32
        %swap3A_1185 = arith.index_cast %swap3A_1183 : i32 to index
        %swap3A_1186 = arith.index_cast %swap3A_1184 : i32 to index
        %swap3A_1187 = arith.index_cast %add3A_1171 : i32 to index
        %swap3A_1188 = arith.constant 0 : index
        %swap3A_1189 = tpu.vector_load %arg12[%swap3A_1185, %swap3A_1186, %swap3A_1187, %swap3A_1188] {strides = array<i32>} : memref<2x4x128x48xf32, #tpu.memory_space<vmem>>, vector<16xf32>,
        tpu.vector_store %arg12[%swap3A_1185, %swap3A_1186, %swap3A_1187, %swap3A_1188], %mul3A_1182 {strides = array<i32>} : memref<2x4x128x48xf32, #tpu.memory_space<vmem>>, vector<16xf32>,
        %get3A_1190 = arith.constant 1 : i32
        %get3A_1191 = arith.constant 3 : i32
        %get3A_1192 = arith.index_cast %get3A_1190 : i32 to index
        %get3A_1193 = arith.index_cast %get3A_1191 : i32 to index
        %get3A_1194 = arith.index_cast %add3A_1171 : i32 to index
        %get3A_1195 = arith.constant 16 : index
        %get3A_1196 = tpu.vector_load %arg12[%get3A_1192, %get3A_1193, %get3A_1194, %get3A_1195] {strides = array<i32>} : memref<2x4x128x48xf32, #tpu.memory_space<vmem>>, vector<16xf32>,
        %mul3A_1197 = arith.mulf %get3A_1196, %gather3A_1174 : vector<16xf32>
        %swap3A_1198 = arith.constant 1 : i32
        %swap3A_1199 = arith.constant 3 : i32
        %swap3A_1200 = arith.index_cast %swap3A_1198 : i32 to index
        %swap3A_1201 = arith.index_cast %swap3A_1199 : i32 to index
        %swap3A_1202 = arith.index_cast %add3A_1171 : i32 to index
        %swap3A_1203 = arith.constant 16 : index
        %swap3A_1204 = tpu.vector_load %arg12[%swap3A_1200, %swap3A_1201, %swap3A_1202, %swap3A_1203] {strides = array<i32>} : memref<2x4x128x48xf32, #tpu.memory_space<vmem>>, vector<16xf32>,
        tpu.vector_store %arg12[%swap3A_1200, %swap3A_1201, %swap3A_1202, %swap3A_1203], %mul3A_1197 {strides = array<i32>} : memref<2x4x128x48xf32, #tpu.memory_space<vmem>>, vector<16xf32>,
        %get3A_1205 = arith.constant 1 : i32
        %get3A_1206 = arith.constant 3 : i32
        %get3A_1207 = arith.index_cast %get3A_1205 : i32 to index
        %get3A_1208 = arith.index_cast %get3A_1206 : i32 to index
        %get3A_1209 = arith.index_cast %add3A_1171 : i32 to index
        %get3A_1210 = arith.constant 32 : index
        %get3A_1211 = tpu.vector_load %arg12[%get3A_1207, %get3A_1208, %get3A_1209, %get3A_1210] {strides = array<i32>} : memref<2x4x128x48xf32, #tpu.memory_space<vmem>>, vector<16xf32>,
        %mul3A_1212 = arith.mulf %get3A_1211, %gather3A_1174 : vector<16xf32>
        %swap3A_1213 = arith.constant 1 : i32
        %swap3A_1214 = arith.constant 3 : i32
        %swap3A_1215 = arith.index_cast %swap3A_1213 : i32 to index
        %swap3A_1216 = arith.index_cast %swap3A_1214 : i32 to index
        %swap3A_1217 = arith.index_cast %add3A_1171 : i32 to index
        %swap3A_1218 = arith.constant 32 : index
        %swap3A_1219 = tpu.vector_load %arg12[%swap3A_1215, %swap3A_1216, %swap3A_1217, %swap3A_1218] {strides = array<i32>} : memref<2x4x128x48xf32, #tpu.memory_space<vmem>>, vector<16xf32>,
        tpu.vector_store %arg12[%swap3A_1215, %swap3A_1216, %swap3A_1217, %swap3A_1218], %mul3A_1212 {strides = array<i32>} : memref<2x4x128x48xf32, #tpu.memory_space<vmem>>, vector<16xf32>,
      }
      %scan3A_944 = arith.constant 32 : i32
      %get3A_945 = arith.index_cast %add3A_938 : i32 to index
      %get3A_946 = arith.constant 0 : index
      %get3A_947 = tpu.vector_load %arg9[%get3A_945, %get3A_946] {strides = array<i32>} : memref<48x128xi32, #tpu.memory_space<vmem>>, vector<16xi32>,
      %get3A_948 = arith.index_cast %add3A_938 : i32 to index
      %get3A_949 = arith.constant 0 : index
      %get3A_950 = tpu.vector_load %arg11[%get3A_948, %get3A_949] {strides = array<i32>} : memref<48x128xf32, #tpu.memory_space<vmem>>, vector<16xf32>,
      tpu.vector_store_idx %arg13[%get3A_947], %get3A_950 {add = true} : memref<10000xf32, #tpu.memory_space<vmem>>[vector<16xi32>], vector<16xf32>,
      %get3A_951 = arith.index_cast %add3A_938 : i32 to index
      %get3A_952 = arith.constant 16 : index
      %get3A_953 = tpu.vector_load %arg9[%get3A_951, %get3A_952] {strides = array<i32>} : memref<48x128xi32, #tpu.memory_space<vmem>>, vector<16xi32>,
      %get3A_954 = arith.index_cast %add3A_938 : i32 to index
      %get3A_955 = arith.constant 16 : index
      %get3A_956 = tpu.vector_load %arg11[%get3A_954, %get3A_955] {strides = array<i32>} : memref<48x128xf32, #tpu.memory_space<vmem>>, vector<16xf32>,
      tpu.vector_store_idx %arg13[%get3A_953], %get3A_956 {add = true} : memref<10000xf32, #tpu.memory_space<vmem>>[vector<16xi32>], vector<16xf32>,
      %get3A_957 = arith.index_cast %add3A_938 : i32 to index
      %get3A_958 = arith.constant 32 : index
      %get3A_959 = tpu.vector_load %arg9[%get3A_957, %get3A_958] {strides = array<i32>} : memref<48x128xi32, #tpu.memory_space<vmem>>, vector<16xi32>,
      %get3A_960 = arith.index_cast %add3A_938 : i32 to index
      %get3A_961 = arith.constant 32 : index
      %get3A_962 = tpu.vector_load %arg11[%get3A_960, %get3A_961] {strides = array<i32>} : memref<48x128xf32, #tpu.memory_space<vmem>>, vector<16xf32>,
      tpu.vector_store_idx %arg13[%get3A_959], %get3A_962 {add = true} : memref<10000xf32, #tpu.memory_space<vmem>>[vector<16xi32>], vector<16xf32>,
      %get3A_963 = arith.index_cast %add3A_938 : i32 to index
      %get3A_964 = arith.constant 48 : index
      %get3A_965 = tpu.vector_load %arg9[%get3A_963, %get3A_964] {strides = array<i32>} : memref<48x128xi32, #tpu.memory_space<vmem>>, vector<16xi32>,
      %get3A_966 = arith.index_cast %add3A_938 : i32 to index
      %get3A_967 = arith.constant 48 : index
      %get3A_968 = tpu.vector_load %arg11[%get3A_966, %get3A_967] {strides = array<i32>} : memref<48x128xf32, #tpu.memory_space<vmem>>, vector<16xf32>,
      tpu.vector_store_idx %arg13[%get3A_965], %get3A_968 {add = true} : memref<10000xf32, #tpu.memory_space<vmem>>[vector<16xi32>], vector<16xf32>,
      %get3A_969 = arith.index_cast %add3A_938 : i32 to index
      %get3A_970 = arith.constant 64 : index
      %get3A_971 = tpu.vector_load %arg9[%get3A_969, %get3A_970] {strides = array<i32>} : memref<48x128xi32, #tpu.memory_space<vmem>>, vector<16xi32>,
      %get3A_972 = arith.index_cast %add3A_938 : i32 to index
      %get3A_973 = arith.constant 64 : index
      %get3A_974 = tpu.vector_load %arg11[%get3A_972, %get3A_973] {strides = array<i32>} : memref<48x128xf32, #tpu.memory_space<vmem>>, vector<16xf32>,
      tpu.vector_store_idx %arg13[%get3A_971], %get3A_974 {add = true} : memref<10000xf32, #tpu.memory_space<vmem>>[vector<16xi32>], vector<16xf32>,
      %get3A_975 = arith.index_cast %add3A_938 : i32 to index
      %get3A_976 = arith.constant 80 : index
      %get3A_977 = tpu.vector_load %arg9[%get3A_975, %get3A_976] {strides = array<i32>} : memref<48x128xi32, #tpu.memory_space<vmem>>, vector<16xi32>,
      %get3A_978 = arith.index_cast %add3A_938 : i32 to index
      %get3A_979 = arith.constant 80 : index
      %get3A_980 = tpu.vector_load %arg11[%get3A_978, %get3A_979] {strides = array<i32>} : memref<48x128xf32, #tpu.memory_space<vmem>>, vector<16xf32>,
      tpu.vector_store_idx %arg13[%get3A_977], %get3A_980 {add = true} : memref<10000xf32, #tpu.memory_space<vmem>>[vector<16xi32>], vector<16xf32>,
      %get3A_981 = arith.index_cast %add3A_938 : i32 to index
      %get3A_982 = arith.constant 96 : index
      %get3A_983 = tpu.vector_load %arg9[%get3A_981, %get3A_982] {strides = array<i32>} : memref<48x128xi32, #tpu.memory_space<vmem>>, vector<16xi32>,
      %get3A_984 = arith.index_cast %add3A_938 : i32 to index
      %get3A_985 = arith.constant 96 : index
      %get3A_986 = tpu.vector_load %arg11[%get3A_984, %get3A_985] {strides = array<i32>} : memref<48x128xf32, #tpu.memory_space<vmem>>, vector<16xf32>,
      tpu.vector_store_idx %arg13[%get3A_983], %get3A_986 {add = true} : memref<10000xf32, #tpu.memory_space<vmem>>[vector<16xi32>], vector<16xf32>,
      %get3A_987 = arith.index_cast %add3A_938 : i32 to index
      %get3A_988 = arith.constant 112 : index
      %get3A_989 = tpu.vector_load %arg9[%get3A_987, %get3A_988] {strides = array<i32>} : memref<48x128xi32, #tpu.memory_space<vmem>>, vector<16xi32>,
      %get3A_990 = arith.index_cast %add3A_938 : i32 to index
      %get3A_991 = arith.constant 112 : index
      %get3A_992 = tpu.vector_load %arg11[%get3A_990, %get3A_991] {strides = array<i32>} : memref<48x128xf32, #tpu.memory_space<vmem>>, vector<16xf32>,
      tpu.vector_store_idx %arg13[%get3A_989], %get3A_992 {add = true} : memref<10000xf32, #tpu.memory_space<vmem>>[vector<16xi32>], vector<16xf32>,
      %dma_start3A_993 = arith.constant 1 : i32
      %dma_start3A_994 = arith.constant 3 : i32
      %dma_start3A_995 = arith.constant 0 : i32
      %dma_start3A_996 = arith.constant 0 : i32
      %dma_start3A_997 = tpu.memref_slice %arg12[%dma_start3A_993, %dma_start3A_994, %dma_start3A_995, %dma_start3A_996] : memref<2x4x128x48xf32, #tpu.memory_space<vmem>> -> memref<1x1x128x48xf32, #tpu.memory_space<vmem>>
      %dma_start3A_998 = tpu.memref_squeeze %dma_start3A_997 : memref<1x1x128x48xf32, #tpu.memory_space<vmem>> -> memref<128x48xf32, #tpu.memory_space<vmem>>
      %dma_start3A_999 = arith.constant 0 : i32
      %dma_start3A_1000 = tpu.memref_slice %arg9[%add3A_938, %dma_start3A_999] : memref<48x128xi32, #tpu.memory_space<vmem>> -> memref<1x128xi32, #tpu.memory_space<vmem>>
      %dma_start3A_1001 = tpu.memref_squeeze %dma_start3A_1000 : memref<1x128xi32, #tpu.memory_space<vmem>> -> memref<128xi32, #tpu.memory_space<vmem>>
      %dma_start3A_1002 = arith.constant 0 : i32
      %dma_start3A_1003 = arith.constant 0 : i32
      %dma_start3A_1004 = tpu.memref_slice %arg15[%dma_start3A_1002, %dma_start3A_1003] : memref<10000x48xf32, #tpu.memory_space<vmem_shared>> -> memref<10000x48xf32, #tpu.memory_space<vmem_shared>>
      tpu.enqueue_indirect_dma source(%dma_start3A_998 : memref<128x48xf32, #tpu.memory_space<vmem>>) target(%dma_start3A_1004 : memref<10000x48xf32, #tpu.memory_space<vmem_shared>>) offsets(%dma_start3A_1001 : memref<128xi32, #tpu.memory_space<vmem>>) semaphore(%arg19 : memref<!tpu.dma_semaphore, #tpu.memory_space<semaphore_mem>>) {add = true}
      %add3A_1005 = arith.constant 2 : i32
      %add3A_1006 = arith.addi %add3A_660, %add3A_1005 : i32
      %lt3A_1007 = arith.constant 10 : i32
      %lt3A_1008 = arith.cmpi slt, %add3A_1006, %lt3A_1007 : i32
      %convert_element_type3A_1009 = arith.extui %lt3A_1008 : i1 to i32
      %cond3A_1010 = arith.constant 0 : i32
      %cond3A_1011 = arith.cmpi ne, %convert_element_type3A_1009, %cond3A_1010 : i32
      scf.if %cond3A_1011 {
        %mul3A_1012 = arith.constant 4 : i32
        %mul3A_1013 = arith.muli %add3A_660, %mul3A_1012 : i32
        %add3A_1014 = arith.constant 0 : i32
        %add3A_1015 = arith.addi %mul3A_1013, %add3A_1014 : i32
        %dma_wait3A_1016 = arith.constant 1 : i32
        %dma_wait3A_1017 = arith.constant 0 : i32
        %dma_wait3A_1018 = arith.constant 0 : i32
        %dma_wait3A_1019 = arith.constant 0 : i32
        %dma_wait3A_1020 = tpu.memref_slice %arg12[%dma_wait3A_1016, %dma_wait3A_1017, %dma_wait3A_1018, %dma_wait3A_1019] : memref<2x4x128x48xf32, #tpu.memory_space<vmem>> -> memref<1x1x128x48xf32, #tpu.memory_space<vmem>>
        %dma_wait3A_1021 = tpu.memref_squeeze %dma_wait3A_1020 : memref<1x1x128x48xf32, #tpu.memory_space<vmem>> -> memref<128x48xf32, #tpu.memory_space<vmem>>
        %dma_wait3A_1022 = arith.constant 0 : i32
        %dma_wait3A_1023 = tpu.memref_slice %arg9[%add3A_1015, %dma_wait3A_1022] : memref<48x128xi32, #tpu.memory_space<vmem>> -> memref<1x128xi32, #tpu.memory_space<vmem>>
        %dma_wait3A_1024 = tpu.memref_squeeze %dma_wait3A_1023 : memref<1x128xi32, #tpu.memory_space<vmem>> -> memref<128xi32, #tpu.memory_space<vmem>>
        %dma_wait3A_1025 = arith.constant 0 : i32
        %dma_wait3A_1026 = arith.constant 0 : i32
        %dma_wait3A_1027 = tpu.memref_slice %arg15[%dma_wait3A_1025, %dma_wait3A_1026] : memref<10000x48xf32, #tpu.memory_space<vmem_shared>> -> memref<10000x48xf32, #tpu.memory_space<vmem_shared>>
        tpu.wait_indirect_dma semaphore(%arg19 : memref<!tpu.dma_semaphore, #tpu.memory_space<semaphore_mem>>) src(%dma_wait3A_1021 : memref<128x48xf32, #tpu.memory_space<vmem>>) dst(%dma_wait3A_1027 : memref<10000x48xf32, #tpu.memory_space<vmem_shared>>)
        %mul3A_1028 = arith.constant 4 : i32
        %mul3A_1029 = arith.muli %add3A_660, %mul3A_1028 : i32
        %add3A_1030 = arith.constant 1 : i32
        %add3A_1031 = arith.addi %mul3A_1029, %add3A_1030 : i32
        %dma_wait3A_1032 = arith.constant 1 : i32
        %dma_wait3A_1033 = arith.constant 1 : i32
        %dma_wait3A_1034 = arith.constant 0 : i32
        %dma_wait3A_1035 = arith.constant 0 : i32
        %dma_wait3A_1036 = tpu.memref_slice %arg12[%dma_wait3A_1032, %dma_wait3A_1033, %dma_wait3A_1034, %dma_wait3A_1035] : memref<2x4x128x48xf32, #tpu.memory_space<vmem>> -> memref<1x1x128x48xf32, #tpu.memory_space<vmem>>
        %dma_wait3A_1037 = tpu.memref_squeeze %dma_wait3A_1036 : memref<1x1x128x48xf32, #tpu.memory_space<vmem>> -> memref<128x48xf32, #tpu.memory_space<vmem>>
        %dma_wait3A_1038 = arith.constant 0 : i32
        %dma_wait3A_1039 = tpu.memref_slice %arg9[%add3A_1031, %dma_wait3A_1038] : memref<48x128xi32, #tpu.memory_space<vmem>> -> memref<1x128xi32, #tpu.memory_space<vmem>>
        %dma_wait3A_1040 = tpu.memref_squeeze %dma_wait3A_1039 : memref<1x128xi32, #tpu.memory_space<vmem>> -> memref<128xi32, #tpu.memory_space<vmem>>
        %dma_wait3A_1041 = arith.constant 0 : i32
        %dma_wait3A_1042 = arith.constant 0 : i32
        %dma_wait3A_1043 = tpu.memref_slice %arg15[%dma_wait3A_1041, %dma_wait3A_1042] : memref<10000x48xf32, #tpu.memory_space<vmem_shared>> -> memref<10000x48xf32, #tpu.memory_space<vmem_shared>>
        tpu.wait_indirect_dma semaphore(%arg19 : memref<!tpu.dma_semaphore, #tpu.memory_space<semaphore_mem>>) src(%dma_wait3A_1037 : memref<128x48xf32, #tpu.memory_space<vmem>>) dst(%dma_wait3A_1043 : memref<10000x48xf32, #tpu.memory_space<vmem_shared>>)
        %mul3A_1044 = arith.constant 4 : i32
        %mul3A_1045 = arith.muli %add3A_660, %mul3A_1044 : i32
        %add3A_1046 = arith.constant 2 : i32
        %add3A_1047 = arith.addi %mul3A_1045, %add3A_1046 : i32
        %dma_wait3A_1048 = arith.constant 1 : i32
        %dma_wait3A_1049 = arith.constant 2 : i32
        %dma_wait3A_1050 = arith.constant 0 : i32
        %dma_wait3A_1051 = arith.constant 0 : i32
        %dma_wait3A_1052 = tpu.memref_slice %arg12[%dma_wait3A_1048, %dma_wait3A_1049, %dma_wait3A_1050, %dma_wait3A_1051] : memref<2x4x128x48xf32, #tpu.memory_space<vmem>> -> memref<1x1x128x48xf32, #tpu.memory_space<vmem>>
        %dma_wait3A_1053 = tpu.memref_squeeze %dma_wait3A_1052 : memref<1x1x128x48xf32, #tpu.memory_space<vmem>> -> memref<128x48xf32, #tpu.memory_space<vmem>>
        %dma_wait3A_1054 = arith.constant 0 : i32
        %dma_wait3A_1055 = tpu.memref_slice %arg9[%add3A_1047, %dma_wait3A_1054] : memref<48x128xi32, #tpu.memory_space<vmem>> -> memref<1x128xi32, #tpu.memory_space<vmem>>
        %dma_wait3A_1056 = tpu.memref_squeeze %dma_wait3A_1055 : memref<1x128xi32, #tpu.memory_space<vmem>> -> memref<128xi32, #tpu.memory_space<vmem>>
        %dma_wait3A_1057 = arith.constant 0 : i32
        %dma_wait3A_1058 = arith.constant 0 : i32
        %dma_wait3A_1059 = tpu.memref_slice %arg15[%dma_wait3A_1057, %dma_wait3A_1058] : memref<10000x48xf32, #tpu.memory_space<vmem_shared>> -> memref<10000x48xf32, #tpu.memory_space<vmem_shared>>
        tpu.wait_indirect_dma semaphore(%arg19 : memref<!tpu.dma_semaphore, #tpu.memory_space<semaphore_mem>>) src(%dma_wait3A_1053 : memref<128x48xf32, #tpu.memory_space<vmem>>) dst(%dma_wait3A_1059 : memref<10000x48xf32, #tpu.memory_space<vmem_shared>>)
        %mul3A_1060 = arith.constant 4 : i32
        %mul3A_1061 = arith.muli %add3A_660, %mul3A_1060 : i32
        %add3A_1062 = arith.constant 3 : i32
        %add3A_1063 = arith.addi %mul3A_1061, %add3A_1062 : i32
        %dma_wait3A_1064 = arith.constant 1 : i32
        %dma_wait3A_1065 = arith.constant 3 : i32
        %dma_wait3A_1066 = arith.constant 0 : i32
        %dma_wait3A_1067 = arith.constant 0 : i32
        %dma_wait3A_1068 = tpu.memref_slice %arg12[%dma_wait3A_1064, %dma_wait3A_1065, %dma_wait3A_1066, %dma_wait3A_1067] : memref<2x4x128x48xf32, #tpu.memory_space<vmem>> -> memref<1x1x128x48xf32, #tpu.memory_space<vmem>>
        %dma_wait3A_1069 = tpu.memref_squeeze %dma_wait3A_1068 : memref<1x1x128x48xf32, #tpu.memory_space<vmem>> -> memref<128x48xf32, #tpu.memory_space<vmem>>
        %dma_wait3A_1070 = arith.constant 0 : i32
        %dma_wait3A_1071 = tpu.memref_slice %arg9[%add3A_1063, %dma_wait3A_1070] : memref<48x128xi32, #tpu.memory_space<vmem>> -> memref<1x128xi32, #tpu.memory_space<vmem>>
        %dma_wait3A_1072 = tpu.memref_squeeze %dma_wait3A_1071 : memref<1x128xi32, #tpu.memory_space<vmem>> -> memref<128xi32, #tpu.memory_space<vmem>>
        %dma_wait3A_1073 = arith.constant 0 : i32
        %dma_wait3A_1074 = arith.constant 0 : i32
        %dma_wait3A_1075 = tpu.memref_slice %arg15[%dma_wait3A_1073, %dma_wait3A_1074] : memref<10000x48xf32, #tpu.memory_space<vmem_shared>> -> memref<10000x48xf32, #tpu.memory_space<vmem_shared>>
        tpu.wait_indirect_dma semaphore(%arg19 : memref<!tpu.dma_semaphore, #tpu.memory_space<semaphore_mem>>) src(%dma_wait3A_1069 : memref<128x48xf32, #tpu.memory_space<vmem>>) dst(%dma_wait3A_1075 : memref<10000x48xf32, #tpu.memory_space<vmem_shared>>)
        %add3A_1076 = arith.constant 2 : i32
        %add3A_1077 = arith.addi %add3A_660, %add3A_1076 : i32
        %mul3A_1078 = arith.constant 4 : i32
        %mul3A_1079 = arith.muli %add3A_1077, %mul3A_1078 : i32
        %add3A_1080 = arith.constant 0 : i32
        %add3A_1081 = arith.addi %mul3A_1079, %add3A_1080 : i32
        %dma_start3A_1082 = arith.constant 1 : i32
        %dma_start3A_1083 = arith.constant 0 : i32
        %dma_start3A_1084 = arith.constant 0 : i32
        %dma_start3A_1085 = arith.constant 0 : i32
        %dma_start3A_1086 = tpu.memref_slice %arg12[%dma_start3A_1082, %dma_start3A_1083, %dma_start3A_1084, %dma_start3A_1085] : memref<2x4x128x48xf32, #tpu.memory_space<vmem>> -> memref<1x1x128x48xf32, #tpu.memory_space<vmem>>
        %dma_start3A_1087 = tpu.memref_squeeze %dma_start3A_1086 : memref<1x1x128x48xf32, #tpu.memory_space<vmem>> -> memref<128x48xf32, #tpu.memory_space<vmem>>
        %dma_start3A_1088 = arith.constant 0 : i32
        %dma_start3A_1089 = tpu.memref_slice %arg10[%add3A_1081, %dma_start3A_1088] : memref<48x128xi32, #tpu.memory_space<vmem>> -> memref<1x128xi32, #tpu.memory_space<vmem>>
        %dma_start3A_1090 = tpu.memref_squeeze %dma_start3A_1089 : memref<1x128xi32, #tpu.memory_space<vmem>> -> memref<128xi32, #tpu.memory_space<vmem>>
        %dma_start3A_1091 = arith.constant 0 : i32
        %dma_start3A_1092 = arith.constant 0 : i32
        %dma_start3A_1093 = tpu.memref_slice %arg2[%dma_start3A_1091, %dma_start3A_1092] : memref<10000x48xf32, #tpu.memory_space<hbm>> -> memref<10000x48xf32, #tpu.memory_space<hbm>>
        tpu.enqueue_indirect_dma source(%dma_start3A_1093 : memref<10000x48xf32, #tpu.memory_space<hbm>>) target(%dma_start3A_1087 : memref<128x48xf32, #tpu.memory_space<vmem>>) offsets(%dma_start3A_1090 : memref<128xi32, #tpu.memory_space<vmem>>) semaphore(%arg17 : memref<!tpu.dma_semaphore, #tpu.memory_space<semaphore_mem>>)
        %mul3A_1094 = arith.constant 4 : i32
        %mul3A_1095 = arith.muli %add3A_1077, %mul3A_1094 : i32
        %add3A_1096 = arith.constant 1 : i32
        %add3A_1097 = arith.addi %mul3A_1095, %add3A_1096 : i32
        %dma_start3A_1098 = arith.constant 1 : i32
        %dma_start3A_1099 = arith.constant 1 : i32
        %dma_start3A_1100 = arith.constant 0 : i32
        %dma_start3A_1101 = arith.constant 0 : i32
        %dma_start3A_1102 = tpu.memref_slice %arg12[%dma_start3A_1098, %dma_start3A_1099, %dma_start3A_1100, %dma_start3A_1101] : memref<2x4x128x48xf32, #tpu.memory_space<vmem>> -> memref<1x1x128x48xf32, #tpu.memory_space<vmem>>
        %dma_start3A_1103 = tpu.memref_squeeze %dma_start3A_1102 : memref<1x1x128x48xf32, #tpu.memory_space<vmem>> -> memref<128x48xf32, #tpu.memory_space<vmem>>
        %dma_start3A_1104 = arith.constant 0 : i32
        %dma_start3A_1105 = tpu.memref_slice %arg10[%add3A_1097, %dma_start3A_1104] : memref<48x128xi32, #tpu.memory_space<vmem>> -> memref<1x128xi32, #tpu.memory_space<vmem>>
        %dma_start3A_1106 = tpu.memref_squeeze %dma_start3A_1105 : memref<1x128xi32, #tpu.memory_space<vmem>> -> memref<128xi32, #tpu.memory_space<vmem>>
        %dma_start3A_1107 = arith.constant 0 : i32
        %dma_start3A_1108 = arith.constant 0 : i32
        %dma_start3A_1109 = tpu.memref_slice %arg2[%dma_start3A_1107, %dma_start3A_1108] : memref<10000x48xf32, #tpu.memory_space<hbm>> -> memref<10000x48xf32, #tpu.memory_space<hbm>>
        tpu.enqueue_indirect_dma source(%dma_start3A_1109 : memref<10000x48xf32, #tpu.memory_space<hbm>>) target(%dma_start3A_1103 : memref<128x48xf32, #tpu.memory_space<vmem>>) offsets(%dma_start3A_1106 : memref<128xi32, #tpu.memory_space<vmem>>) semaphore(%arg17 : memref<!tpu.dma_semaphore, #tpu.memory_space<semaphore_mem>>)
        %mul3A_1110 = arith.constant 4 : i32
        %mul3A_1111 = arith.muli %add3A_1077, %mul3A_1110 : i32
        %add3A_1112 = arith.constant 2 : i32
        %add3A_1113 = arith.addi %mul3A_1111, %add3A_1112 : i32
        %dma_start3A_1114 = arith.constant 1 : i32
        %dma_start3A_1115 = arith.constant 2 : i32
        %dma_start3A_1116 = arith.constant 0 : i32
        %dma_start3A_1117 = arith.constant 0 : i32
        %dma_start3A_1118 = tpu.memref_slice %arg12[%dma_start3A_1114, %dma_start3A_1115, %dma_start3A_1116, %dma_start3A_1117] : memref<2x4x128x48xf32, #tpu.memory_space<vmem>> -> memref<1x1x128x48xf32, #tpu.memory_space<vmem>>
        %dma_start3A_1119 = tpu.memref_squeeze %dma_start3A_1118 : memref<1x1x128x48xf32, #tpu.memory_space<vmem>> -> memref<128x48xf32, #tpu.memory_space<vmem>>
        %dma_start3A_1120 = arith.constant 0 : i32
        %dma_start3A_1121 = tpu.memref_slice %arg10[%add3A_1113, %dma_start3A_1120] : memref<48x128xi32, #tpu.memory_space<vmem>> -> memref<1x128xi32, #tpu.memory_space<vmem>>
        %dma_start3A_1122 = tpu.memref_squeeze %dma_start3A_1121 : memref<1x128xi32, #tpu.memory_space<vmem>> -> memref<128xi32, #tpu.memory_space<vmem>>
        %dma_start3A_1123 = arith.constant 0 : i32
        %dma_start3A_1124 = arith.constant 0 : i32
        %dma_start3A_1125 = tpu.memref_slice %arg2[%dma_start3A_1123, %dma_start3A_1124] : memref<10000x48xf32, #tpu.memory_space<hbm>> -> memref<10000x48xf32, #tpu.memory_space<hbm>>
        tpu.enqueue_indirect_dma source(%dma_start3A_1125 : memref<10000x48xf32, #tpu.memory_space<hbm>>) target(%dma_start3A_1119 : memref<128x48xf32, #tpu.memory_space<vmem>>) offsets(%dma_start3A_1122 : memref<128xi32, #tpu.memory_space<vmem>>) semaphore(%arg17 : memref<!tpu.dma_semaphore, #tpu.memory_space<semaphore_mem>>)
        %mul3A_1126 = arith.constant 4 : i32
        %mul3A_1127 = arith.muli %add3A_1077, %mul3A_1126 : i32
        %add3A_1128 = arith.constant 3 : i32
        %add3A_1129 = arith.addi %mul3A_1127, %add3A_1128 : i32
        %dma_start3A_1130 = arith.constant 1 : i32
        %dma_start3A_1131 = arith.constant 3 : i32
        %dma_start3A_1132 = arith.constant 0 : i32
        %dma_start3A_1133 = arith.constant 0 : i32
        %dma_start3A_1134 = tpu.memref_slice %arg12[%dma_start3A_1130, %dma_start3A_1131, %dma_start3A_1132, %dma_start3A_1133] : memref<2x4x128x48xf32, #tpu.memory_space<vmem>> -> memref<1x1x128x48xf32, #tpu.memory_space<vmem>>
        %dma_start3A_1135 = tpu.memref_squeeze %dma_start3A_1134 : memref<1x1x128x48xf32, #tpu.memory_space<vmem>> -> memref<128x48xf32, #tpu.memory_space<vmem>>
        %dma_start3A_1136 = arith.constant 0 : i32
        %dma_start3A_1137 = tpu.memref_slice %arg10[%add3A_1129, %dma_start3A_1136] : memref<48x128xi32, #tpu.memory_space<vmem>> -> memref<1x128xi32, #tpu.memory_space<vmem>>
        %dma_start3A_1138 = tpu.memref_squeeze %dma_start3A_1137 : memref<1x128xi32, #tpu.memory_space<vmem>> -> memref<128xi32, #tpu.memory_space<vmem>>
        %dma_start3A_1139 = arith.constant 0 : i32
        %dma_start3A_1140 = arith.constant 0 : i32
        %dma_start3A_1141 = tpu.memref_slice %arg2[%dma_start3A_1139, %dma_start3A_1140] : memref<10000x48xf32, #tpu.memory_space<hbm>> -> memref<10000x48xf32, #tpu.memory_space<hbm>>
        tpu.enqueue_indirect_dma source(%dma_start3A_1141 : memref<10000x48xf32, #tpu.memory_space<hbm>>) target(%dma_start3A_1135 : memref<128x48xf32, #tpu.memory_space<vmem>>) offsets(%dma_start3A_1138 : memref<128xi32, #tpu.memory_space<vmem>>) semaphore(%arg17 : memref<!tpu.dma_semaphore, #tpu.memory_space<semaphore_mem>>)
      } else {
      }
    }
    %scan3A_197 = arith.constant 5 : i32
    %dma_wait3A_198 = arith.constant 0 : i32
    %dma_wait3A_199 = arith.constant 0 : i32
    %dma_wait3A_200 = arith.constant 32 : i32
    %dma_wait3A_201 = arith.constant 0 : i32
    %dma_wait3A_202 = arith.constant 0 : i32
    %dma_wait3A_203 = tpu.memref_slice %arg12[%dma_wait3A_198, %dma_wait3A_199, %dma_wait3A_201, %dma_wait3A_202] : memref<2x4x128x48xf32, #tpu.memory_space<vmem>> -> memref<1x1x128x48xf32, #tpu.memory_space<vmem>>
    %dma_wait3A_204 = tpu.memref_squeeze %dma_wait3A_203 : memref<1x1x128x48xf32, #tpu.memory_space<vmem>> -> memref<128x48xf32, #tpu.memory_space<vmem>>
    %dma_wait3A_205 = arith.constant 0 : i32
    %dma_wait3A_206 = tpu.memref_slice %arg9[%dma_wait3A_200, %dma_wait3A_205] : memref<48x128xi32, #tpu.memory_space<vmem>> -> memref<1x128xi32, #tpu.memory_space<vmem>>
    %dma_wait3A_207 = tpu.memref_squeeze %dma_wait3A_206 : memref<1x128xi32, #tpu.memory_space<vmem>> -> memref<128xi32, #tpu.memory_space<vmem>>
    %dma_wait3A_208 = arith.constant 0 : i32
    %dma_wait3A_209 = arith.constant 0 : i32
    %dma_wait3A_210 = tpu.memref_slice %arg15[%dma_wait3A_208, %dma_wait3A_209] : memref<10000x48xf32, #tpu.memory_space<vmem_shared>> -> memref<10000x48xf32, #tpu.memory_space<vmem_shared>>
    tpu.wait_indirect_dma semaphore(%arg18 : memref<!tpu.dma_semaphore, #tpu.memory_space<semaphore_mem>>) src(%dma_wait3A_204 : memref<128x48xf32, #tpu.memory_space<vmem>>) dst(%dma_wait3A_210 : memref<10000x48xf32, #tpu.memory_space<vmem_shared>>)
    %dma_wait3A_211 = arith.constant 0 : i32
    %dma_wait3A_212 = arith.constant 1 : i32
    %dma_wait3A_213 = arith.constant 33 : i32
    %dma_wait3A_214 = arith.constant 0 : i32
    %dma_wait3A_215 = arith.constant 0 : i32
    %dma_wait3A_216 = tpu.memref_slice %arg12[%dma_wait3A_211, %dma_wait3A_212, %dma_wait3A_214, %dma_wait3A_215] : memref<2x4x128x48xf32, #tpu.memory_space<vmem>> -> memref<1x1x128x48xf32, #tpu.memory_space<vmem>>
    %dma_wait3A_217 = tpu.memref_squeeze %dma_wait3A_216 : memref<1x1x128x48xf32, #tpu.memory_space<vmem>> -> memref<128x48xf32, #tpu.memory_space<vmem>>
    %dma_wait3A_218 = arith.constant 0 : i32
    %dma_wait3A_219 = tpu.memref_slice %arg9[%dma_wait3A_213, %dma_wait3A_218] : memref<48x128xi32, #tpu.memory_space<vmem>> -> memref<1x128xi32, #tpu.memory_space<vmem>>
    %dma_wait3A_220 = tpu.memref_squeeze %dma_wait3A_219 : memref<1x128xi32, #tpu.memory_space<vmem>> -> memref<128xi32, #tpu.memory_space<vmem>>
    %dma_wait3A_221 = arith.constant 0 : i32
    %dma_wait3A_222 = arith.constant 0 : i32
    %dma_wait3A_223 = tpu.memref_slice %arg15[%dma_wait3A_221, %dma_wait3A_222] : memref<10000x48xf32, #tpu.memory_space<vmem_shared>> -> memref<10000x48xf32, #tpu.memory_space<vmem_shared>>
    tpu.wait_indirect_dma semaphore(%arg18 : memref<!tpu.dma_semaphore, #tpu.memory_space<semaphore_mem>>) src(%dma_wait3A_217 : memref<128x48xf32, #tpu.memory_space<vmem>>) dst(%dma_wait3A_223 : memref<10000x48xf32, #tpu.memory_space<vmem_shared>>)
    %dma_wait3A_224 = arith.constant 0 : i32
    %dma_wait3A_225 = arith.constant 2 : i32
    %dma_wait3A_226 = arith.constant 34 : i32
    %dma_wait3A_227 = arith.constant 0 : i32
    %dma_wait3A_228 = arith.constant 0 : i32
    %dma_wait3A_229 = tpu.memref_slice %arg12[%dma_wait3A_224, %dma_wait3A_225, %dma_wait3A_227, %dma_wait3A_228] : memref<2x4x128x48xf32, #tpu.memory_space<vmem>> -> memref<1x1x128x48xf32, #tpu.memory_space<vmem>>
    %dma_wait3A_230 = tpu.memref_squeeze %dma_wait3A_229 : memref<1x1x128x48xf32, #tpu.memory_space<vmem>> -> memref<128x48xf32, #tpu.memory_space<vmem>>
    %dma_wait3A_231 = arith.constant 0 : i32
    %dma_wait3A_232 = tpu.memref_slice %arg9[%dma_wait3A_226, %dma_wait3A_231] : memref<48x128xi32, #tpu.memory_space<vmem>> -> memref<1x128xi32, #tpu.memory_space<vmem>>
    %dma_wait3A_233 = tpu.memref_squeeze %dma_wait3A_232 : memref<1x128xi32, #tpu.memory_space<vmem>> -> memref<128xi32, #tpu.memory_space<vmem>>
    %dma_wait3A_234 = arith.constant 0 : i32
    %dma_wait3A_235 = arith.constant 0 : i32
    %dma_wait3A_236 = tpu.memref_slice %arg15[%dma_wait3A_234, %dma_wait3A_235] : memref<10000x48xf32, #tpu.memory_space<vmem_shared>> -> memref<10000x48xf32, #tpu.memory_space<vmem_shared>>
    tpu.wait_indirect_dma semaphore(%arg18 : memref<!tpu.dma_semaphore, #tpu.memory_space<semaphore_mem>>) src(%dma_wait3A_230 : memref<128x48xf32, #tpu.memory_space<vmem>>) dst(%dma_wait3A_236 : memref<10000x48xf32, #tpu.memory_space<vmem_shared>>)
    %dma_wait3A_237 = arith.constant 0 : i32
    %dma_wait3A_238 = arith.constant 3 : i32
    %dma_wait3A_239 = arith.constant 35 : i32
    %dma_wait3A_240 = arith.constant 0 : i32
    %dma_wait3A_241 = arith.constant 0 : i32
    %dma_wait3A_242 = tpu.memref_slice %arg12[%dma_wait3A_237, %dma_wait3A_238, %dma_wait3A_240, %dma_wait3A_241] : memref<2x4x128x48xf32, #tpu.memory_space<vmem>> -> memref<1x1x128x48xf32, #tpu.memory_space<vmem>>
    %dma_wait3A_243 = tpu.memref_squeeze %dma_wait3A_242 : memref<1x1x128x48xf32, #tpu.memory_space<vmem>> -> memref<128x48xf32, #tpu.memory_space<vmem>>
    %dma_wait3A_244 = arith.constant 0 : i32
    %dma_wait3A_245 = tpu.memref_slice %arg9[%dma_wait3A_239, %dma_wait3A_244] : memref<48x128xi32, #tpu.memory_space<vmem>> -> memref<1x128xi32, #tpu.memory_space<vmem>>
    %dma_wait3A_246 = tpu.memref_squeeze %dma_wait3A_245 : memref<1x128xi32, #tpu.memory_space<vmem>> -> memref<128xi32, #tpu.memory_space<vmem>>
    %dma_wait3A_247 = arith.constant 0 : i32
    %dma_wait3A_248 = arith.constant 0 : i32
    %dma_wait3A_249 = tpu.memref_slice %arg15[%dma_wait3A_247, %dma_wait3A_248] : memref<10000x48xf32, #tpu.memory_space<vmem_shared>> -> memref<10000x48xf32, #tpu.memory_space<vmem_shared>>
    tpu.wait_indirect_dma semaphore(%arg18 : memref<!tpu.dma_semaphore, #tpu.memory_space<semaphore_mem>>) src(%dma_wait3A_243 : memref<128x48xf32, #tpu.memory_space<vmem>>) dst(%dma_wait3A_249 : memref<10000x48xf32, #tpu.memory_space<vmem_shared>>)
    %dma_wait3A_250 = arith.constant 1 : i32
    %dma_wait3A_251 = arith.constant 0 : i32
    %dma_wait3A_252 = arith.constant 36 : i32
    %dma_wait3A_253 = arith.constant 0 : i32
    %dma_wait3A_254 = arith.constant 0 : i32
    %dma_wait3A_255 = tpu.memref_slice %arg12[%dma_wait3A_250, %dma_wait3A_251, %dma_wait3A_253, %dma_wait3A_254] : memref<2x4x128x48xf32, #tpu.memory_space<vmem>> -> memref<1x1x128x48xf32, #tpu.memory_space<vmem>>
    %dma_wait3A_256 = tpu.memref_squeeze %dma_wait3A_255 : memref<1x1x128x48xf32, #tpu.memory_space<vmem>> -> memref<128x48xf32, #tpu.memory_space<vmem>>
    %dma_wait3A_257 = arith.constant 0 : i32
    %dma_wait3A_258 = tpu.memref_slice %arg9[%dma_wait3A_252, %dma_wait3A_257] : memref<48x128xi32, #tpu.memory_space<vmem>> -> memref<1x128xi32, #tpu.memory_space<vmem>>
    %dma_wait3A_259 = tpu.memref_squeeze %dma_wait3A_258 : memref<1x128xi32, #tpu.memory_space<vmem>> -> memref<128xi32, #tpu.memory_space<vmem>>
    %dma_wait3A_260 = arith.constant 0 : i32
    %dma_wait3A_261 = arith.constant 0 : i32
    %dma_wait3A_262 = tpu.memref_slice %arg15[%dma_wait3A_260, %dma_wait3A_261] : memref<10000x48xf32, #tpu.memory_space<vmem_shared>> -> memref<10000x48xf32, #tpu.memory_space<vmem_shared>>
    tpu.wait_indirect_dma semaphore(%arg19 : memref<!tpu.dma_semaphore, #tpu.memory_space<semaphore_mem>>) src(%dma_wait3A_256 : memref<128x48xf32, #tpu.memory_space<vmem>>) dst(%dma_wait3A_262 : memref<10000x48xf32, #tpu.memory_space<vmem_shared>>)
    %dma_wait3A_263 = arith.constant 1 : i32
    %dma_wait3A_264 = arith.constant 1 : i32
    %dma_wait3A_265 = arith.constant 37 : i32
    %dma_wait3A_266 = arith.constant 0 : i32
    %dma_wait3A_267 = arith.constant 0 : i32
    %dma_wait3A_268 = tpu.memref_slice %arg12[%dma_wait3A_263, %dma_wait3A_264, %dma_wait3A_266, %dma_wait3A_267] : memref<2x4x128x48xf32, #tpu.memory_space<vmem>> -> memref<1x1x128x48xf32, #tpu.memory_space<vmem>>
    %dma_wait3A_269 = tpu.memref_squeeze %dma_wait3A_268 : memref<1x1x128x48xf32, #tpu.memory_space<vmem>> -> memref<128x48xf32, #tpu.memory_space<vmem>>
    %dma_wait3A_270 = arith.constant 0 : i32
    %dma_wait3A_271 = tpu.memref_slice %arg9[%dma_wait3A_265, %dma_wait3A_270] : memref<48x128xi32, #tpu.memory_space<vmem>> -> memref<1x128xi32, #tpu.memory_space<vmem>>
    %dma_wait3A_272 = tpu.memref_squeeze %dma_wait3A_271 : memref<1x128xi32, #tpu.memory_space<vmem>> -> memref<128xi32, #tpu.memory_space<vmem>>
    %dma_wait3A_273 = arith.constant 0 : i32
    %dma_wait3A_274 = arith.constant 0 : i32
    %dma_wait3A_275 = tpu.memref_slice %arg15[%dma_wait3A_273, %dma_wait3A_274] : memref<10000x48xf32, #tpu.memory_space<vmem_shared>> -> memref<10000x48xf32, #tpu.memory_space<vmem_shared>>
    tpu.wait_indirect_dma semaphore(%arg19 : memref<!tpu.dma_semaphore, #tpu.memory_space<semaphore_mem>>) src(%dma_wait3A_269 : memref<128x48xf32, #tpu.memory_space<vmem>>) dst(%dma_wait3A_275 : memref<10000x48xf32, #tpu.memory_space<vmem_shared>>)
    %dma_wait3A_276 = arith.constant 1 : i32
    %dma_wait3A_277 = arith.constant 2 : i32
    %dma_wait3A_278 = arith.constant 38 : i32
    %dma_wait3A_279 = arith.constant 0 : i32
    %dma_wait3A_280 = arith.constant 0 : i32
    %dma_wait3A_281 = tpu.memref_slice %arg12[%dma_wait3A_276, %dma_wait3A_277, %dma_wait3A_279, %dma_wait3A_280] : memref<2x4x128x48xf32, #tpu.memory_space<vmem>> -> memref<1x1x128x48xf32, #tpu.memory_space<vmem>>
    %dma_wait3A_282 = tpu.memref_squeeze %dma_wait3A_281 : memref<1x1x128x48xf32, #tpu.memory_space<vmem>> -> memref<128x48xf32, #tpu.memory_space<vmem>>
    %dma_wait3A_283 = arith.constant 0 : i32
    %dma_wait3A_284 = tpu.memref_slice %arg9[%dma_wait3A_278, %dma_wait3A_283] : memref<48x128xi32, #tpu.memory_space<vmem>> -> memref<1x128xi32, #tpu.memory_space<vmem>>
    %dma_wait3A_285 = tpu.memref_squeeze %dma_wait3A_284 : memref<1x128xi32, #tpu.memory_space<vmem>> -> memref<128xi32, #tpu.memory_space<vmem>>
    %dma_wait3A_286 = arith.constant 0 : i32
    %dma_wait3A_287 = arith.constant 0 : i32
    %dma_wait3A_288 = tpu.memref_slice %arg15[%dma_wait3A_286, %dma_wait3A_287] : memref<10000x48xf32, #tpu.memory_space<vmem_shared>> -> memref<10000x48xf32, #tpu.memory_space<vmem_shared>>
    tpu.wait_indirect_dma semaphore(%arg19 : memref<!tpu.dma_semaphore, #tpu.memory_space<semaphore_mem>>) src(%dma_wait3A_282 : memref<128x48xf32, #tpu.memory_space<vmem>>) dst(%dma_wait3A_288 : memref<10000x48xf32, #tpu.memory_space<vmem_shared>>)
    %dma_wait3A_289 = arith.constant 1 : i32
    %dma_wait3A_290 = arith.constant 3 : i32
    %dma_wait3A_291 = arith.constant 39 : i32
    %dma_wait3A_292 = arith.constant 0 : i32
    %dma_wait3A_293 = arith.constant 0 : i32
    %dma_wait3A_294 = tpu.memref_slice %arg12[%dma_wait3A_289, %dma_wait3A_290, %dma_wait3A_292, %dma_wait3A_293] : memref<2x4x128x48xf32, #tpu.memory_space<vmem>> -> memref<1x1x128x48xf32, #tpu.memory_space<vmem>>
    %dma_wait3A_295 = tpu.memref_squeeze %dma_wait3A_294 : memref<1x1x128x48xf32, #tpu.memory_space<vmem>> -> memref<128x48xf32, #tpu.memory_space<vmem>>
    %dma_wait3A_296 = arith.constant 0 : i32
    %dma_wait3A_297 = tpu.memref_slice %arg9[%dma_wait3A_291, %dma_wait3A_296] : memref<48x128xi32, #tpu.memory_space<vmem>> -> memref<1x128xi32, #tpu.memory_space<vmem>>
    %dma_wait3A_298 = tpu.memref_squeeze %dma_wait3A_297 : memref<1x128xi32, #tpu.memory_space<vmem>> -> memref<128xi32, #tpu.memory_space<vmem>>
    %dma_wait3A_299 = arith.constant 0 : i32
    %dma_wait3A_300 = arith.constant 0 : i32
    %dma_wait3A_301 = tpu.memref_slice %arg15[%dma_wait3A_299, %dma_wait3A_300] : memref<10000x48xf32, #tpu.memory_space<vmem_shared>> -> memref<10000x48xf32, #tpu.memory_space<vmem_shared>>
    tpu.wait_indirect_dma semaphore(%arg19 : memref<!tpu.dma_semaphore, #tpu.memory_space<semaphore_mem>>) src(%dma_wait3A_295 : memref<128x48xf32, #tpu.memory_space<vmem>>) dst(%dma_wait3A_301 : memref<10000x48xf32, #tpu.memory_space<vmem_shared>>)
    %barrier3A_302 = arith.constant 0 : index
    tpu.barrier barrier_id(%barrier3A_302)
    %mul3A_303 = arith.constant 625 : i32
    %mul3A_304 = arith.muli %arg1, %mul3A_303 : i32
    %mul3A_305 = arith.constant 625 : i32
    %mul3A_306 = arith.muli %arg1, %mul3A_305 : i32
    "tpu.region"() ({
      %run_scoped3A = tpu.sem_alloc : memref<!tpu.dma_semaphore, #tpu.memory_space<semaphore_mem>>
      %dma_start3A_307 = arith.constant 0 : i32
      %dma_start3A_308 = tpu.memref_slice %arg6[%arg0, %mul3A_306, %dma_start3A_307] : memref<2x10000x48xf32, #tpu.memory_space<hbm>> -> memref<1x625x48xf32, #tpu.memory_space<hbm>>
      %dma_start3A_309 = tpu.memref_squeeze %dma_start3A_308 : memref<1x625x48xf32, #tpu.memory_space<hbm>> -> memref<625x48xf32, #tpu.memory_space<hbm>>
      %dma_start3A_310 = arith.constant 0 : i32
      %dma_start3A_311 = tpu.memref_slice %arg15[%mul3A_304, %dma_start3A_310] : memref<10000x48xf32, #tpu.memory_space<vmem_shared>> -> memref<625x48xf32, #tpu.memory_space<vmem_shared>>
      tpu.enqueue_dma source(%dma_start3A_311 : memref<625x48xf32, #tpu.memory_space<vmem_shared>>) target(%dma_start3A_309 : memref<625x48xf32, #tpu.memory_space<hbm>>) target_semaphore(%run_scoped3A : memref<!tpu.dma_semaphore, #tpu.memory_space<semaphore_mem>>)
      %dma_wait3A_312 = arith.constant 0 : i32
      %dma_wait3A_313 = tpu.memref_slice %arg6[%arg0, %mul3A_306, %dma_wait3A_312] : memref<2x10000x48xf32, #tpu.memory_space<hbm>> -> memref<1x625x48xf32, #tpu.memory_space<hbm>>
      %dma_wait3A_314 = tpu.memref_squeeze %dma_wait3A_313 : memref<1x625x48xf32, #tpu.memory_space<hbm>> -> memref<625x48xf32, #tpu.memory_space<hbm>>
      %dma_wait3A_315 = arith.constant 0 : i32
      %dma_wait3A_316 = tpu.memref_slice %arg15[%mul3A_304, %dma_wait3A_315] : memref<10000x48xf32, #tpu.memory_space<vmem_shared>> -> memref<625x48xf32, #tpu.memory_space<vmem_shared>>
      tpu.wait_dma2 semaphore(%run_scoped3A : memref<!tpu.dma_semaphore, #tpu.memory_space<semaphore_mem>>) src(%dma_wait3A_316 : memref<625x48xf32, #tpu.memory_space<vmem_shared>>) dst(%dma_wait3A_314 : memref<625x48xf32, #tpu.memory_space<hbm>>)
      tpu.yield
    }) : () -> ()
    "tpu.region"() ({
      %run_scoped3A = tpu.sem_alloc : memref<!tpu.dma_semaphore, #tpu.memory_space<semaphore_mem>>
      %dma_start3A_307 = arith.constant 0 : i32
      %dma_start3A_308 = tpu.memref_slice %arg7[%add3A, %dma_start3A_307] : memref<32x10000xf32, #tpu.memory_space<hbm>> -> memref<1x10000xf32, #tpu.memory_space<hbm>>
      %dma_start3A_309 = tpu.memref_squeeze %dma_start3A_308 : memref<1x10000xf32, #tpu.memory_space<hbm>> -> memref<10000xf32, #tpu.memory_space<hbm>>
      %dma_start3A_310 = arith.constant 0 : i32
      %dma_start3A_311 = tpu.memref_slice %arg7[%add3A, %dma_start3A_310] : memref<32x10000xf32, #tpu.memory_space<hbm>> -> memref<1x10000xf32, #tpu.memory_space<hbm>>
      %dma_start3A_312 = tpu.memref_squeeze %dma_start3A_311 : memref<1x10000xf32, #tpu.memory_space<hbm>> -> memref<10000xf32, #tpu.memory_space<hbm>>
      tpu.enqueue_dma source(%arg13 : memref<10000xf32, #tpu.memory_space<vmem>>) target(%dma_start3A_312 : memref<10000xf32, #tpu.memory_space<hbm>>) target_semaphore(%run_scoped3A : memref<!tpu.dma_semaphore, #tpu.memory_space<semaphore_mem>>)
      %dma_wait3A_313 = arith.constant 0 : i32
      %dma_wait3A_314 = tpu.memref_slice %arg7[%add3A, %dma_wait3A_313] : memref<32x10000xf32, #tpu.memory_space<hbm>> -> memref<1x10000xf32, #tpu.memory_space<hbm>>
      %dma_wait3A_315 = tpu.memref_squeeze %dma_wait3A_314 : memref<1x10000xf32, #tpu.memory_space<hbm>> -> memref<10000xf32, #tpu.memory_space<hbm>>
      %dma_wait3A_316 = arith.constant 0 : i32
      %dma_wait3A_317 = tpu.memref_slice %arg7[%add3A, %dma_wait3A_316] : memref<32x10000xf32, #tpu.memory_space<hbm>> -> memref<1x10000xf32, #tpu.memory_space<hbm>>
      %dma_wait3A_318 = tpu.memref_squeeze %dma_wait3A_317 : memref<1x10000xf32, #tpu.memory_space<hbm>> -> memref<10000xf32, #tpu.memory_space<hbm>>
      tpu.wait_dma2 semaphore(%run_scoped3A : memref<!tpu.dma_semaphore, #tpu.memory_space<semaphore_mem>>) src(%arg13 : memref<10000xf32, #tpu.memory_space<vmem>>) dst(%dma_wait3A_318 : memref<10000xf32, #tpu.memory_space<hbm>>)
      tpu.yield
    }) : () -> ()
    return
  }
}

module attributes {stable_mosaic.version = 14 : i64} {
  func.func @body(%arg0: memref<2x12x40000xf32, #tpu.memory_space<vmem>>, %arg1: memref<32x10000xf32, #tpu.memory_space<vmem>>, %arg2: memref<16x1xf32, #tpu.memory_space<vmem>>, %arg3: memref<16x1xf32, #tpu.memory_space<vmem>>, %arg4: memref<96x16xf32, #tpu.memory_space<vmem>>, %arg5: memref<96x1xf32, #tpu.memory_space<vmem>>, %arg6: memref<96x32xf32, #tpu.memory_space<vmem>>, %arg7: memref<96x1xf32, #tpu.memory_space<vmem>>, %arg8: memref<6x32xf32, #tpu.memory_space<vmem>>, %arg9: memref<6x1xf32, #tpu.memory_space<vmem>>, %arg10: memref<6x40000xf32, #tpu.memory_space<vmem>>) attributes {dimension_semantics = [], scalar_prefetch = 0 : i64, scratch_operands = 0 : i64, tpu.core_type = #tpu.core_type<tc>} {
    %get3A = arith.constant 0 : index
    %get3A_0 = arith.constant 0 : index
    %get3A_1 = vector.load %arg1[%get3A, %get3A_0] : memref<32x10000xf32, #tpu.memory_space<vmem>>, vector<32x10000xf32>
    %reduce_sum3A = arith.constant dense<0.000000e+00> : vector<10000xf32>
    %reduce_sum3A_2 = vector.multi_reduction <add>, %get3A_1, %reduce_sum3A [0] : vector<32x10000xf32> to vector<10000xf32>
    %broadcast_in_dim3A = vector.shape_cast %reduce_sum3A_2 : vector<10000xf32> to vector<1x10000xf32>
    %concatenate3A = tpu.concatenate %broadcast_in_dim3A, %broadcast_in_dim3A, %broadcast_in_dim3A, %broadcast_in_dim3A in 1 : vector<1x10000xf32>, vector<1x10000xf32>, vector<1x10000xf32>, vector<1x10000xf32> -> vector<1x40000xf32>
    %get3A_3 = arith.constant 0 : index
    %get3A_4 = arith.constant 0 : index
    %get3A_5 = vector.load %arg2[%get3A_3, %get3A_4] : memref<16x1xf32, #tpu.memory_space<vmem>>, vector<16x1xf32>
    %get3A_6 = arith.constant 0 : index
    %get3A_7 = arith.constant 0 : index
    %get3A_8 = vector.load %arg3[%get3A_6, %get3A_7] : memref<16x1xf32, #tpu.memory_space<vmem>>, vector<16x1xf32>
    %broadcast_in_dim3A_9 = arith.constant 0.000000e+00 : f32
    %broadcast_in_dim3A_10 = vector.broadcast %broadcast_in_dim3A_9 : f32 to vector<32x40000xf32>
    %scan3A = arith.constant 0 : i32
    %scan3A_11 = arith.constant 12 : i32
    %scan3A_12 = arith.addi %scan3A, %scan3A_11 : i32
    %scan3A_13 = arith.constant 1 : i32
    %scan3A_14 = scf.for %scan3A_26 = %scan3A to %scan3A_12 step %scan3A_13 iter_args(%scan3A_27 = %broadcast_in_dim3A_10) -> (vector<32x40000xf32>)  : i32 {
      %get3A_28 = arith.constant 0 : index
      %get3A_29 = arith.index_cast %scan3A_26 : i32 to index
      %get3A_30 = arith.constant 0 : index
      %get3A_31 = vector.load %arg0[%get3A_28, %get3A_29, %get3A_30] : memref<2x12x40000xf32, #tpu.memory_space<vmem>>, vector<1x1x40000xf32>
      %get3A_32 = vector.shape_cast %get3A_31 : vector<1x1x40000xf32> to vector<1x40000xf32>
      %get3A_33 = arith.constant 1 : index
      %get3A_34 = arith.index_cast %scan3A_26 : i32 to index
      %get3A_35 = arith.constant 0 : index
      %get3A_36 = vector.load %arg0[%get3A_33, %get3A_34, %get3A_35] : memref<2x12x40000xf32, #tpu.memory_space<vmem>>, vector<1x1x40000xf32>
      %get3A_37 = vector.shape_cast %get3A_36 : vector<1x1x40000xf32> to vector<1x40000xf32>
      %add3A_38 = arith.addf %get3A_32, %get3A_37 : vector<1x40000xf32>
      %mul3A = vector.broadcast %get3A_5 : vector<16x1xf32> to vector<16x40000xf32>
      %mul3A_39 = vector.broadcast %add3A_38 : vector<1x40000xf32> to vector<16x40000xf32>
      %mul3A_40 = arith.mulf %mul3A, %mul3A_39 : vector<16x40000xf32>
      %mul3A_41 = vector.broadcast %get3A_8 : vector<16x1xf32> to vector<16x40000xf32>
      %mul3A_42 = vector.broadcast %concatenate3A : vector<1x40000xf32> to vector<16x40000xf32>
      %mul3A_43 = arith.mulf %mul3A_41, %mul3A_42 : vector<16x40000xf32>
      %add3A_44 = arith.addf %mul3A_40, %mul3A_43 : vector<16x40000xf32>
      %max3A = arith.constant 0.000000e+00 : f32
      %max3A_45 = vector.broadcast %max3A : f32 to vector<16x40000xf32>
      %max3A_46 = arith.maximumf %add3A_44, %max3A_45 : vector<16x40000xf32>
      %get3A_47 = arith.constant 0 : index
      %get3A_48 = arith.constant 0 : index
      %get3A_49 = vector.load %arg4[%get3A_47, %get3A_48] : memref<96x16xf32, #tpu.memory_space<vmem>>, vector<96x16xf32>
      %dot_general3A_50 = arith.constant dense<0.000000e+00> : vector<96x40000xf32>
      %dot_general3A_51 = tpu.matmul %get3A_49, %max3A_46, %dot_general3A_50 {dimension_numbers = #tpu.dot_dimension_numbers<[1], [0], [0], [1], [0, 0, 1, 1], [], []>, transpose_lhs_hint = false} : vector<96x16xf32>, vector<16x40000xf32>, vector<96x40000xf32> -> vector<96x40000xf32>
      %get3A_52 = arith.constant 0 : index
      %get3A_53 = arith.constant 0 : index
      %get3A_54 = vector.load %arg5[%get3A_52, %get3A_53] : memref<96x1xf32, #tpu.memory_space<vmem>>, vector<96x1xf32>
      %add3A_55 = vector.broadcast %get3A_54 : vector<96x1xf32> to vector<96x40000xf32>
      %add3A_56 = arith.addf %dot_general3A_51, %add3A_55 : vector<96x40000xf32>
      %get3A_57 = arith.constant 0 : index
      %get3A_58 = arith.constant 0 : index
      %get3A_59 = vector.load %arg6[%get3A_57, %get3A_58] : memref<96x32xf32, #tpu.memory_space<vmem>>, vector<96x32xf32>
      %dot_general3A_60 = arith.constant dense<0.000000e+00> : vector<96x40000xf32>
      %dot_general3A_61 = tpu.matmul %get3A_59, %scan3A_27, %dot_general3A_60 {dimension_numbers = #tpu.dot_dimension_numbers<[1], [0], [0], [1], [0, 0, 1, 1], [], []>, transpose_lhs_hint = false} : vector<96x32xf32>, vector<32x40000xf32>, vector<96x40000xf32> -> vector<96x40000xf32>
      %get3A_62 = arith.constant 0 : index
      %get3A_63 = arith.constant 0 : index
      %get3A_64 = vector.load %arg7[%get3A_62, %get3A_63] : memref<96x1xf32, #tpu.memory_space<vmem>>, vector<96x1xf32>
      %add3A_65 = vector.broadcast %get3A_64 : vector<96x1xf32> to vector<96x40000xf32>
      %add3A_66 = arith.addf %dot_general3A_61, %add3A_65 : vector<96x40000xf32>
      %slice3A = vector.extract_strided_slice %add3A_56 {offsets = [0, 0], sizes = [64, 40000], strides = [1, 1]} : vector<96x40000xf32> to vector<64x40000xf32>
      %slice3A_67 = vector.extract_strided_slice %add3A_66 {offsets = [0, 0], sizes = [64, 40000], strides = [1, 1]} : vector<96x40000xf32> to vector<64x40000xf32>
      %add3A_68 = arith.addf %slice3A, %slice3A_67 : vector<64x40000xf32>
      %logistic3A = arith.negf %add3A_68 : vector<64x40000xf32>
      %logistic3A_69 = math.exp %logistic3A : vector<64x40000xf32>
      %logistic3A_70 = arith.constant 1.000000e+00 : f32
      %logistic3A_71 = vector.broadcast %logistic3A_70 : f32 to vector<64x40000xf32>
      %logistic3A_72 = arith.addf %logistic3A_71, %logistic3A_69 : vector<64x40000xf32>
      %logistic3A_73 = arith.divf %logistic3A_71, %logistic3A_72 : vector<64x40000xf32>
      %slice3A_74 = vector.extract_strided_slice %logistic3A_73 {offsets = [0, 0], sizes = [32, 40000], strides = [1, 1]} : vector<64x40000xf32> to vector<32x40000xf32>
      %slice3A_75 = vector.extract_strided_slice %logistic3A_73 {offsets = [32, 0], sizes = [32, 40000], strides = [1, 1]} : vector<64x40000xf32> to vector<32x40000xf32>
      %slice3A_76 = vector.extract_strided_slice %add3A_56 {offsets = [64, 0], sizes = [32, 40000], strides = [1, 1]} : vector<96x40000xf32> to vector<32x40000xf32>
      %slice3A_77 = vector.extract_strided_slice %add3A_66 {offsets = [64, 0], sizes = [32, 40000], strides = [1, 1]} : vector<96x40000xf32> to vector<32x40000xf32>
      %mul3A_78 = arith.mulf %slice3A_74, %slice3A_77 : vector<32x40000xf32>
      %add3A_79 = arith.addf %slice3A_76, %mul3A_78 : vector<32x40000xf32>
      %tanh3A = math.tanh %add3A_79 : vector<32x40000xf32>
      %sub3A = arith.constant 1.000000e+00 : f32
      %sub3A_80 = vector.broadcast %sub3A : f32 to vector<32x40000xf32>
      %sub3A_81 = arith.subf %sub3A_80, %slice3A_75 : vector<32x40000xf32>
      %mul3A_82 = arith.mulf %sub3A_81, %tanh3A : vector<32x40000xf32>
      %mul3A_83 = arith.mulf %slice3A_75, %scan3A_27 : vector<32x40000xf32>
      %add3A_84 = arith.addf %mul3A_82, %mul3A_83 : vector<32x40000xf32>
      scf.yield %add3A_84 : vector<32x40000xf32>
    }
    %scan3A_15 = arith.constant 12 : i32
    %get3A_16 = arith.constant 0 : index
    %get3A_17 = arith.constant 0 : index
    %get3A_18 = vector.load %arg8[%get3A_16, %get3A_17] : memref<6x32xf32, #tpu.memory_space<vmem>>, vector<6x32xf32>
    %dot_general3A = arith.constant dense<0.000000e+00> : vector<6x40000xf32>
    %dot_general3A_19 = tpu.matmul %get3A_18, %scan3A_14, %dot_general3A {dimension_numbers = #tpu.dot_dimension_numbers<[1], [0], [0], [1], [0, 0, 1, 1], [], []>, transpose_lhs_hint = false} : vector<6x32xf32>, vector<32x40000xf32>, vector<6x40000xf32> -> vector<6x40000xf32>
    %get3A_20 = arith.constant 0 : index
    %get3A_21 = arith.constant 0 : index
    %get3A_22 = vector.load %arg9[%get3A_20, %get3A_21] : memref<6x1xf32, #tpu.memory_space<vmem>>, vector<6x1xf32>
    %add3A = vector.broadcast %get3A_22 : vector<6x1xf32> to vector<6x40000xf32>
    %add3A_23 = arith.addf %dot_general3A_19, %add3A : vector<6x40000xf32>
    %swap3A = arith.constant 0 : index
    %swap3A_24 = arith.constant 0 : index
    %swap3A_25 = vector.load %arg10[%swap3A, %swap3A_24] : memref<6x40000xf32, #tpu.memory_space<vmem>>, vector<6x40000xf32>
    tpu.vector_store %arg10[%swap3A, %swap3A_24], %add3A_23 {strides = array<i32>} : memref<6x40000xf32, #tpu.memory_space<vmem>>, vector<6x40000xf32>,
    return
  }
}

</mosaic_0001>

<sc_bundles>
// kernel: kernel.4.cloned.1.call-start
scs
__scs_entry_jumppad:
0x0: {  	(pc) =	sbr.rel $0x88, $3  }
0x1: {  	(tag) =	ssettag $0x0;
	lr =	simm.s32 $0x1  }
0x2: {  	[smem:$0x3F95] =	sst lr;
	_ =	strace $0xD0000000  }
0x3: {  	_ = 	snop  }
0x4: {  	_ = 	snop  }
0x5: {  	_ = 	snop  }
0x6: {  	_ = 	snop  }
0x7: {  	_ = 	snop  }
__scs_overlays_trampoline_lowered:
0x8: {  	[smem:$0x3FA4] =	sst s0  }
0x9: {  	[smem:$0x3FA5] =	sst s1  }
0xa: {  	[smem:$0x3FA6] =	sst s2  }
0xb: {  	[smem:$0x3FA7] =	sst s3  }
0xc: {  	[smem:$0x3FA8] =	sst s4  }
0xd: {  	[smem:$0x3FA9] =	sst s5  }
0xe: {  	[smem:$0x3FAA] =	sst s6  }
0xf: {  	[smem:$0x3FAB] =	sst s7  }
0x10: {  	[smem:$0x3FAC] =	sst s8  }
0x11: {  	[smem:$0x3FAD] =	sst s9;
	s0 =	simm.s32 @!p0 $0x0  }
0x12: {  	s1 =	sld [smem:$0x3F93];
	s0 =	simm.s32 @p0 $0x1  }
0x13: {  	[smem:$0x3FAE] =	sst s0;
	s0 =	simm.s32 @!p1 $0x0  }
0x14: {  	s2 =	sld [smem:$0x3F92];
	s0 =	simm.s32 @p1 $0x1  }
0x15: {  	[smem:$0x3FAF] =	sst s0;
	s0 =	simm.s32 @!p2 $0x0  }
0x16: {  	s3 =	sld [smem:$0x3FDB];
	s0 =	simm.s32 @p2 $0x1  }
0x17: {  	s4 =	simm.s32 $0x1BF5;
	[smem:$0x3FB1] =	sst s0  }
0x18: {  	s0 =	sld [smem:$0x3F94];
	_ =	swait.ge [sflag:s4], $0x0  }
0x19: {  	s7 =	sld [smem:$0x3F95]  }
0x1a: {  	s8 =	sadd.s32 $0xFFFFE003, lr  }
0x1b: {  	s9 =	sadd.s32 $0xFFFFFEF7, lr;
	s5 =	simm.s32 $0xFFFFFFFF;
	p2 =	slt.u32 s8, $0xFFFFF086  }
0x1c: {  	p1 =	slt.u32 s9, $0xF7A;
	s5 =	simm.s32 @!p2 $0x0  }
0x1d: {  	s5 =	simm.s32 @p1 $0x1;
	p0 =	seq.s32 s7, s2  }
0x1e: {  	s7 =	smul.u32 @!p0 $0xF7A, s2;
	p2 =	seq.s32 @!p0 s5, $0x0  }
0x1f: {  	s9 =	smul.u32 $0xF7A, s1;
	s8 =	simm.s32 @!p0 $0x1BF5;
	p2 =	por !p2, p0  }
0x20: {  	[sflag:s8] =	ssyncset.s32 @!p0 $0xFFFFF086;
	s6 =	sadd.s32 @!p0 s3, s7;
	s7 =	simm.s32 @!p0 $0x108  }
0x21: {  	s3 =	sadd.s32 s3, s9;
	s6 =	sadd.s32 @!p0 $0x88, s6;
	s7 =	simm.s32 @p2 $0x1082  }
0x22: {  	[simem:s7], [sflag:s8] =	dma.local @!p0 [hbm:s6], $0xF7A  }
0x23: {  	s9 =	sor.u32 $0xD0000000, s2;
	s6 =	simm.s32 $0x108;
	_ =	swait.ge @!p0 [sflag:s8], $0x0  }
0x24: {  	s3 =	sadd.s32 $0x88, s3;
	s6 =	simm.s32 @!p1 $0x1082;
	[sflag:s4] =	ssyncset.s32 $0xFFFFF086  }
0x25: {  	[simem:s6], [sflag:s4] =	dma.local [hbm:s3], $0xF7A  }
0x26: {  	[smem:$0x3F95] =	sst s1;
	(tag) =	ssettag s2;
	_ =	strace s9  }
0x27: {  	s1 =	sld [smem:$0x3FA5]  }
0x28: {  	s2 =	sld [smem:$0x3FA6]  }
0x29: {  	s4 =	sld [smem:$0x3FA8]  }
0x2a: {  	p0 =	seq.s32 s5, $0x0;
	s5 =	sld [smem:$0x3FA9]  }
0x2b: {  	s6 =	sld [smem:$0x3FAA]  }
0x2c: {  	s7 =	sld [smem:$0x3FAB]  }
0x2d: {  	s3 =	simm.s32 $0x108;
	s8 =	sld [smem:$0x3FAC]  }
0x2e: {  	s3 =	simm.s32 @!p0 $0x1082;
	s9 =	sld [smem:$0x3FAD]  }
0x2f: {  	lr =	sadd.s32 s0, s3;
	s0 =	sld [smem:$0x3FA4]  }
0x30: {  	s3 =	sld [smem:$0x3FA7]  }
0x31: {  	[smem:$0x3FB0] =	sst s10  }
0x32: {  	s10 =	sld [smem:$0x3FAE];
	_ =	sdelay $0x3  }
0x33: {  	p0 =	seq.s32 s10, $0x1;
	s10 =	sld [smem:$0x3FB0];
	_ =	sdelay $0x3  }
0x34: {  	[smem:$0x3FB0] =	sst s10  }
0x35: {  	s10 =	sld [smem:$0x3FAF];
	_ =	sdelay $0x3  }
0x36: {  	p1 =	seq.s32 s10, $0x1;
	s10 =	sld [smem:$0x3FB0];
	_ =	sdelay $0x3  }
0x37: {  	[smem:$0x3FB0] =	sst s10  }
0x38: {  	s10 =	sld [smem:$0x3FB1]  }
0x39: {  	_ = 	snop;
	(pc) =	sbr.ind lr, $3  }
0x3a: {  	_ = 	snop  }
0x3b: {  	_ = 	snop  }
0x3c: {  	p2 =	seq.s32 s10, $0x1;
	s10 =	sld [smem:$0x3FB0]  }
0x3d: {  	_ =	shalt  }
0x3e: {  	_ =	shalt  }
0x3f: {  	_ =	shalt  }
0x40: {  	_ =	shalt  }
0x41: {  	_ =	shalt  }
0x42: {  	_ =	shalt  }
0x43: {  	_ =	shalt  }
0x44: {  	_ =	shalt  }
0x45: {  	_ =	shalt  }
0x46: {  	_ =	shalt  }
0x47: {  	_ =	shalt  }
0x48: {  	_ =	shalt  }
0x49: {  	_ =	shalt  }
0x4a: {  	_ =	shalt  }
0x4b: {  	_ =	shalt  }
0x4c: {  	_ =	shalt  }
0x4d: {  	_ =	shalt  }
0x4e: {  	_ =	shalt  }
0x4f: {  	_ =	shalt  }
0x50: {  	_ =	shalt  }
0x51: {  	_ =	shalt  }
0x52: {  	_ =	shalt  }
0x53: {  	_ =	shalt  }
0x54: {  	_ =	shalt  }
0x55: {  	_ =	shalt  }
0x56: {  	_ =	shalt  }
0x57: {  	_ =	shalt  }
0x58: {  	_ =	shalt  }
0x59: {  	_ =	shalt  }
0x5a: {  	_ =	shalt  }
0x5b: {  	_ =	shalt  }
0x5c: {  	_ =	shalt  }
0x5d: {  	_ =	shalt  }
0x5e: {  	_ =	shalt  }
0x5f: {  	_ =	shalt  }
0x60: {  	_ =	shalt  }
0x61: {  	_ =	shalt  }
0x62: {  	_ =	shalt  }
0x63: {  	_ =	shalt  }
0x64: {  	_ =	shalt  }
0x65: {  	_ =	shalt  }
0x66: {  	_ =	shalt  }
0x67: {  	_ =	shalt  }
0x68: {  	_ =	shalt  }
0x69: {  	_ =	shalt  }
0x6a: {  	_ =	shalt  }
0x6b: {  	_ =	shalt  }
0x6c: {  	_ =	shalt  }
0x6d: {  	_ =	shalt  }
0x6e: {  	_ =	shalt  }
0x6f: {  	_ =	shalt  }
0x70: {  	_ =	shalt  }
0x71: {  	_ =	shalt  }
0x72: {  	_ =	shalt  }
0x73: {  	_ =	shalt  }
0x74: {  	_ =	shalt  }
0x75: {  	_ =	shalt  }
0x76: {  	_ =	shalt  }
0x77: {  	_ =	shalt  }
0x78: {  	_ =	shalt  }
0x79: {  	_ =	shalt  }
0x7a: {  	_ =	shalt  }
0x7b: {  	_ =	shalt  }
0x7c: {  	_ =	shalt  }
0x7d: {  	_ =	shalt  }
0x7e: {  	_ =	shalt  }
0x7f: {  	_ =	shalt  }
0x80: {  	_ =	shalt  }
0x81: {  	_ =	shalt  }
0x82: {  	_ =	shalt  }
0x83: {  	_ =	shalt  }
0x84: {  	_ =	shalt  }
0x85: {  	_ =	shalt  }
0x86: {  	_ =	shalt  }
0x87: {  	_ =	shalt  }
.Lfunc_end0:
.L_simem_size_0:
called_computation_lowered:
.L_overlay_start_0:
0x88: {  	s2 =	sld [smem:$0x3FD9]  }
0x89: {  	s3 =	sld [smem:$0x3FFE];
	_ =	sdelay $0x1  }
0x8a: {  	s1 =	srdreg.scid  }
0x8b: {  	s0 =	sand.u32 $0x1, s1  }
0x8c: {  	s17 =	sshll.u32 s0, $0xA;
	s2 =	sadd.s32 s3, s2  }
0x8d: {  	s2 =	sadd.s32 s2, s17  }
0x8e: {  	[smem:$0x3FBC] =	sst s2  }
0x8f: {  	_ = 	snop  }
0x90: {  	s2 =	sld [smem:$0x3FD0];
	(tm) =	ssettm $0x1  }
0x91: {  	s18 =	sld [smem:$0x3FFB];
	_ =	sdelay $0x3  }
0x92: {  	_ =	strace s18  }
0x93: {  	s3 =	sld [smem:$0x3FFC];
	_ =	sdelay $0x3  }
0x94: {  	_ =	strace s3  }
0x95: {  	s3 =	sld [smem:$0x3FFD];
	_ =	sdelay $0x3  }
0x96: {  	_ =	strace s3  }
0x97: {  	_ =	strace $0x8FFFFFFF  }
0x98: {  	s19 =	sld [smem:$0x3FDB];
	_ =	sdelay $0x1  }
0x99: {  	s4 =	simm.s32 $_scs_section_size  }
0x9a: {  	s5 =	simm.s32 $_size__tile_overlayer_lowered;
	s6 =	simm.s32 $_tile_overlayer_lowered  }
0x9b: {  	s22 =	simm.s32 $0x1BFF;
	s21 =	sshll.u32 s6, $0x1;
	s3 =	sadd.s32 s4, s19  }
0x9c: {  	s7 =	simm.s32 $0x0;
	s20 =	sshll.u32 s5, $0x1;
	s5 =	sadd.s32 s21, s3  }
0x9d: {  	[timem:s7], [sflag:s22] =	dma.local [hbm:s5], s20  }
0x9e: {  	_ =	swait.ge [sflag:s22], s20  }
0x9f: {  	s4 =	ssub.s32 $0x0, s20;
	[sflag:s22] =	ssyncset.done $0x0  }
0xa0: {  	[sflag:s22] =	ssyncadd.s32 s4;
	_ =	sdelay $0x1  }
0xa1: {  	s23 =	simm.s32 $0x1B8B  }
0xa2: {  	_ =	swait.ge [sflag:s23], $0x1  }
0xa3: {  	[sflag:s23] =	ssyncset.done $0x0  }
0xa4: {  	s25 =	simm.s32 $0x1B8E;
	s24 =	sld [smem:$0x3FFE];
	[sflag:s23] =	ssyncadd.s32 $0xFFFFFFFF  }
0xa5: {  	s26 =	simm.s32 $execute0_lowered;
	[smem:$0x3FD2] =	sst s25  }
0xa6: {  	s5 =	sshll.u32 s26, $0x1;
	_ =	strace $0x80000046;
	[dreg:$0x1] =	wrdreg $0xFFFFFFFF  }
0xa7: {  	s28 =	simm.s32 $_size_execute0_lowered;
	s3 =	sadd.s32 s3, s5;
	[dreg:$0x0] =	wrdreg $0x0  }
0xa8: {  	s5 =	sshll.u32 s28, $0x1;
	[dreg:$0x2] =	wrdreg s3  }
0xa9: {  	[dreg:$0x3] =	wrdreg s5  }
0xaa: {  	[dreg:$0x4] =	wrdreg $0xC0  }
0xab: {  	_ =	task [dreg:s7], $0x5FFFF  }
0xac: {  	[dreg:$0x1] =	wrdreg $0xFFFFFFFF  }
0xad: {  	[dreg:$0x0] =	wrdreg $0x60  }
0xae: {  	[dreg:$0x2] =	wrdreg s24  }
0xaf: {  	[dreg:$0x3] =	wrdreg s2  }
0xb0: {  	[dreg:$0x4] =	wrdreg $0x146B00  }
0xb1: {  	[dreg:$0x5] =	wrdreg $0x9  }
0xb2: {  	_ =	task.clear_ibuf [dreg:s7], $0x6FFFF;
	_ =	strace $0x90000046  }
0xb3: {  	s29 =	simm.s32 $0x9;
	_ =	strace $0x80000048  }
0xb4: {  	_ =	swait.ge [sflag:s29], $0x1  }
0xb5: {  	[sflag:s29] =	ssyncadd.s32 $0xFFFFFFFF  }
0xb6: {  	_ =	strace $0x90000048  }
0xb7: {  	_ =	sfence  }
0xb8: {  	s30 =	sld [smem:$0x0];
	_ =	sdelay $0x2  }
0xb9: {  	s31 =	sshll.u32 s1, $0xD;
	s1 =	sshrl.u32 s1, $0x2  }
0xba: {  	s3 =	sand.u32 $0x4000, s31;
	s1 =	sadd.s32 s1, s30  }
0xbb: {  	s0 =	sor.u32 s3, s0;
	s1 =	sshll.u32 s1, $0x11  }
0xbc: {  	s0 =	sor.u32 s1, s0  }
0xbd: {  	s0 =	sadd.s32 $0x8F2B, s0  }
0xbe: {  	[sflag:s0] =	ssyncadd.remote.s32 $0x1  }
0xbf: {  	_ =	sfence.sel $0xFFFF  }
0xc0: {  	[dreg:$0x0] =	wrdreg $0xFFFFFFFF;
	(pc) =	sbr.abs _section_cstart, $3  }
0xc1: {  	[dreg:$0x1] =	wrdreg $0xFFFFFFFF  }
0xc2: {  	_ =	task.clear_ibuf [dreg:s7], $0x2FFFF;
	_ =	strace $0x9FFFFFFF  }
0xc3: {  	(tm) =	ssettm $0x7FFFFFFF  }
tec
execute0_lowered:
.L_overlay_start_1:
0x0: {  	(tag) =	ssettag $0x1  }
0x1: {  	s0 =	rddreg [dreg:$0x0]  }
0x2: {  	s3 =	rddreg [dreg:$0x2];
	s11 =	simm.s32 $0x0  }
0x3: {  	s1 =	srdreg.scid;
	s4 =	stileid.u32;
	s12 =	simm.s32 $0x1830  }
0x4: {  	s28 =	simm.s32 $0x7830;
	s30 =	simm.s32 $0x9030;
	s29 =	simm.s32 $0xD830  }
0x5: {  	s31 =	simm.s32 $0x2;
	s17 =	simm.s32 $0x4;
	[smem:$0x7FF] =	sst s11  }
0x6: {  	s1 =	sand.u32 $0x1, s1;
	s2 =	smul.u32 $0x7530, s4;
	s5 =	sadd.s32 $0x1A00, s0  }
0x7: {  	s7 =	sadd.s32 $0x10600, s0;
	s18 =	sshll.u32 s4, $0x1;
	s8 =	smul.u32 $0x1D4C0, s4  }
0x8: {  	s19 =	sadd.s32 $0x15600, s0;
	_ =	strace $0x80000047;
	[dreg:$0x4] =	wrdreg s7  }
0x9: {  	s6 =	smul.u32 $0x75300, s1;
	s7 =	sor.u32 s1, s18;
	[dreg:$0x5] =	wrdreg s19  }
0xa: {  	s1 =	ssub.s32 $0x2, s1;
	s18 =	simm.s32 $0x3030;
	s19 =	simm.s32 $0x12F40  }
0xb: {  	s9 =	smul.u32 $0x4E2, s7;
	s8 =	sshrl.u32 s8, $0x2;
	s20 =	sshrl.u32 s1, $0x1  }
0xc: {  	s6 =	sadd.s32 s2, s6;
	s10 =	sadd.s32 s8, s3;
	s1 =	ssub.s32 s1, s20  }
0xd: {  	s8 =	sadd.s32 s2, s3;
	s20 =	simm.s32 $0x5;
	s21 =	sadd.s32 $0x1770, s10  }
0xe: {  	s2 =	simm.s32 $0x3;
	s22 =	sadd.s32 $0x2EE0, s10;
	[dreg:$0x6] =	wrdreg s21  }
0xf: {  	s6 =	sshrl.u32 s6, $0x3;
	s23 =	sadd.s32 $0x4650, s10;
	[dreg:$0x7] =	wrdreg s22  }
0x10: {  	s24 =	sadd.s32 $0x5DC0, s10;
	s26 =	smax.u32 s1, $0x1;
	[dreg:$0x8] =	wrdreg s23  }
0x11: {  	v0 =	vlaneseq.u32;
	s1 =	simm.s32 $0xF030;
	s6 =	sadd.s32 s6, s0;
	[dreg:$0x9] =	wrdreg s24  }
.Ltmp0:
0x12: {  	v1 =	vmul.u32 $0x20, v0;
	s0 =	sadd.s32 s9, s0;
	[dreg:$0xc] =	wrdreg s26;
	(pc) =	sbr.rel .LBB2_1-.Ltmp0, $4  }
0x13: {  	s21 =	simm.s32 $0x1;
	s22 =	simm.s32 $0x80;
	s23 =	simm.s32 $0x4830  }
0x14: {  	v2 =	vor.u32 $0x400, v1;
	s24 =	simm.s32 $0xC030;
	s26 =	simm.s32 $0x10830;
	s25 =	sadd.s32 $0x1A600, s6  }
0x15: {  	v0 =	vor.u32 s7, v1;
	v1 =	vor.u32 $0x200, v1;
	v2 =	vor.u32 s7, v2;
	s0 =	sadd.s32 $0x37C00, s0;
	s6 =	simm.s32 $0x0;
	[dreg:$0xa] =	wrdreg s25  }
0x16: {  	v3 =	vimm.f32 $0.0e+00;
	v1 =	vor.u32 s7, v1;
	v2 =	vmin.u32 v2, $0x4FF;
	[dreg:$0xb] =	wrdreg s0;
	s25 =	simm.s32 $0x6030;
	s0 =	simm.s32 $0xA830  }
.LBB2_24:
0x17: {  	_ =	swait.ge [sflag:s2], $0x1800  }
0x18: {  	[sflag:s2] =	ssyncset.done $0x0  }
0x19: {  	[sflag:s2] =	ssyncadd.s32 $0xFFFFE800  }
0x1a: {  	_ =	swait.ge [sflag:s2], $0x1800  }
0x1b: {  	[sflag:s2] =	ssyncset.done $0x0  }
0x1c: {  	[sflag:s2] =	ssyncadd.s32 $0xFFFFE800  }
0x1d: {  	_ =	swait.ge [sflag:s2], $0x1800  }
0x1e: {  	[sflag:s2] =	ssyncset.done $0x0  }
0x1f: {  	[sflag:s2] =	ssyncadd.s32 $0xFFFFE800  }
0x20: {  	_ =	swait.ge [sflag:s2], $0x1800  }
0x21: {  	[sflag:s2] =	ssyncset.done $0x0  }
0x22: {  	[sflag:s2] =	ssyncadd.s32 $0xFFFFE800  }
0x23: {  	_ =	swait.ge [sflag:s17], $0x1800  }
0x24: {  	[sflag:s17] =	ssyncset.done $0x0  }
0x25: {  	[sflag:s17] =	ssyncadd.s32 $0xFFFFE800  }
0x26: {  	_ =	swait.ge [sflag:s17], $0x1800  }
0x27: {  	[sflag:s17] =	ssyncset.done $0x0  }
0x28: {  	[sflag:s17] =	ssyncadd.s32 $0xFFFFE800  }
0x29: {  	_ =	swait.ge [sflag:s17], $0x1800  }
0x2a: {  	[sflag:s17] =	ssyncset.done $0x0  }
0x2b: {  	[sflag:s17] =	ssyncadd.s32 $0xFFFFE800  }
0x2c: {  	_ =	swait.ge [sflag:s17], $0x1800  }
0x2d: {  	[sflag:s17] =	ssyncset.done $0x0  }
0x2e: {  	s4 =	stileid.u32;
	[sflag:s17] =	ssyncadd.s32 $0xFFFFE800  }
0x2f: {  	s4 =	sshll.u32 s4, $0x6;
	[bflag:$0x0] =	sbarrier.arrive $0xFFFF  }
0x30: {  	s7 =	sshrl.u32 s8, $0x3;
	s4 =	sor.u32 $0x1C05, s4;
	s9 =	rddreg [dreg:$0xa]  }
0x31: {  	[hbm:s9], [sflag:s4] =	dma.local [spmem:s7], $0xEA6  }
0x32: {  	_ =	swait.ge [sflag:s20], $0xEA6  }
0x33: {  	[sflag:s20] =	ssyncset.done $0x0  }
0x34: {  	s11 =	simm.s32 $0x0;
	s15 =	rddreg [dreg:$0xb];
	[sflag:s20] =	ssyncadd.s32 $0xFFFFF15A  }
0x35: {  	[hbm4b:s15+s11] =	stream.linear.scatter [tilespmem:s26], [sflag:$0x5], $0x2710, $0x38;
	[tilespmem:$0x1BBE0] =	vst v63  }
0x36: {  	_ =	swait.ge [sflag:s20], $0x2710  }
0x37: {  	s6 =	sadd.s32 $0x1, s6;
	s16 =	rddreg [dreg:$0xc]  }
0x38: {  	p0 =	sne.s32 s6, s16  }
.Ltmp1:
0x39: {  	_ = 	snop;
	(pc) =	sbr.rel @!p0 .LBB2_25-.Ltmp1, $3  }
0x3a: {  	_ =	sdelay $0x1  }
0x3b: {  	[sflag:s20] =	ssyncset.done $0x0  }
0x3c: {  	s12 =	simm.s32 $0x1830;
	[sflag:s20] =	ssyncadd.s32 $0xFFFFD8F0  }
.LBB2_1:
0x3d: {  	[tilespmem:$0x0] =	vst v0  }
0x3e: {  	[tilespmem:$0x10] =	vst v1  }
0x3f: {  	[tilespmem:$0x20] =	vst v2;
	s4 =	rddreg [dreg:$0x1];
	s7 =	simm.s32 $0x30  }
0x40: {  	[tilespmem:s7], [sflag:$0x1] =	stream.indirect.gather [hbm4b:s4+s7], $0x80, s11, s7, $0xb8;
	[tilespmem:$0x1BBE0] =	vst v63  }
0x41: {  	s15 =	rddreg [dreg:$0x4]  }
0x42: {  	[tilespmem:s12], [sflag:$0x1] =	stream.indirect.gather [hbm4b:s15+s7], $0x80, s11, s7, $0xb8;
	[tilespmem:$0x1BBE0] =	vst v63  }
0x43: {  	s16 =	rddreg [dreg:$0x5]  }
0x44: {  	[tilespmem:s18], [sflag:$0x1] =	stream.indirect.gather [hbm4b:s16+s7], $0x80, s11, s7, $0xb8;
	[tilespmem:$0x1BBE0] =	vst v63  }
0x45: {  	s7 =	simm.s32 $0x0  }
.LBB2_2:
0x46: {  	p0 =	sne.s32 s7, $0x9C00  }
.Ltmp2:
0x47: {  	_ = 	snop;
	(pc) =	sbr.rel @p0 .LBB2_2-.Ltmp2, $3  }
0x48: {  	_ =	sdelay $0x1  }
0x49: {  	s9 =	sshra.s32 s7, $0x2  }
0x4a: {  	s7 =	sadd.s32 $0x40, s7;
	[tilespmem:s9+$0x10830] =	vst v3  }
0x4b: {  	s7 =	simm.s32 $0xC0;
	s9 =	simm.s32 $0x0  }
.LBB2_4:
0x4c: {  	p0 =	sne.s32 s7, $0x5D00;
	[tilespmem:s9+$0x12F60] =	vst v3;
	s10 =	smov.u32 s7;
	s7 =	sadd.s32 $0xC0, s7  }
.Ltmp3:
0x4d: {  	[tilespmem:s9+$0x12F40] =	vst v3;
	(pc) =	sbr.rel @p0 .LBB2_4-.Ltmp3, $2  }
0x4e: {  	[tilespmem:s9+$0x12F50] =	vst v3;
	_ =	sdelay $0x2  }
0x4f: {  	s9 =	sshra.s32 s10, $0x2  }
0x50: {  	[tilespmem:s9+$0x12F60] =	vst v3  }
0x51: {  	[tilespmem:s9+$0x12F40] =	vst v3  }
0x52: {  	[tilespmem:s9+$0x12F50] =	vst v3  }
0x53: {  	[spmem:s8] =	stream.linear.scatter [tilespmem:s19], [sflag:$0x5], $0x1770, $0x38;
	[tilespmem:$0x1BBE0] =	vst v63  }
0x54: {  	_ =	swait.ge [sflag:s20], $0x1770  }
0x55: {  	[sflag:s20] =	ssyncset.done $0x0  }
0x56: {  	s4 =	rddreg [dreg:$0x6];
	[sflag:s20] =	ssyncadd.s32 $0xFFFFE890  }
0x57: {  	[spmem:s4] =	stream.linear.scatter [tilespmem:s19], [sflag:$0x5], $0x1770, $0x38;
	[tilespmem:$0x1BBE0] =	vst v63  }
0x58: {  	_ =	swait.ge [sflag:s20], $0x1770  }
0x59: {  	[sflag:s20] =	ssyncset.done $0x0  }
0x5a: {  	s16 =	rddreg [dreg:$0x7];
	[sflag:s20] =	ssyncadd.s32 $0xFFFFE890  }
0x5b: {  	[spmem:s16] =	stream.linear.scatter [tilespmem:s19], [sflag:$0x5], $0x1770, $0x38;
	[tilespmem:$0x1BBE0] =	vst v63  }
0x5c: {  	_ =	swait.ge [sflag:s20], $0x1770  }
0x5d: {  	[sflag:s20] =	ssyncset.done $0x0  }
0x5e: {  	s7 =	rddreg [dreg:$0x8];
	[sflag:s20] =	ssyncadd.s32 $0xFFFFE890  }
0x5f: {  	[spmem:s7] =	stream.linear.scatter [tilespmem:s19], [sflag:$0x5], $0x1770, $0x38;
	[tilespmem:$0x1BBE0] =	vst v63  }
0x60: {  	_ =	swait.ge [sflag:s20], $0x1770  }
0x61: {  	[sflag:s20] =	ssyncset.done $0x0  }
0x62: {  	s9 =	rddreg [dreg:$0x9];
	[sflag:s20] =	ssyncadd.s32 $0xFFFFE890  }
0x63: {  	[spmem:s9] =	stream.linear.scatter [tilespmem:s19], [sflag:$0x5], $0x1770, $0x38;
	[tilespmem:$0x1BBE0] =	vst v63  }
0x64: {  	_ =	swait.ge [sflag:s20], $0x1770  }
0x65: {  	[sflag:s20] =	ssyncset.done $0x0  }
0x66: {  	[sflag:s20] =	ssyncadd.s32 $0xFFFFE890  }
0x67: {  	_ =	swait.ge [sflag:s21], $0x1800  }
0x68: {  	[sflag:s21] =	ssyncset.done $0x0  }
0x69: {  	[sflag:s21] =	ssyncadd.s32 $0xFFFFE800  }
0x6a: {  	_ =	swait.ge [sflag:s21], $0x1800  }
0x6b: {  	[sflag:s21] =	ssyncset.done $0x0  }
0x6c: {  	[sflag:s21] =	ssyncadd.s32 $0xFFFFE800  }
0x6d: {  	_ =	swait.ge [sflag:s21], $0x1800  }
0x6e: {  	[sflag:s21] =	ssyncset.done $0x0  }
0x6f: {  	[sflag:s21] =	ssyncadd.s32 $0xFFFFE800  }
0x70: {  	[bflag:$0x0] =	sbarrier.arrive $0xFFFF  }
0x71: {  	[tilespmem:s23], [sflag:$0x1] =	stream.indirect.gather [hbm4b:s5+s22], $0x30, s12, s22, $0xb8;
	[tilespmem:$0x1BBE0] =	vst v63  }
0x72: {  	s10 =	simm.s32 $0x18B0  }
0x73: {  	[tilespmem:s25], [sflag:$0x1] =	stream.indirect.gather [hbm4b:s5+s22], $0x30, s10, s22, $0xb8;
	[tilespmem:$0x1BBE0] =	vst v63  }
0x74: {  	s11 =	simm.s32 $0x1930  }
0x75: {  	[tilespmem:s28], [sflag:$0x1] =	stream.indirect.gather [hbm4b:s5+s22], $0x30, s11, s22, $0xb8;
	[tilespmem:$0x1BBE0] =	vst v63  }
0x76: {  	s12 =	simm.s32 $0x19B0  }
0x77: {  	[tilespmem:s30], [sflag:$0x1] =	stream.indirect.gather [hbm4b:s5+s22], $0x30, s12, s22, $0xb8;
	[tilespmem:$0x1BBE0] =	vst v63  }
0x78: {  	s13 =	simm.s32 $0x1A30  }
0x79: {  	[tilespmem:s0], [sflag:$0x2] =	stream.indirect.gather [hbm4b:s5+s22], $0x30, s13, s22, $0xb8;
	[tilespmem:$0x1BBE0] =	vst v63  }
0x7a: {  	s14 =	simm.s32 $0x1AB0  }
0x7b: {  	[tilespmem:s24], [sflag:$0x2] =	stream.indirect.gather [hbm4b:s5+s22], $0x30, s14, s22, $0xb8;
	[tilespmem:$0x1BBE0] =	vst v63  }
0x7c: {  	s15 =	simm.s32 $0x1B30  }
0x7d: {  	[tilespmem:s29], [sflag:$0x2] =	stream.indirect.gather [hbm4b:s5+s22], $0x30, s15, s22, $0xb8;
	[tilespmem:$0x1BBE0] =	vst v63  }
0x7e: {  	s16 =	simm.s32 $0x1BB0;
	s7 =	simm.s32 $0x0;
	s9 =	simm.s32 $0x0  }
0x7f: {  	[tilespmem:s1], [sflag:$0x2] =	stream.indirect.gather [hbm4b:s5+s22], $0x30, s16, s22, $0xb8;
	[tilespmem:$0x1BBE0] =	vst v63  }
.LBB2_6:
0x80: {  	_ =	swait.ge [sflag:s21], $0x1800  }
0x81: {  	[sflag:s21] =	ssyncset.done $0x0  }
0x82: {  	[sflag:s21] =	ssyncadd.s32 $0xFFFFE800  }
0x83: {  	s11 =	sshll.u32 s9, $0xA;
	v5 =	vmov s7;
	_ =	swait.ge [sflag:s21], $0x1800  }
0x84: {  	v4 =	vmov s11;
	v5 =	vand.u32 $0x7C, v5;
	[sflag:s21] =	ssyncset.done $0x0  }
0x85: {  	v5 =	vor.u32 v4, v5;
	[sflag:s21] =	ssyncadd.s32 $0xFFFFE800  }
0x86: {  	v5 =	vbroadcast v5, $0x0;
	_ =	swait.ge [sflag:s21], $0x1800  }
0x87: {  	[sflag:s21] =	ssyncset.done $0x0  }
0x88: {  	[sflag:s21] =	ssyncadd.s32 $0xFFFFE800  }
0x89: {  	_ =	swait.ge [sflag:s21], $0x1800  }
0x8a: {  	[sflag:s21] =	ssyncset.done $0x0  }
0x8b: {  	[sflag:s21] =	ssyncadd.s32 $0xFFFFE800  }
0x8c: {  	s12 =	simm.s32 $0x4890;
	v5 =	vld.idx.msk [tilespmem:v5+s18+$0x0], $0xffff  }
0x8d: {  	s10 =	simm.s32 $0x1;
	v6 =	vld [tilespmem:s12+$0xFFFFFFA0]  }
0x8e: {  	v8 =	vmov s10;
	v7 =	vld [tilespmem:s12+$0xFFFFFFB0]  }
0x8f: {  	v8 =	vand.u32 $0x7D, v8;
	v9 =	vld [tilespmem:s12+$0xFFFFFFC0]  }
0x90: {  	v8 =	vor.u32 v4, v8  }
0x91: {  	v8 =	vbroadcast v8, $0x0  }
0x92: {  	v6 =	vmul.f32 v6, v5  }
0x93: {  	v7 =	vmul.f32 v7, v5  }
0x94: {  	v5 =	vmul.f32 v9, v5;
	[tilespmem:s12+$0xFFFFFFA0] =	vst v6  }
0x95: {  	[tilespmem:s12+$0xFFFFFFB0] =	vst v7  }
0x96: {  	[tilespmem:s12+$0xFFFFFFC0] =	vst v5;
	v6 =	vld [tilespmem:s12+$0xFFFFFFD0]  }
0x97: {  	s15 =	simm.s32 $0x2;
	v5 =	vld.idx.msk [tilespmem:v8+s18+$0x0], $0xffff  }
0x98: {  	v7 =	vld [tilespmem:s12+$0xFFFFFFE0];
	v8 =	vmov s15  }
0x99: {  	v9 =	vld [tilespmem:s12+$0xFFFFFFF0];
	v8 =	vand.u32 $0x7E, v8  }
0x9a: {  	v8 =	vor.u32 v4, v8  }
0x9b: {  	v8 =	vbroadcast v8, $0x0  }
0x9c: {  	v6 =	vmul.f32 v6, v5  }
0x9d: {  	v7 =	vmul.f32 v7, v5  }
0x9e: {  	v5 =	vmul.f32 v9, v5;
	[tilespmem:s12+$0xFFFFFFD0] =	vst v6  }
0x9f: {  	[tilespmem:s12+$0xFFFFFFE0] =	vst v7  }
0xa0: {  	[tilespmem:s12+$0xFFFFFFF0] =	vst v5;
	v6 =	vld [tilespmem:s12+$0x20]  }
0xa1: {  	s16 =	simm.s32 $0x3;
	v5 =	vld.idx.msk [tilespmem:v8+s18+$0x0], $0xffff  }
0xa2: {  	v7 =	vld [tilespmem:s12+$0x10];
	v8 =	vmov s16  }
0xa3: {  	v9 =	vld [tilespmem:s12+$0x0];
	v8 =	vand.u32 $0x7F, v8  }
0xa4: {  	v8 =	vor.u32 v4, v8  }
0xa5: {  	v8 =	vbroadcast v8, $0x0  }
0xa6: {  	v6 =	vmul.f32 v6, v5  }
0xa7: {  	v7 =	vmul.f32 v7, v5  }
0xa8: {  	v5 =	vmul.f32 v9, v5;
	[tilespmem:s12+$0x20] =	vst v6  }
0xa9: {  	[tilespmem:s12+$0x10] =	vst v7  }
0xaa: {  	v10 =	vld [tilespmem:s12+$0x40];
	[tilespmem:s12+$0x0] =	vst v5  }
0xab: {  	v5 =	vld.idx.msk [tilespmem:v8+s18+$0x0], $0xffff  }
0xac: {  	s13 =	simm.s32 $0x4;
	v8 =	vld [tilespmem:s12+$0x30]  }
0xad: {  	v6 =	vmov s13;
	v7 =	vld [tilespmem:s12+$0x50]  }
0xae: {  	v6 =	vand.u32 $0x7C, v6  }
0xaf: {  	v6 =	vor.u32 v4, v6  }
0xb0: {  	v6 =	vbroadcast v6, $0x0  }
0xb1: {  	s14 =	simm.s32 $0x8;
	s10 =	sshll.u32 s9, $0x3;
	v9 =	vmul.f32 v8, v5;
	v8 =	vmul.f32 v10, v5  }
.LBB2_7:
0xb2: {  	p0 =	sne.s32 s14, $0x7C;
	v5 =	vmul.f32 v7, v5  }
0xb3: {  	[tilespmem:s12+$0x30] =	vst v9  }
0xb4: {  	[tilespmem:s12+$0x40] =	vst v8  }
0xb5: {  	[tilespmem:s12+$0x50] =	vst v5  }
0xb6: {  	s12 =	sadd.s32 $0xC0, s12;
	v5 =	vld.idx.msk [tilespmem:v6+s18+$0x0], $0xffff  }
0xb7: {  	s15 =	sadd.s32 $0x1, s13;
	v6 =	vld [tilespmem:s12+$0xFFFFFFA0]  }
0xb8: {  	v8 =	vmov s15;
	v7 =	vld [tilespmem:s12+$0xFFFFFFB0]  }
0xb9: {  	v8 =	vand.u32 $0x7D, v8;
	v9 =	vld [tilespmem:s12+$0xFFFFFFC0]  }
0xba: {  	v8 =	vor.u32 v4, v8  }
0xbb: {  	v8 =	vbroadcast v8, $0x0  }
0xbc: {  	v6 =	vmul.f32 v6, v5  }
0xbd: {  	v7 =	vmul.f32 v7, v5  }
0xbe: {  	[tilespmem:s12+$0xFFFFFFA0] =	vst v6;
	v5 =	vmul.f32 v9, v5  }
0xbf: {  	[tilespmem:s12+$0xFFFFFFB0] =	vst v7  }
0xc0: {  	[tilespmem:s12+$0xFFFFFFC0] =	vst v5  }
0xc1: {  	v5 =	vld.idx.msk [tilespmem:v8+s18+$0x0], $0xffff  }
0xc2: {  	s15 =	sadd.s32 $0x2, s13;
	v6 =	vld [tilespmem:s12+$0xFFFFFFD0]  }
0xc3: {  	v8 =	vmov s15;
	v7 =	vld [tilespmem:s12+$0xFFFFFFE0]  }
0xc4: {  	v8 =	vand.u32 $0x7E, v8;
	v9 =	vld [tilespmem:s12+$0xFFFFFFF0]  }
0xc5: {  	v8 =	vor.u32 v4, v8  }
0xc6: {  	v8 =	vbroadcast v8, $0x0  }
0xc7: {  	v6 =	vmul.f32 v6, v5  }
0xc8: {  	v7 =	vmul.f32 v7, v5  }
0xc9: {  	[tilespmem:s12+$0xFFFFFFD0] =	vst v6;
	v5 =	vmul.f32 v9, v5  }
0xca: {  	[tilespmem:s12+$0xFFFFFFE0] =	vst v7  }
0xcb: {  	[tilespmem:s12+$0xFFFFFFF0] =	vst v5;
	v5 =	vld [tilespmem:s12+$0x10]  }
0xcc: {  	v6 =	vld.idx.msk [tilespmem:v8+s18+$0x0], $0xffff  }
0xcd: {  	s15 =	sadd.s32 $0x3, s13;
	s13 =	smov.u32 s14;
	v7 =	vld [tilespmem:s12+$0x20]  }
0xce: {  	v9 =	vmov s15;
	v8 =	vld [tilespmem:s12+$0x0]  }
0xcf: {  	v9 =	vand.u32 $0x7F, v9  }
0xd0: {  	v9 =	vor.u32 v4, v9  }
0xd1: {  	v9 =	vbroadcast v9, $0x0  }
0xd2: {  	v5 =	vmul.f32 v5, v6;
	v7 =	vmul.f32 v7, v6  }
0xd3: {  	v6 =	vmul.f32 v8, v6  }
0xd4: {  	[tilespmem:s12+$0x20] =	vst v7  }
0xd5: {  	[tilespmem:s12+$0x10] =	vst v5  }
0xd6: {  	[tilespmem:s12+$0x0] =	vst v6;
	v8 =	vld [tilespmem:s12+$0x40]  }
0xd7: {  	v5 =	vld.idx.msk [tilespmem:v9+s18+$0x0], $0xffff  }
0xd8: {  	v9 =	vld [tilespmem:s12+$0x30]  }
.Ltmp4:
0xd9: {  	v6 =	vmov s14;
	v7 =	vld [tilespmem:s12+$0x50];
	(pc) =	sbr.rel @p0 .LBB2_7-.Ltmp4, $4  }
0xda: {  	v6 =	vand.u32 $0x7C, v6  }
0xdb: {  	v6 =	vor.u32 v4, v6  }
0xdc: {  	v6 =	vbroadcast v6, $0x0  }
0xdd: {  	s14 =	sadd.s32 $0x4, s14;
	v8 =	vmul.f32 v8, v5;
	v9 =	vmul.f32 v9, v5  }
0xde: {  	_ = 	snop  }
0xdf: {  	v5 =	vmul.f32 v7, v5;
	[tilespmem:s12+$0x30] =	vst v9  }
0xe0: {  	[tilespmem:s12+$0x40] =	vst v8  }
0xe1: {  	[tilespmem:s12+$0x50] =	vst v5  }
0xe2: {  	s16 =	sadd.s32 $0xC0, s12;
	v5 =	vld.idx.msk [tilespmem:v6+s18+$0x0], $0xffff  }
0xe3: {  	s14 =	sadd.s32 $0x1, s13;
	v6 =	vld [tilespmem:s16+$0xFFFFFFA0]  }
0xe4: {  	v7 =	vld [tilespmem:s16+$0xFFFFFFB0];
	v8 =	vmov s14  }
0xe5: {  	v9 =	vld [tilespmem:s16+$0xFFFFFFC0];
	v8 =	vand.u32 $0x7D, v8  }
0xe6: {  	v8 =	vor.u32 v4, v8  }
0xe7: {  	v8 =	vbroadcast v8, $0x0  }
0xe8: {  	v6 =	vmul.f32 v6, v5  }
0xe9: {  	v7 =	vmul.f32 v7, v5  }
0xea: {  	v5 =	vmul.f32 v9, v5;
	[tilespmem:s16+$0xFFFFFFA0] =	vst v6  }
0xeb: {  	[tilespmem:s16+$0xFFFFFFB0] =	vst v7  }
0xec: {  	[tilespmem:s16+$0xFFFFFFC0] =	vst v5;
	v6 =	vld [tilespmem:s16+$0xFFFFFFD0]  }
0xed: {  	s4 =	sadd.s32 $0x2, s13;
	v5 =	vld.idx.msk [tilespmem:v8+s18+$0x0], $0xffff  }
0xee: {  	v7 =	vld [tilespmem:s16+$0xFFFFFFE0];
	v8 =	vmov s4  }
0xef: {  	v9 =	vld [tilespmem:s16+$0xFFFFFFF0];
	v8 =	vand.u32 $0x7E, v8  }
0xf0: {  	v8 =	vor.u32 v4, v8  }
0xf1: {  	v8 =	vbroadcast v8, $0x0  }
0xf2: {  	v6 =	vmul.f32 v6, v5  }
0xf3: {  	v7 =	vmul.f32 v7, v5  }
0xf4: {  	v5 =	vmul.f32 v9, v5;
	[tilespmem:s16+$0xFFFFFFD0] =	vst v6  }
0xf5: {  	[tilespmem:s16+$0xFFFFFFE0] =	vst v7  }
0xf6: {  	[tilespmem:s16+$0xFFFFFFF0] =	vst v5;
	v6 =	vld [tilespmem:s16+$0x20]  }
0xf7: {  	s15 =	sadd.s32 $0x3, s13;
	v5 =	vld.idx.msk [tilespmem:v8+s18+$0x0], $0xffff  }
0xf8: {  	v7 =	vld [tilespmem:s16+$0x10];
	v8 =	vmov s15  }
0xf9: {  	v9 =	vld [tilespmem:s16+$0x0];
	v8 =	vand.u32 $0x7F, v8  }
0xfa: {  	v4 =	vor.u32 v4, v8  }
0xfb: {  	v4 =	vbroadcast v4, $0x0  }
0xfc: {  	v6 =	vmul.f32 v6, v5  }
0xfd: {  	v7 =	vmul.f32 v7, v5  }
0xfe: {  	v5 =	vmul.f32 v9, v5;
	[tilespmem:s16+$0x20] =	vst v6  }
0xff: {  	[tilespmem:s16+$0x10] =	vst v7  }
0x100: {  	[tilespmem:s16+$0x0] =	vst v5;
	v5 =	vld [tilespmem:s16+$0x30]  }
0x101: {  	v4 =	vld.idx.msk [tilespmem:v4+s18+$0x0], $0xffff  }
0x102: {  	v6 =	vld [tilespmem:s16+$0x40]  }
0x103: {  	v7 =	vld [tilespmem:s16+$0x50];
	_ =	sdelay $0x2  }
0x104: {  	v5 =	vmul.f32 v5, v4  }
0x105: {  	v6 =	vmul.f32 v6, v4  }
0x106: {  	v4 =	vmul.f32 v7, v4;
	[tilespmem:s16+$0x30] =	vst v5  }
0x107: {  	[tilespmem:s16+$0x40] =	vst v6  }
0x108: {  	[tilespmem:s16+$0x50] =	vst v4  }
0x109: {  	v4 =	vld [tilespmem:s11+$0x30];
	_ =	sdelay $0x2  }
0x10a: {  	v5 =	vld [tilespmem:s11+$0x3030];
	_ =	sdelay $0x4  }
0x10b: {  	[tilespmem:v4+s26+$0x0] =	vst.idx.add.f32.msk $0xffff, v5  }
0x10c: {  	v4 =	vld [tilespmem:s11+$0x40];
	_ =	sdelay $0x2  }
0x10d: {  	v5 =	vld [tilespmem:s11+$0x3040];
	_ =	sdelay $0x4  }
0x10e: {  	[tilespmem:v4+s26+$0x0] =	vst.idx.add.f32.msk $0xffff, v5  }
0x10f: {  	v4 =	vld [tilespmem:s11+$0x50];
	_ =	sdelay $0x2  }
0x110: {  	v5 =	vld [tilespmem:s11+$0x3050];
	_ =	sdelay $0x4  }
0x111: {  	[tilespmem:v4+s26+$0x0] =	vst.idx.add.f32.msk $0xffff, v5  }
0x112: {  	v4 =	vld [tilespmem:s11+$0x60];
	_ =	sdelay $0x2  }
0x113: {  	v5 =	vld [tilespmem:s11+$0x3060];
	_ =	sdelay $0x4  }
0x114: {  	[tilespmem:v4+s26+$0x0] =	vst.idx.add.f32.msk $0xffff, v5  }
0x115: {  	v4 =	vld [tilespmem:s11+$0x70];
	_ =	sdelay $0x2  }
0x116: {  	v5 =	vld [tilespmem:s11+$0x3070];
	_ =	sdelay $0x4  }
0x117: {  	[tilespmem:v4+s26+$0x0] =	vst.idx.add.f32.msk $0xffff, v5  }
0x118: {  	v4 =	vld [tilespmem:s11+$0x80];
	_ =	sdelay $0x2  }
0x119: {  	v5 =	vld [tilespmem:s11+$0x3080];
	_ =	sdelay $0x4  }
0x11a: {  	[tilespmem:v4+s26+$0x0] =	vst.idx.add.f32.msk $0xffff, v5  }
0x11b: {  	v4 =	vld [tilespmem:s11+$0x90];
	_ =	sdelay $0x2  }
0x11c: {  	v5 =	vld [tilespmem:s11+$0x3090];
	_ =	sdelay $0x4  }
0x11d: {  	[tilespmem:v4+s26+$0x0] =	vst.idx.add.f32.msk $0xffff, v5  }
0x11e: {  	s4 =	simm.s32 $0x0;
	s16 =	sor.u32 $0x1, s10;
	v5 =	vld [tilespmem:s11+$0xA0]  }
0x11f: {  	v6 =	vmov s4;
	s12 =	sshll.u32 s16, $0x7  }
0x120: {  	v6 =	vand.u32 $0x7C, v6;
	v4 =	vmov s12  }
0x121: {  	v7 =	vld [tilespmem:s11+$0x30A0];
	v6 =	vor.u32 v4, v6  }
0x122: {  	v6 =	vbroadcast v6, $0x0;
	_ =	sdelay $0x3  }
0x123: {  	s13 =	sor.u32 $0x30, s11;
	[tilespmem:v5+s26+$0x0] =	vst.idx.add.f32.msk $0xffff, v7  }
0x124: {  	[spmem:s3] =	stream.indirect.scatter.add.f32 [tilespmem:s23], [sflag:$0x3], $0x30, s13, s22, $0xb8;
	[tilespmem:$0x1BBE0] =	vst v63  }
0x125: {  	s11 =	simm.s32 $0x60E0;
	v5 =	vld.idx.msk [tilespmem:v6+s18+$0x0], $0xffff  }
0x126: {  	s14 =	simm.s32 $0x1;
	v6 =	vld [tilespmem:s11+$0xFFFFFF50]  }
0x127: {  	v8 =	vmov s14;
	v7 =	vld [tilespmem:s11+$0xFFFFFF60]  }
0x128: {  	v8 =	vand.u32 $0x7D, v8;
	v9 =	vld [tilespmem:s11+$0xFFFFFF70]  }
0x129: {  	v8 =	vor.u32 v4, v8  }
0x12a: {  	v8 =	vbroadcast v8, $0x0  }
0x12b: {  	v6 =	vmul.f32 v6, v5  }
0x12c: {  	v7 =	vmul.f32 v7, v5  }
0x12d: {  	v5 =	vmul.f32 v9, v5;
	[tilespmem:s11+$0xFFFFFF50] =	vst v6  }
0x12e: {  	[tilespmem:s11+$0xFFFFFF60] =	vst v7  }
0x12f: {  	[tilespmem:s11+$0xFFFFFF70] =	vst v5;
	v6 =	vld [tilespmem:s11+$0xFFFFFF80]  }
0x130: {  	s15 =	simm.s32 $0x2;
	v5 =	vld.idx.msk [tilespmem:v8+s18+$0x0], $0xffff  }
0x131: {  	v7 =	vld [tilespmem:s11+$0xFFFFFF90];
	v8 =	vmov s15  }
0x132: {  	v9 =	vld [tilespmem:s11+$0xFFFFFFA0];
	v8 =	vand.u32 $0x7E, v8  }
0x133: {  	v8 =	vor.u32 v4, v8  }
0x134: {  	v8 =	vbroadcast v8, $0x0  }
0x135: {  	v6 =	vmul.f32 v6, v5  }
0x136: {  	v7 =	vmul.f32 v7, v5  }
0x137: {  	v5 =	vmul.f32 v9, v5;
	[tilespmem:s11+$0xFFFFFF80] =	vst v6  }
0x138: {  	[tilespmem:s11+$0xFFFFFF90] =	vst v7  }
0x139: {  	[tilespmem:s11+$0xFFFFFFA0] =	vst v5;
	v6 =	vld [tilespmem:s11+$0xFFFFFFD0]  }
0x13a: {  	s16 =	simm.s32 $0x3;
	v5 =	vld.idx.msk [tilespmem:v8+s18+$0x0], $0xffff  }
0x13b: {  	v7 =	vld [tilespmem:s11+$0xFFFFFFC0];
	v8 =	vmov s16  }
0x13c: {  	v9 =	vld [tilespmem:s11+$0xFFFFFFB0];
	v8 =	vand.u32 $0x7F, v8  }
0x13d: {  	v8 =	vor.u32 v4, v8  }
0x13e: {  	v8 =	vbroadcast v8, $0x0  }
0x13f: {  	v6 =	vmul.f32 v6, v5  }
0x140: {  	v7 =	vmul.f32 v7, v5  }
0x141: {  	v5 =	vmul.f32 v9, v5;
	[tilespmem:s11+$0xFFFFFFD0] =	vst v6  }
0x142: {  	[tilespmem:s11+$0xFFFFFFC0] =	vst v7  }
0x143: {  	v10 =	vld [tilespmem:s11+$0xFFFFFFF0];
	[tilespmem:s11+$0xFFFFFFB0] =	vst v5  }
0x144: {  	v5 =	vld.idx.msk [tilespmem:v8+s18+$0x0], $0xffff  }
0x145: {  	s13 =	simm.s32 $0x4;
	v8 =	vld [tilespmem:s11+$0xFFFFFFE0]  }
0x146: {  	v6 =	vmov s13;
	v7 =	vld [tilespmem:s11+$0x0]  }
0x147: {  	v6 =	vand.u32 $0x7C, v6  }
0x148: {  	v6 =	vor.u32 v4, v6  }
0x149: {  	v6 =	vbroadcast v6, $0x0  }
0x14a: {  	s14 =	simm.s32 $0x8;
	v9 =	vmul.f32 v8, v5;
	v8 =	vmul.f32 v10, v5  }
.LBB2_9:
0x14b: {  	p0 =	sne.s32 s14, $0x7C;
	v5 =	vmul.f32 v7, v5  }
0x14c: {  	[tilespmem:s11+$0xFFFFFFE0] =	vst v9  }
0x14d: {  	[tilespmem:s11+$0xFFFFFFF0] =	vst v8  }
0x14e: {  	[tilespmem:s11+$0x0] =	vst v5  }
0x14f: {  	s11 =	sadd.s32 $0xC0, s11;
	v5 =	vld.idx.msk [tilespmem:v6+s18+$0x0], $0xffff  }
0x150: {  	s15 =	sadd.s32 $0x1, s13;
	v6 =	vld [tilespmem:s11+$0xFFFFFF50]  }
0x151: {  	v8 =	vmov s15;
	v7 =	vld [tilespmem:s11+$0xFFFFFF60]  }
0x152: {  	v8 =	vand.u32 $0x7D, v8;
	v9 =	vld [tilespmem:s11+$0xFFFFFF70]  }
0x153: {  	v8 =	vor.u32 v4, v8  }
0x154: {  	v8 =	vbroadcast v8, $0x0  }
0x155: {  	v6 =	vmul.f32 v6, v5  }
0x156: {  	v7 =	vmul.f32 v7, v5  }
0x157: {  	[tilespmem:s11+$0xFFFFFF50] =	vst v6;
	v5 =	vmul.f32 v9, v5  }
0x158: {  	[tilespmem:s11+$0xFFFFFF60] =	vst v7  }
0x159: {  	[tilespmem:s11+$0xFFFFFF70] =	vst v5  }
0x15a: {  	v5 =	vld.idx.msk [tilespmem:v8+s18+$0x0], $0xffff  }
0x15b: {  	s15 =	sadd.s32 $0x2, s13;
	v6 =	vld [tilespmem:s11+$0xFFFFFF80]  }
0x15c: {  	v8 =	vmov s15;
	v7 =	vld [tilespmem:s11+$0xFFFFFF90]  }
0x15d: {  	v8 =	vand.u32 $0x7E, v8;
	v9 =	vld [tilespmem:s11+$0xFFFFFFA0]  }
0x15e: {  	v8 =	vor.u32 v4, v8  }
0x15f: {  	v8 =	vbroadcast v8, $0x0  }
0x160: {  	v6 =	vmul.f32 v6, v5  }
0x161: {  	v7 =	vmul.f32 v7, v5  }
0x162: {  	[tilespmem:s11+$0xFFFFFF80] =	vst v6;
	v5 =	vmul.f32 v9, v5  }
0x163: {  	[tilespmem:s11+$0xFFFFFF90] =	vst v7  }
0x164: {  	[tilespmem:s11+$0xFFFFFFA0] =	vst v5;
	v5 =	vld [tilespmem:s11+$0xFFFFFFC0]  }
0x165: {  	v6 =	vld.idx.msk [tilespmem:v8+s18+$0x0], $0xffff  }
0x166: {  	s15 =	sadd.s32 $0x3, s13;
	s13 =	smov.u32 s14;
	v7 =	vld [tilespmem:s11+$0xFFFFFFD0]  }
0x167: {  	v9 =	vmov s15;
	v8 =	vld [tilespmem:s11+$0xFFFFFFB0]  }
0x168: {  	v9 =	vand.u32 $0x7F, v9  }
0x169: {  	v9 =	vor.u32 v4, v9  }
0x16a: {  	v9 =	vbroadcast v9, $0x0  }
0x16b: {  	v5 =	vmul.f32 v5, v6;
	v7 =	vmul.f32 v7, v6  }
0x16c: {  	v6 =	vmul.f32 v8, v6  }
0x16d: {  	[tilespmem:s11+$0xFFFFFFD0] =	vst v7  }
0x16e: {  	[tilespmem:s11+$0xFFFFFFC0] =	vst v5  }
0x16f: {  	[tilespmem:s11+$0xFFFFFFB0] =	vst v6;
	v8 =	vld [tilespmem:s11+$0xFFFFFFF0]  }
0x170: {  	v5 =	vld.idx.msk [tilespmem:v9+s18+$0x0], $0xffff  }
0x171: {  	v9 =	vld [tilespmem:s11+$0xFFFFFFE0]  }
.Ltmp5:
0x172: {  	v6 =	vmov s14;
	v7 =	vld [tilespmem:s11+$0x0];
	(pc) =	sbr.rel @p0 .LBB2_9-.Ltmp5, $4  }
0x173: {  	v6 =	vand.u32 $0x7C, v6  }
0x174: {  	v6 =	vor.u32 v4, v6  }
0x175: {  	v6 =	vbroadcast v6, $0x0  }
0x176: {  	s14 =	sadd.s32 $0x4, s14;
	v8 =	vmul.f32 v8, v5;
	v9 =	vmul.f32 v9, v5  }
0x177: {  	_ = 	snop  }
0x178: {  	v5 =	vmul.f32 v7, v5;
	[tilespmem:s11+$0xFFFFFFE0] =	vst v9  }
0x179: {  	[tilespmem:s11+$0xFFFFFFF0] =	vst v8  }
0x17a: {  	[tilespmem:s11+$0x0] =	vst v5  }
0x17b: {  	s16 =	sadd.s32 $0xC0, s11;
	v5 =	vld.idx.msk [tilespmem:v6+s18+$0x0], $0xffff  }
0x17c: {  	s14 =	sadd.s32 $0x1, s13;
	v6 =	vld [tilespmem:s16+$0xFFFFFF50]  }
0x17d: {  	v7 =	vld [tilespmem:s16+$0xFFFFFF60];
	v8 =	vmov s14  }
0x17e: {  	v9 =	vld [tilespmem:s16+$0xFFFFFF70];
	v8 =	vand.u32 $0x7D, v8  }
0x17f: {  	v8 =	vor.u32 v4, v8  }
0x180: {  	v8 =	vbroadcast v8, $0x0  }
0x181: {  	v6 =	vmul.f32 v6, v5  }
0x182: {  	v7 =	vmul.f32 v7, v5  }
0x183: {  	v5 =	vmul.f32 v9, v5;
	[tilespmem:s16+$0xFFFFFF50] =	vst v6  }
0x184: {  	[tilespmem:s16+$0xFFFFFF60] =	vst v7  }
0x185: {  	[tilespmem:s16+$0xFFFFFF70] =	vst v5;
	v6 =	vld [tilespmem:s16+$0xFFFFFF80]  }
0x186: {  	s4 =	sadd.s32 $0x2, s13;
	v5 =	vld.idx.msk [tilespmem:v8+s18+$0x0], $0xffff  }
0x187: {  	v7 =	vld [tilespmem:s16+$0xFFFFFF90];
	v8 =	vmov s4  }
0x188: {  	v9 =	vld [tilespmem:s16+$0xFFFFFFA0];
	v8 =	vand.u32 $0x7E, v8  }
0x189: {  	v8 =	vor.u32 v4, v8  }
0x18a: {  	v8 =	vbroadcast v8, $0x0  }
0x18b: {  	v6 =	vmul.f32 v6, v5  }
0x18c: {  	v7 =	vmul.f32 v7, v5  }
0x18d: {  	v5 =	vmul.f32 v9, v5;
	[tilespmem:s16+$0xFFFFFF80] =	vst v6  }
0x18e: {  	[tilespmem:s16+$0xFFFFFF90] =	vst v7  }
0x18f: {  	[tilespmem:s16+$0xFFFFFFA0] =	vst v5;
	v6 =	vld [tilespmem:s16+$0xFFFFFFD0]  }
0x190: {  	s15 =	sadd.s32 $0x3, s13;
	v5 =	vld.idx.msk [tilespmem:v8+s18+$0x0], $0xffff  }
0x191: {  	v7 =	vld [tilespmem:s16+$0xFFFFFFC0];
	v8 =	vmov s15  }
0x192: {  	v9 =	vld [tilespmem:s16+$0xFFFFFFB0];
	v8 =	vand.u32 $0x7F, v8  }
0x193: {  	v4 =	vor.u32 v4, v8  }
0x194: {  	v4 =	vbroadcast v4, $0x0  }
0x195: {  	v6 =	vmul.f32 v6, v5  }
0x196: {  	v7 =	vmul.f32 v7, v5  }
0x197: {  	v5 =	vmul.f32 v9, v5;
	[tilespmem:s16+$0xFFFFFFD0] =	vst v6  }
0x198: {  	[tilespmem:s16+$0xFFFFFFC0] =	vst v7  }
0x199: {  	[tilespmem:s16+$0xFFFFFFB0] =	vst v5;
	v5 =	vld [tilespmem:s16+$0xFFFFFFE0]  }
0x19a: {  	v4 =	vld.idx.msk [tilespmem:v4+s18+$0x0], $0xffff  }
0x19b: {  	v6 =	vld [tilespmem:s16+$0xFFFFFFF0]  }
0x19c: {  	v7 =	vld [tilespmem:s16+$0x0];
	_ =	sdelay $0x2  }
0x19d: {  	v5 =	vmul.f32 v5, v4  }
0x19e: {  	v6 =	vmul.f32 v6, v4  }
0x19f: {  	v4 =	vmul.f32 v7, v4;
	[tilespmem:s16+$0xFFFFFFE0] =	vst v5  }
0x1a0: {  	[tilespmem:s16+$0xFFFFFFF0] =	vst v6  }
0x1a1: {  	[tilespmem:s16+$0x0] =	vst v4  }
0x1a2: {  	v4 =	vld [tilespmem:s12+$0x30];
	_ =	sdelay $0x2  }
0x1a3: {  	v5 =	vld [tilespmem:s12+$0x3030];
	_ =	sdelay $0x4  }
0x1a4: {  	[tilespmem:v4+s26+$0x0] =	vst.idx.add.f32.msk $0xffff, v5  }
0x1a5: {  	v4 =	vld [tilespmem:s12+$0x40];
	_ =	sdelay $0x2  }
0x1a6: {  	v5 =	vld [tilespmem:s12+$0x3040];
	_ =	sdelay $0x4  }
0x1a7: {  	[tilespmem:v4+s26+$0x0] =	vst.idx.add.f32.msk $0xffff, v5  }
0x1a8: {  	v4 =	vld [tilespmem:s12+$0x50];
	_ =	sdelay $0x2  }
0x1a9: {  	v5 =	vld [tilespmem:s12+$0x3050];
	_ =	sdelay $0x4  }
0x1aa: {  	[tilespmem:v4+s26+$0x0] =	vst.idx.add.f32.msk $0xffff, v5  }
0x1ab: {  	v4 =	vld [tilespmem:s12+$0x60];
	_ =	sdelay $0x2  }
0x1ac: {  	v5 =	vld [tilespmem:s12+$0x3060];
	_ =	sdelay $0x4  }
0x1ad: {  	[tilespmem:v4+s26+$0x0] =	vst.idx.add.f32.msk $0xffff, v5  }
0x1ae: {  	v4 =	vld [tilespmem:s12+$0x70];
	_ =	sdelay $0x2  }
0x1af: {  	v5 =	vld [tilespmem:s12+$0x3070];
	_ =	sdelay $0x4  }
0x1b0: {  	[tilespmem:v4+s26+$0x0] =	vst.idx.add.f32.msk $0xffff, v5  }
0x1b1: {  	v4 =	vld [tilespmem:s12+$0x80];
	_ =	sdelay $0x2  }
0x1b2: {  	v5 =	vld [tilespmem:s12+$0x3080];
	_ =	sdelay $0x4  }
0x1b3: {  	[tilespmem:v4+s26+$0x0] =	vst.idx.add.f32.msk $0xffff, v5  }
0x1b4: {  	v4 =	vld [tilespmem:s12+$0x90];
	_ =	sdelay $0x2  }
0x1b5: {  	v5 =	vld [tilespmem:s12+$0x3090];
	_ =	sdelay $0x4  }
0x1b6: {  	[tilespmem:v4+s26+$0x0] =	vst.idx.add.f32.msk $0xffff, v5  }
0x1b7: {  	s4 =	simm.s32 $0x0;
	s16 =	sor.u32 $0x2, s10;
	v5 =	vld [tilespmem:s12+$0xA0]  }
0x1b8: {  	v6 =	vmov s4;
	s11 =	sshll.u32 s16, $0x7  }
0x1b9: {  	v6 =	vand.u32 $0x7C, v6;
	v4 =	vmov s11  }
0x1ba: {  	v7 =	vld [tilespmem:s12+$0x30A0];
	v6 =	vor.u32 v4, v6  }
0x1bb: {  	v6 =	vbroadcast v6, $0x0;
	_ =	sdelay $0x3  }
0x1bc: {  	s13 =	sor.u32 $0x30, s12;
	[tilespmem:v5+s26+$0x0] =	vst.idx.add.f32.msk $0xffff, v7  }
0x1bd: {  	[spmem:s3] =	stream.indirect.scatter.add.f32 [tilespmem:s25], [sflag:$0x3], $0x30, s13, s22, $0xb8;
	[tilespmem:$0x1BBE0] =	vst v63  }
0x1be: {  	s12 =	simm.s32 $0x78E0;
	v5 =	vld.idx.msk [tilespmem:v6+s18+$0x0], $0xffff  }
0x1bf: {  	s14 =	simm.s32 $0x1;
	v6 =	vld [tilespmem:s12+$0xFFFFFF50]  }
0x1c0: {  	v8 =	vmov s14;
	v7 =	vld [tilespmem:s12+$0xFFFFFF60]  }
0x1c1: {  	v8 =	vand.u32 $0x7D, v8;
	v9 =	vld [tilespmem:s12+$0xFFFFFF70]  }
0x1c2: {  	v8 =	vor.u32 v4, v8  }
0x1c3: {  	v8 =	vbroadcast v8, $0x0  }
0x1c4: {  	v6 =	vmul.f32 v6, v5  }
0x1c5: {  	v7 =	vmul.f32 v7, v5  }
0x1c6: {  	v5 =	vmul.f32 v9, v5;
	[tilespmem:s12+$0xFFFFFF50] =	vst v6  }
0x1c7: {  	[tilespmem:s12+$0xFFFFFF60] =	vst v7  }
0x1c8: {  	[tilespmem:s12+$0xFFFFFF70] =	vst v5;
	v6 =	vld [tilespmem:s12+$0xFFFFFF80]  }
0x1c9: {  	s15 =	simm.s32 $0x2;
	v5 =	vld.idx.msk [tilespmem:v8+s18+$0x0], $0xffff  }
0x1ca: {  	v7 =	vld [tilespmem:s12+$0xFFFFFF90];
	v8 =	vmov s15  }
0x1cb: {  	v9 =	vld [tilespmem:s12+$0xFFFFFFA0];
	v8 =	vand.u32 $0x7E, v8  }
0x1cc: {  	v8 =	vor.u32 v4, v8  }
0x1cd: {  	v8 =	vbroadcast v8, $0x0  }
0x1ce: {  	v6 =	vmul.f32 v6, v5  }
0x1cf: {  	v7 =	vmul.f32 v7, v5  }
0x1d0: {  	v5 =	vmul.f32 v9, v5;
	[tilespmem:s12+$0xFFFFFF80] =	vst v6  }
0x1d1: {  	[tilespmem:s12+$0xFFFFFF90] =	vst v7  }
0x1d2: {  	[tilespmem:s12+$0xFFFFFFA0] =	vst v5;
	v6 =	vld [tilespmem:s12+$0xFFFFFFD0]  }
0x1d3: {  	s16 =	simm.s32 $0x3;
	v5 =	vld.idx.msk [tilespmem:v8+s18+$0x0], $0xffff  }
0x1d4: {  	v7 =	vld [tilespmem:s12+$0xFFFFFFC0];
	v8 =	vmov s16  }
0x1d5: {  	v9 =	vld [tilespmem:s12+$0xFFFFFFB0];
	v8 =	vand.u32 $0x7F, v8  }
0x1d6: {  	v8 =	vor.u32 v4, v8  }
0x1d7: {  	v8 =	vbroadcast v8, $0x0  }
0x1d8: {  	v6 =	vmul.f32 v6, v5  }
0x1d9: {  	v7 =	vmul.f32 v7, v5  }
0x1da: {  	v5 =	vmul.f32 v9, v5;
	[tilespmem:s12+$0xFFFFFFD0] =	vst v6  }
0x1db: {  	[tilespmem:s12+$0xFFFFFFC0] =	vst v7  }
0x1dc: {  	v10 =	vld [tilespmem:s12+$0xFFFFFFF0];
	[tilespmem:s12+$0xFFFFFFB0] =	vst v5  }
0x1dd: {  	v5 =	vld.idx.msk [tilespmem:v8+s18+$0x0], $0xffff  }
0x1de: {  	s13 =	simm.s32 $0x4;
	v8 =	vld [tilespmem:s12+$0xFFFFFFE0]  }
0x1df: {  	v6 =	vmov s13;
	v7 =	vld [tilespmem:s12+$0x0]  }
0x1e0: {  	v6 =	vand.u32 $0x7C, v6  }
0x1e1: {  	v6 =	vor.u32 v4, v6  }
0x1e2: {  	v6 =	vbroadcast v6, $0x0  }
0x1e3: {  	s14 =	simm.s32 $0x8;
	v9 =	vmul.f32 v8, v5;
	v8 =	vmul.f32 v10, v5  }
.LBB2_11:
0x1e4: {  	p0 =	sne.s32 s14, $0x7C;
	v5 =	vmul.f32 v7, v5  }
0x1e5: {  	[tilespmem:s12+$0xFFFFFFE0] =	vst v9  }
0x1e6: {  	[tilespmem:s12+$0xFFFFFFF0] =	vst v8  }
0x1e7: {  	[tilespmem:s12+$0x0] =	vst v5  }
0x1e8: {  	s12 =	sadd.s32 $0xC0, s12;
	v5 =	vld.idx.msk [tilespmem:v6+s18+$0x0], $0xffff  }
0x1e9: {  	s15 =	sadd.s32 $0x1, s13;
	v6 =	vld [tilespmem:s12+$0xFFFFFF50]  }
0x1ea: {  	v8 =	vmov s15;
	v7 =	vld [tilespmem:s12+$0xFFFFFF60]  }
0x1eb: {  	v8 =	vand.u32 $0x7D, v8;
	v9 =	vld [tilespmem:s12+$0xFFFFFF70]  }
0x1ec: {  	v8 =	vor.u32 v4, v8  }
0x1ed: {  	v8 =	vbroadcast v8, $0x0  }
0x1ee: {  	v6 =	vmul.f32 v6, v5  }
0x1ef: {  	v7 =	vmul.f32 v7, v5  }
0x1f0: {  	[tilespmem:s12+$0xFFFFFF50] =	vst v6;
	v5 =	vmul.f32 v9, v5  }
0x1f1: {  	[tilespmem:s12+$0xFFFFFF60] =	vst v7  }
0x1f2: {  	[tilespmem:s12+$0xFFFFFF70] =	vst v5  }
0x1f3: {  	v5 =	vld.idx.msk [tilespmem:v8+s18+$0x0], $0xffff  }
0x1f4: {  	s15 =	sadd.s32 $0x2, s13;
	v6 =	vld [tilespmem:s12+$0xFFFFFF80]  }
0x1f5: {  	v8 =	vmov s15;
	v7 =	vld [tilespmem:s12+$0xFFFFFF90]  }
0x1f6: {  	v8 =	vand.u32 $0x7E, v8;
	v9 =	vld [tilespmem:s12+$0xFFFFFFA0]  }
0x1f7: {  	v8 =	vor.u32 v4, v8  }
0x1f8: {  	v8 =	vbroadcast v8, $0x0  }
0x1f9: {  	v6 =	vmul.f32 v6, v5  }
0x1fa: {  	v7 =	vmul.f32 v7, v5  }
0x1fb: {  	[tilespmem:s12+$0xFFFFFF80] =	vst v6;
	v5 =	vmul.f32 v9, v5  }
0x1fc: {  	[tilespmem:s12+$0xFFFFFF90] =	vst v7  }
0x1fd: {  	[tilespmem:s12+$0xFFFFFFA0] =	vst v5;
	v5 =	vld [tilespmem:s12+$0xFFFFFFC0]  }
0x1fe: {  	v6 =	vld.idx.msk [tilespmem:v8+s18+$0x0], $0xffff  }
0x1ff: {  	s15 =	sadd.s32 $0x3, s13;
	s13 =	smov.u32 s14;
	v7 =	vld [tilespmem:s12+$0xFFFFFFD0]  }
0x200: {  	v9 =	vmov s15;
	v8 =	vld [tilespmem:s12+$0xFFFFFFB0]  }
0x201: {  	v9 =	vand.u32 $0x7F, v9  }
0x202: {  	v9 =	vor.u32 v4, v9  }
0x203: {  	v9 =	vbroadcast v9, $0x0  }
0x204: {  	v5 =	vmul.f32 v5, v6;
	v7 =	vmul.f32 v7, v6  }
0x205: {  	v6 =	vmul.f32 v8, v6  }
0x206: {  	[tilespmem:s12+$0xFFFFFFD0] =	vst v7  }
0x207: {  	[tilespmem:s12+$0xFFFFFFC0] =	vst v5  }
0x208: {  	[tilespmem:s12+$0xFFFFFFB0] =	vst v6;
	v8 =	vld [tilespmem:s12+$0xFFFFFFF0]  }
0x209: {  	v5 =	vld.idx.msk [tilespmem:v9+s18+$0x0], $0xffff  }
0x20a: {  	v9 =	vld [tilespmem:s12+$0xFFFFFFE0]  }
.Ltmp6:
0x20b: {  	v6 =	vmov s14;
	v7 =	vld [tilespmem:s12+$0x0];
	(pc) =	sbr.rel @p0 .LBB2_11-.Ltmp6, $4  }
0x20c: {  	v6 =	vand.u32 $0x7C, v6  }
0x20d: {  	v6 =	vor.u32 v4, v6  }
0x20e: {  	v6 =	vbroadcast v6, $0x0  }
0x20f: {  	s14 =	sadd.s32 $0x4, s14;
	v8 =	vmul.f32 v8, v5;
	v9 =	vmul.f32 v9, v5  }
0x210: {  	_ = 	snop  }
0x211: {  	v5 =	vmul.f32 v7, v5;
	[tilespmem:s12+$0xFFFFFFE0] =	vst v9  }
0x212: {  	[tilespmem:s12+$0xFFFFFFF0] =	vst v8  }
0x213: {  	[tilespmem:s12+$0x0] =	vst v5  }
0x214: {  	s15 =	sadd.s32 $0xC0, s12;
	v5 =	vld.idx.msk [tilespmem:v6+s18+$0x0], $0xffff  }
0x215: {  	s14 =	sadd.s32 $0x1, s13;
	v6 =	vld [tilespmem:s15+$0xFFFFFF50]  }
0x216: {  	v7 =	vld [tilespmem:s15+$0xFFFFFF60];
	v8 =	vmov s14  }
0x217: {  	v9 =	vld [tilespmem:s15+$0xFFFFFF70];
	v8 =	vand.u32 $0x7D, v8  }
0x218: {  	v8 =	vor.u32 v4, v8  }
0x219: {  	v8 =	vbroadcast v8, $0x0  }
0x21a: {  	v6 =	vmul.f32 v6, v5  }
0x21b: {  	v7 =	vmul.f32 v7, v5  }
0x21c: {  	v5 =	vmul.f32 v9, v5;
	[tilespmem:s15+$0xFFFFFF50] =	vst v6  }
0x21d: {  	[tilespmem:s15+$0xFFFFFF60] =	vst v7  }
0x21e: {  	[tilespmem:s15+$0xFFFFFF70] =	vst v5;
	v6 =	vld [tilespmem:s15+$0xFFFFFF80]  }
0x21f: {  	s16 =	sadd.s32 $0x2, s13;
	v5 =	vld.idx.msk [tilespmem:v8+s18+$0x0], $0xffff  }
0x220: {  	v7 =	vld [tilespmem:s15+$0xFFFFFF90];
	v8 =	vmov s16  }
0x221: {  	v9 =	vld [tilespmem:s15+$0xFFFFFFA0];
	v8 =	vand.u32 $0x7E, v8  }
0x222: {  	v8 =	vor.u32 v4, v8  }
0x223: {  	v8 =	vbroadcast v8, $0x0  }
0x224: {  	v6 =	vmul.f32 v6, v5  }
0x225: {  	v7 =	vmul.f32 v7, v5  }
0x226: {  	v5 =	vmul.f32 v9, v5;
	[tilespmem:s15+$0xFFFFFF80] =	vst v6  }
0x227: {  	[tilespmem:s15+$0xFFFFFF90] =	vst v7  }
0x228: {  	[tilespmem:s15+$0xFFFFFFA0] =	vst v5;
	v6 =	vld [tilespmem:s15+$0xFFFFFFD0]  }
0x229: {  	s4 =	sadd.s32 $0x3, s13;
	v5 =	vld.idx.msk [tilespmem:v8+s18+$0x0], $0xffff  }
0x22a: {  	v7 =	vld [tilespmem:s15+$0xFFFFFFC0];
	v8 =	vmov s4  }
0x22b: {  	v9 =	vld [tilespmem:s15+$0xFFFFFFB0];
	v8 =	vand.u32 $0x7F, v8  }
0x22c: {  	v4 =	vor.u32 v4, v8  }
0x22d: {  	v4 =	vbroadcast v4, $0x0  }
0x22e: {  	v6 =	vmul.f32 v6, v5  }
0x22f: {  	v7 =	vmul.f32 v7, v5  }
0x230: {  	v5 =	vmul.f32 v9, v5;
	[tilespmem:s15+$0xFFFFFFD0] =	vst v6  }
0x231: {  	[tilespmem:s15+$0xFFFFFFC0] =	vst v7  }
0x232: {  	[tilespmem:s15+$0xFFFFFFB0] =	vst v5;
	v5 =	vld [tilespmem:s15+$0xFFFFFFE0]  }
0x233: {  	v4 =	vld.idx.msk [tilespmem:v4+s18+$0x0], $0xffff  }
0x234: {  	v6 =	vld [tilespmem:s15+$0xFFFFFFF0]  }
0x235: {  	v7 =	vld [tilespmem:s15+$0x0];
	_ =	sdelay $0x2  }
0x236: {  	v5 =	vmul.f32 v5, v4  }
0x237: {  	v6 =	vmul.f32 v6, v4  }
0x238: {  	v4 =	vmul.f32 v7, v4;
	[tilespmem:s15+$0xFFFFFFE0] =	vst v5  }
0x239: {  	[tilespmem:s15+$0xFFFFFFF0] =	vst v6  }
0x23a: {  	[tilespmem:s15+$0x0] =	vst v4  }
0x23b: {  	v4 =	vld [tilespmem:s11+$0x30];
	_ =	sdelay $0x2  }
0x23c: {  	v5 =	vld [tilespmem:s11+$0x3030];
	_ =	sdelay $0x4  }
0x23d: {  	[tilespmem:v4+s26+$0x0] =	vst.idx.add.f32.msk $0xffff, v5  }
0x23e: {  	v4 =	vld [tilespmem:s11+$0x40];
	_ =	sdelay $0x2  }
0x23f: {  	v5 =	vld [tilespmem:s11+$0x3040];
	_ =	sdelay $0x4  }
0x240: {  	[tilespmem:v4+s26+$0x0] =	vst.idx.add.f32.msk $0xffff, v5  }
0x241: {  	v4 =	vld [tilespmem:s11+$0x50];
	_ =	sdelay $0x2  }
0x242: {  	v5 =	vld [tilespmem:s11+$0x3050];
	_ =	sdelay $0x4  }
0x243: {  	[tilespmem:v4+s26+$0x0] =	vst.idx.add.f32.msk $0xffff, v5  }
0x244: {  	v4 =	vld [tilespmem:s11+$0x60];
	_ =	sdelay $0x2  }
0x245: {  	v5 =	vld [tilespmem:s11+$0x3060];
	_ =	sdelay $0x4  }
0x246: {  	[tilespmem:v4+s26+$0x0] =	vst.idx.add.f32.msk $0xffff, v5  }
0x247: {  	v4 =	vld [tilespmem:s11+$0x70];
	_ =	sdelay $0x2  }
0x248: {  	v5 =	vld [tilespmem:s11+$0x3070];
	_ =	sdelay $0x4  }
0x249: {  	[tilespmem:v4+s26+$0x0] =	vst.idx.add.f32.msk $0xffff, v5  }
0x24a: {  	v4 =	vld [tilespmem:s11+$0x80];
	_ =	sdelay $0x2  }
0x24b: {  	v5 =	vld [tilespmem:s11+$0x3080];
	_ =	sdelay $0x4  }
0x24c: {  	[tilespmem:v4+s26+$0x0] =	vst.idx.add.f32.msk $0xffff, v5  }
0x24d: {  	v4 =	vld [tilespmem:s11+$0x90];
	_ =	sdelay $0x2  }
0x24e: {  	v5 =	vld [tilespmem:s11+$0x3090];
	_ =	sdelay $0x4  }
0x24f: {  	[tilespmem:v4+s26+$0x0] =	vst.idx.add.f32.msk $0xffff, v5  }
0x250: {  	s14 =	sor.u32 $0x3, s10;
	s15 =	simm.s32 $0x0;
	v5 =	vld [tilespmem:s11+$0xA0]  }
0x251: {  	s12 =	sshll.u32 s14, $0x7;
	v6 =	vmov s15  }
0x252: {  	v6 =	vand.u32 $0x7C, v6;
	v4 =	vmov s12  }
0x253: {  	v7 =	vld [tilespmem:s11+$0x30A0];
	v6 =	vor.u32 v4, v6  }
0x254: {  	v6 =	vbroadcast v6, $0x0;
	_ =	sdelay $0x3  }
0x255: {  	s16 =	sor.u32 $0x30, s11;
	[tilespmem:v5+s26+$0x0] =	vst.idx.add.f32.msk $0xffff, v7  }
0x256: {  	[spmem:s3] =	stream.indirect.scatter.add.f32 [tilespmem:s28], [sflag:$0x3], $0x30, s16, s22, $0xb8;
	[tilespmem:$0x1BBE0] =	vst v63  }
0x257: {  	s11 =	simm.s32 $0x0;
	v5 =	vld.idx.msk [tilespmem:v6+s18+$0x0], $0xffff  }
0x258: {  	s4 =	simm.s32 $0x1;
	v6 =	vld [tilespmem:s11+$0x9030]  }
0x259: {  	v8 =	vmov s4;
	v7 =	vld [tilespmem:s11+$0x9040]  }
0x25a: {  	v8 =	vand.u32 $0x7D, v8;
	v9 =	vld [tilespmem:s11+$0x9050]  }
0x25b: {  	v8 =	vor.u32 v4, v8  }
0x25c: {  	v8 =	vbroadcast v8, $0x0  }
0x25d: {  	v6 =	vmul.f32 v6, v5  }
0x25e: {  	v7 =	vmul.f32 v7, v5  }
0x25f: {  	v5 =	vmul.f32 v9, v5;
	[tilespmem:s11+$0x9030] =	vst v6  }
0x260: {  	[tilespmem:s11+$0x9040] =	vst v7  }
0x261: {  	[tilespmem:s11+$0x9050] =	vst v5;
	v6 =	vld [tilespmem:s11+$0x9060]  }
0x262: {  	s14 =	simm.s32 $0x2;
	v5 =	vld.idx.msk [tilespmem:v8+s18+$0x0], $0xffff  }
0x263: {  	v7 =	vld [tilespmem:s11+$0x9070];
	v8 =	vmov s14  }
0x264: {  	v9 =	vld [tilespmem:s11+$0x9080];
	v8 =	vand.u32 $0x7E, v8  }
0x265: {  	v8 =	vor.u32 v4, v8  }
0x266: {  	v8 =	vbroadcast v8, $0x0  }
0x267: {  	v6 =	vmul.f32 v6, v5  }
0x268: {  	v7 =	vmul.f32 v7, v5  }
0x269: {  	v5 =	vmul.f32 v9, v5;
	[tilespmem:s11+$0x9060] =	vst v6  }
0x26a: {  	[tilespmem:s11+$0x9070] =	vst v7  }
0x26b: {  	[tilespmem:s11+$0x9080] =	vst v5;
	v6 =	vld [tilespmem:s11+$0x90B0]  }
0x26c: {  	s15 =	simm.s32 $0x3;
	v5 =	vld.idx.msk [tilespmem:v8+s18+$0x0], $0xffff  }
0x26d: {  	v9 =	vmov s15;
	v7 =	vld [tilespmem:s11+$0x90A0]  }
0x26e: {  	v9 =	vand.u32 $0x7F, v9;
	v8 =	vld [tilespmem:s11+$0x9090]  }
0x26f: {  	v9 =	vor.u32 v4, v9  }
0x270: {  	v9 =	vbroadcast v9, $0x0  }
0x271: {  	v6 =	vmul.f32 v6, v5  }
0x272: {  	v7 =	vmul.f32 v7, v5  }
0x273: {  	v5 =	vmul.f32 v8, v5;
	[tilespmem:s11+$0x90B0] =	vst v6  }
0x274: {  	v8 =	vld [tilespmem:s11+$0x90C0];
	[tilespmem:s11+$0x90A0] =	vst v7  }
0x275: {  	[tilespmem:s11+$0x9090] =	vst v5;
	v5 =	vld [tilespmem:s11+$0x90D0]  }
0x276: {  	s16 =	simm.s32 $0x4;
	v6 =	vld.idx.msk [tilespmem:v9+s18+$0x0], $0xffff  }
0x277: {  	v7 =	vmov s16;
	v9 =	vld [tilespmem:s11+$0x90E0]  }
0x278: {  	v7 =	vand.u32 $0x7C, v7  }
0x279: {  	v7 =	vor.u32 v4, v7  }
0x27a: {  	s13 =	simm.s32 $0x7;
	s14 =	simm.s32 $0x300;
	s15 =	simm.s32 $0x600;
	v7 =	vbroadcast v7, $0x0  }
.LBB2_13:
0x27b: {  	p0 =	sne.s32 s15, $0x5D00;
	v8 =	vmul.f32 v8, v6;
	v5 =	vmul.f32 v5, v6  }
0x27c: {  	v6 =	vmul.f32 v9, v6  }
0x27d: {  	[tilespmem:s11+$0x90C0] =	vst v8  }
0x27e: {  	[tilespmem:s11+$0x90D0] =	vst v5  }
0x27f: {  	[tilespmem:s11+$0x90E0] =	vst v6  }
0x280: {  	s11 =	sshra.s32 s14, $0x2;
	s14 =	smov.u32 s15;
	v5 =	vld.idx.msk [tilespmem:v7+s18+$0x0], $0xffff  }
0x281: {  	s16 =	sadd.s32 $0xFFFFFFFE, s13;
	v6 =	vld [tilespmem:s11+$0x9030]  }
0x282: {  	v8 =	vmov s16;
	v7 =	vld [tilespmem:s11+$0x9040]  }
0x283: {  	v8 =	vand.u32 $0x7D, v8;
	v9 =	vld [tilespmem:s11+$0x9050]  }
0x284: {  	v8 =	vor.u32 v4, v8  }
0x285: {  	v8 =	vbroadcast v8, $0x0  }
0x286: {  	v6 =	vmul.f32 v6, v5  }
0x287: {  	v7 =	vmul.f32 v7, v5  }
0x288: {  	[tilespmem:s11+$0x9030] =	vst v6;
	v5 =	vmul.f32 v9, v5  }
0x289: {  	[tilespmem:s11+$0x9040] =	vst v7  }
0x28a: {  	[tilespmem:s11+$0x9050] =	vst v5  }
0x28b: {  	v5 =	vld.idx.msk [tilespmem:v8+s18+$0x0], $0xffff  }
0x28c: {  	s16 =	sadd.s32 $0xFFFFFFFF, s13;
	v6 =	vld [tilespmem:s11+$0x9060]  }
0x28d: {  	v8 =	vmov s16;
	v7 =	vld [tilespmem:s11+$0x9070]  }
0x28e: {  	v8 =	vand.u32 $0x7E, v8;
	v9 =	vld [tilespmem:s11+$0x9080]  }
0x28f: {  	v8 =	vor.u32 v4, v8  }
0x290: {  	v8 =	vbroadcast v8, $0x0  }
0x291: {  	v6 =	vmul.f32 v6, v5  }
0x292: {  	v7 =	vmul.f32 v7, v5  }
0x293: {  	[tilespmem:s11+$0x9060] =	vst v6;
	v5 =	vmul.f32 v9, v5  }
0x294: {  	[tilespmem:s11+$0x9070] =	vst v7  }
0x295: {  	[tilespmem:s11+$0x9080] =	vst v5;
	v5 =	vld [tilespmem:s11+$0x90A0]  }
0x296: {  	v6 =	vld.idx.msk [tilespmem:v8+s18+$0x0], $0xffff  }
0x297: {  	v7 =	vld [tilespmem:s11+$0x90B0]  }
0x298: {  	v9 =	vmov s13;
	v8 =	vld [tilespmem:s11+$0x9090]  }
0x299: {  	v9 =	vand.u32 $0x7F, v9  }
0x29a: {  	v9 =	vor.u32 v4, v9  }
0x29b: {  	v9 =	vbroadcast v9, $0x0  }
0x29c: {  	v5 =	vmul.f32 v5, v6;
	v7 =	vmul.f32 v7, v6  }
0x29d: {  	v6 =	vmul.f32 v8, v6  }
0x29e: {  	[tilespmem:s11+$0x90B0] =	vst v7  }
0x29f: {  	[tilespmem:s11+$0x90A0] =	vst v5  }
0x2a0: {  	[tilespmem:s11+$0x9090] =	vst v6;
	v5 =	vld [tilespmem:s11+$0x90D0]  }
0x2a1: {  	s13 =	sadd.s32 $0x4, s13;
	v6 =	vld.idx.msk [tilespmem:v9+s18+$0x0], $0xffff  }
.Ltmp7:
0x2a2: {  	s16 =	sadd.s32 $0xFFFFFFFD, s13;
	v8 =	vld [tilespmem:s11+$0x90C0];
	(pc) =	sbr.rel @p0 .LBB2_13-.Ltmp7, $4  }
0x2a3: {  	v7 =	vmov s16;
	v9 =	vld [tilespmem:s11+$0x90E0]  }
0x2a4: {  	v7 =	vand.u32 $0x7C, v7  }
0x2a5: {  	v7 =	vor.u32 v4, v7  }
0x2a6: {  	s15 =	sadd.s32 $0x300, s15;
	v7 =	vbroadcast v7, $0x0  }
0x2a7: {  	v8 =	vmul.f32 v8, v6  }
0x2a8: {  	v5 =	vmul.f32 v5, v6  }
0x2a9: {  	v6 =	vmul.f32 v9, v6;
	[tilespmem:s11+$0x90C0] =	vst v8  }
0x2aa: {  	[tilespmem:s11+$0x90D0] =	vst v5  }
0x2ab: {  	[tilespmem:s11+$0x90E0] =	vst v6  }
0x2ac: {  	s15 =	sshra.s32 s14, $0x2;
	v5 =	vld.idx.msk [tilespmem:v7+s18+$0x0], $0xffff  }
0x2ad: {  	s16 =	sadd.s32 $0xFFFFFFFE, s13;
	v6 =	vld [tilespmem:s15+$0x9030]  }
0x2ae: {  	v8 =	vmov s16;
	v7 =	vld [tilespmem:s15+$0x9040]  }
0x2af: {  	v8 =	vand.u32 $0x7D, v8;
	v9 =	vld [tilespmem:s15+$0x9050]  }
0x2b0: {  	v8 =	vor.u32 v4, v8  }
0x2b1: {  	v8 =	vbroadcast v8, $0x0  }
0x2b2: {  	v6 =	vmul.f32 v6, v5  }
0x2b3: {  	v7 =	vmul.f32 v7, v5  }
0x2b4: {  	v5 =	vmul.f32 v9, v5;
	[tilespmem:s15+$0x9030] =	vst v6  }
0x2b5: {  	[tilespmem:s15+$0x9040] =	vst v7  }
0x2b6: {  	[tilespmem:s15+$0x9050] =	vst v5;
	v6 =	vld [tilespmem:s15+$0x9060]  }
0x2b7: {  	s4 =	sadd.s32 $0xFFFFFFFF, s13;
	v5 =	vld.idx.msk [tilespmem:v8+s18+$0x0], $0xffff  }
0x2b8: {  	v7 =	vld [tilespmem:s15+$0x9070];
	v8 =	vmov s4  }
0x2b9: {  	v9 =	vld [tilespmem:s15+$0x9080];
	v8 =	vand.u32 $0x7E, v8  }
0x2ba: {  	v8 =	vor.u32 v4, v8  }
0x2bb: {  	v8 =	vbroadcast v8, $0x0  }
0x2bc: {  	v6 =	vmul.f32 v6, v5  }
0x2bd: {  	v7 =	vmul.f32 v7, v5  }
0x2be: {  	v5 =	vmul.f32 v9, v5;
	[tilespmem:s15+$0x9060] =	vst v6  }
0x2bf: {  	[tilespmem:s15+$0x9070] =	vst v7  }
0x2c0: {  	[tilespmem:s15+$0x9080] =	vst v5;
	v6 =	vld [tilespmem:s15+$0x90B0]  }
0x2c1: {  	v5 =	vld.idx.msk [tilespmem:v8+s18+$0x0], $0xffff  }
0x2c2: {  	v7 =	vld [tilespmem:s15+$0x90A0];
	v8 =	vmov s13  }
0x2c3: {  	v9 =	vld [tilespmem:s15+$0x9090];
	v8 =	vand.u32 $0x7F, v8  }
0x2c4: {  	v4 =	vor.u32 v4, v8  }
0x2c5: {  	v4 =	vbroadcast v4, $0x0  }
0x2c6: {  	v6 =	vmul.f32 v6, v5  }
0x2c7: {  	v7 =	vmul.f32 v7, v5  }
0x2c8: {  	v5 =	vmul.f32 v9, v5;
	[tilespmem:s15+$0x90B0] =	vst v6  }
0x2c9: {  	[tilespmem:s15+$0x90A0] =	vst v7  }
0x2ca: {  	[tilespmem:s15+$0x9090] =	vst v5;
	v5 =	vld [tilespmem:s15+$0x90C0]  }
0x2cb: {  	v4 =	vld.idx.msk [tilespmem:v4+s18+$0x0], $0xffff  }
0x2cc: {  	v6 =	vld [tilespmem:s15+$0x90D0]  }
0x2cd: {  	v7 =	vld [tilespmem:s15+$0x90E0];
	_ =	sdelay $0x2  }
0x2ce: {  	v5 =	vmul.f32 v5, v4  }
0x2cf: {  	v6 =	vmul.f32 v6, v4  }
0x2d0: {  	v4 =	vmul.f32 v7, v4;
	[tilespmem:s15+$0x90C0] =	vst v5  }
0x2d1: {  	[tilespmem:s15+$0x90D0] =	vst v6  }
0x2d2: {  	[tilespmem:s15+$0x90E0] =	vst v4  }
0x2d3: {  	v4 =	vld [tilespmem:s12+$0x30];
	_ =	sdelay $0x2  }
0x2d4: {  	v5 =	vld [tilespmem:s12+$0x3030];
	_ =	sdelay $0x4  }
0x2d5: {  	[tilespmem:v4+s26+$0x0] =	vst.idx.add.f32.msk $0xffff, v5  }
0x2d6: {  	v4 =	vld [tilespmem:s12+$0x40];
	_ =	sdelay $0x2  }
0x2d7: {  	v5 =	vld [tilespmem:s12+$0x3040];
	_ =	sdelay $0x4  }
0x2d8: {  	[tilespmem:v4+s26+$0x0] =	vst.idx.add.f32.msk $0xffff, v5  }
0x2d9: {  	v4 =	vld [tilespmem:s12+$0x50];
	_ =	sdelay $0x2  }
0x2da: {  	v5 =	vld [tilespmem:s12+$0x3050];
	_ =	sdelay $0x4  }
0x2db: {  	[tilespmem:v4+s26+$0x0] =	vst.idx.add.f32.msk $0xffff, v5  }
0x2dc: {  	v4 =	vld [tilespmem:s12+$0x60];
	_ =	sdelay $0x2  }
0x2dd: {  	v5 =	vld [tilespmem:s12+$0x3060];
	_ =	sdelay $0x4  }
0x2de: {  	[tilespmem:v4+s26+$0x0] =	vst.idx.add.f32.msk $0xffff, v5  }
0x2df: {  	v4 =	vld [tilespmem:s12+$0x70];
	_ =	sdelay $0x2  }
0x2e0: {  	v5 =	vld [tilespmem:s12+$0x3070];
	_ =	sdelay $0x4  }
0x2e1: {  	[tilespmem:v4+s26+$0x0] =	vst.idx.add.f32.msk $0xffff, v5  }
0x2e2: {  	v4 =	vld [tilespmem:s12+$0x80];
	_ =	sdelay $0x2  }
0x2e3: {  	v5 =	vld [tilespmem:s12+$0x3080];
	_ =	sdelay $0x4  }
0x2e4: {  	[tilespmem:v4+s26+$0x0] =	vst.idx.add.f32.msk $0xffff, v5  }
0x2e5: {  	v4 =	vld [tilespmem:s12+$0x90];
	_ =	sdelay $0x2  }
0x2e6: {  	v5 =	vld [tilespmem:s12+$0x3090];
	_ =	sdelay $0x4  }
0x2e7: {  	[tilespmem:v4+s26+$0x0] =	vst.idx.add.f32.msk $0xffff, v5  }
0x2e8: {  	v4 =	vld [tilespmem:s12+$0xA0];
	_ =	sdelay $0x2  }
0x2e9: {  	v5 =	vld [tilespmem:s12+$0x30A0];
	_ =	sdelay $0x3  }
0x2ea: {  	p0 =	seq.s32 s9, $0x4  }
0x2eb: {  	s13 =	sor.u32 $0x30, s12;
	s12 =	simm.s32 @!p0 $0x3;
	[tilespmem:v4+s26+$0x0] =	vst.idx.add.f32.msk $0xffff, v5  }
0x2ec: {  	[spmem:s3] =	stream.indirect.scatter.add.f32 [tilespmem:s30], [sflag:$0x3], $0x30, s13, s22, $0xb8;
	[tilespmem:$0x1BBE0] =	vst v63  }
0x2ed: {  	_ =	swait.ge @!p0 [sflag:s12], $0x1800  }
0x2ee: {  	[sflag:s12] =	ssyncset.done @!p0 $0x0  }
0x2ef: {  	[sflag:s12] =	ssyncadd.s32 @!p0 $0xFFFFE800  }
0x2f0: {  	_ =	swait.ge @!p0 [sflag:s12], $0x1800  }
0x2f1: {  	[sflag:s12] =	ssyncset.done @!p0 $0x0  }
0x2f2: {  	[sflag:s12] =	ssyncadd.s32 @!p0 $0xFFFFE800  }
0x2f3: {  	_ =	swait.ge @!p0 [sflag:s12], $0x1800  }
0x2f4: {  	[sflag:s12] =	ssyncset.done @!p0 $0x0  }
0x2f5: {  	[sflag:s12] =	ssyncadd.s32 @!p0 $0xFFFFE800  }
0x2f6: {  	_ =	swait.ge @!p0 [sflag:s12], $0x1800  }
0x2f7: {  	s11 =	sshll.u32 s9, $0xC;
	[sflag:s12] =	ssyncset.done @!p0 $0x0  }
0x2f8: {  	[sflag:s12] =	ssyncadd.s32 @!p0 $0xFFFFE800;
	s12 =	sshrl.u32 @!p0 s11, $0x2  }
0x2f9: {  	s14 =	simm.s32 @!p0 $0x80;
	s15 =	simm.s32 @!p0 $0x4830;
	s13 =	sadd.s32 @!p0 $0x1C30, s12  }
0x2fa: {  	[tilespmem:s15], [sflag:$0x1] =	stream.indirect.gather @!p0 [hbm4b:s5+s14], $0x30, s13, s14, $0xb8;
	[tilespmem:$0x1BBE0] =	vst v63  }
0x2fb: {  	s13 =	sadd.s32 @!p0 $0x1CB0, s12;
	s15 =	simm.s32 @!p0 $0x6030  }
0x2fc: {  	[tilespmem:s15], [sflag:$0x1] =	stream.indirect.gather @!p0 [hbm4b:s5+s14], $0x30, s13, s14, $0xb8;
	[tilespmem:$0x1BBE0] =	vst v63  }
0x2fd: {  	s13 =	sadd.s32 @!p0 $0x1D30, s12;
	s15 =	simm.s32 @!p0 $0x7830  }
0x2fe: {  	[tilespmem:s15], [sflag:$0x1] =	stream.indirect.gather @!p0 [hbm4b:s5+s14], $0x30, s13, s14, $0xb8;
	[tilespmem:$0x1BBE0] =	vst v63  }
0x2ff: {  	s12 =	sadd.s32 @!p0 $0x1DB0, s12;
	s13 =	simm.s32 @!p0 $0x9030  }
0x300: {  	[tilespmem:s13], [sflag:$0x1] =	stream.indirect.gather @!p0 [hbm4b:s5+s14], $0x30, s12, s14, $0xb8;
	[tilespmem:$0x1BBE0] =	vst v63  }
0x301: {  	_ =	swait.ge [sflag:s31], $0x1800  }
0x302: {  	[sflag:s31] =	ssyncset.done $0x0  }
0x303: {  	s15 =	simm.s32 $0x0;
	s14 =	sor.u32 $0x4, s10;
	[sflag:s31] =	ssyncadd.s32 $0xFFFFE800  }
0x304: {  	v5 =	vmov s15;
	s12 =	sshll.u32 s14, $0x7;
	_ =	swait.ge [sflag:s31], $0x1800  }
0x305: {  	v5 =	vand.u32 $0x7C, v5;
	v4 =	vmov s12;
	[sflag:s31] =	ssyncset.done $0x0  }
0x306: {  	v5 =	vor.u32 v4, v5;
	[sflag:s31] =	ssyncadd.s32 $0xFFFFE800  }
0x307: {  	v5 =	vbroadcast v5, $0x0;
	_ =	swait.ge [sflag:s31], $0x1800  }
0x308: {  	[sflag:s31] =	ssyncset.done $0x0  }
0x309: {  	[sflag:s31] =	ssyncadd.s32 $0xFFFFE800  }
0x30a: {  	_ =	swait.ge [sflag:s31], $0x1800  }
0x30b: {  	[sflag:s31] =	ssyncset.done $0x0  }
0x30c: {  	[sflag:s31] =	ssyncadd.s32 $0xFFFFE800  }
0x30d: {  	s13 =	simm.s32 $0x0;
	v5 =	vld.idx.msk [tilespmem:v5+s18+$0x0], $0xffff  }
0x30e: {  	s16 =	simm.s32 $0x1;
	v6 =	vld [tilespmem:s13+$0xA830]  }
0x30f: {  	v8 =	vmov s16;
	v7 =	vld [tilespmem:s13+$0xA840]  }
0x310: {  	v8 =	vand.u32 $0x7D, v8;
	v9 =	vld [tilespmem:s13+$0xA850]  }
0x311: {  	v8 =	vor.u32 v4, v8  }
0x312: {  	v8 =	vbroadcast v8, $0x0  }
0x313: {  	v6 =	vmul.f32 v6, v5  }
0x314: {  	v7 =	vmul.f32 v7, v5  }
0x315: {  	v5 =	vmul.f32 v9, v5;
	[tilespmem:s13+$0xA830] =	vst v6  }
0x316: {  	[tilespmem:s13+$0xA840] =	vst v7  }
0x317: {  	[tilespmem:s13+$0xA850] =	vst v5;
	v6 =	vld [tilespmem:s13+$0xA860]  }
0x318: {  	s4 =	simm.s32 $0x2;
	v5 =	vld.idx.msk [tilespmem:v8+s18+$0x0], $0xffff  }
0x319: {  	v7 =	vld [tilespmem:s13+$0xA870];
	v8 =	vmov s4  }
0x31a: {  	v9 =	vld [tilespmem:s13+$0xA880];
	v8 =	vand.u32 $0x7E, v8  }
0x31b: {  	v8 =	vor.u32 v4, v8  }
0x31c: {  	v8 =	vbroadcast v8, $0x0  }
0x31d: {  	v6 =	vmul.f32 v6, v5  }
0x31e: {  	v7 =	vmul.f32 v7, v5  }
0x31f: {  	v5 =	vmul.f32 v9, v5;
	[tilespmem:s13+$0xA860] =	vst v6  }
0x320: {  	[tilespmem:s13+$0xA870] =	vst v7  }
0x321: {  	[tilespmem:s13+$0xA880] =	vst v5;
	v6 =	vld [tilespmem:s13+$0xA8B0]  }
0x322: {  	s15 =	simm.s32 $0x3;
	v5 =	vld.idx.msk [tilespmem:v8+s18+$0x0], $0xffff  }
0x323: {  	v9 =	vmov s15;
	v7 =	vld [tilespmem:s13+$0xA8A0]  }
0x324: {  	v9 =	vand.u32 $0x7F, v9;
	v8 =	vld [tilespmem:s13+$0xA890]  }
0x325: {  	v9 =	vor.u32 v4, v9  }
0x326: {  	v9 =	vbroadcast v9, $0x0  }
0x327: {  	v6 =	vmul.f32 v6, v5  }
0x328: {  	v7 =	vmul.f32 v7, v5  }
0x329: {  	v5 =	vmul.f32 v8, v5;
	[tilespmem:s13+$0xA8B0] =	vst v6  }
0x32a: {  	v8 =	vld [tilespmem:s13+$0xA8C0];
	[tilespmem:s13+$0xA8A0] =	vst v7  }
0x32b: {  	[tilespmem:s13+$0xA890] =	vst v5;
	v5 =	vld [tilespmem:s13+$0xA8D0]  }
0x32c: {  	s16 =	simm.s32 $0x4;
	v6 =	vld.idx.msk [tilespmem:v9+s18+$0x0], $0xffff  }
0x32d: {  	v7 =	vmov s16;
	v9 =	vld [tilespmem:s13+$0xA8E0]  }
0x32e: {  	v7 =	vand.u32 $0x7C, v7  }
0x32f: {  	v7 =	vor.u32 v4, v7  }
0x330: {  	s14 =	simm.s32 $0x7;
	s15 =	simm.s32 $0x300;
	s16 =	simm.s32 $0x600;
	v7 =	vbroadcast v7, $0x0  }
.LBB2_15:
0x331: {  	p1 =	sne.s32 s16, $0x5D00;
	v8 =	vmul.f32 v8, v6;
	v5 =	vmul.f32 v5, v6  }
0x332: {  	v6 =	vmul.f32 v9, v6  }
0x333: {  	[tilespmem:s13+$0xA8C0] =	vst v8  }
0x334: {  	[tilespmem:s13+$0xA8D0] =	vst v5  }
0x335: {  	[tilespmem:s13+$0xA8E0] =	vst v6  }
0x336: {  	s13 =	sshra.s32 s15, $0x2;
	s15 =	smov.u32 s16;
	v5 =	vld.idx.msk [tilespmem:v7+s18+$0x0], $0xffff  }
0x337: {  	s4 =	sadd.s32 $0xFFFFFFFE, s14;
	v6 =	vld [tilespmem:s13+$0xA830]  }
0x338: {  	v8 =	vmov s4;
	v7 =	vld [tilespmem:s13+$0xA840]  }
0x339: {  	v8 =	vand.u32 $0x7D, v8;
	v9 =	vld [tilespmem:s13+$0xA850]  }
0x33a: {  	v8 =	vor.u32 v4, v8  }
0x33b: {  	v8 =	vbroadcast v8, $0x0  }
0x33c: {  	v6 =	vmul.f32 v6, v5  }
0x33d: {  	v7 =	vmul.f32 v7, v5  }
0x33e: {  	[tilespmem:s13+$0xA830] =	vst v6;
	v5 =	vmul.f32 v9, v5  }
0x33f: {  	[tilespmem:s13+$0xA840] =	vst v7  }
0x340: {  	[tilespmem:s13+$0xA850] =	vst v5  }
0x341: {  	v5 =	vld.idx.msk [tilespmem:v8+s18+$0x0], $0xffff  }
0x342: {  	s4 =	sadd.s32 $0xFFFFFFFF, s14;
	v6 =	vld [tilespmem:s13+$0xA860]  }
0x343: {  	v8 =	vmov s4;
	v7 =	vld [tilespmem:s13+$0xA870]  }
0x344: {  	v8 =	vand.u32 $0x7E, v8;
	v9 =	vld [tilespmem:s13+$0xA880]  }
0x345: {  	v8 =	vor.u32 v4, v8  }
0x346: {  	v8 =	vbroadcast v8, $0x0  }
0x347: {  	v6 =	vmul.f32 v6, v5  }
0x348: {  	v7 =	vmul.f32 v7, v5  }
0x349: {  	[tilespmem:s13+$0xA860] =	vst v6;
	v5 =	vmul.f32 v9, v5  }
0x34a: {  	[tilespmem:s13+$0xA870] =	vst v7  }
0x34b: {  	[tilespmem:s13+$0xA880] =	vst v5;
	v5 =	vld [tilespmem:s13+$0xA8A0]  }
0x34c: {  	v6 =	vld.idx.msk [tilespmem:v8+s18+$0x0], $0xffff  }
0x34d: {  	v7 =	vld [tilespmem:s13+$0xA8B0]  }
0x34e: {  	v9 =	vmov s14;
	v8 =	vld [tilespmem:s13+$0xA890]  }
0x34f: {  	v9 =	vand.u32 $0x7F, v9  }
0x350: {  	v9 =	vor.u32 v4, v9  }
0x351: {  	v9 =	vbroadcast v9, $0x0  }
0x352: {  	v5 =	vmul.f32 v5, v6;
	v7 =	vmul.f32 v7, v6  }
0x353: {  	v6 =	vmul.f32 v8, v6  }
0x354: {  	[tilespmem:s13+$0xA8B0] =	vst v7  }
0x355: {  	[tilespmem:s13+$0xA8A0] =	vst v5  }
0x356: {  	[tilespmem:s13+$0xA890] =	vst v6;
	v5 =	vld [tilespmem:s13+$0xA8D0]  }
0x357: {  	s14 =	sadd.s32 $0x4, s14;
	v6 =	vld.idx.msk [tilespmem:v9+s18+$0x0], $0xffff  }
.Ltmp8:
0x358: {  	s4 =	sadd.s32 $0xFFFFFFFD, s14;
	v8 =	vld [tilespmem:s13+$0xA8C0];
	(pc) =	sbr.rel @p1 .LBB2_15-.Ltmp8, $4  }
0x359: {  	v7 =	vmov s4;
	v9 =	vld [tilespmem:s13+$0xA8E0]  }
0x35a: {  	v7 =	vand.u32 $0x7C, v7  }
0x35b: {  	v7 =	vor.u32 v4, v7  }
0x35c: {  	s16 =	sadd.s32 $0x300, s16;
	v7 =	vbroadcast v7, $0x0  }
0x35d: {  	v8 =	vmul.f32 v8, v6  }
0x35e: {  	v5 =	vmul.f32 v5, v6  }
0x35f: {  	v6 =	vmul.f32 v9, v6;
	[tilespmem:s13+$0xA8C0] =	vst v8  }
0x360: {  	[tilespmem:s13+$0xA8D0] =	vst v5  }
0x361: {  	[tilespmem:s13+$0xA8E0] =	vst v6  }
0x362: {  	s4 =	sshra.s32 s15, $0x2;
	v5 =	vld.idx.msk [tilespmem:v7+s18+$0x0], $0xffff  }
0x363: {  	s15 =	sadd.s32 $0xFFFFFFFE, s14;
	v6 =	vld [tilespmem:s4+$0xA830]  }
0x364: {  	v8 =	vmov s15;
	v7 =	vld [tilespmem:s4+$0xA840]  }
0x365: {  	v8 =	vand.u32 $0x7D, v8;
	v9 =	vld [tilespmem:s4+$0xA850]  }
0x366: {  	v8 =	vor.u32 v4, v8  }
0x367: {  	v8 =	vbroadcast v8, $0x0  }
0x368: {  	v6 =	vmul.f32 v6, v5  }
0x369: {  	v7 =	vmul.f32 v7, v5  }
0x36a: {  	v5 =	vmul.f32 v9, v5;
	[tilespmem:s4+$0xA830] =	vst v6  }
0x36b: {  	[tilespmem:s4+$0xA840] =	vst v7  }
0x36c: {  	[tilespmem:s4+$0xA850] =	vst v5;
	v6 =	vld [tilespmem:s4+$0xA860]  }
0x36d: {  	s16 =	sadd.s32 $0xFFFFFFFF, s14;
	v5 =	vld.idx.msk [tilespmem:v8+s18+$0x0], $0xffff  }
0x36e: {  	v7 =	vld [tilespmem:s4+$0xA870];
	v8 =	vmov s16  }
0x36f: {  	v9 =	vld [tilespmem:s4+$0xA880];
	v8 =	vand.u32 $0x7E, v8  }
0x370: {  	v8 =	vor.u32 v4, v8  }
0x371: {  	v8 =	vbroadcast v8, $0x0  }
0x372: {  	v6 =	vmul.f32 v6, v5  }
0x373: {  	v7 =	vmul.f32 v7, v5  }
0x374: {  	v5 =	vmul.f32 v9, v5;
	[tilespmem:s4+$0xA860] =	vst v6  }
0x375: {  	[tilespmem:s4+$0xA870] =	vst v7  }
0x376: {  	[tilespmem:s4+$0xA880] =	vst v5;
	v6 =	vld [tilespmem:s4+$0xA8B0]  }
0x377: {  	v5 =	vld.idx.msk [tilespmem:v8+s18+$0x0], $0xffff  }
0x378: {  	v7 =	vld [tilespmem:s4+$0xA8A0];
	v8 =	vmov s14  }
0x379: {  	v9 =	vld [tilespmem:s4+$0xA890];
	v8 =	vand.u32 $0x7F, v8  }
0x37a: {  	v4 =	vor.u32 v4, v8  }
0x37b: {  	v4 =	vbroadcast v4, $0x0  }
0x37c: {  	v6 =	vmul.f32 v6, v5  }
0x37d: {  	v7 =	vmul.f32 v7, v5  }
0x37e: {  	v5 =	vmul.f32 v9, v5;
	[tilespmem:s4+$0xA8B0] =	vst v6  }
0x37f: {  	[tilespmem:s4+$0xA8A0] =	vst v7  }
0x380: {  	[tilespmem:s4+$0xA890] =	vst v5;
	v5 =	vld [tilespmem:s4+$0xA8C0]  }
0x381: {  	v4 =	vld.idx.msk [tilespmem:v4+s18+$0x0], $0xffff  }
0x382: {  	v6 =	vld [tilespmem:s4+$0xA8D0]  }
0x383: {  	v7 =	vld [tilespmem:s4+$0xA8E0];
	_ =	sdelay $0x2  }
0x384: {  	v5 =	vmul.f32 v5, v4  }
0x385: {  	v6 =	vmul.f32 v6, v4  }
0x386: {  	v4 =	vmul.f32 v7, v4;
	[tilespmem:s4+$0xA8C0] =	vst v5  }
0x387: {  	[tilespmem:s4+$0xA8D0] =	vst v6  }
0x388: {  	[tilespmem:s4+$0xA8E0] =	vst v4  }
0x389: {  	v4 =	vld [tilespmem:s12+$0x30];
	_ =	sdelay $0x2  }
0x38a: {  	v5 =	vld [tilespmem:s12+$0x3030];
	_ =	sdelay $0x4  }
0x38b: {  	[tilespmem:v4+s26+$0x0] =	vst.idx.add.f32.msk $0xffff, v5  }
0x38c: {  	v4 =	vld [tilespmem:s12+$0x40];
	_ =	sdelay $0x2  }
0x38d: {  	v5 =	vld [tilespmem:s12+$0x3040];
	_ =	sdelay $0x4  }
0x38e: {  	[tilespmem:v4+s26+$0x0] =	vst.idx.add.f32.msk $0xffff, v5  }
0x38f: {  	v4 =	vld [tilespmem:s12+$0x50];
	_ =	sdelay $0x2  }
0x390: {  	v5 =	vld [tilespmem:s12+$0x3050];
	_ =	sdelay $0x4  }
0x391: {  	[tilespmem:v4+s26+$0x0] =	vst.idx.add.f32.msk $0xffff, v5  }
0x392: {  	v4 =	vld [tilespmem:s12+$0x60];
	_ =	sdelay $0x2  }
0x393: {  	v5 =	vld [tilespmem:s12+$0x3060];
	_ =	sdelay $0x4  }
0x394: {  	[tilespmem:v4+s26+$0x0] =	vst.idx.add.f32.msk $0xffff, v5  }
0x395: {  	v4 =	vld [tilespmem:s12+$0x70];
	_ =	sdelay $0x2  }
0x396: {  	v5 =	vld [tilespmem:s12+$0x3070];
	_ =	sdelay $0x4  }
0x397: {  	[tilespmem:v4+s26+$0x0] =	vst.idx.add.f32.msk $0xffff, v5  }
0x398: {  	v4 =	vld [tilespmem:s12+$0x80];
	_ =	sdelay $0x2  }
0x399: {  	v5 =	vld [tilespmem:s12+$0x3080];
	_ =	sdelay $0x4  }
0x39a: {  	[tilespmem:v4+s26+$0x0] =	vst.idx.add.f32.msk $0xffff, v5  }
0x39b: {  	v4 =	vld [tilespmem:s12+$0x90];
	_ =	sdelay $0x2  }
0x39c: {  	v5 =	vld [tilespmem:s12+$0x3090];
	_ =	sdelay $0x4  }
0x39d: {  	[tilespmem:v4+s26+$0x0] =	vst.idx.add.f32.msk $0xffff, v5  }
0x39e: {  	s15 =	sor.u32 $0x5, s10;
	s16 =	simm.s32 $0x0;
	v5 =	vld [tilespmem:s12+$0xA0]  }
0x39f: {  	s13 =	sshll.u32 s15, $0x7;
	v6 =	vmov s16  }
0x3a0: {  	v6 =	vand.u32 $0x7C, v6;
	v4 =	vmov s13  }
0x3a1: {  	v7 =	vld [tilespmem:s12+$0x30A0];
	v6 =	vor.u32 v4, v6  }
0x3a2: {  	v6 =	vbroadcast v6, $0x0;
	_ =	sdelay $0x3  }
0x3a3: {  	s15 =	sor.u32 $0x30, s12;
	[tilespmem:v5+s26+$0x0] =	vst.idx.add.f32.msk $0xffff, v7  }
0x3a4: {  	[spmem:s3] =	stream.indirect.scatter.add.f32 [tilespmem:s0], [sflag:$0x4], $0x30, s15, s22, $0xb8;
	[tilespmem:$0x1BBE0] =	vst v63  }
0x3a5: {  	s12 =	simm.s32 $0x0;
	v5 =	vld.idx.msk [tilespmem:v6+s18+$0x0], $0xffff  }
0x3a6: {  	s16 =	simm.s32 $0x1;
	v6 =	vld [tilespmem:s12+$0xC030]  }
0x3a7: {  	v8 =	vmov s16;
	v7 =	vld [tilespmem:s12+$0xC040]  }
0x3a8: {  	v8 =	vand.u32 $0x7D, v8;
	v9 =	vld [tilespmem:s12+$0xC050]  }
0x3a9: {  	v8 =	vor.u32 v4, v8  }
0x3aa: {  	v8 =	vbroadcast v8, $0x0  }
0x3ab: {  	v6 =	vmul.f32 v6, v5  }
0x3ac: {  	v7 =	vmul.f32 v7, v5  }
0x3ad: {  	v5 =	vmul.f32 v9, v5;
	[tilespmem:s12+$0xC030] =	vst v6  }
0x3ae: {  	[tilespmem:s12+$0xC040] =	vst v7  }
0x3af: {  	[tilespmem:s12+$0xC050] =	vst v5;
	v6 =	vld [tilespmem:s12+$0xC060]  }
0x3b0: {  	s14 =	simm.s32 $0x2;
	v5 =	vld.idx.msk [tilespmem:v8+s18+$0x0], $0xffff  }
0x3b1: {  	v7 =	vld [tilespmem:s12+$0xC070];
	v8 =	vmov s14  }
0x3b2: {  	v9 =	vld [tilespmem:s12+$0xC080];
	v8 =	vand.u32 $0x7E, v8  }
0x3b3: {  	v8 =	vor.u32 v4, v8  }
0x3b4: {  	v8 =	vbroadcast v8, $0x0  }
0x3b5: {  	v6 =	vmul.f32 v6, v5  }
0x3b6: {  	v7 =	vmul.f32 v7, v5  }
0x3b7: {  	v5 =	vmul.f32 v9, v5;
	[tilespmem:s12+$0xC060] =	vst v6  }
0x3b8: {  	[tilespmem:s12+$0xC070] =	vst v7  }
0x3b9: {  	[tilespmem:s12+$0xC080] =	vst v5;
	v6 =	vld [tilespmem:s12+$0xC0B0]  }
0x3ba: {  	s15 =	simm.s32 $0x3;
	v5 =	vld.idx.msk [tilespmem:v8+s18+$0x0], $0xffff  }
0x3bb: {  	v9 =	vmov s15;
	v7 =	vld [tilespmem:s12+$0xC0A0]  }
0x3bc: {  	v9 =	vand.u32 $0x7F, v9;
	v8 =	vld [tilespmem:s12+$0xC090]  }
0x3bd: {  	v9 =	vor.u32 v4, v9  }
0x3be: {  	v9 =	vbroadcast v9, $0x0  }
0x3bf: {  	v6 =	vmul.f32 v6, v5  }
0x3c0: {  	v7 =	vmul.f32 v7, v5  }
0x3c1: {  	v5 =	vmul.f32 v8, v5;
	[tilespmem:s12+$0xC0B0] =	vst v6  }
0x3c2: {  	v8 =	vld [tilespmem:s12+$0xC0C0];
	[tilespmem:s12+$0xC0A0] =	vst v7  }
0x3c3: {  	[tilespmem:s12+$0xC090] =	vst v5;
	v5 =	vld [tilespmem:s12+$0xC0D0]  }
0x3c4: {  	s16 =	simm.s32 $0x4;
	v6 =	vld.idx.msk [tilespmem:v9+s18+$0x0], $0xffff  }
0x3c5: {  	v7 =	vmov s16;
	v9 =	vld [tilespmem:s12+$0xC0E0]  }
0x3c6: {  	v7 =	vand.u32 $0x7C, v7  }
0x3c7: {  	v7 =	vor.u32 v4, v7  }
0x3c8: {  	s14 =	simm.s32 $0x7;
	s15 =	simm.s32 $0x300;
	s16 =	simm.s32 $0x600;
	v7 =	vbroadcast v7, $0x0  }
.LBB2_17:
0x3c9: {  	p1 =	sne.s32 s16, $0x5D00;
	v8 =	vmul.f32 v8, v6;
	v5 =	vmul.f32 v5, v6  }
0x3ca: {  	v6 =	vmul.f32 v9, v6  }
0x3cb: {  	[tilespmem:s12+$0xC0C0] =	vst v8  }
0x3cc: {  	[tilespmem:s12+$0xC0D0] =	vst v5  }
0x3cd: {  	[tilespmem:s12+$0xC0E0] =	vst v6  }
0x3ce: {  	s12 =	sshra.s32 s15, $0x2;
	s15 =	smov.u32 s16;
	v5 =	vld.idx.msk [tilespmem:v7+s18+$0x0], $0xffff  }
0x3cf: {  	s4 =	sadd.s32 $0xFFFFFFFE, s14;
	v6 =	vld [tilespmem:s12+$0xC030]  }
0x3d0: {  	v8 =	vmov s4;
	v7 =	vld [tilespmem:s12+$0xC040]  }
0x3d1: {  	v8 =	vand.u32 $0x7D, v8;
	v9 =	vld [tilespmem:s12+$0xC050]  }
0x3d2: {  	v8 =	vor.u32 v4, v8  }
0x3d3: {  	v8 =	vbroadcast v8, $0x0  }
0x3d4: {  	v6 =	vmul.f32 v6, v5  }
0x3d5: {  	v7 =	vmul.f32 v7, v5  }
0x3d6: {  	[tilespmem:s12+$0xC030] =	vst v6;
	v5 =	vmul.f32 v9, v5  }
0x3d7: {  	[tilespmem:s12+$0xC040] =	vst v7  }
0x3d8: {  	[tilespmem:s12+$0xC050] =	vst v5  }
0x3d9: {  	v5 =	vld.idx.msk [tilespmem:v8+s18+$0x0], $0xffff  }
0x3da: {  	s4 =	sadd.s32 $0xFFFFFFFF, s14;
	v6 =	vld [tilespmem:s12+$0xC060]  }
0x3db: {  	v8 =	vmov s4;
	v7 =	vld [tilespmem:s12+$0xC070]  }
0x3dc: {  	v8 =	vand.u32 $0x7E, v8;
	v9 =	vld [tilespmem:s12+$0xC080]  }
0x3dd: {  	v8 =	vor.u32 v4, v8  }
0x3de: {  	v8 =	vbroadcast v8, $0x0  }
0x3df: {  	v6 =	vmul.f32 v6, v5  }
0x3e0: {  	v7 =	vmul.f32 v7, v5  }
0x3e1: {  	[tilespmem:s12+$0xC060] =	vst v6;
	v5 =	vmul.f32 v9, v5  }
0x3e2: {  	[tilespmem:s12+$0xC070] =	vst v7  }
0x3e3: {  	[tilespmem:s12+$0xC080] =	vst v5;
	v5 =	vld [tilespmem:s12+$0xC0A0]  }
0x3e4: {  	v6 =	vld.idx.msk [tilespmem:v8+s18+$0x0], $0xffff  }
0x3e5: {  	v7 =	vld [tilespmem:s12+$0xC0B0]  }
0x3e6: {  	v9 =	vmov s14;
	v8 =	vld [tilespmem:s12+$0xC090]  }
0x3e7: {  	v9 =	vand.u32 $0x7F, v9  }
0x3e8: {  	v9 =	vor.u32 v4, v9  }
0x3e9: {  	v9 =	vbroadcast v9, $0x0  }
0x3ea: {  	v5 =	vmul.f32 v5, v6;
	v7 =	vmul.f32 v7, v6  }
0x3eb: {  	v6 =	vmul.f32 v8, v6  }
0x3ec: {  	[tilespmem:s12+$0xC0B0] =	vst v7  }
0x3ed: {  	[tilespmem:s12+$0xC0A0] =	vst v5  }
0x3ee: {  	[tilespmem:s12+$0xC090] =	vst v6;
	v5 =	vld [tilespmem:s12+$0xC0D0]  }
0x3ef: {  	s14 =	sadd.s32 $0x4, s14;
	v6 =	vld.idx.msk [tilespmem:v9+s18+$0x0], $0xffff  }
.Ltmp9:
0x3f0: {  	s4 =	sadd.s32 $0xFFFFFFFD, s14;
	v8 =	vld [tilespmem:s12+$0xC0C0];
	(pc) =	sbr.rel @p1 .LBB2_17-.Ltmp9, $4  }
0x3f1: {  	v7 =	vmov s4;
	v9 =	vld [tilespmem:s12+$0xC0E0]  }
0x3f2: {  	v7 =	vand.u32 $0x7C, v7  }
0x3f3: {  	v7 =	vor.u32 v4, v7  }
0x3f4: {  	s16 =	sadd.s32 $0x300, s16;
	v7 =	vbroadcast v7, $0x0  }
0x3f5: {  	v8 =	vmul.f32 v8, v6  }
0x3f6: {  	v5 =	vmul.f32 v5, v6  }
0x3f7: {  	v6 =	vmul.f32 v9, v6;
	[tilespmem:s12+$0xC0C0] =	vst v8  }
0x3f8: {  	[tilespmem:s12+$0xC0D0] =	vst v5  }
0x3f9: {  	[tilespmem:s12+$0xC0E0] =	vst v6  }
0x3fa: {  	s4 =	sshra.s32 s15, $0x2;
	v5 =	vld.idx.msk [tilespmem:v7+s18+$0x0], $0xffff  }
0x3fb: {  	s15 =	sadd.s32 $0xFFFFFFFE, s14;
	v6 =	vld [tilespmem:s4+$0xC030]  }
0x3fc: {  	v8 =	vmov s15;
	v7 =	vld [tilespmem:s4+$0xC040]  }
0x3fd: {  	v8 =	vand.u32 $0x7D, v8;
	v9 =	vld [tilespmem:s4+$0xC050]  }
0x3fe: {  	v8 =	vor.u32 v4, v8  }
0x3ff: {  	v8 =	vbroadcast v8, $0x0  }
0x400: {  	v6 =	vmul.f32 v6, v5  }
0x401: {  	v7 =	vmul.f32 v7, v5  }
0x402: {  	v5 =	vmul.f32 v9, v5;
	[tilespmem:s4+$0xC030] =	vst v6  }
0x403: {  	[tilespmem:s4+$0xC040] =	vst v7  }
0x404: {  	[tilespmem:s4+$0xC050] =	vst v5;
	v6 =	vld [tilespmem:s4+$0xC060]  }
0x405: {  	s16 =	sadd.s32 $0xFFFFFFFF, s14;
	v5 =	vld.idx.msk [tilespmem:v8+s18+$0x0], $0xffff  }
0x406: {  	v7 =	vld [tilespmem:s4+$0xC070];
	v8 =	vmov s16  }
0x407: {  	v9 =	vld [tilespmem:s4+$0xC080];
	v8 =	vand.u32 $0x7E, v8  }
0x408: {  	v8 =	vor.u32 v4, v8  }
0x409: {  	v8 =	vbroadcast v8, $0x0  }
0x40a: {  	v6 =	vmul.f32 v6, v5  }
0x40b: {  	v7 =	vmul.f32 v7, v5  }
0x40c: {  	v5 =	vmul.f32 v9, v5;
	[tilespmem:s4+$0xC060] =	vst v6  }
0x40d: {  	[tilespmem:s4+$0xC070] =	vst v7  }
0x40e: {  	[tilespmem:s4+$0xC080] =	vst v5;
	v6 =	vld [tilespmem:s4+$0xC0B0]  }
0x40f: {  	v5 =	vld.idx.msk [tilespmem:v8+s18+$0x0], $0xffff  }
0x410: {  	v7 =	vld [tilespmem:s4+$0xC0A0];
	v8 =	vmov s14  }
0x411: {  	v9 =	vld [tilespmem:s4+$0xC090];
	v8 =	vand.u32 $0x7F, v8  }
0x412: {  	v4 =	vor.u32 v4, v8  }
0x413: {  	v4 =	vbroadcast v4, $0x0  }
0x414: {  	v6 =	vmul.f32 v6, v5  }
0x415: {  	v7 =	vmul.f32 v7, v5  }
0x416: {  	v5 =	vmul.f32 v9, v5;
	[tilespmem:s4+$0xC0B0] =	vst v6  }
0x417: {  	[tilespmem:s4+$0xC0A0] =	vst v7  }
0x418: {  	[tilespmem:s4+$0xC090] =	vst v5;
	v5 =	vld [tilespmem:s4+$0xC0C0]  }
0x419: {  	v4 =	vld.idx.msk [tilespmem:v4+s18+$0x0], $0xffff  }
0x41a: {  	v6 =	vld [tilespmem:s4+$0xC0D0]  }
0x41b: {  	v7 =	vld [tilespmem:s4+$0xC0E0];
	_ =	sdelay $0x2  }
0x41c: {  	v5 =	vmul.f32 v5, v4  }
0x41d: {  	v6 =	vmul.f32 v6, v4  }
0x41e: {  	v4 =	vmul.f32 v7, v4;
	[tilespmem:s4+$0xC0C0] =	vst v5  }
0x41f: {  	[tilespmem:s4+$0xC0D0] =	vst v6  }
0x420: {  	[tilespmem:s4+$0xC0E0] =	vst v4  }
0x421: {  	v4 =	vld [tilespmem:s13+$0x30];
	_ =	sdelay $0x2  }
0x422: {  	v5 =	vld [tilespmem:s13+$0x3030];
	_ =	sdelay $0x4  }
0x423: {  	[tilespmem:v4+s26+$0x0] =	vst.idx.add.f32.msk $0xffff, v5  }
0x424: {  	v4 =	vld [tilespmem:s13+$0x40];
	_ =	sdelay $0x2  }
0x425: {  	v5 =	vld [tilespmem:s13+$0x3040];
	_ =	sdelay $0x4  }
0x426: {  	[tilespmem:v4+s26+$0x0] =	vst.idx.add.f32.msk $0xffff, v5  }
0x427: {  	v4 =	vld [tilespmem:s13+$0x50];
	_ =	sdelay $0x2  }
0x428: {  	v5 =	vld [tilespmem:s13+$0x3050];
	_ =	sdelay $0x4  }
0x429: {  	[tilespmem:v4+s26+$0x0] =	vst.idx.add.f32.msk $0xffff, v5  }
0x42a: {  	v4 =	vld [tilespmem:s13+$0x60];
	_ =	sdelay $0x2  }
0x42b: {  	v5 =	vld [tilespmem:s13+$0x3060];
	_ =	sdelay $0x4  }
0x42c: {  	[tilespmem:v4+s26+$0x0] =	vst.idx.add.f32.msk $0xffff, v5  }
0x42d: {  	v4 =	vld [tilespmem:s13+$0x70];
	_ =	sdelay $0x2  }
0x42e: {  	v5 =	vld [tilespmem:s13+$0x3070];
	_ =	sdelay $0x4  }
0x42f: {  	[tilespmem:v4+s26+$0x0] =	vst.idx.add.f32.msk $0xffff, v5  }
0x430: {  	v4 =	vld [tilespmem:s13+$0x80];
	_ =	sdelay $0x2  }
0x431: {  	v5 =	vld [tilespmem:s13+$0x3080];
	_ =	sdelay $0x4  }
0x432: {  	[tilespmem:v4+s26+$0x0] =	vst.idx.add.f32.msk $0xffff, v5  }
0x433: {  	v4 =	vld [tilespmem:s13+$0x90];
	_ =	sdelay $0x2  }
0x434: {  	v5 =	vld [tilespmem:s13+$0x3090];
	_ =	sdelay $0x4  }
0x435: {  	[tilespmem:v4+s26+$0x0] =	vst.idx.add.f32.msk $0xffff, v5  }
0x436: {  	s15 =	sor.u32 $0x6, s10;
	s16 =	simm.s32 $0x0;
	v5 =	vld [tilespmem:s13+$0xA0]  }
0x437: {  	s12 =	sshll.u32 s15, $0x7;
	v6 =	vmov s16  }
0x438: {  	v6 =	vand.u32 $0x7C, v6;
	v4 =	vmov s12  }
0x439: {  	v7 =	vld [tilespmem:s13+$0x30A0];
	v6 =	vor.u32 v4, v6  }
0x43a: {  	v6 =	vbroadcast v6, $0x0;
	_ =	sdelay $0x3  }
0x43b: {  	s15 =	sor.u32 $0x30, s13;
	[tilespmem:v5+s26+$0x0] =	vst.idx.add.f32.msk $0xffff, v7  }
0x43c: {  	[spmem:s3] =	stream.indirect.scatter.add.f32 [tilespmem:s24], [sflag:$0x4], $0x30, s15, s22, $0xb8;
	[tilespmem:$0x1BBE0] =	vst v63  }
0x43d: {  	s13 =	simm.s32 $0x0;
	v5 =	vld.idx.msk [tilespmem:v6+s18+$0x0], $0xffff  }
0x43e: {  	s16 =	simm.s32 $0x1;
	v6 =	vld [tilespmem:s13+$0xD830]  }
0x43f: {  	v8 =	vmov s16;
	v7 =	vld [tilespmem:s13+$0xD840]  }
0x440: {  	v8 =	vand.u32 $0x7D, v8;
	v9 =	vld [tilespmem:s13+$0xD850]  }
0x441: {  	v8 =	vor.u32 v4, v8  }
0x442: {  	v8 =	vbroadcast v8, $0x0  }
0x443: {  	v6 =	vmul.f32 v6, v5  }
0x444: {  	v7 =	vmul.f32 v7, v5  }
0x445: {  	v5 =	vmul.f32 v9, v5;
	[tilespmem:s13+$0xD830] =	vst v6  }
0x446: {  	[tilespmem:s13+$0xD840] =	vst v7  }
0x447: {  	[tilespmem:s13+$0xD850] =	vst v5;
	v6 =	vld [tilespmem:s13+$0xD860]  }
0x448: {  	s14 =	simm.s32 $0x2;
	v5 =	vld.idx.msk [tilespmem:v8+s18+$0x0], $0xffff  }
0x449: {  	v7 =	vld [tilespmem:s13+$0xD870];
	v8 =	vmov s14  }
0x44a: {  	v9 =	vld [tilespmem:s13+$0xD880];
	v8 =	vand.u32 $0x7E, v8  }
0x44b: {  	v8 =	vor.u32 v4, v8  }
0x44c: {  	v8 =	vbroadcast v8, $0x0  }
0x44d: {  	v6 =	vmul.f32 v6, v5  }
0x44e: {  	v7 =	vmul.f32 v7, v5  }
0x44f: {  	v5 =	vmul.f32 v9, v5;
	[tilespmem:s13+$0xD860] =	vst v6  }
0x450: {  	[tilespmem:s13+$0xD870] =	vst v7  }
0x451: {  	[tilespmem:s13+$0xD880] =	vst v5;
	v6 =	vld [tilespmem:s13+$0xD8B0]  }
0x452: {  	s15 =	simm.s32 $0x3;
	v5 =	vld.idx.msk [tilespmem:v8+s18+$0x0], $0xffff  }
0x453: {  	v9 =	vmov s15;
	v7 =	vld [tilespmem:s13+$0xD8A0]  }
0x454: {  	v9 =	vand.u32 $0x7F, v9;
	v8 =	vld [tilespmem:s13+$0xD890]  }
0x455: {  	v9 =	vor.u32 v4, v9  }
0x456: {  	v9 =	vbroadcast v9, $0x0  }
0x457: {  	v6 =	vmul.f32 v6, v5  }
0x458: {  	v7 =	vmul.f32 v7, v5  }
0x459: {  	v5 =	vmul.f32 v8, v5;
	[tilespmem:s13+$0xD8B0] =	vst v6  }
0x45a: {  	v8 =	vld [tilespmem:s13+$0xD8C0];
	[tilespmem:s13+$0xD8A0] =	vst v7  }
0x45b: {  	[tilespmem:s13+$0xD890] =	vst v5;
	v5 =	vld [tilespmem:s13+$0xD8D0]  }
0x45c: {  	s16 =	simm.s32 $0x4;
	v6 =	vld.idx.msk [tilespmem:v9+s18+$0x0], $0xffff  }
0x45d: {  	v7 =	vmov s16;
	v9 =	vld [tilespmem:s13+$0xD8E0]  }
0x45e: {  	v7 =	vand.u32 $0x7C, v7  }
0x45f: {  	v7 =	vor.u32 v4, v7  }
0x460: {  	s14 =	simm.s32 $0x7;
	s15 =	simm.s32 $0x300;
	s16 =	simm.s32 $0x600;
	v7 =	vbroadcast v7, $0x0  }
.LBB2_19:
0x461: {  	p1 =	sne.s32 s16, $0x5D00;
	v8 =	vmul.f32 v8, v6;
	v5 =	vmul.f32 v5, v6  }
0x462: {  	v6 =	vmul.f32 v9, v6  }
0x463: {  	[tilespmem:s13+$0xD8C0] =	vst v8  }
0x464: {  	[tilespmem:s13+$0xD8D0] =	vst v5  }
0x465: {  	[tilespmem:s13+$0xD8E0] =	vst v6  }
0x466: {  	s13 =	sshra.s32 s15, $0x2;
	s15 =	smov.u32 s16;
	v5 =	vld.idx.msk [tilespmem:v7+s18+$0x0], $0xffff  }
0x467: {  	s4 =	sadd.s32 $0xFFFFFFFE, s14;
	v6 =	vld [tilespmem:s13+$0xD830]  }
0x468: {  	v8 =	vmov s4;
	v7 =	vld [tilespmem:s13+$0xD840]  }
0x469: {  	v8 =	vand.u32 $0x7D, v8;
	v9 =	vld [tilespmem:s13+$0xD850]  }
0x46a: {  	v8 =	vor.u32 v4, v8  }
0x46b: {  	v8 =	vbroadcast v8, $0x0  }
0x46c: {  	v6 =	vmul.f32 v6, v5  }
0x46d: {  	v7 =	vmul.f32 v7, v5  }
0x46e: {  	[tilespmem:s13+$0xD830] =	vst v6;
	v5 =	vmul.f32 v9, v5  }
0x46f: {  	[tilespmem:s13+$0xD840] =	vst v7  }
0x470: {  	[tilespmem:s13+$0xD850] =	vst v5  }
0x471: {  	v5 =	vld.idx.msk [tilespmem:v8+s18+$0x0], $0xffff  }
0x472: {  	s4 =	sadd.s32 $0xFFFFFFFF, s14;
	v6 =	vld [tilespmem:s13+$0xD860]  }
0x473: {  	v8 =	vmov s4;
	v7 =	vld [tilespmem:s13+$0xD870]  }
0x474: {  	v8 =	vand.u32 $0x7E, v8;
	v9 =	vld [tilespmem:s13+$0xD880]  }
0x475: {  	v8 =	vor.u32 v4, v8  }
0x476: {  	v8 =	vbroadcast v8, $0x0  }
0x477: {  	v6 =	vmul.f32 v6, v5  }
0x478: {  	v7 =	vmul.f32 v7, v5  }
0x479: {  	[tilespmem:s13+$0xD860] =	vst v6;
	v5 =	vmul.f32 v9, v5  }
0x47a: {  	[tilespmem:s13+$0xD870] =	vst v7  }
0x47b: {  	[tilespmem:s13+$0xD880] =	vst v5;
	v5 =	vld [tilespmem:s13+$0xD8A0]  }
0x47c: {  	v6 =	vld.idx.msk [tilespmem:v8+s18+$0x0], $0xffff  }
0x47d: {  	v7 =	vld [tilespmem:s13+$0xD8B0]  }
0x47e: {  	v9 =	vmov s14;
	v8 =	vld [tilespmem:s13+$0xD890]  }
0x47f: {  	v9 =	vand.u32 $0x7F, v9  }
0x480: {  	v9 =	vor.u32 v4, v9  }
0x481: {  	v9 =	vbroadcast v9, $0x0  }
0x482: {  	v5 =	vmul.f32 v5, v6;
	v7 =	vmul.f32 v7, v6  }
0x483: {  	v6 =	vmul.f32 v8, v6  }
0x484: {  	[tilespmem:s13+$0xD8B0] =	vst v7  }
0x485: {  	[tilespmem:s13+$0xD8A0] =	vst v5  }
0x486: {  	[tilespmem:s13+$0xD890] =	vst v6;
	v5 =	vld [tilespmem:s13+$0xD8D0]  }
0x487: {  	s14 =	sadd.s32 $0x4, s14;
	v6 =	vld.idx.msk [tilespmem:v9+s18+$0x0], $0xffff  }
.Ltmp10:
0x488: {  	s4 =	sadd.s32 $0xFFFFFFFD, s14;
	v8 =	vld [tilespmem:s13+$0xD8C0];
	(pc) =	sbr.rel @p1 .LBB2_19-.Ltmp10, $4  }
0x489: {  	v7 =	vmov s4;
	v9 =	vld [tilespmem:s13+$0xD8E0]  }
0x48a: {  	v7 =	vand.u32 $0x7C, v7  }
0x48b: {  	v7 =	vor.u32 v4, v7  }
0x48c: {  	s16 =	sadd.s32 $0x300, s16;
	v7 =	vbroadcast v7, $0x0  }
0x48d: {  	v8 =	vmul.f32 v8, v6  }
0x48e: {  	v5 =	vmul.f32 v5, v6  }
0x48f: {  	v6 =	vmul.f32 v9, v6;
	[tilespmem:s13+$0xD8C0] =	vst v8  }
0x490: {  	[tilespmem:s13+$0xD8D0] =	vst v5  }
0x491: {  	[tilespmem:s13+$0xD8E0] =	vst v6  }
0x492: {  	s4 =	sshra.s32 s15, $0x2;
	v5 =	vld.idx.msk [tilespmem:v7+s18+$0x0], $0xffff  }
0x493: {  	s15 =	sadd.s32 $0xFFFFFFFE, s14;
	v6 =	vld [tilespmem:s4+$0xD830]  }
0x494: {  	v8 =	vmov s15;
	v7 =	vld [tilespmem:s4+$0xD840]  }
0x495: {  	v8 =	vand.u32 $0x7D, v8;
	v9 =	vld [tilespmem:s4+$0xD850]  }
0x496: {  	v8 =	vor.u32 v4, v8  }
0x497: {  	v8 =	vbroadcast v8, $0x0  }
0x498: {  	v6 =	vmul.f32 v6, v5  }
0x499: {  	v7 =	vmul.f32 v7, v5  }
0x49a: {  	v5 =	vmul.f32 v9, v5;
	[tilespmem:s4+$0xD830] =	vst v6  }
0x49b: {  	[tilespmem:s4+$0xD840] =	vst v7  }
0x49c: {  	[tilespmem:s4+$0xD850] =	vst v5;
	v6 =	vld [tilespmem:s4+$0xD860]  }
0x49d: {  	s16 =	sadd.s32 $0xFFFFFFFF, s14;
	v5 =	vld.idx.msk [tilespmem:v8+s18+$0x0], $0xffff  }
0x49e: {  	v7 =	vld [tilespmem:s4+$0xD870];
	v8 =	vmov s16  }
0x49f: {  	v9 =	vld [tilespmem:s4+$0xD880];
	v8 =	vand.u32 $0x7E, v8  }
0x4a0: {  	v8 =	vor.u32 v4, v8  }
0x4a1: {  	v8 =	vbroadcast v8, $0x0  }
0x4a2: {  	v6 =	vmul.f32 v6, v5  }
0x4a3: {  	v7 =	vmul.f32 v7, v5  }
0x4a4: {  	v5 =	vmul.f32 v9, v5;
	[tilespmem:s4+$0xD860] =	vst v6  }
0x4a5: {  	[tilespmem:s4+$0xD870] =	vst v7  }
0x4a6: {  	[tilespmem:s4+$0xD880] =	vst v5;
	v6 =	vld [tilespmem:s4+$0xD8B0]  }
0x4a7: {  	v5 =	vld.idx.msk [tilespmem:v8+s18+$0x0], $0xffff  }
0x4a8: {  	v7 =	vld [tilespmem:s4+$0xD8A0];
	v8 =	vmov s14  }
0x4a9: {  	v9 =	vld [tilespmem:s4+$0xD890];
	v8 =	vand.u32 $0x7F, v8  }
0x4aa: {  	v4 =	vor.u32 v4, v8  }
0x4ab: {  	v4 =	vbroadcast v4, $0x0  }
0x4ac: {  	v6 =	vmul.f32 v6, v5  }
0x4ad: {  	v7 =	vmul.f32 v7, v5  }
0x4ae: {  	v5 =	vmul.f32 v9, v5;
	[tilespmem:s4+$0xD8B0] =	vst v6  }
0x4af: {  	[tilespmem:s4+$0xD8A0] =	vst v7  }
0x4b0: {  	[tilespmem:s4+$0xD890] =	vst v5;
	v5 =	vld [tilespmem:s4+$0xD8C0]  }
0x4b1: {  	v4 =	vld.idx.msk [tilespmem:v4+s18+$0x0], $0xffff  }
0x4b2: {  	v6 =	vld [tilespmem:s4+$0xD8D0]  }
0x4b3: {  	v7 =	vld [tilespmem:s4+$0xD8E0];
	_ =	sdelay $0x2  }
0x4b4: {  	v5 =	vmul.f32 v5, v4  }
0x4b5: {  	v6 =	vmul.f32 v6, v4  }
0x4b6: {  	v4 =	vmul.f32 v7, v4;
	[tilespmem:s4+$0xD8C0] =	vst v5  }
0x4b7: {  	[tilespmem:s4+$0xD8D0] =	vst v6  }
0x4b8: {  	[tilespmem:s4+$0xD8E0] =	vst v4  }
0x4b9: {  	v4 =	vld [tilespmem:s12+$0x30];
	_ =	sdelay $0x2  }
0x4ba: {  	v5 =	vld [tilespmem:s12+$0x3030];
	_ =	sdelay $0x4  }
0x4bb: {  	[tilespmem:v4+s26+$0x0] =	vst.idx.add.f32.msk $0xffff, v5  }
0x4bc: {  	v4 =	vld [tilespmem:s12+$0x40];
	_ =	sdelay $0x2  }
0x4bd: {  	v5 =	vld [tilespmem:s12+$0x3040];
	_ =	sdelay $0x4  }
0x4be: {  	[tilespmem:v4+s26+$0x0] =	vst.idx.add.f32.msk $0xffff, v5  }
0x4bf: {  	v4 =	vld [tilespmem:s12+$0x50];
	_ =	sdelay $0x2  }
0x4c0: {  	v5 =	vld [tilespmem:s12+$0x3050];
	_ =	sdelay $0x4  }
0x4c1: {  	[tilespmem:v4+s26+$0x0] =	vst.idx.add.f32.msk $0xffff, v5  }
0x4c2: {  	v4 =	vld [tilespmem:s12+$0x60];
	_ =	sdelay $0x2  }
0x4c3: {  	v5 =	vld [tilespmem:s12+$0x3060];
	_ =	sdelay $0x4  }
0x4c4: {  	[tilespmem:v4+s26+$0x0] =	vst.idx.add.f32.msk $0xffff, v5  }
0x4c5: {  	v4 =	vld [tilespmem:s12+$0x70];
	_ =	sdelay $0x2  }
0x4c6: {  	v5 =	vld [tilespmem:s12+$0x3070];
	_ =	sdelay $0x4  }
0x4c7: {  	[tilespmem:v4+s26+$0x0] =	vst.idx.add.f32.msk $0xffff, v5  }
0x4c8: {  	v4 =	vld [tilespmem:s12+$0x80];
	_ =	sdelay $0x2  }
0x4c9: {  	v5 =	vld [tilespmem:s12+$0x3080];
	_ =	sdelay $0x4  }
0x4ca: {  	[tilespmem:v4+s26+$0x0] =	vst.idx.add.f32.msk $0xffff, v5  }
0x4cb: {  	v4 =	vld [tilespmem:s12+$0x90];
	_ =	sdelay $0x2  }
0x4cc: {  	v5 =	vld [tilespmem:s12+$0x3090];
	_ =	sdelay $0x4  }
0x4cd: {  	[tilespmem:v4+s26+$0x0] =	vst.idx.add.f32.msk $0xffff, v5  }
0x4ce: {  	s15 =	sor.u32 $0x7, s10;
	s16 =	simm.s32 $0x0;
	v5 =	vld [tilespmem:s12+$0xA0]  }
0x4cf: {  	s10 =	sshll.u32 s15, $0x7;
	v6 =	vmov s16  }
0x4d0: {  	v6 =	vand.u32 $0x7C, v6;
	v4 =	vmov s10  }
0x4d1: {  	v7 =	vld [tilespmem:s12+$0x30A0];
	v6 =	vor.u32 v4, v6  }
0x4d2: {  	v6 =	vbroadcast v6, $0x0;
	_ =	sdelay $0x3  }
0x4d3: {  	s12 =	sor.u32 $0x30, s12;
	[tilespmem:v5+s26+$0x0] =	vst.idx.add.f32.msk $0xffff, v7  }
0x4d4: {  	[spmem:s3] =	stream.indirect.scatter.add.f32 [tilespmem:s29], [sflag:$0x4], $0x30, s12, s22, $0xb8;
	[tilespmem:$0x1BBE0] =	vst v63  }
0x4d5: {  	s12 =	simm.s32 $0x0;
	v5 =	vld.idx.msk [tilespmem:v6+s18+$0x0], $0xffff  }
0x4d6: {  	s13 =	simm.s32 $0x1;
	v6 =	vld [tilespmem:s12+$0xF030]  }
0x4d7: {  	v8 =	vmov s13;
	v7 =	vld [tilespmem:s12+$0xF040]  }
0x4d8: {  	v8 =	vand.u32 $0x7D, v8;
	v9 =	vld [tilespmem:s12+$0xF050]  }
0x4d9: {  	v8 =	vor.u32 v4, v8  }
0x4da: {  	v8 =	vbroadcast v8, $0x0  }
0x4db: {  	v6 =	vmul.f32 v6, v5  }
0x4dc: {  	v7 =	vmul.f32 v7, v5  }
0x4dd: {  	v5 =	vmul.f32 v9, v5;
	[tilespmem:s12+$0xF030] =	vst v6  }
0x4de: {  	[tilespmem:s12+$0xF040] =	vst v7  }
0x4df: {  	[tilespmem:s12+$0xF050] =	vst v5;
	v6 =	vld [tilespmem:s12+$0xF060]  }
0x4e0: {  	s14 =	simm.s32 $0x2;
	v5 =	vld.idx.msk [tilespmem:v8+s18+$0x0], $0xffff  }
0x4e1: {  	v7 =	vld [tilespmem:s12+$0xF070];
	v8 =	vmov s14  }
0x4e2: {  	v9 =	vld [tilespmem:s12+$0xF080];
	v8 =	vand.u32 $0x7E, v8  }
0x4e3: {  	v8 =	vor.u32 v4, v8  }
0x4e4: {  	v8 =	vbroadcast v8, $0x0  }
0x4e5: {  	v6 =	vmul.f32 v6, v5  }
0x4e6: {  	v7 =	vmul.f32 v7, v5  }
0x4e7: {  	v5 =	vmul.f32 v9, v5;
	[tilespmem:s12+$0xF060] =	vst v6  }
0x4e8: {  	[tilespmem:s12+$0xF070] =	vst v7  }
0x4e9: {  	[tilespmem:s12+$0xF080] =	vst v5;
	v6 =	vld [tilespmem:s12+$0xF0B0]  }
0x4ea: {  	s15 =	simm.s32 $0x3;
	v5 =	vld.idx.msk [tilespmem:v8+s18+$0x0], $0xffff  }
0x4eb: {  	v9 =	vmov s15;
	v7 =	vld [tilespmem:s12+$0xF0A0]  }
0x4ec: {  	v9 =	vand.u32 $0x7F, v9;
	v8 =	vld [tilespmem:s12+$0xF090]  }
0x4ed: {  	v9 =	vor.u32 v4, v9  }
0x4ee: {  	v9 =	vbroadcast v9, $0x0  }
0x4ef: {  	v6 =	vmul.f32 v6, v5  }
0x4f0: {  	v7 =	vmul.f32 v7, v5  }
0x4f1: {  	v5 =	vmul.f32 v8, v5;
	[tilespmem:s12+$0xF0B0] =	vst v6  }
0x4f2: {  	v8 =	vld [tilespmem:s12+$0xF0C0];
	[tilespmem:s12+$0xF0A0] =	vst v7  }
0x4f3: {  	[tilespmem:s12+$0xF090] =	vst v5;
	v5 =	vld [tilespmem:s12+$0xF0D0]  }
0x4f4: {  	s16 =	simm.s32 $0x4;
	v6 =	vld.idx.msk [tilespmem:v9+s18+$0x0], $0xffff  }
0x4f5: {  	v7 =	vmov s16;
	v9 =	vld [tilespmem:s12+$0xF0E0]  }
0x4f6: {  	v7 =	vand.u32 $0x7C, v7  }
0x4f7: {  	v7 =	vor.u32 v4, v7  }
0x4f8: {  	s13 =	simm.s32 $0x7;
	s14 =	simm.s32 $0x300;
	s15 =	simm.s32 $0x600;
	v7 =	vbroadcast v7, $0x0  }
.LBB2_21:
0x4f9: {  	p1 =	sne.s32 s15, $0x5D00;
	v8 =	vmul.f32 v8, v6;
	v5 =	vmul.f32 v5, v6  }
0x4fa: {  	v6 =	vmul.f32 v9, v6  }
0x4fb: {  	[tilespmem:s12+$0xF0C0] =	vst v8  }
0x4fc: {  	[tilespmem:s12+$0xF0D0] =	vst v5  }
0x4fd: {  	[tilespmem:s12+$0xF0E0] =	vst v6  }
0x4fe: {  	s12 =	sshra.s32 s14, $0x2;
	s14 =	smov.u32 s15;
	v5 =	vld.idx.msk [tilespmem:v7+s18+$0x0], $0xffff  }
0x4ff: {  	s4 =	sadd.s32 $0xFFFFFFFE, s13;
	v6 =	vld [tilespmem:s12+$0xF030]  }
0x500: {  	v8 =	vmov s4;
	v7 =	vld [tilespmem:s12+$0xF040]  }
0x501: {  	v8 =	vand.u32 $0x7D, v8;
	v9 =	vld [tilespmem:s12+$0xF050]  }
0x502: {  	v8 =	vor.u32 v4, v8  }
0x503: {  	v8 =	vbroadcast v8, $0x0  }
0x504: {  	v6 =	vmul.f32 v6, v5  }
0x505: {  	v7 =	vmul.f32 v7, v5  }
0x506: {  	[tilespmem:s12+$0xF030] =	vst v6;
	v5 =	vmul.f32 v9, v5  }
0x507: {  	[tilespmem:s12+$0xF040] =	vst v7  }
0x508: {  	[tilespmem:s12+$0xF050] =	vst v5  }
0x509: {  	v5 =	vld.idx.msk [tilespmem:v8+s18+$0x0], $0xffff  }
0x50a: {  	s4 =	sadd.s32 $0xFFFFFFFF, s13;
	v6 =	vld [tilespmem:s12+$0xF060]  }
0x50b: {  	v8 =	vmov s4;
	v7 =	vld [tilespmem:s12+$0xF070]  }
0x50c: {  	v8 =	vand.u32 $0x7E, v8;
	v9 =	vld [tilespmem:s12+$0xF080]  }
0x50d: {  	v8 =	vor.u32 v4, v8  }
0x50e: {  	v8 =	vbroadcast v8, $0x0  }
0x50f: {  	v6 =	vmul.f32 v6, v5  }
0x510: {  	v7 =	vmul.f32 v7, v5  }
0x511: {  	[tilespmem:s12+$0xF060] =	vst v6;
	v5 =	vmul.f32 v9, v5  }
0x512: {  	[tilespmem:s12+$0xF070] =	vst v7  }
0x513: {  	[tilespmem:s12+$0xF080] =	vst v5;
	v5 =	vld [tilespmem:s12+$0xF0A0]  }
0x514: {  	v6 =	vld.idx.msk [tilespmem:v8+s18+$0x0], $0xffff  }
0x515: {  	v7 =	vld [tilespmem:s12+$0xF0B0]  }
0x516: {  	v9 =	vmov s13;
	v8 =	vld [tilespmem:s12+$0xF090]  }
0x517: {  	v9 =	vand.u32 $0x7F, v9  }
0x518: {  	v9 =	vor.u32 v4, v9  }
0x519: {  	v9 =	vbroadcast v9, $0x0  }
0x51a: {  	v5 =	vmul.f32 v5, v6;
	v7 =	vmul.f32 v7, v6  }
0x51b: {  	v6 =	vmul.f32 v8, v6  }
0x51c: {  	[tilespmem:s12+$0xF0B0] =	vst v7  }
0x51d: {  	[tilespmem:s12+$0xF0A0] =	vst v5  }
0x51e: {  	[tilespmem:s12+$0xF090] =	vst v6;
	v5 =	vld [tilespmem:s12+$0xF0D0]  }
0x51f: {  	s13 =	sadd.s32 $0x4, s13;
	v6 =	vld.idx.msk [tilespmem:v9+s18+$0x0], $0xffff  }
.Ltmp11:
0x520: {  	s4 =	sadd.s32 $0xFFFFFFFD, s13;
	v8 =	vld [tilespmem:s12+$0xF0C0];
	(pc) =	sbr.rel @p1 .LBB2_21-.Ltmp11, $4  }
0x521: {  	v7 =	vmov s4;
	v9 =	vld [tilespmem:s12+$0xF0E0]  }
0x522: {  	v7 =	vand.u32 $0x7C, v7  }
0x523: {  	v7 =	vor.u32 v4, v7  }
0x524: {  	s15 =	sadd.s32 $0x300, s15;
	v7 =	vbroadcast v7, $0x0  }
0x525: {  	v8 =	vmul.f32 v8, v6  }
0x526: {  	v5 =	vmul.f32 v5, v6  }
0x527: {  	v50 =	vmul.f32 v9, v6;
	[tilespmem:s12+$0xF0C0] =	vst v8  }
0x528: {  	[tilespmem:s12+$0xF0D0] =	vst v5  }
0x529: {  	[tilespmem:s12+$0xF0E0] =	vst v50  }
0x52a: {  	s4 =	sshra.s32 s14, $0x2;
	v5 =	vld.idx.msk [tilespmem:v7+s18+$0x0], $0xffff  }
0x52b: {  	s14 =	sadd.s32 $0xFFFFFFFE, s13;
	v6 =	vld [tilespmem:s4+$0xF030]  }
0x52c: {  	v52 =	vmov s14;
	v51 =	vld [tilespmem:s4+$0xF040]  }
0x52d: {  	v8 =	vand.u32 $0x7D, v52;
	v53 =	vld [tilespmem:s4+$0xF050]  }
0x52e: {  	v8 =	vor.u32 v4, v8  }
0x52f: {  	v8 =	vbroadcast v8, $0x0  }
0x530: {  	v6 =	vmul.f32 v6, v5  }
0x531: {  	v7 =	vmul.f32 v51, v5  }
0x532: {  	v5 =	vmul.f32 v53, v5;
	[tilespmem:s4+$0xF030] =	vst v6  }
0x533: {  	[tilespmem:s4+$0xF040] =	vst v7  }
0x534: {  	v54 =	vld [tilespmem:s4+$0xF060];
	[tilespmem:s4+$0xF050] =	vst v5  }
0x535: {  	s15 =	sadd.s32 $0xFFFFFFFF, s13;
	v5 =	vld.idx.msk [tilespmem:v8+s18+$0x0], $0xffff  }
0x536: {  	v56 =	vmov s15;
	v55 =	vld [tilespmem:s4+$0xF070]  }
0x537: {  	v57 =	vld [tilespmem:s4+$0xF080];
	v8 =	vand.u32 $0x7E, v56  }
0x538: {  	v8 =	vor.u32 v4, v8  }
0x539: {  	v8 =	vbroadcast v8, $0x0  }
0x53a: {  	v6 =	vmul.f32 v54, v5  }
0x53b: {  	v7 =	vmul.f32 v55, v5  }
0x53c: {  	v5 =	vmul.f32 v57, v5;
	[tilespmem:s4+$0xF060] =	vst v6  }
0x53d: {  	[tilespmem:s4+$0xF070] =	vst v7  }
0x53e: {  	v58 =	vld [tilespmem:s4+$0xF0B0];
	[tilespmem:s4+$0xF080] =	vst v5  }
0x53f: {  	v5 =	vld.idx.msk [tilespmem:v8+s18+$0x0], $0xffff  }
0x540: {  	v60 =	vmov s13;
	v59 =	vld [tilespmem:s4+$0xF0A0]  }
0x541: {  	v61 =	vld [tilespmem:s4+$0xF090];
	v8 =	vand.u32 $0x7F, v60  }
0x542: {  	v4 =	vor.u32 v4, v8  }
0x543: {  	v4 =	vbroadcast v4, $0x0  }
0x544: {  	v6 =	vmul.f32 v58, v5  }
0x545: {  	v7 =	vmul.f32 v59, v5  }
0x546: {  	v5 =	vmul.f32 v61, v5;
	[tilespmem:s4+$0xF0B0] =	vst v6  }
0x547: {  	[tilespmem:s4+$0xF0A0] =	vst v7  }
0x548: {  	[tilespmem:s4+$0xF090] =	vst v5;
	v5 =	vld [tilespmem:s4+$0xF0C0]  }
0x549: {  	v4 =	vld.idx.msk [tilespmem:v4+s18+$0x0], $0xffff  }
0x54a: {  	v62 =	vld [tilespmem:s4+$0xF0D0]  }
0x54b: {  	v63 =	vld [tilespmem:s4+$0xF0E0];
	_ =	sdelay $0x2  }
0x54c: {  	v5 =	vmul.f32 v5, v4  }
0x54d: {  	v6 =	vmul.f32 v62, v4  }
0x54e: {  	v4 =	vmul.f32 v63, v4;
	[tilespmem:s4+$0xF0C0] =	vst v5  }
0x54f: {  	[tilespmem:s4+$0xF0D0] =	vst v6  }
0x550: {  	[tilespmem:s4+$0xF0E0] =	vst v4  }
0x551: {  	v4 =	vld [tilespmem:s10+$0x30];
	_ =	sdelay $0x2  }
0x552: {  	v5 =	vld [tilespmem:s10+$0x3030];
	_ =	sdelay $0x4  }
0x553: {  	[tilespmem:v4+s26+$0x0] =	vst.idx.add.f32.msk $0xffff, v5  }
0x554: {  	v4 =	vld [tilespmem:s10+$0x40];
	_ =	sdelay $0x2  }
0x555: {  	v5 =	vld [tilespmem:s10+$0x3040];
	_ =	sdelay $0x4  }
0x556: {  	[tilespmem:v4+s26+$0x0] =	vst.idx.add.f32.msk $0xffff, v5  }
0x557: {  	v4 =	vld [tilespmem:s10+$0x50];
	_ =	sdelay $0x2  }
0x558: {  	v5 =	vld [tilespmem:s10+$0x3050];
	_ =	sdelay $0x4  }
0x559: {  	[tilespmem:v4+s26+$0x0] =	vst.idx.add.f32.msk $0xffff, v5  }
0x55a: {  	v4 =	vld [tilespmem:s10+$0x60];
	_ =	sdelay $0x2  }
0x55b: {  	v5 =	vld [tilespmem:s10+$0x3060];
	_ =	sdelay $0x4  }
0x55c: {  	[tilespmem:v4+s26+$0x0] =	vst.idx.add.f32.msk $0xffff, v5  }
0x55d: {  	v4 =	vld [tilespmem:s10+$0x70];
	_ =	sdelay $0x2  }
0x55e: {  	v5 =	vld [tilespmem:s10+$0x3070];
	_ =	sdelay $0x4  }
0x55f: {  	[tilespmem:v4+s26+$0x0] =	vst.idx.add.f32.msk $0xffff, v5  }
0x560: {  	v4 =	vld [tilespmem:s10+$0x80];
	_ =	sdelay $0x2  }
0x561: {  	v5 =	vld [tilespmem:s10+$0x3080];
	_ =	sdelay $0x4  }
0x562: {  	[tilespmem:v4+s26+$0x0] =	vst.idx.add.f32.msk $0xffff, v5  }
0x563: {  	v4 =	vld [tilespmem:s10+$0x90];
	_ =	sdelay $0x2  }
0x564: {  	v5 =	vld [tilespmem:s10+$0x3090];
	_ =	sdelay $0x4  }
0x565: {  	[tilespmem:v4+s26+$0x0] =	vst.idx.add.f32.msk $0xffff, v5  }
0x566: {  	v4 =	vld [tilespmem:s10+$0xA0];
	_ =	sdelay $0x2  }
0x567: {  	v5 =	vld [tilespmem:s10+$0x30A0];
	_ =	sdelay $0x1  }
.Ltmp12:
0x568: {  	_ = 	snop;
	(pc) =	sbr.rel @p0 .LBB2_24-.Ltmp12, $3  }
0x569: {  	_ =	sdelay $0x1  }
0x56a: {  	s16 =	sor.u32 $0x30, s10;
	[tilespmem:v4+s26+$0x0] =	vst.idx.add.f32.msk $0xffff, v5  }
0x56b: {  	[spmem:s3] =	stream.indirect.scatter.add.f32 [tilespmem:s1], [sflag:$0x4], $0x30, s16, s22, $0xb8;
	[tilespmem:$0x1BBE0] =	vst v63  }
0x56c: {  	_ =	swait.ge [sflag:s17], $0x1800  }
0x56d: {  	[sflag:s17] =	ssyncset.done $0x0  }
0x56e: {  	[sflag:s17] =	ssyncadd.s32 $0xFFFFE800  }
0x56f: {  	_ =	swait.ge [sflag:s17], $0x1800  }
0x570: {  	[sflag:s17] =	ssyncset.done $0x0  }
0x571: {  	[sflag:s17] =	ssyncadd.s32 $0xFFFFE800  }
0x572: {  	_ =	swait.ge [sflag:s17], $0x1800  }
0x573: {  	[sflag:s17] =	ssyncset.done $0x0  }
0x574: {  	[sflag:s17] =	ssyncadd.s32 $0xFFFFE800  }
0x575: {  	_ =	swait.ge [sflag:s17], $0x1800  }
0x576: {  	s4 =	sshrl.u32 s11, $0x2;
	[sflag:s17] =	ssyncset.done $0x0  }
0x577: {  	s10 =	sadd.s32 $0x1E30, s4;
	[sflag:s17] =	ssyncadd.s32 $0xFFFFE800  }
0x578: {  	[tilespmem:s0], [sflag:$0x2] =	stream.indirect.gather [hbm4b:s5+s22], $0x30, s10, s22, $0xb8;
	[tilespmem:$0x1BBE0] =	vst v63  }
0x579: {  	s15 =	sadd.s32 $0x1EB0, s4  }
0x57a: {  	[tilespmem:s24], [sflag:$0x2] =	stream.indirect.gather [hbm4b:s5+s22], $0x30, s15, s22, $0xb8;
	[tilespmem:$0x1BBE0] =	vst v63  }
.Ltmp13:
0x57b: {  	_ = 	snop;
	(pc) =	sbr.rel .LBB2_6-.Ltmp13, $4  }
0x57c: {  	s16 =	sadd.s32 $0x1F30, s4  }
0x57d: {  	[tilespmem:s29], [sflag:$0x2] =	stream.indirect.gather [hbm4b:s5+s22], $0x30, s16, s22, $0xb8;
	[tilespmem:$0x1BBE0] =	vst v63  }
0x57e: {  	s9 =	sadd.s32 $0x1, s9;
	s4 =	sadd.s32 $0x1FB0, s4  }
0x57f: {  	[tilespmem:s1], [sflag:$0x2] =	stream.indirect.gather [hbm4b:s5+s22], $0x30, s4, s22, $0xb8;
	[tilespmem:$0x1BBE0] =	vst v63  }
.LBB2_25:
0x580: {  	_ =	sfence.sel $0x180000  }
0x581: {  	[bflag:$0x0] =	sbarrier.arrive $0xFFFF  }
0x582: {  	_ =	strace $0x90000047  }
0x583: {  	s0 =	stileid.u32;
	[bflag:$0x2] =	sbarrier.arrive $0xFFFF  }
0x584: {  	p0 =	sne.s32 s0, $0x0;
	s0 =	rddreg [dreg:$0x3]  }
0x585: {  	s0 =	sadd.s32 @!p0 $0x100000, s0  }
0x586: {  	[sflag:s0] =	ssyncadd.tile.s32 @!p0 $0x1;
	_ =	shalt  }
.Lfunc_end2:
_tile_overlayer_lowered:
.L_overlay_start_2:
0x587: {  	(tag) =	ssettag $0x2  }
0x588: {  	s0 =	rddreg [dreg:$0x0];
	s2 =	stileid.u32  }
0x589: {  	s1 =	rddreg [dreg:$0x1];
	p0 =	sne.s32 s2, $0x0  }
0x58a: {  	s3 =	rddreg [dreg:$0x2];
	[bflag:$0x3] =	sbarrier.arrive $0xFFFF;
	s2 =	simm.s32 @!p0 $0x1C05  }
0x58b: {  	[timem:s3], [sflag:s2] =	dma.local @!p0 [hbm:s0], s1  }
0x58c: {  	s0 =	simm.s32 @!p0 $0x5  }
0x58d: {  	_ =	swait.ge @!p0 [sflag:s0], s1  }
0x58e: {  	s1 =	ssub.s32 @!p0 $0x0, s1;
	[sflag:s0] =	ssyncset.done @!p0 $0x0  }
0x58f: {  	[sflag:s0] =	ssyncadd.s32 @!p0 s1  }
0x590: {  	[bflag:$0x3] =	sbarrier.arrive $0xFFFF  }
0x591: {  	_ =	shalt  }

</sc_bundles>
